<compile_context>
chip_gen: v7x
topology: tpu7x:2x2x1
jax: 0.10.2.dev20260603
libtpu: 0.0.44.dev20260713+nightly
codegen_flags: <defaults>
</compile_context>

<pallas_src>
import functools

import jax
import jax.numpy as jnp
from jax import lax
from jax.experimental import pallas as pl
from jax.experimental.pallas import tpu as pltpu
from jax.experimental.pallas import tpu_sc as plsc

D_MODEL = 64
MAX_LEN = 512
NUM_CORES = 2
NUM_SUBCORES = 16
NUM_WORKERS = NUM_CORES * NUM_SUBCORES

CHUNK = 128
GROUPS = CHUNK // 16


def _pos_encoding():
    pos = jnp.arange(MAX_LEN, dtype=jnp.float32)[:, None]
    _2i = jnp.arange(0, D_MODEL, 2, dtype=jnp.float32)
    ang = pos / jnp.power(10000.0, _2i / D_MODEL)
    pe = jnp.zeros((MAX_LEN, D_MODEL), dtype=jnp.float32)
    pe = pe.at[:, 0::2].set(jnp.sin(ang))
    pe = pe.at[:, 1::2].set(jnp.cos(ang))
    return pe


@jax.jit
def _embed(x, weight):
    batch, seq = x.shape
    x2 = x.reshape(-1, CHUNK)
    w128 = weight.reshape(-1, 128)
    pe_t = _pos_encoding().T
    n_chunks = x2.shape[0]
    per_w = n_chunks // NUM_WORKERS
    sub = seq // CHUNK
    mesh = plsc.VectorSubcoreMesh(core_axis_name="c", subcore_axis_name="s")

    @functools.partial(
        pl.kernel,
        out_type=jax.ShapeDtypeStruct((batch, D_MODEL, seq), jnp.float32),
        mesh=mesh,
        compiler_params=pltpu.CompilerParams(needs_layout_passes=False),
        scratch_types=[
            pltpu.VMEM((D_MODEL, MAX_LEN), jnp.float32),
            pltpu.VMEM((2, CHUNK), jnp.int32),
            pltpu.VMEM((2, CHUNK), jnp.int32),
            pltpu.VMEM((2, CHUNK, 128), jnp.float32),
            pltpu.VMEM((2, D_MODEL, CHUNK), jnp.float32),
            pltpu.SemaphoreType.DMA,
            pltpu.SemaphoreType.DMA,
            pltpu.SemaphoreType.DMA,
            pltpu.SemaphoreType.DMA,
            pltpu.SemaphoreType.DMA,
            pltpu.SemaphoreType.DMA,
        ],
    )
    def kern(x_hbm, w_hbm, pe_hbm, out_hbm, pe_v, idx_v, pair_v, rows_v,
             blk_v, sg0, sg1, si0, si1, so0, so1):
        sem_g = (sg0, sg1)
        sem_i = (si0, si1)
        sem_o = (so0, so1)
        wid = lax.axis_index("s") * NUM_CORES + lax.axis_index("c")
        pltpu.sync_copy(pe_hbm, pe_v)
        c0 = wid * per_w

        def load_idx(ci, buf, sem):
            return pltpu.async_copy(x_hbm.at[c0 + ci], idx_v.at[buf], sem)

        def fire_gather(buf, sem):
            for g in range(GROUPS):
                sl = pl.ds(g * 16, 16)
                pair_v[buf, sl] = lax.shift_right_logical(idx_v[buf, sl], 1)
            pltpu.async_copy(
                w_hbm.at[pair_v.at[buf]], rows_v.at[buf], sem,
            )

        def drain_gather(buf, sem):
            pltpu.make_async_copy(
                w_hbm.at[pair_v.at[buf]], rows_v.at[buf], sem,
            ).wait()

        def out_slice(ci):
            gc = c0 + ci
            return out_hbm.at[gc // sub].at[:, pl.ds((gc % sub) * CHUNK, CHUNK)]

        load_idx(0, 0, sem_i[0]).wait()
        fire_gather(0, sem_g[0])
        load_idx(1, 1, sem_i[1])

        @pl.loop(0, per_w, step=2)
        def _(c):
            for b in range(2):
                cc = c + b
                o = 1 - b
                drain_gather(b, sem_g[b])

                @pl.when(cc > 0)
                def _():
                    pltpu.make_async_copy(
                        blk_v.at[o], out_slice(cc - 1), sem_o[o],
                    ).wait()

                @pl.when(cc + 1 < per_w)
                def _():
                    pltpu.make_async_copy(
                        x_hbm.at[c0 + cc + 1], idx_v.at[o], sem_i[o],
                    ).wait()
                    fire_gather(o, sem_g[o])

                s0 = (cc % sub) * CHUNK
                iot = lax.iota(jnp.int32, 16)
                for g in range(GROUPS):
                    sl = pl.ds(g * 16, 16)
                    h64 = (idx_v[b, sl] & 1) * 64
                    row = iot + g * 16
                    svec = iot + (s0 + g * 16)

                    @pl.loop(0, 16)
                    def _(k):
                        dmod = (iot + k) & 15
                        for c16 in range(D_MODEL // 16):
                            d_vec = dmod + c16 * 16
                            vals = plsc.load_gather(
                                rows_v.at[b], [row, h64 + d_vec]
                            )
                            pev = plsc.load_gather(pe_v, [d_vec, svec])
                            plsc.store_scatter(
                                blk_v.at[b], [d_vec, row], vals + pev
                            )

                @pl.when(cc + 2 < per_w)
                def _():
                    load_idx(cc + 2, b, sem_i[b])

                pltpu.async_copy(blk_v.at[b], out_slice(cc), sem_o[b])

        pltpu.make_async_copy(
            blk_v.at[(per_w - 1) % 2],
            out_slice(per_w - 1),
            sem_o[(per_w - 1) % 2],
        ).wait()

    return kern(x2, w128, pe_t)


def kernel(x, weight):
    return _embed(x, weight).transpose(0, 2, 1)

# --- scband reference (transcript-rebuilt; emitter-appended) ---
"""Pipeline reference for scband-transformer-embedding-29686813949976 (READ-ONLY COPY).

The authoritative reference and input builder live on the scoring server;
editing this copy changes nothing except your own understanding.
"""

import jax, jax.numpy as jnp
import numpy as np

VOCAB = 1000000
MAX_LEN = 512
D_MODEL = 64
BATCH = 1024
SEQ = 512


def _pos_encoding():
    pos = jnp.arange(MAX_LEN, dtype=jnp.float32)[:, None]
    _2i = jnp.arange(0, D_MODEL, 2, dtype=jnp.float32)
    ang = pos / jnp.power(10000.0, _2i / D_MODEL)
    pe = jnp.zeros((MAX_LEN, D_MODEL), dtype=jnp.float32)
    pe = pe.at[:, 0::2].set(jnp.sin(ang))
    pe = pe.at[:, 1::2].set(jnp.cos(ang))
    return pe


def setup_inputs(seed: int = 0):
    key = jax.random.key(seed)
    k1, k2 = jax.random.split(key)
    x = jax.random.randint(k1, (BATCH, SEQ), 0, VOCAB, dtype=jnp.int32)
    weight = jax.random.normal(k2, (VOCAB, D_MODEL), dtype=jnp.float32) * 0.02
    # nn.Embedding(padding_idx=1) zero-initializes the padding row
    weight = weight.at[1].set(0.0)
    return {"x": x, "weight": weight}


def reference(x, weight):
    # TokenEmbedding: gather rows of the embedding table
    tok_emb = jnp.take(weight, x, axis=0)  # [B, L, d_model]
    # PositionalEncoding: fixed sinusoidal buffer, sliced to seq_len
    pe = _pos_encoding()[: x.shape[1], :]  # [L, d_model]
    # Dropout with p=0.0 is the identity
    return tok_emb + pe[None, :, :]

if __name__ == "__main__":
    import jax
    _d = setup_inputs()
    print(jax.jit(kernel)(*tuple(_d.values())))

</pallas_src>

<mosaic_0001>
#map = affine_map<(d0, d1) -> (0, 0)>
#map1 = affine_map<(d0, d1) -> (0, 0, 0)>
module attributes {stable_mosaic.version = 14 : i64} {
  func.func @kern(%arg0: i32, %arg1: i32, %arg2: memref<4096x128xi32, #tpu.memory_space<hbm>>, %arg3: memref<500000x128xf32, #tpu.memory_space<hbm>>, %arg4: memref<64x512xf32, #tpu.memory_space<hbm>>, %arg5: memref<1024x64x512xf32, #tpu.memory_space<hbm>>, %arg6: memref<64x512xf32, #tpu.memory_space<vmem>>, %arg7: memref<2x128xi32, #tpu.memory_space<vmem>>, %arg8: memref<2x128xi32, #tpu.memory_space<vmem>>, %arg9: memref<2x128x128xf32, #tpu.memory_space<vmem>>, %arg10: memref<2x64x128xf32, #tpu.memory_space<vmem>>, %arg11: memref<!tpu.dma_semaphore, #tpu.memory_space<semaphore_mem>>, %arg12: memref<!tpu.dma_semaphore, #tpu.memory_space<semaphore_mem>>, %arg13: memref<!tpu.dma_semaphore, #tpu.memory_space<semaphore_mem>>, %arg14: memref<!tpu.dma_semaphore, #tpu.memory_space<semaphore_mem>>, %arg15: memref<!tpu.dma_semaphore, #tpu.memory_space<semaphore_mem>>, %arg16: memref<!tpu.dma_semaphore, #tpu.memory_space<semaphore_mem>>) attributes {dimension_semantics = [#tpu.dimension_semantics<core_parallel>, #tpu.dimension_semantics<subcore_parallel>], iteration_bounds = array<i64: 2, 16>, scalar_prefetch = 0 : i64, scratch_operands = 11 : i64, tpu.core_type = #tpu.core_type<sc_vector_subcore>, window_params = [{transform_indices = #map}, {transform_indices = #map}, {transform_indices = #map}, {transform_indices = #map1}]} {
    %mul3A = arith.constant 2 : i32
    %mul3A_0 = arith.muli %arg1, %mul3A : i32
    %add3A = arith.addi %mul3A_0, %arg0 : i32
    "tpu.region"() ({
      %run_scoped3A = tpu.sem_alloc : memref<!tpu.dma_semaphore, #tpu.memory_space<semaphore_mem>>
      tpu.enqueue_dma source(%arg4 : memref<64x512xf32, #tpu.memory_space<hbm>>) target(%arg6 : memref<64x512xf32, #tpu.memory_space<vmem>>) target_semaphore(%run_scoped3A : memref<!tpu.dma_semaphore, #tpu.memory_space<semaphore_mem>>)
      tpu.wait_dma2 semaphore(%run_scoped3A : memref<!tpu.dma_semaphore, #tpu.memory_space<semaphore_mem>>) src(%arg4 : memref<64x512xf32, #tpu.memory_space<hbm>>) dst(%arg6 : memref<64x512xf32, #tpu.memory_space<vmem>>)
      tpu.yield
    }) : () -> ()
    %mul3A_1 = arith.constant 128 : i32
    %mul3A_2 = arith.muli %add3A, %mul3A_1 : i32
    %add3A_3 = arith.constant 0 : i32
    %add3A_4 = arith.addi %mul3A_2, %add3A_3 : i32
    %dma_start3A = arith.constant 0 : i32
    %dma_start3A_5 = arith.constant 0 : i32
    %dma_start3A_6 = tpu.memref_slice %arg7[%dma_start3A, %dma_start3A_5] : memref<2x128xi32, #tpu.memory_space<vmem>> -> memref<1x128xi32, #tpu.memory_space<vmem>>
    %dma_start3A_7 = tpu.memref_squeeze %dma_start3A_6 : memref<1x128xi32, #tpu.memory_space<vmem>> -> memref<128xi32, #tpu.memory_space<vmem>>
    %dma_start3A_8 = arith.constant 0 : i32
    %dma_start3A_9 = tpu.memref_slice %arg2[%add3A_4, %dma_start3A_8] : memref<4096x128xi32, #tpu.memory_space<hbm>> -> memref<1x128xi32, #tpu.memory_space<hbm>>
    %dma_start3A_10 = tpu.memref_squeeze %dma_start3A_9 : memref<1x128xi32, #tpu.memory_space<hbm>> -> memref<128xi32, #tpu.memory_space<hbm>>
    %dma_start3A_11 = arith.constant 0 : i32
    %dma_start3A_12 = tpu.memref_slice %arg7[%dma_start3A, %dma_start3A_11] : memref<2x128xi32, #tpu.memory_space<vmem>> -> memref<1x128xi32, #tpu.memory_space<vmem>>
    %dma_start3A_13 = tpu.memref_squeeze %dma_start3A_12 : memref<1x128xi32, #tpu.memory_space<vmem>> -> memref<128xi32, #tpu.memory_space<vmem>>
    %dma_start3A_14 = arith.constant 0 : i32
    %dma_start3A_15 = tpu.memref_slice %arg2[%add3A_4, %dma_start3A_14] : memref<4096x128xi32, #tpu.memory_space<hbm>> -> memref<1x128xi32, #tpu.memory_space<hbm>>
    %dma_start3A_16 = tpu.memref_squeeze %dma_start3A_15 : memref<1x128xi32, #tpu.memory_space<hbm>> -> memref<128xi32, #tpu.memory_space<hbm>>
    tpu.enqueue_dma source(%dma_start3A_16 : memref<128xi32, #tpu.memory_space<hbm>>) target(%dma_start3A_13 : memref<128xi32, #tpu.memory_space<vmem>>) target_semaphore(%arg13 : memref<!tpu.dma_semaphore, #tpu.memory_space<semaphore_mem>>)
    %dma_wait3A = arith.constant 0 : i32
    %dma_wait3A_17 = arith.constant 0 : i32
    %dma_wait3A_18 = tpu.memref_slice %arg7[%dma_wait3A, %dma_wait3A_17] : memref<2x128xi32, #tpu.memory_space<vmem>> -> memref<1x128xi32, #tpu.memory_space<vmem>>
    %dma_wait3A_19 = tpu.memref_squeeze %dma_wait3A_18 : memref<1x128xi32, #tpu.memory_space<vmem>> -> memref<128xi32, #tpu.memory_space<vmem>>
    %dma_wait3A_20 = arith.constant 0 : i32
    %dma_wait3A_21 = tpu.memref_slice %arg2[%add3A_4, %dma_wait3A_20] : memref<4096x128xi32, #tpu.memory_space<hbm>> -> memref<1x128xi32, #tpu.memory_space<hbm>>
    %dma_wait3A_22 = tpu.memref_squeeze %dma_wait3A_21 : memref<1x128xi32, #tpu.memory_space<hbm>> -> memref<128xi32, #tpu.memory_space<hbm>>
    %dma_wait3A_23 = arith.constant 0 : i32
    %dma_wait3A_24 = tpu.memref_slice %arg7[%dma_wait3A, %dma_wait3A_23] : memref<2x128xi32, #tpu.memory_space<vmem>> -> memref<1x128xi32, #tpu.memory_space<vmem>>
    %dma_wait3A_25 = tpu.memref_squeeze %dma_wait3A_24 : memref<1x128xi32, #tpu.memory_space<vmem>> -> memref<128xi32, #tpu.memory_space<vmem>>
    %dma_wait3A_26 = arith.constant 0 : i32
    %dma_wait3A_27 = tpu.memref_slice %arg2[%add3A_4, %dma_wait3A_26] : memref<4096x128xi32, #tpu.memory_space<hbm>> -> memref<1x128xi32, #tpu.memory_space<hbm>>
    %dma_wait3A_28 = tpu.memref_squeeze %dma_wait3A_27 : memref<1x128xi32, #tpu.memory_space<hbm>> -> memref<128xi32, #tpu.memory_space<hbm>>
    tpu.wait_dma2 semaphore(%arg13 : memref<!tpu.dma_semaphore, #tpu.memory_space<semaphore_mem>>) src(%dma_wait3A_28 : memref<128xi32, #tpu.memory_space<hbm>>) dst(%dma_wait3A_25 : memref<128xi32, #tpu.memory_space<vmem>>)
    %get3A = arith.constant 0 : i32
    %get3A_29 = arith.index_cast %get3A : i32 to index
    %get3A_30 = arith.constant 0 : index
    %get3A_31 = tpu.vector_load %arg7[%get3A_29, %get3A_30] {strides = array<i32>} : memref<2x128xi32, #tpu.memory_space<vmem>>, vector<16xi32>,
    %shift_right_logical3A = arith.constant 1 : i32
    %shift_right_logical3A_32 = vector.broadcast %shift_right_logical3A : i32 to vector<16xi32>
    %shift_right_logical3A_33 = arith.shrui %get3A_31, %shift_right_logical3A_32 : vector<16xi32>
    %swap3A = arith.constant 0 : i32
    %swap3A_34 = arith.index_cast %swap3A : i32 to index
    %swap3A_35 = arith.constant 0 : index
    %swap3A_36 = tpu.vector_load %arg8[%swap3A_34, %swap3A_35] {strides = array<i32>} : memref<2x128xi32, #tpu.memory_space<vmem>>, vector<16xi32>,
    tpu.vector_store %arg8[%swap3A_34, %swap3A_35], %shift_right_logical3A_33 {strides = array<i32>} : memref<2x128xi32, #tpu.memory_space<vmem>>, vector<16xi32>,
    %get3A_37 = arith.constant 0 : i32
    %get3A_38 = arith.index_cast %get3A_37 : i32 to index
    %get3A_39 = arith.constant 16 : index
    %get3A_40 = tpu.vector_load %arg7[%get3A_38, %get3A_39] {strides = array<i32>} : memref<2x128xi32, #tpu.memory_space<vmem>>, vector<16xi32>,
    %shift_right_logical3A_41 = arith.constant 1 : i32
    %shift_right_logical3A_42 = vector.broadcast %shift_right_logical3A_41 : i32 to vector<16xi32>
    %shift_right_logical3A_43 = arith.shrui %get3A_40, %shift_right_logical3A_42 : vector<16xi32>
    %swap3A_44 = arith.constant 0 : i32
    %swap3A_45 = arith.index_cast %swap3A_44 : i32 to index
    %swap3A_46 = arith.constant 16 : index
    %swap3A_47 = tpu.vector_load %arg8[%swap3A_45, %swap3A_46] {strides = array<i32>} : memref<2x128xi32, #tpu.memory_space<vmem>>, vector<16xi32>,
    tpu.vector_store %arg8[%swap3A_45, %swap3A_46], %shift_right_logical3A_43 {strides = array<i32>} : memref<2x128xi32, #tpu.memory_space<vmem>>, vector<16xi32>,
    %get3A_48 = arith.constant 0 : i32
    %get3A_49 = arith.index_cast %get3A_48 : i32 to index
    %get3A_50 = arith.constant 32 : index
    %get3A_51 = tpu.vector_load %arg7[%get3A_49, %get3A_50] {strides = array<i32>} : memref<2x128xi32, #tpu.memory_space<vmem>>, vector<16xi32>,
    %shift_right_logical3A_52 = arith.constant 1 : i32
    %shift_right_logical3A_53 = vector.broadcast %shift_right_logical3A_52 : i32 to vector<16xi32>
    %shift_right_logical3A_54 = arith.shrui %get3A_51, %shift_right_logical3A_53 : vector<16xi32>
    %swap3A_55 = arith.constant 0 : i32
    %swap3A_56 = arith.index_cast %swap3A_55 : i32 to index
    %swap3A_57 = arith.constant 32 : index
    %swap3A_58 = tpu.vector_load %arg8[%swap3A_56, %swap3A_57] {strides = array<i32>} : memref<2x128xi32, #tpu.memory_space<vmem>>, vector<16xi32>,
    tpu.vector_store %arg8[%swap3A_56, %swap3A_57], %shift_right_logical3A_54 {strides = array<i32>} : memref<2x128xi32, #tpu.memory_space<vmem>>, vector<16xi32>,
    %get3A_59 = arith.constant 0 : i32
    %get3A_60 = arith.index_cast %get3A_59 : i32 to index
    %get3A_61 = arith.constant 48 : index
    %get3A_62 = tpu.vector_load %arg7[%get3A_60, %get3A_61] {strides = array<i32>} : memref<2x128xi32, #tpu.memory_space<vmem>>, vector<16xi32>,
    %shift_right_logical3A_63 = arith.constant 1 : i32
    %shift_right_logical3A_64 = vector.broadcast %shift_right_logical3A_63 : i32 to vector<16xi32>
    %shift_right_logical3A_65 = arith.shrui %get3A_62, %shift_right_logical3A_64 : vector<16xi32>
    %swap3A_66 = arith.constant 0 : i32
    %swap3A_67 = arith.index_cast %swap3A_66 : i32 to index
    %swap3A_68 = arith.constant 48 : index
    %swap3A_69 = tpu.vector_load %arg8[%swap3A_67, %swap3A_68] {strides = array<i32>} : memref<2x128xi32, #tpu.memory_space<vmem>>, vector<16xi32>,
    tpu.vector_store %arg8[%swap3A_67, %swap3A_68], %shift_right_logical3A_65 {strides = array<i32>} : memref<2x128xi32, #tpu.memory_space<vmem>>, vector<16xi32>,
    %get3A_70 = arith.constant 0 : i32
    %get3A_71 = arith.index_cast %get3A_70 : i32 to index
    %get3A_72 = arith.constant 64 : index
    %get3A_73 = tpu.vector_load %arg7[%get3A_71, %get3A_72] {strides = array<i32>} : memref<2x128xi32, #tpu.memory_space<vmem>>, vector<16xi32>,
    %shift_right_logical3A_74 = arith.constant 1 : i32
    %shift_right_logical3A_75 = vector.broadcast %shift_right_logical3A_74 : i32 to vector<16xi32>
    %shift_right_logical3A_76 = arith.shrui %get3A_73, %shift_right_logical3A_75 : vector<16xi32>
    %swap3A_77 = arith.constant 0 : i32
    %swap3A_78 = arith.index_cast %swap3A_77 : i32 to index
    %swap3A_79 = arith.constant 64 : index
    %swap3A_80 = tpu.vector_load %arg8[%swap3A_78, %swap3A_79] {strides = array<i32>} : memref<2x128xi32, #tpu.memory_space<vmem>>, vector<16xi32>,
    tpu.vector_store %arg8[%swap3A_78, %swap3A_79], %shift_right_logical3A_76 {strides = array<i32>} : memref<2x128xi32, #tpu.memory_space<vmem>>, vector<16xi32>,
    %get3A_81 = arith.constant 0 : i32
    %get3A_82 = arith.index_cast %get3A_81 : i32 to index
    %get3A_83 = arith.constant 80 : index
    %get3A_84 = tpu.vector_load %arg7[%get3A_82, %get3A_83] {strides = array<i32>} : memref<2x128xi32, #tpu.memory_space<vmem>>, vector<16xi32>,
    %shift_right_logical3A_85 = arith.constant 1 : i32
    %shift_right_logical3A_86 = vector.broadcast %shift_right_logical3A_85 : i32 to vector<16xi32>
    %shift_right_logical3A_87 = arith.shrui %get3A_84, %shift_right_logical3A_86 : vector<16xi32>
    %swap3A_88 = arith.constant 0 : i32
    %swap3A_89 = arith.index_cast %swap3A_88 : i32 to index
    %swap3A_90 = arith.constant 80 : index
    %swap3A_91 = tpu.vector_load %arg8[%swap3A_89, %swap3A_90] {strides = array<i32>} : memref<2x128xi32, #tpu.memory_space<vmem>>, vector<16xi32>,
    tpu.vector_store %arg8[%swap3A_89, %swap3A_90], %shift_right_logical3A_87 {strides = array<i32>} : memref<2x128xi32, #tpu.memory_space<vmem>>, vector<16xi32>,
    %get3A_92 = arith.constant 0 : i32
    %get3A_93 = arith.index_cast %get3A_92 : i32 to index
    %get3A_94 = arith.constant 96 : index
    %get3A_95 = tpu.vector_load %arg7[%get3A_93, %get3A_94] {strides = array<i32>} : memref<2x128xi32, #tpu.memory_space<vmem>>, vector<16xi32>,
    %shift_right_logical3A_96 = arith.constant 1 : i32
    %shift_right_logical3A_97 = vector.broadcast %shift_right_logical3A_96 : i32 to vector<16xi32>
    %shift_right_logical3A_98 = arith.shrui %get3A_95, %shift_right_logical3A_97 : vector<16xi32>
    %swap3A_99 = arith.constant 0 : i32
    %swap3A_100 = arith.index_cast %swap3A_99 : i32 to index
    %swap3A_101 = arith.constant 96 : index
    %swap3A_102 = tpu.vector_load %arg8[%swap3A_100, %swap3A_101] {strides = array<i32>} : memref<2x128xi32, #tpu.memory_space<vmem>>, vector<16xi32>,
    tpu.vector_store %arg8[%swap3A_100, %swap3A_101], %shift_right_logical3A_98 {strides = array<i32>} : memref<2x128xi32, #tpu.memory_space<vmem>>, vector<16xi32>,
    %get3A_103 = arith.constant 0 : i32
    %get3A_104 = arith.index_cast %get3A_103 : i32 to index
    %get3A_105 = arith.constant 112 : index
    %get3A_106 = tpu.vector_load %arg7[%get3A_104, %get3A_105] {strides = array<i32>} : memref<2x128xi32, #tpu.memory_space<vmem>>, vector<16xi32>,
    %shift_right_logical3A_107 = arith.constant 1 : i32
    %shift_right_logical3A_108 = vector.broadcast %shift_right_logical3A_107 : i32 to vector<16xi32>
    %shift_right_logical3A_109 = arith.shrui %get3A_106, %shift_right_logical3A_108 : vector<16xi32>
    %swap3A_110 = arith.constant 0 : i32
    %swap3A_111 = arith.index_cast %swap3A_110 : i32 to index
    %swap3A_112 = arith.constant 112 : index
    %swap3A_113 = tpu.vector_load %arg8[%swap3A_111, %swap3A_112] {strides = array<i32>} : memref<2x128xi32, #tpu.memory_space<vmem>>, vector<16xi32>,
    tpu.vector_store %arg8[%swap3A_111, %swap3A_112], %shift_right_logical3A_109 {strides = array<i32>} : memref<2x128xi32, #tpu.memory_space<vmem>>, vector<16xi32>,
    %dma_start3A_114 = arith.constant 0 : i32
    %dma_start3A_115 = arith.constant 0 : i32
    %dma_start3A_116 = arith.constant 0 : i32
    %dma_start3A_117 = arith.constant 0 : i32
    %dma_start3A_118 = tpu.memref_slice %arg9[%dma_start3A_115, %dma_start3A_116, %dma_start3A_117] : memref<2x128x128xf32, #tpu.memory_space<vmem>> -> memref<1x128x128xf32, #tpu.memory_space<vmem>>
    %dma_start3A_119 = tpu.memref_squeeze %dma_start3A_118 : memref<1x128x128xf32, #tpu.memory_space<vmem>> -> memref<128x128xf32, #tpu.memory_space<vmem>>
    %dma_start3A_120 = arith.constant 0 : i32
    %dma_start3A_121 = tpu.memref_slice %arg8[%dma_start3A_114, %dma_start3A_120] : memref<2x128xi32, #tpu.memory_space<vmem>> -> memref<1x128xi32, #tpu.memory_space<vmem>>
    %dma_start3A_122 = tpu.memref_squeeze %dma_start3A_121 : memref<1x128xi32, #tpu.memory_space<vmem>> -> memref<128xi32, #tpu.memory_space<vmem>>
    %dma_start3A_123 = arith.constant 0 : i32
    %dma_start3A_124 = arith.constant 0 : i32
    %dma_start3A_125 = tpu.memref_slice %arg3[%dma_start3A_123, %dma_start3A_124] : memref<500000x128xf32, #tpu.memory_space<hbm>> -> memref<500000x128xf32, #tpu.memory_space<hbm>>
    tpu.enqueue_indirect_dma source(%dma_start3A_125 : memref<500000x128xf32, #tpu.memory_space<hbm>>) target(%dma_start3A_119 : memref<128x128xf32, #tpu.memory_space<vmem>>) offsets(%dma_start3A_122 : memref<128xi32, #tpu.memory_space<vmem>>) semaphore(%arg11 : memref<!tpu.dma_semaphore, #tpu.memory_space<semaphore_mem>>)
    %add3A_126 = arith.constant 1 : i32
    %add3A_127 = arith.addi %mul3A_2, %add3A_126 : i32
    %dma_start3A_128 = arith.constant 1 : i32
    %dma_start3A_129 = arith.constant 0 : i32
    %dma_start3A_130 = tpu.memref_slice %arg7[%dma_start3A_128, %dma_start3A_129] : memref<2x128xi32, #tpu.memory_space<vmem>> -> memref<1x128xi32, #tpu.memory_space<vmem>>
    %dma_start3A_131 = tpu.memref_squeeze %dma_start3A_130 : memref<1x128xi32, #tpu.memory_space<vmem>> -> memref<128xi32, #tpu.memory_space<vmem>>
    %dma_start3A_132 = arith.constant 0 : i32
    %dma_start3A_133 = tpu.memref_slice %arg2[%add3A_127, %dma_start3A_132] : memref<4096x128xi32, #tpu.memory_space<hbm>> -> memref<1x128xi32, #tpu.memory_space<hbm>>
    %dma_start3A_134 = tpu.memref_squeeze %dma_start3A_133 : memref<1x128xi32, #tpu.memory_space<hbm>> -> memref<128xi32, #tpu.memory_space<hbm>>
    %dma_start3A_135 = arith.constant 0 : i32
    %dma_start3A_136 = tpu.memref_slice %arg7[%dma_start3A_128, %dma_start3A_135] : memref<2x128xi32, #tpu.memory_space<vmem>> -> memref<1x128xi32, #tpu.memory_space<vmem>>
    %dma_start3A_137 = tpu.memref_squeeze %dma_start3A_136 : memref<1x128xi32, #tpu.memory_space<vmem>> -> memref<128xi32, #tpu.memory_space<vmem>>
    %dma_start3A_138 = arith.constant 0 : i32
    %dma_start3A_139 = tpu.memref_slice %arg2[%add3A_127, %dma_start3A_138] : memref<4096x128xi32, #tpu.memory_space<hbm>> -> memref<1x128xi32, #tpu.memory_space<hbm>>
    %dma_start3A_140 = tpu.memref_squeeze %dma_start3A_139 : memref<1x128xi32, #tpu.memory_space<hbm>> -> memref<128xi32, #tpu.memory_space<hbm>>
    tpu.enqueue_dma source(%dma_start3A_140 : memref<128xi32, #tpu.memory_space<hbm>>) target(%dma_start3A_137 : memref<128xi32, #tpu.memory_space<vmem>>) target_semaphore(%arg14 : memref<!tpu.dma_semaphore, #tpu.memory_space<semaphore_mem>>)
    %scan3A = arith.constant 0 : i32
    %scan3A_141 = arith.constant 64 : i32
    %scan3A_142 = arith.addi %scan3A, %scan3A_141 : i32
    %scan3A_143 = arith.constant 1 : i32
    scf.for %scan3A_200 = %scan3A to %scan3A_142 step %scan3A_143  : i32 {
      %mul3A_201 = arith.constant 2 : i32
      %mul3A_202 = arith.muli %scan3A_200, %mul3A_201 : i32
      %add3A_203 = arith.constant 0 : i32
      %add3A_204 = arith.addi %add3A_203, %mul3A_202 : i32
      %add3A_205 = arith.constant 0 : i32
      %add3A_206 = arith.addi %add3A_204, %add3A_205 : i32
      %dma_wait3A_207 = arith.constant 0 : i32
      %dma_wait3A_208 = arith.constant 0 : i32
      %dma_wait3A_209 = arith.constant 0 : i32
      %dma_wait3A_210 = arith.constant 0 : i32
      %dma_wait3A_211 = tpu.memref_slice %arg9[%dma_wait3A_208, %dma_wait3A_209, %dma_wait3A_210] : memref<2x128x128xf32, #tpu.memory_space<vmem>> -> memref<1x128x128xf32, #tpu.memory_space<vmem>>
      %dma_wait3A_212 = tpu.memref_squeeze %dma_wait3A_211 : memref<1x128x128xf32, #tpu.memory_space<vmem>> -> memref<128x128xf32, #tpu.memory_space<vmem>>
      %dma_wait3A_213 = arith.constant 0 : i32
      %dma_wait3A_214 = tpu.memref_slice %arg8[%dma_wait3A_207, %dma_wait3A_213] : memref<2x128xi32, #tpu.memory_space<vmem>> -> memref<1x128xi32, #tpu.memory_space<vmem>>
      %dma_wait3A_215 = tpu.memref_squeeze %dma_wait3A_214 : memref<1x128xi32, #tpu.memory_space<vmem>> -> memref<128xi32, #tpu.memory_space<vmem>>
      %dma_wait3A_216 = arith.constant 0 : i32
      %dma_wait3A_217 = arith.constant 0 : i32
      %dma_wait3A_218 = tpu.memref_slice %arg3[%dma_wait3A_216, %dma_wait3A_217] : memref<500000x128xf32, #tpu.memory_space<hbm>> -> memref<500000x128xf32, #tpu.memory_space<hbm>>
      tpu.wait_indirect_dma semaphore(%arg11 : memref<!tpu.dma_semaphore, #tpu.memory_space<semaphore_mem>>) src(%dma_wait3A_218 : memref<500000x128xf32, #tpu.memory_space<hbm>>) dst(%dma_wait3A_212 : memref<128x128xf32, #tpu.memory_space<vmem>>)
      %gt3A = arith.constant 0 : i32
      %gt3A_219 = arith.cmpi sgt, %add3A_206, %gt3A : i32
      %convert_element_type3A = arith.extui %gt3A_219 : i1 to i32
      %cond3A = arith.constant 0 : i32
      %cond3A_220 = arith.cmpi ne, %convert_element_type3A, %cond3A : i32
      scf.if %cond3A_220 {
        %sub3A_785 = arith.constant 1 : i32
        %sub3A_786 = arith.subi %add3A_206, %sub3A_785 : i32
        %add3A_787 = arith.addi %mul3A_2, %sub3A_786 : i32
        %jit3A_788 = arith.constant 4 : i32
        %div3A_789 = arith.divsi %add3A_787, %jit3A_788 : i32
        %sign3A_790 = arith.constant 0 : i32
        %sign3A_791 = arith.cmpi sgt, %add3A_787, %sign3A_790 : i32
        %sign3A_792 = arith.extui %sign3A_791 : i1 to i32
        %sign3A_793 = arith.constant 0 : i32
        %sign3A_794 = arith.cmpi slt, %add3A_787, %sign3A_793 : i32
        %sign3A_795 = arith.extui %sign3A_794 : i1 to i32
        %sign3A_796 = arith.subi %sign3A_792, %sign3A_795 : i32
        %sign3A_797 = arith.constant 0 : i32
        %sign3A_798 = arith.cmpi sgt, %jit3A_788, %sign3A_797 : i32
        %sign3A_799 = arith.extui %sign3A_798 : i1 to i32
        %sign3A_800 = arith.constant 0 : i32
        %sign3A_801 = arith.cmpi slt, %jit3A_788, %sign3A_800 : i32
        %sign3A_802 = arith.extui %sign3A_801 : i1 to i32
        %sign3A_803 = arith.subi %sign3A_799, %sign3A_802 : i32
        %ne3A_804 = arith.cmpi ne, %sign3A_796, %sign3A_803 : i32
        %rem3A_805 = arith.remsi %add3A_787, %jit3A_788 : i32
        %ne3A_806 = arith.constant 0 : i32
        %ne3A_807 = arith.cmpi ne, %rem3A_805, %ne3A_806 : i32
        %and3A_808 = arith.andi %ne3A_804, %ne3A_807 : i1
        %sub3A_809 = arith.constant 1 : i32
        %sub3A_810 = arith.subi %div3A_789, %sub3A_809 : i32
        %select_n3A_811 = arith.select %and3A_808, %sub3A_810, %div3A_789 : i32
        %jit3A_812 = arith.constant 4 : i32
        %eq3A_813 = arith.constant 0 : i32
        %eq3A_814 = arith.cmpi eq, %jit3A_812, %eq3A_813 : i32
        %jit3A_815 = arith.constant 1 : i32
        %select_n3A_816 = arith.select %eq3A_814, %jit3A_815, %jit3A_812 : i32
        %rem3A_817 = arith.remsi %add3A_787, %select_n3A_816 : i32
        %ne3A_818 = arith.constant 0 : i32
        %ne3A_819 = arith.cmpi ne, %rem3A_817, %ne3A_818 : i32
        %lt3A_820 = arith.constant 0 : i32
        %lt3A_821 = arith.cmpi slt, %rem3A_817, %lt3A_820 : i32
        %lt3A_822 = arith.constant 0 : i32
        %lt3A_823 = arith.cmpi slt, %select_n3A_816, %lt3A_822 : i32
        %ne3A_824 = arith.xori %lt3A_821, %lt3A_823 : i1
        %and3A_825 = arith.andi %ne3A_824, %ne3A_819 : i1
        %add3A_826 = arith.addi %rem3A_817, %select_n3A_816 : i32
        %select_n3A_827 = arith.select %and3A_825, %add3A_826, %rem3A_817 : i32
        %mul3A_828 = arith.constant 128 : i32
        %mul3A_829 = arith.muli %select_n3A_827, %mul3A_828 : i32
        %dma_wait3A_830 = arith.constant 1 : i32
        %dma_wait3A_831 = arith.constant 0 : i32
        %dma_wait3A_832 = arith.constant 0 : i32
        %dma_wait3A_833 = tpu.memref_slice %arg10[%dma_wait3A_830, %dma_wait3A_831, %dma_wait3A_832] : memref<2x64x128xf32, #tpu.memory_space<vmem>> -> memref<1x64x128xf32, #tpu.memory_space<vmem>>
        %dma_wait3A_834 = tpu.memref_squeeze %dma_wait3A_833 : memref<1x64x128xf32, #tpu.memory_space<vmem>> -> memref<64x128xf32, #tpu.memory_space<vmem>>
        %dma_wait3A_835 = arith.constant 0 : i32
        %dma_wait3A_836 = arith.constant 0 : i32
        %dma_wait3A_837 = tpu.memref_slice %arg5[%select_n3A_811, %dma_wait3A_835, %dma_wait3A_836] : memref<1024x64x512xf32, #tpu.memory_space<hbm>> -> memref<1x64x512xf32, #tpu.memory_space<hbm>>
        %dma_wait3A_838 = tpu.memref_squeeze %dma_wait3A_837 : memref<1x64x512xf32, #tpu.memory_space<hbm>> -> memref<64x512xf32, #tpu.memory_space<hbm>>
        %dma_wait3A_839 = arith.constant 0 : i32
        %dma_wait3A_840 = tpu.memref_slice %dma_wait3A_838[%dma_wait3A_839, %mul3A_829] : memref<64x512xf32, #tpu.memory_space<hbm>> -> memref<64x128xf32, #tpu.memory_space<hbm>>
        %dma_wait3A_841 = arith.constant 0 : i32
        %dma_wait3A_842 = arith.constant 0 : i32
        %dma_wait3A_843 = tpu.memref_slice %arg5[%select_n3A_811, %dma_wait3A_841, %dma_wait3A_842] : memref<1024x64x512xf32, #tpu.memory_space<hbm>> -> memref<1x64x512xf32, #tpu.memory_space<hbm>>
        %dma_wait3A_844 = tpu.memref_squeeze %dma_wait3A_843 : memref<1x64x512xf32, #tpu.memory_space<hbm>> -> memref<64x512xf32, #tpu.memory_space<hbm>>
        %dma_wait3A_845 = arith.constant 0 : i32
        %dma_wait3A_846 = tpu.memref_slice %dma_wait3A_844[%dma_wait3A_845, %mul3A_829] : memref<64x512xf32, #tpu.memory_space<hbm>> -> memref<64x128xf32, #tpu.memory_space<hbm>>
        %dma_wait3A_847 = arith.constant 0 : i32
        %dma_wait3A_848 = arith.constant 0 : i32
        %dma_wait3A_849 = tpu.memref_slice %arg10[%dma_wait3A_830, %dma_wait3A_847, %dma_wait3A_848] : memref<2x64x128xf32, #tpu.memory_space<vmem>> -> memref<1x64x128xf32, #tpu.memory_space<vmem>>
        %dma_wait3A_850 = tpu.memref_squeeze %dma_wait3A_849 : memref<1x64x128xf32, #tpu.memory_space<vmem>> -> memref<64x128xf32, #tpu.memory_space<vmem>>
        tpu.wait_dma2 semaphore(%arg16 : memref<!tpu.dma_semaphore, #tpu.memory_space<semaphore_mem>>) src(%dma_wait3A_850 : memref<64x128xf32, #tpu.memory_space<vmem>>) dst(%dma_wait3A_846 : memref<64x128xf32, #tpu.memory_space<hbm>>)
      } else {
      }
      %add3A_221 = arith.constant 1 : i32
      %add3A_222 = arith.addi %add3A_206, %add3A_221 : i32
      %lt3A_223 = arith.constant 128 : i32
      %lt3A_224 = arith.cmpi slt, %add3A_222, %lt3A_223 : i32
      %convert_element_type3A_225 = arith.extui %lt3A_224 : i1 to i32
      %cond3A_226 = arith.constant 0 : i32
      %cond3A_227 = arith.cmpi ne, %convert_element_type3A_225, %cond3A_226 : i32
      scf.if %cond3A_227 {
        %add3A_785 = arith.addi %mul3A_2, %add3A_206 : i32
        %add3A_786 = arith.constant 1 : i32
        %add3A_787 = arith.addi %add3A_785, %add3A_786 : i32
        %dma_wait3A_788 = arith.constant 1 : i32
        %dma_wait3A_789 = arith.constant 0 : i32
        %dma_wait3A_790 = tpu.memref_slice %arg7[%dma_wait3A_788, %dma_wait3A_789] : memref<2x128xi32, #tpu.memory_space<vmem>> -> memref<1x128xi32, #tpu.memory_space<vmem>>
        %dma_wait3A_791 = tpu.memref_squeeze %dma_wait3A_790 : memref<1x128xi32, #tpu.memory_space<vmem>> -> memref<128xi32, #tpu.memory_space<vmem>>
        %dma_wait3A_792 = arith.constant 0 : i32
        %dma_wait3A_793 = tpu.memref_slice %arg2[%add3A_787, %dma_wait3A_792] : memref<4096x128xi32, #tpu.memory_space<hbm>> -> memref<1x128xi32, #tpu.memory_space<hbm>>
        %dma_wait3A_794 = tpu.memref_squeeze %dma_wait3A_793 : memref<1x128xi32, #tpu.memory_space<hbm>> -> memref<128xi32, #tpu.memory_space<hbm>>
        %dma_wait3A_795 = arith.constant 0 : i32
        %dma_wait3A_796 = tpu.memref_slice %arg7[%dma_wait3A_788, %dma_wait3A_795] : memref<2x128xi32, #tpu.memory_space<vmem>> -> memref<1x128xi32, #tpu.memory_space<vmem>>
        %dma_wait3A_797 = tpu.memref_squeeze %dma_wait3A_796 : memref<1x128xi32, #tpu.memory_space<vmem>> -> memref<128xi32, #tpu.memory_space<vmem>>
        %dma_wait3A_798 = arith.constant 0 : i32
        %dma_wait3A_799 = tpu.memref_slice %arg2[%add3A_787, %dma_wait3A_798] : memref<4096x128xi32, #tpu.memory_space<hbm>> -> memref<1x128xi32, #tpu.memory_space<hbm>>
        %dma_wait3A_800 = tpu.memref_squeeze %dma_wait3A_799 : memref<1x128xi32, #tpu.memory_space<hbm>> -> memref<128xi32, #tpu.memory_space<hbm>>
        tpu.wait_dma2 semaphore(%arg14 : memref<!tpu.dma_semaphore, #tpu.memory_space<semaphore_mem>>) src(%dma_wait3A_800 : memref<128xi32, #tpu.memory_space<hbm>>) dst(%dma_wait3A_797 : memref<128xi32, #tpu.memory_space<vmem>>)
        %get3A_801 = arith.constant 1 : i32
        %get3A_802 = arith.index_cast %get3A_801 : i32 to index
        %get3A_803 = arith.constant 0 : index
        %get3A_804 = tpu.vector_load %arg7[%get3A_802, %get3A_803] {strides = array<i32>} : memref<2x128xi32, #tpu.memory_space<vmem>>, vector<16xi32>,
        %shift_right_logical3A_805 = arith.constant 1 : i32
        %shift_right_logical3A_806 = vector.broadcast %shift_right_logical3A_805 : i32 to vector<16xi32>
        %shift_right_logical3A_807 = arith.shrui %get3A_804, %shift_right_logical3A_806 : vector<16xi32>
        %swap3A_808 = arith.constant 1 : i32
        %swap3A_809 = arith.index_cast %swap3A_808 : i32 to index
        %swap3A_810 = arith.constant 0 : index
        %swap3A_811 = tpu.vector_load %arg8[%swap3A_809, %swap3A_810] {strides = array<i32>} : memref<2x128xi32, #tpu.memory_space<vmem>>, vector<16xi32>,
        tpu.vector_store %arg8[%swap3A_809, %swap3A_810], %shift_right_logical3A_807 {strides = array<i32>} : memref<2x128xi32, #tpu.memory_space<vmem>>, vector<16xi32>,
        %get3A_812 = arith.constant 1 : i32
        %get3A_813 = arith.index_cast %get3A_812 : i32 to index
        %get3A_814 = arith.constant 16 : index
        %get3A_815 = tpu.vector_load %arg7[%get3A_813, %get3A_814] {strides = array<i32>} : memref<2x128xi32, #tpu.memory_space<vmem>>, vector<16xi32>,
        %shift_right_logical3A_816 = arith.constant 1 : i32
        %shift_right_logical3A_817 = vector.broadcast %shift_right_logical3A_816 : i32 to vector<16xi32>
        %shift_right_logical3A_818 = arith.shrui %get3A_815, %shift_right_logical3A_817 : vector<16xi32>
        %swap3A_819 = arith.constant 1 : i32
        %swap3A_820 = arith.index_cast %swap3A_819 : i32 to index
        %swap3A_821 = arith.constant 16 : index
        %swap3A_822 = tpu.vector_load %arg8[%swap3A_820, %swap3A_821] {strides = array<i32>} : memref<2x128xi32, #tpu.memory_space<vmem>>, vector<16xi32>,
        tpu.vector_store %arg8[%swap3A_820, %swap3A_821], %shift_right_logical3A_818 {strides = array<i32>} : memref<2x128xi32, #tpu.memory_space<vmem>>, vector<16xi32>,
        %get3A_823 = arith.constant 1 : i32
        %get3A_824 = arith.index_cast %get3A_823 : i32 to index
        %get3A_825 = arith.constant 32 : index
        %get3A_826 = tpu.vector_load %arg7[%get3A_824, %get3A_825] {strides = array<i32>} : memref<2x128xi32, #tpu.memory_space<vmem>>, vector<16xi32>,
        %shift_right_logical3A_827 = arith.constant 1 : i32
        %shift_right_logical3A_828 = vector.broadcast %shift_right_logical3A_827 : i32 to vector<16xi32>
        %shift_right_logical3A_829 = arith.shrui %get3A_826, %shift_right_logical3A_828 : vector<16xi32>
        %swap3A_830 = arith.constant 1 : i32
        %swap3A_831 = arith.index_cast %swap3A_830 : i32 to index
        %swap3A_832 = arith.constant 32 : index
        %swap3A_833 = tpu.vector_load %arg8[%swap3A_831, %swap3A_832] {strides = array<i32>} : memref<2x128xi32, #tpu.memory_space<vmem>>, vector<16xi32>,
        tpu.vector_store %arg8[%swap3A_831, %swap3A_832], %shift_right_logical3A_829 {strides = array<i32>} : memref<2x128xi32, #tpu.memory_space<vmem>>, vector<16xi32>,
        %get3A_834 = arith.constant 1 : i32
        %get3A_835 = arith.index_cast %get3A_834 : i32 to index
        %get3A_836 = arith.constant 48 : index
        %get3A_837 = tpu.vector_load %arg7[%get3A_835, %get3A_836] {strides = array<i32>} : memref<2x128xi32, #tpu.memory_space<vmem>>, vector<16xi32>,
        %shift_right_logical3A_838 = arith.constant 1 : i32
        %shift_right_logical3A_839 = vector.broadcast %shift_right_logical3A_838 : i32 to vector<16xi32>
        %shift_right_logical3A_840 = arith.shrui %get3A_837, %shift_right_logical3A_839 : vector<16xi32>
        %swap3A_841 = arith.constant 1 : i32
        %swap3A_842 = arith.index_cast %swap3A_841 : i32 to index
        %swap3A_843 = arith.constant 48 : index
        %swap3A_844 = tpu.vector_load %arg8[%swap3A_842, %swap3A_843] {strides = array<i32>} : memref<2x128xi32, #tpu.memory_space<vmem>>, vector<16xi32>,
        tpu.vector_store %arg8[%swap3A_842, %swap3A_843], %shift_right_logical3A_840 {strides = array<i32>} : memref<2x128xi32, #tpu.memory_space<vmem>>, vector<16xi32>,
        %get3A_845 = arith.constant 1 : i32
        %get3A_846 = arith.index_cast %get3A_845 : i32 to index
        %get3A_847 = arith.constant 64 : index
        %get3A_848 = tpu.vector_load %arg7[%get3A_846, %get3A_847] {strides = array<i32>} : memref<2x128xi32, #tpu.memory_space<vmem>>, vector<16xi32>,
        %shift_right_logical3A_849 = arith.constant 1 : i32
        %shift_right_logical3A_850 = vector.broadcast %shift_right_logical3A_849 : i32 to vector<16xi32>
        %shift_right_logical3A_851 = arith.shrui %get3A_848, %shift_right_logical3A_850 : vector<16xi32>
        %swap3A_852 = arith.constant 1 : i32
        %swap3A_853 = arith.index_cast %swap3A_852 : i32 to index
        %swap3A_854 = arith.constant 64 : index
        %swap3A_855 = tpu.vector_load %arg8[%swap3A_853, %swap3A_854] {strides = array<i32>} : memref<2x128xi32, #tpu.memory_space<vmem>>, vector<16xi32>,
        tpu.vector_store %arg8[%swap3A_853, %swap3A_854], %shift_right_logical3A_851 {strides = array<i32>} : memref<2x128xi32, #tpu.memory_space<vmem>>, vector<16xi32>,
        %get3A_856 = arith.constant 1 : i32
        %get3A_857 = arith.index_cast %get3A_856 : i32 to index
        %get3A_858 = arith.constant 80 : index
        %get3A_859 = tpu.vector_load %arg7[%get3A_857, %get3A_858] {strides = array<i32>} : memref<2x128xi32, #tpu.memory_space<vmem>>, vector<16xi32>,
        %shift_right_logical3A_860 = arith.constant 1 : i32
        %shift_right_logical3A_861 = vector.broadcast %shift_right_logical3A_860 : i32 to vector<16xi32>
        %shift_right_logical3A_862 = arith.shrui %get3A_859, %shift_right_logical3A_861 : vector<16xi32>
        %swap3A_863 = arith.constant 1 : i32
        %swap3A_864 = arith.index_cast %swap3A_863 : i32 to index
        %swap3A_865 = arith.constant 80 : index
        %swap3A_866 = tpu.vector_load %arg8[%swap3A_864, %swap3A_865] {strides = array<i32>} : memref<2x128xi32, #tpu.memory_space<vmem>>, vector<16xi32>,
        tpu.vector_store %arg8[%swap3A_864, %swap3A_865], %shift_right_logical3A_862 {strides = array<i32>} : memref<2x128xi32, #tpu.memory_space<vmem>>, vector<16xi32>,
        %get3A_867 = arith.constant 1 : i32
        %get3A_868 = arith.index_cast %get3A_867 : i32 to index
        %get3A_869 = arith.constant 96 : index
        %get3A_870 = tpu.vector_load %arg7[%get3A_868, %get3A_869] {strides = array<i32>} : memref<2x128xi32, #tpu.memory_space<vmem>>, vector<16xi32>,
        %shift_right_logical3A_871 = arith.constant 1 : i32
        %shift_right_logical3A_872 = vector.broadcast %shift_right_logical3A_871 : i32 to vector<16xi32>
        %shift_right_logical3A_873 = arith.shrui %get3A_870, %shift_right_logical3A_872 : vector<16xi32>
        %swap3A_874 = arith.constant 1 : i32
        %swap3A_875 = arith.index_cast %swap3A_874 : i32 to index
        %swap3A_876 = arith.constant 96 : index
        %swap3A_877 = tpu.vector_load %arg8[%swap3A_875, %swap3A_876] {strides = array<i32>} : memref<2x128xi32, #tpu.memory_space<vmem>>, vector<16xi32>,
        tpu.vector_store %arg8[%swap3A_875, %swap3A_876], %shift_right_logical3A_873 {strides = array<i32>} : memref<2x128xi32, #tpu.memory_space<vmem>>, vector<16xi32>,
        %get3A_878 = arith.constant 1 : i32
        %get3A_879 = arith.index_cast %get3A_878 : i32 to index
        %get3A_880 = arith.constant 112 : index
        %get3A_881 = tpu.vector_load %arg7[%get3A_879, %get3A_880] {strides = array<i32>} : memref<2x128xi32, #tpu.memory_space<vmem>>, vector<16xi32>,
        %shift_right_logical3A_882 = arith.constant 1 : i32
        %shift_right_logical3A_883 = vector.broadcast %shift_right_logical3A_882 : i32 to vector<16xi32>
        %shift_right_logical3A_884 = arith.shrui %get3A_881, %shift_right_logical3A_883 : vector<16xi32>
        %swap3A_885 = arith.constant 1 : i32
        %swap3A_886 = arith.index_cast %swap3A_885 : i32 to index
        %swap3A_887 = arith.constant 112 : index
        %swap3A_888 = tpu.vector_load %arg8[%swap3A_886, %swap3A_887] {strides = array<i32>} : memref<2x128xi32, #tpu.memory_space<vmem>>, vector<16xi32>,
        tpu.vector_store %arg8[%swap3A_886, %swap3A_887], %shift_right_logical3A_884 {strides = array<i32>} : memref<2x128xi32, #tpu.memory_space<vmem>>, vector<16xi32>,
        %dma_start3A_889 = arith.constant 1 : i32
        %dma_start3A_890 = arith.constant 1 : i32
        %dma_start3A_891 = arith.constant 0 : i32
        %dma_start3A_892 = arith.constant 0 : i32
        %dma_start3A_893 = tpu.memref_slice %arg9[%dma_start3A_890, %dma_start3A_891, %dma_start3A_892] : memref<2x128x128xf32, #tpu.memory_space<vmem>> -> memref<1x128x128xf32, #tpu.memory_space<vmem>>
        %dma_start3A_894 = tpu.memref_squeeze %dma_start3A_893 : memref<1x128x128xf32, #tpu.memory_space<vmem>> -> memref<128x128xf32, #tpu.memory_space<vmem>>
        %dma_start3A_895 = arith.constant 0 : i32
        %dma_start3A_896 = tpu.memref_slice %arg8[%dma_start3A_889, %dma_start3A_895] : memref<2x128xi32, #tpu.memory_space<vmem>> -> memref<1x128xi32, #tpu.memory_space<vmem>>
        %dma_start3A_897 = tpu.memref_squeeze %dma_start3A_896 : memref<1x128xi32, #tpu.memory_space<vmem>> -> memref<128xi32, #tpu.memory_space<vmem>>
        %dma_start3A_898 = arith.constant 0 : i32
        %dma_start3A_899 = arith.constant 0 : i32
        %dma_start3A_900 = tpu.memref_slice %arg3[%dma_start3A_898, %dma_start3A_899] : memref<500000x128xf32, #tpu.memory_space<hbm>> -> memref<500000x128xf32, #tpu.memory_space<hbm>>
        tpu.enqueue_indirect_dma source(%dma_start3A_900 : memref<500000x128xf32, #tpu.memory_space<hbm>>) target(%dma_start3A_894 : memref<128x128xf32, #tpu.memory_space<vmem>>) offsets(%dma_start3A_897 : memref<128xi32, #tpu.memory_space<vmem>>) semaphore(%arg12 : memref<!tpu.dma_semaphore, #tpu.memory_space<semaphore_mem>>)
      } else {
      }
      %jit3A_228 = arith.constant 4 : i32
      %eq3A_229 = arith.constant 0 : i32
      %eq3A_230 = arith.cmpi eq, %jit3A_228, %eq3A_229 : i32
      %jit3A_231 = arith.constant 1 : i32
      %select_n3A_232 = arith.select %eq3A_230, %jit3A_231, %jit3A_228 : i32
      %rem3A_233 = arith.remsi %add3A_206, %select_n3A_232 : i32
      %ne3A_234 = arith.constant 0 : i32
      %ne3A_235 = arith.cmpi ne, %rem3A_233, %ne3A_234 : i32
      %lt3A_236 = arith.constant 0 : i32
      %lt3A_237 = arith.cmpi slt, %rem3A_233, %lt3A_236 : i32
      %lt3A_238 = arith.constant 0 : i32
      %lt3A_239 = arith.cmpi slt, %select_n3A_232, %lt3A_238 : i32
      %ne3A_240 = arith.xori %lt3A_237, %lt3A_239 : i1
      %and3A_241 = arith.andi %ne3A_240, %ne3A_235 : i1
      %add3A_242 = arith.addi %rem3A_233, %select_n3A_232 : i32
      %select_n3A_243 = arith.select %and3A_241, %add3A_242, %rem3A_233 : i32
      %mul3A_244 = arith.constant 128 : i32
      %mul3A_245 = arith.muli %select_n3A_243, %mul3A_244 : i32
      %iota3A = tpu.iota {dimensions = array<i32: 0>} : vector<16xi32>
      %get3A_246 = arith.constant 0 : i32
      %get3A_247 = arith.index_cast %get3A_246 : i32 to index
      %get3A_248 = arith.constant 0 : index
      %get3A_249 = tpu.vector_load %arg7[%get3A_247, %get3A_248] {strides = array<i32>} : memref<2x128xi32, #tpu.memory_space<vmem>>, vector<16xi32>,
      %and3A_250 = arith.constant 1 : i32
      %and3A_251 = vector.broadcast %and3A_250 : i32 to vector<16xi32>
      %and3A_252 = arith.andi %get3A_249, %and3A_251 : vector<16xi32>
      %mul3A_253 = arith.constant 64 : i32
      %mul3A_254 = vector.broadcast %mul3A_253 : i32 to vector<16xi32>
      %mul3A_255 = arith.muli %and3A_252, %mul3A_254 : vector<16xi32>
      %add3A_256 = arith.constant 0 : i32
      %add3A_257 = vector.broadcast %add3A_256 : i32 to vector<16xi32>
      %add3A_258 = arith.addi %iota3A, %add3A_257 : vector<16xi32>
      %add3A_259 = arith.constant 0 : i32
      %add3A_260 = arith.addi %mul3A_245, %add3A_259 : i32
      %add3A_261 = vector.broadcast %add3A_260 : i32 to vector<16xi32>
      %add3A_262 = arith.addi %iota3A, %add3A_261 : vector<16xi32>
      %scan3A_263 = arith.constant 0 : i32
      %scan3A_264 = arith.constant 16 : i32
      %scan3A_265 = arith.addi %scan3A_263, %scan3A_264 : i32
      %scan3A_266 = arith.constant 1 : i32
      scf.for %scan3A_785 = %scan3A_263 to %scan3A_265 step %scan3A_266  : i32 {
        %mul3A_786 = arith.constant 1 : i32
        %mul3A_787 = arith.muli %scan3A_785, %mul3A_786 : i32
        %add3A_788 = arith.constant 0 : i32
        %add3A_789 = arith.addi %add3A_788, %mul3A_787 : i32
        %add3A_790 = vector.broadcast %add3A_789 : i32 to vector<16xi32>
        %add3A_791 = arith.addi %iota3A, %add3A_790 : vector<16xi32>
        %and3A_792 = arith.constant 15 : i32
        %and3A_793 = vector.broadcast %and3A_792 : i32 to vector<16xi32>
        %and3A_794 = arith.andi %add3A_791, %and3A_793 : vector<16xi32>
        %add3A_795 = arith.constant 0 : i32
        %add3A_796 = vector.broadcast %add3A_795 : i32 to vector<16xi32>
        %add3A_797 = arith.addi %and3A_794, %add3A_796 : vector<16xi32>
        %add3A_798 = arith.addi %mul3A_255, %add3A_797 : vector<16xi32>
        %gather3A = arith.constant 0 : i32
        %gather3A_799 = arith.constant 0 : i32
        %gather3A_800 = arith.constant 0 : i32
        %gather3A_801 = tpu.memref_slice %arg9[%gather3A, %gather3A_799, %gather3A_800] : memref<2x128x128xf32, #tpu.memory_space<vmem>> -> memref<1x128x128xf32, #tpu.memory_space<vmem>>
        %gather3A_802 = tpu.memref_squeeze %gather3A_801 : memref<1x128x128xf32, #tpu.memory_space<vmem>> -> memref<128x128xf32, #tpu.memory_space<vmem>>
        %gather3A_803 = tpu.vector_load_idx %gather3A_802[%add3A_258, %add3A_798] : memref<128x128xf32, #tpu.memory_space<vmem>>[vector<16xi32>, vector<16xi32>], vector<16xf32>,
        %gather3A_804 = tpu.vector_load_idx %arg6[%add3A_797, %add3A_262] : memref<64x512xf32, #tpu.memory_space<vmem>>[vector<16xi32>, vector<16xi32>], vector<16xf32>,
        %add3A_805 = arith.addf %gather3A_803, %gather3A_804 : vector<16xf32>
        %scatter3A = arith.constant 0 : i32
        %scatter3A_806 = arith.constant 0 : i32
        %scatter3A_807 = arith.constant 0 : i32
        %scatter3A_808 = tpu.memref_slice %arg10[%scatter3A, %scatter3A_806, %scatter3A_807] : memref<2x64x128xf32, #tpu.memory_space<vmem>> -> memref<1x64x128xf32, #tpu.memory_space<vmem>>
        %scatter3A_809 = tpu.memref_squeeze %scatter3A_808 : memref<1x64x128xf32, #tpu.memory_space<vmem>> -> memref<64x128xf32, #tpu.memory_space<vmem>>
        tpu.vector_store_idx %scatter3A_809[%add3A_797, %add3A_258], %add3A_805 : memref<64x128xf32, #tpu.memory_space<vmem>>[vector<16xi32>, vector<16xi32>], vector<16xf32>,
        %add3A_810 = arith.constant 16 : i32
        %add3A_811 = vector.broadcast %add3A_810 : i32 to vector<16xi32>
        %add3A_812 = arith.addi %and3A_794, %add3A_811 : vector<16xi32>
        %add3A_813 = arith.addi %mul3A_255, %add3A_812 : vector<16xi32>
        %gather3A_814 = arith.constant 0 : i32
        %gather3A_815 = arith.constant 0 : i32
        %gather3A_816 = arith.constant 0 : i32
        %gather3A_817 = tpu.memref_slice %arg9[%gather3A_814, %gather3A_815, %gather3A_816] : memref<2x128x128xf32, #tpu.memory_space<vmem>> -> memref<1x128x128xf32, #tpu.memory_space<vmem>>
        %gather3A_818 = tpu.memref_squeeze %gather3A_817 : memref<1x128x128xf32, #tpu.memory_space<vmem>> -> memref<128x128xf32, #tpu.memory_space<vmem>>
        %gather3A_819 = tpu.vector_load_idx %gather3A_818[%add3A_258, %add3A_813] : memref<128x128xf32, #tpu.memory_space<vmem>>[vector<16xi32>, vector<16xi32>], vector<16xf32>,
        %gather3A_820 = tpu.vector_load_idx %arg6[%add3A_812, %add3A_262] : memref<64x512xf32, #tpu.memory_space<vmem>>[vector<16xi32>, vector<16xi32>], vector<16xf32>,
        %add3A_821 = arith.addf %gather3A_819, %gather3A_820 : vector<16xf32>
        %scatter3A_822 = arith.constant 0 : i32
        %scatter3A_823 = arith.constant 0 : i32
        %scatter3A_824 = arith.constant 0 : i32
        %scatter3A_825 = tpu.memref_slice %arg10[%scatter3A_822, %scatter3A_823, %scatter3A_824] : memref<2x64x128xf32, #tpu.memory_space<vmem>> -> memref<1x64x128xf32, #tpu.memory_space<vmem>>
        %scatter3A_826 = tpu.memref_squeeze %scatter3A_825 : memref<1x64x128xf32, #tpu.memory_space<vmem>> -> memref<64x128xf32, #tpu.memory_space<vmem>>
        tpu.vector_store_idx %scatter3A_826[%add3A_812, %add3A_258], %add3A_821 : memref<64x128xf32, #tpu.memory_space<vmem>>[vector<16xi32>, vector<16xi32>], vector<16xf32>,
        %add3A_827 = arith.constant 32 : i32
        %add3A_828 = vector.broadcast %add3A_827 : i32 to vector<16xi32>
        %add3A_829 = arith.addi %and3A_794, %add3A_828 : vector<16xi32>
        %add3A_830 = arith.addi %mul3A_255, %add3A_829 : vector<16xi32>
        %gather3A_831 = arith.constant 0 : i32
        %gather3A_832 = arith.constant 0 : i32
        %gather3A_833 = arith.constant 0 : i32
        %gather3A_834 = tpu.memref_slice %arg9[%gather3A_831, %gather3A_832, %gather3A_833] : memref<2x128x128xf32, #tpu.memory_space<vmem>> -> memref<1x128x128xf32, #tpu.memory_space<vmem>>
        %gather3A_835 = tpu.memref_squeeze %gather3A_834 : memref<1x128x128xf32, #tpu.memory_space<vmem>> -> memref<128x128xf32, #tpu.memory_space<vmem>>
        %gather3A_836 = tpu.vector_load_idx %gather3A_835[%add3A_258, %add3A_830] : memref<128x128xf32, #tpu.memory_space<vmem>>[vector<16xi32>, vector<16xi32>], vector<16xf32>,
        %gather3A_837 = tpu.vector_load_idx %arg6[%add3A_829, %add3A_262] : memref<64x512xf32, #tpu.memory_space<vmem>>[vector<16xi32>, vector<16xi32>], vector<16xf32>,
        %add3A_838 = arith.addf %gather3A_836, %gather3A_837 : vector<16xf32>
        %scatter3A_839 = arith.constant 0 : i32
        %scatter3A_840 = arith.constant 0 : i32
        %scatter3A_841 = arith.constant 0 : i32
        %scatter3A_842 = tpu.memref_slice %arg10[%scatter3A_839, %scatter3A_840, %scatter3A_841] : memref<2x64x128xf32, #tpu.memory_space<vmem>> -> memref<1x64x128xf32, #tpu.memory_space<vmem>>
        %scatter3A_843 = tpu.memref_squeeze %scatter3A_842 : memref<1x64x128xf32, #tpu.memory_space<vmem>> -> memref<64x128xf32, #tpu.memory_space<vmem>>
        tpu.vector_store_idx %scatter3A_843[%add3A_829, %add3A_258], %add3A_838 : memref<64x128xf32, #tpu.memory_space<vmem>>[vector<16xi32>, vector<16xi32>], vector<16xf32>,
        %add3A_844 = arith.constant 48 : i32
        %add3A_845 = vector.broadcast %add3A_844 : i32 to vector<16xi32>
        %add3A_846 = arith.addi %and3A_794, %add3A_845 : vector<16xi32>
        %add3A_847 = arith.addi %mul3A_255, %add3A_846 : vector<16xi32>
        %gather3A_848 = arith.constant 0 : i32
        %gather3A_849 = arith.constant 0 : i32
        %gather3A_850 = arith.constant 0 : i32
        %gather3A_851 = tpu.memref_slice %arg9[%gather3A_848, %gather3A_849, %gather3A_850] : memref<2x128x128xf32, #tpu.memory_space<vmem>> -> memref<1x128x128xf32, #tpu.memory_space<vmem>>
        %gather3A_852 = tpu.memref_squeeze %gather3A_851 : memref<1x128x128xf32, #tpu.memory_space<vmem>> -> memref<128x128xf32, #tpu.memory_space<vmem>>
        %gather3A_853 = tpu.vector_load_idx %gather3A_852[%add3A_258, %add3A_847] : memref<128x128xf32, #tpu.memory_space<vmem>>[vector<16xi32>, vector<16xi32>], vector<16xf32>,
        %gather3A_854 = tpu.vector_load_idx %arg6[%add3A_846, %add3A_262] : memref<64x512xf32, #tpu.memory_space<vmem>>[vector<16xi32>, vector<16xi32>], vector<16xf32>,
        %add3A_855 = arith.addf %gather3A_853, %gather3A_854 : vector<16xf32>
        %scatter3A_856 = arith.constant 0 : i32
        %scatter3A_857 = arith.constant 0 : i32
        %scatter3A_858 = arith.constant 0 : i32
        %scatter3A_859 = tpu.memref_slice %arg10[%scatter3A_856, %scatter3A_857, %scatter3A_858] : memref<2x64x128xf32, #tpu.memory_space<vmem>> -> memref<1x64x128xf32, #tpu.memory_space<vmem>>
        %scatter3A_860 = tpu.memref_squeeze %scatter3A_859 : memref<1x64x128xf32, #tpu.memory_space<vmem>> -> memref<64x128xf32, #tpu.memory_space<vmem>>
        tpu.vector_store_idx %scatter3A_860[%add3A_846, %add3A_258], %add3A_855 : memref<64x128xf32, #tpu.memory_space<vmem>>[vector<16xi32>, vector<16xi32>], vector<16xf32>,
      }
      %scan3A_267 = arith.constant 16 : i32
      %get3A_268 = arith.constant 0 : i32
      %get3A_269 = arith.index_cast %get3A_268 : i32 to index
      %get3A_270 = arith.constant 16 : index
      %get3A_271 = tpu.vector_load %arg7[%get3A_269, %get3A_270] {strides = array<i32>} : memref<2x128xi32, #tpu.memory_space<vmem>>, vector<16xi32>,
      %and3A_272 = arith.constant 1 : i32
      %and3A_273 = vector.broadcast %and3A_272 : i32 to vector<16xi32>
      %and3A_274 = arith.andi %get3A_271, %and3A_273 : vector<16xi32>
      %mul3A_275 = arith.constant 64 : i32
      %mul3A_276 = vector.broadcast %mul3A_275 : i32 to vector<16xi32>
      %mul3A_277 = arith.muli %and3A_274, %mul3A_276 : vector<16xi32>
      %add3A_278 = arith.constant 16 : i32
      %add3A_279 = vector.broadcast %add3A_278 : i32 to vector<16xi32>
      %add3A_280 = arith.addi %iota3A, %add3A_279 : vector<16xi32>
      %add3A_281 = arith.constant 16 : i32
      %add3A_282 = arith.addi %mul3A_245, %add3A_281 : i32
      %add3A_283 = vector.broadcast %add3A_282 : i32 to vector<16xi32>
      %add3A_284 = arith.addi %iota3A, %add3A_283 : vector<16xi32>
      %scan3A_285 = arith.constant 0 : i32
      %scan3A_286 = arith.constant 16 : i32
      %scan3A_287 = arith.addi %scan3A_285, %scan3A_286 : i32
      %scan3A_288 = arith.constant 1 : i32
      scf.for %scan3A_785 = %scan3A_285 to %scan3A_287 step %scan3A_288  : i32 {
        %mul3A_786 = arith.constant 1 : i32
        %mul3A_787 = arith.muli %scan3A_785, %mul3A_786 : i32
        %add3A_788 = arith.constant 0 : i32
        %add3A_789 = arith.addi %add3A_788, %mul3A_787 : i32
        %add3A_790 = vector.broadcast %add3A_789 : i32 to vector<16xi32>
        %add3A_791 = arith.addi %iota3A, %add3A_790 : vector<16xi32>
        %and3A_792 = arith.constant 15 : i32
        %and3A_793 = vector.broadcast %and3A_792 : i32 to vector<16xi32>
        %and3A_794 = arith.andi %add3A_791, %and3A_793 : vector<16xi32>
        %add3A_795 = arith.constant 0 : i32
        %add3A_796 = vector.broadcast %add3A_795 : i32 to vector<16xi32>
        %add3A_797 = arith.addi %and3A_794, %add3A_796 : vector<16xi32>
        %add3A_798 = arith.addi %mul3A_277, %add3A_797 : vector<16xi32>
        %gather3A = arith.constant 0 : i32
        %gather3A_799 = arith.constant 0 : i32
        %gather3A_800 = arith.constant 0 : i32
        %gather3A_801 = tpu.memref_slice %arg9[%gather3A, %gather3A_799, %gather3A_800] : memref<2x128x128xf32, #tpu.memory_space<vmem>> -> memref<1x128x128xf32, #tpu.memory_space<vmem>>
        %gather3A_802 = tpu.memref_squeeze %gather3A_801 : memref<1x128x128xf32, #tpu.memory_space<vmem>> -> memref<128x128xf32, #tpu.memory_space<vmem>>
        %gather3A_803 = tpu.vector_load_idx %gather3A_802[%add3A_280, %add3A_798] : memref<128x128xf32, #tpu.memory_space<vmem>>[vector<16xi32>, vector<16xi32>], vector<16xf32>,
        %gather3A_804 = tpu.vector_load_idx %arg6[%add3A_797, %add3A_284] : memref<64x512xf32, #tpu.memory_space<vmem>>[vector<16xi32>, vector<16xi32>], vector<16xf32>,
        %add3A_805 = arith.addf %gather3A_803, %gather3A_804 : vector<16xf32>
        %scatter3A = arith.constant 0 : i32
        %scatter3A_806 = arith.constant 0 : i32
        %scatter3A_807 = arith.constant 0 : i32
        %scatter3A_808 = tpu.memref_slice %arg10[%scatter3A, %scatter3A_806, %scatter3A_807] : memref<2x64x128xf32, #tpu.memory_space<vmem>> -> memref<1x64x128xf32, #tpu.memory_space<vmem>>
        %scatter3A_809 = tpu.memref_squeeze %scatter3A_808 : memref<1x64x128xf32, #tpu.memory_space<vmem>> -> memref<64x128xf32, #tpu.memory_space<vmem>>
        tpu.vector_store_idx %scatter3A_809[%add3A_797, %add3A_280], %add3A_805 : memref<64x128xf32, #tpu.memory_space<vmem>>[vector<16xi32>, vector<16xi32>], vector<16xf32>,
        %add3A_810 = arith.constant 16 : i32
        %add3A_811 = vector.broadcast %add3A_810 : i32 to vector<16xi32>
        %add3A_812 = arith.addi %and3A_794, %add3A_811 : vector<16xi32>
        %add3A_813 = arith.addi %mul3A_277, %add3A_812 : vector<16xi32>
        %gather3A_814 = arith.constant 0 : i32
        %gather3A_815 = arith.constant 0 : i32
        %gather3A_816 = arith.constant 0 : i32
        %gather3A_817 = tpu.memref_slice %arg9[%gather3A_814, %gather3A_815, %gather3A_816] : memref<2x128x128xf32, #tpu.memory_space<vmem>> -> memref<1x128x128xf32, #tpu.memory_space<vmem>>
        %gather3A_818 = tpu.memref_squeeze %gather3A_817 : memref<1x128x128xf32, #tpu.memory_space<vmem>> -> memref<128x128xf32, #tpu.memory_space<vmem>>
        %gather3A_819 = tpu.vector_load_idx %gather3A_818[%add3A_280, %add3A_813] : memref<128x128xf32, #tpu.memory_space<vmem>>[vector<16xi32>, vector<16xi32>], vector<16xf32>,
        %gather3A_820 = tpu.vector_load_idx %arg6[%add3A_812, %add3A_284] : memref<64x512xf32, #tpu.memory_space<vmem>>[vector<16xi32>, vector<16xi32>], vector<16xf32>,
        %add3A_821 = arith.addf %gather3A_819, %gather3A_820 : vector<16xf32>
        %scatter3A_822 = arith.constant 0 : i32
        %scatter3A_823 = arith.constant 0 : i32
        %scatter3A_824 = arith.constant 0 : i32
        %scatter3A_825 = tpu.memref_slice %arg10[%scatter3A_822, %scatter3A_823, %scatter3A_824] : memref<2x64x128xf32, #tpu.memory_space<vmem>> -> memref<1x64x128xf32, #tpu.memory_space<vmem>>
        %scatter3A_826 = tpu.memref_squeeze %scatter3A_825 : memref<1x64x128xf32, #tpu.memory_space<vmem>> -> memref<64x128xf32, #tpu.memory_space<vmem>>
        tpu.vector_store_idx %scatter3A_826[%add3A_812, %add3A_280], %add3A_821 : memref<64x128xf32, #tpu.memory_space<vmem>>[vector<16xi32>, vector<16xi32>], vector<16xf32>,
        %add3A_827 = arith.constant 32 : i32
        %add3A_828 = vector.broadcast %add3A_827 : i32 to vector<16xi32>
        %add3A_829 = arith.addi %and3A_794, %add3A_828 : vector<16xi32>
        %add3A_830 = arith.addi %mul3A_277, %add3A_829 : vector<16xi32>
        %gather3A_831 = arith.constant 0 : i32
        %gather3A_832 = arith.constant 0 : i32
        %gather3A_833 = arith.constant 0 : i32
        %gather3A_834 = tpu.memref_slice %arg9[%gather3A_831, %gather3A_832, %gather3A_833] : memref<2x128x128xf32, #tpu.memory_space<vmem>> -> memref<1x128x128xf32, #tpu.memory_space<vmem>>
        %gather3A_835 = tpu.memref_squeeze %gather3A_834 : memref<1x128x128xf32, #tpu.memory_space<vmem>> -> memref<128x128xf32, #tpu.memory_space<vmem>>
        %gather3A_836 = tpu.vector_load_idx %gather3A_835[%add3A_280, %add3A_830] : memref<128x128xf32, #tpu.memory_space<vmem>>[vector<16xi32>, vector<16xi32>], vector<16xf32>,
        %gather3A_837 = tpu.vector_load_idx %arg6[%add3A_829, %add3A_284] : memref<64x512xf32, #tpu.memory_space<vmem>>[vector<16xi32>, vector<16xi32>], vector<16xf32>,
        %add3A_838 = arith.addf %gather3A_836, %gather3A_837 : vector<16xf32>
        %scatter3A_839 = arith.constant 0 : i32
        %scatter3A_840 = arith.constant 0 : i32
        %scatter3A_841 = arith.constant 0 : i32
        %scatter3A_842 = tpu.memref_slice %arg10[%scatter3A_839, %scatter3A_840, %scatter3A_841] : memref<2x64x128xf32, #tpu.memory_space<vmem>> -> memref<1x64x128xf32, #tpu.memory_space<vmem>>
        %scatter3A_843 = tpu.memref_squeeze %scatter3A_842 : memref<1x64x128xf32, #tpu.memory_space<vmem>> -> memref<64x128xf32, #tpu.memory_space<vmem>>
        tpu.vector_store_idx %scatter3A_843[%add3A_829, %add3A_280], %add3A_838 : memref<64x128xf32, #tpu.memory_space<vmem>>[vector<16xi32>, vector<16xi32>], vector<16xf32>,
        %add3A_844 = arith.constant 48 : i32
        %add3A_845 = vector.broadcast %add3A_844 : i32 to vector<16xi32>
        %add3A_846 = arith.addi %and3A_794, %add3A_845 : vector<16xi32>
        %add3A_847 = arith.addi %mul3A_277, %add3A_846 : vector<16xi32>
        %gather3A_848 = arith.constant 0 : i32
        %gather3A_849 = arith.constant 0 : i32
        %gather3A_850 = arith.constant 0 : i32
        %gather3A_851 = tpu.memref_slice %arg9[%gather3A_848, %gather3A_849, %gather3A_850] : memref<2x128x128xf32, #tpu.memory_space<vmem>> -> memref<1x128x128xf32, #tpu.memory_space<vmem>>
        %gather3A_852 = tpu.memref_squeeze %gather3A_851 : memref<1x128x128xf32, #tpu.memory_space<vmem>> -> memref<128x128xf32, #tpu.memory_space<vmem>>
        %gather3A_853 = tpu.vector_load_idx %gather3A_852[%add3A_280, %add3A_847] : memref<128x128xf32, #tpu.memory_space<vmem>>[vector<16xi32>, vector<16xi32>], vector<16xf32>,
        %gather3A_854 = tpu.vector_load_idx %arg6[%add3A_846, %add3A_284] : memref<64x512xf32, #tpu.memory_space<vmem>>[vector<16xi32>, vector<16xi32>], vector<16xf32>,
        %add3A_855 = arith.addf %gather3A_853, %gather3A_854 : vector<16xf32>
        %scatter3A_856 = arith.constant 0 : i32
        %scatter3A_857 = arith.constant 0 : i32
        %scatter3A_858 = arith.constant 0 : i32
        %scatter3A_859 = tpu.memref_slice %arg10[%scatter3A_856, %scatter3A_857, %scatter3A_858] : memref<2x64x128xf32, #tpu.memory_space<vmem>> -> memref<1x64x128xf32, #tpu.memory_space<vmem>>
        %scatter3A_860 = tpu.memref_squeeze %scatter3A_859 : memref<1x64x128xf32, #tpu.memory_space<vmem>> -> memref<64x128xf32, #tpu.memory_space<vmem>>
        tpu.vector_store_idx %scatter3A_860[%add3A_846, %add3A_280], %add3A_855 : memref<64x128xf32, #tpu.memory_space<vmem>>[vector<16xi32>, vector<16xi32>], vector<16xf32>,
      }
      %scan3A_289 = arith.constant 16 : i32
      %get3A_290 = arith.constant 0 : i32
      %get3A_291 = arith.index_cast %get3A_290 : i32 to index
      %get3A_292 = arith.constant 32 : index
      %get3A_293 = tpu.vector_load %arg7[%get3A_291, %get3A_292] {strides = array<i32>} : memref<2x128xi32, #tpu.memory_space<vmem>>, vector<16xi32>,
      %and3A_294 = arith.constant 1 : i32
      %and3A_295 = vector.broadcast %and3A_294 : i32 to vector<16xi32>
      %and3A_296 = arith.andi %get3A_293, %and3A_295 : vector<16xi32>
      %mul3A_297 = arith.constant 64 : i32
      %mul3A_298 = vector.broadcast %mul3A_297 : i32 to vector<16xi32>
      %mul3A_299 = arith.muli %and3A_296, %mul3A_298 : vector<16xi32>
      %add3A_300 = arith.constant 32 : i32
      %add3A_301 = vector.broadcast %add3A_300 : i32 to vector<16xi32>
      %add3A_302 = arith.addi %iota3A, %add3A_301 : vector<16xi32>
      %add3A_303 = arith.constant 32 : i32
      %add3A_304 = arith.addi %mul3A_245, %add3A_303 : i32
      %add3A_305 = vector.broadcast %add3A_304 : i32 to vector<16xi32>
      %add3A_306 = arith.addi %iota3A, %add3A_305 : vector<16xi32>
      %scan3A_307 = arith.constant 0 : i32
      %scan3A_308 = arith.constant 16 : i32
      %scan3A_309 = arith.addi %scan3A_307, %scan3A_308 : i32
      %scan3A_310 = arith.constant 1 : i32
      scf.for %scan3A_785 = %scan3A_307 to %scan3A_309 step %scan3A_310  : i32 {
        %mul3A_786 = arith.constant 1 : i32
        %mul3A_787 = arith.muli %scan3A_785, %mul3A_786 : i32
        %add3A_788 = arith.constant 0 : i32
        %add3A_789 = arith.addi %add3A_788, %mul3A_787 : i32
        %add3A_790 = vector.broadcast %add3A_789 : i32 to vector<16xi32>
        %add3A_791 = arith.addi %iota3A, %add3A_790 : vector<16xi32>
        %and3A_792 = arith.constant 15 : i32
        %and3A_793 = vector.broadcast %and3A_792 : i32 to vector<16xi32>
        %and3A_794 = arith.andi %add3A_791, %and3A_793 : vector<16xi32>
        %add3A_795 = arith.constant 0 : i32
        %add3A_796 = vector.broadcast %add3A_795 : i32 to vector<16xi32>
        %add3A_797 = arith.addi %and3A_794, %add3A_796 : vector<16xi32>
        %add3A_798 = arith.addi %mul3A_299, %add3A_797 : vector<16xi32>
        %gather3A = arith.constant 0 : i32
        %gather3A_799 = arith.constant 0 : i32
        %gather3A_800 = arith.constant 0 : i32
        %gather3A_801 = tpu.memref_slice %arg9[%gather3A, %gather3A_799, %gather3A_800] : memref<2x128x128xf32, #tpu.memory_space<vmem>> -> memref<1x128x128xf32, #tpu.memory_space<vmem>>
        %gather3A_802 = tpu.memref_squeeze %gather3A_801 : memref<1x128x128xf32, #tpu.memory_space<vmem>> -> memref<128x128xf32, #tpu.memory_space<vmem>>
        %gather3A_803 = tpu.vector_load_idx %gather3A_802[%add3A_302, %add3A_798] : memref<128x128xf32, #tpu.memory_space<vmem>>[vector<16xi32>, vector<16xi32>], vector<16xf32>,
        %gather3A_804 = tpu.vector_load_idx %arg6[%add3A_797, %add3A_306] : memref<64x512xf32, #tpu.memory_space<vmem>>[vector<16xi32>, vector<16xi32>], vector<16xf32>,
        %add3A_805 = arith.addf %gather3A_803, %gather3A_804 : vector<16xf32>
        %scatter3A = arith.constant 0 : i32
        %scatter3A_806 = arith.constant 0 : i32
        %scatter3A_807 = arith.constant 0 : i32
        %scatter3A_808 = tpu.memref_slice %arg10[%scatter3A, %scatter3A_806, %scatter3A_807] : memref<2x64x128xf32, #tpu.memory_space<vmem>> -> memref<1x64x128xf32, #tpu.memory_space<vmem>>
        %scatter3A_809 = tpu.memref_squeeze %scatter3A_808 : memref<1x64x128xf32, #tpu.memory_space<vmem>> -> memref<64x128xf32, #tpu.memory_space<vmem>>
        tpu.vector_store_idx %scatter3A_809[%add3A_797, %add3A_302], %add3A_805 : memref<64x128xf32, #tpu.memory_space<vmem>>[vector<16xi32>, vector<16xi32>], vector<16xf32>,
        %add3A_810 = arith.constant 16 : i32
        %add3A_811 = vector.broadcast %add3A_810 : i32 to vector<16xi32>
        %add3A_812 = arith.addi %and3A_794, %add3A_811 : vector<16xi32>
        %add3A_813 = arith.addi %mul3A_299, %add3A_812 : vector<16xi32>
        %gather3A_814 = arith.constant 0 : i32
        %gather3A_815 = arith.constant 0 : i32
        %gather3A_816 = arith.constant 0 : i32
        %gather3A_817 = tpu.memref_slice %arg9[%gather3A_814, %gather3A_815, %gather3A_816] : memref<2x128x128xf32, #tpu.memory_space<vmem>> -> memref<1x128x128xf32, #tpu.memory_space<vmem>>
        %gather3A_818 = tpu.memref_squeeze %gather3A_817 : memref<1x128x128xf32, #tpu.memory_space<vmem>> -> memref<128x128xf32, #tpu.memory_space<vmem>>
        %gather3A_819 = tpu.vector_load_idx %gather3A_818[%add3A_302, %add3A_813] : memref<128x128xf32, #tpu.memory_space<vmem>>[vector<16xi32>, vector<16xi32>], vector<16xf32>,
        %gather3A_820 = tpu.vector_load_idx %arg6[%add3A_812, %add3A_306] : memref<64x512xf32, #tpu.memory_space<vmem>>[vector<16xi32>, vector<16xi32>], vector<16xf32>,
        %add3A_821 = arith.addf %gather3A_819, %gather3A_820 : vector<16xf32>
        %scatter3A_822 = arith.constant 0 : i32
        %scatter3A_823 = arith.constant 0 : i32
        %scatter3A_824 = arith.constant 0 : i32
        %scatter3A_825 = tpu.memref_slice %arg10[%scatter3A_822, %scatter3A_823, %scatter3A_824] : memref<2x64x128xf32, #tpu.memory_space<vmem>> -> memref<1x64x128xf32, #tpu.memory_space<vmem>>
        %scatter3A_826 = tpu.memref_squeeze %scatter3A_825 : memref<1x64x128xf32, #tpu.memory_space<vmem>> -> memref<64x128xf32, #tpu.memory_space<vmem>>
        tpu.vector_store_idx %scatter3A_826[%add3A_812, %add3A_302], %add3A_821 : memref<64x128xf32, #tpu.memory_space<vmem>>[vector<16xi32>, vector<16xi32>], vector<16xf32>,
        %add3A_827 = arith.constant 32 : i32
        %add3A_828 = vector.broadcast %add3A_827 : i32 to vector<16xi32>
        %add3A_829 = arith.addi %and3A_794, %add3A_828 : vector<16xi32>
        %add3A_830 = arith.addi %mul3A_299, %add3A_829 : vector<16xi32>
        %gather3A_831 = arith.constant 0 : i32
        %gather3A_832 = arith.constant 0 : i32
        %gather3A_833 = arith.constant 0 : i32
        %gather3A_834 = tpu.memref_slice %arg9[%gather3A_831, %gather3A_832, %gather3A_833] : memref<2x128x128xf32, #tpu.memory_space<vmem>> -> memref<1x128x128xf32, #tpu.memory_space<vmem>>
        %gather3A_835 = tpu.memref_squeeze %gather3A_834 : memref<1x128x128xf32, #tpu.memory_space<vmem>> -> memref<128x128xf32, #tpu.memory_space<vmem>>
        %gather3A_836 = tpu.vector_load_idx %gather3A_835[%add3A_302, %add3A_830] : memref<128x128xf32, #tpu.memory_space<vmem>>[vector<16xi32>, vector<16xi32>], vector<16xf32>,
        %gather3A_837 = tpu.vector_load_idx %arg6[%add3A_829, %add3A_306] : memref<64x512xf32, #tpu.memory_space<vmem>>[vector<16xi32>, vector<16xi32>], vector<16xf32>,
        %add3A_838 = arith.addf %gather3A_836, %gather3A_837 : vector<16xf32>
        %scatter3A_839 = arith.constant 0 : i32
        %scatter3A_840 = arith.constant 0 : i32
        %scatter3A_841 = arith.constant 0 : i32
        %scatter3A_842 = tpu.memref_slice %arg10[%scatter3A_839, %scatter3A_840, %scatter3A_841] : memref<2x64x128xf32, #tpu.memory_space<vmem>> -> memref<1x64x128xf32, #tpu.memory_space<vmem>>
        %scatter3A_843 = tpu.memref_squeeze %scatter3A_842 : memref<1x64x128xf32, #tpu.memory_space<vmem>> -> memref<64x128xf32, #tpu.memory_space<vmem>>
        tpu.vector_store_idx %scatter3A_843[%add3A_829, %add3A_302], %add3A_838 : memref<64x128xf32, #tpu.memory_space<vmem>>[vector<16xi32>, vector<16xi32>], vector<16xf32>,
        %add3A_844 = arith.constant 48 : i32
        %add3A_845 = vector.broadcast %add3A_844 : i32 to vector<16xi32>
        %add3A_846 = arith.addi %and3A_794, %add3A_845 : vector<16xi32>
        %add3A_847 = arith.addi %mul3A_299, %add3A_846 : vector<16xi32>
        %gather3A_848 = arith.constant 0 : i32
        %gather3A_849 = arith.constant 0 : i32
        %gather3A_850 = arith.constant 0 : i32
        %gather3A_851 = tpu.memref_slice %arg9[%gather3A_848, %gather3A_849, %gather3A_850] : memref<2x128x128xf32, #tpu.memory_space<vmem>> -> memref<1x128x128xf32, #tpu.memory_space<vmem>>
        %gather3A_852 = tpu.memref_squeeze %gather3A_851 : memref<1x128x128xf32, #tpu.memory_space<vmem>> -> memref<128x128xf32, #tpu.memory_space<vmem>>
        %gather3A_853 = tpu.vector_load_idx %gather3A_852[%add3A_302, %add3A_847] : memref<128x128xf32, #tpu.memory_space<vmem>>[vector<16xi32>, vector<16xi32>], vector<16xf32>,
        %gather3A_854 = tpu.vector_load_idx %arg6[%add3A_846, %add3A_306] : memref<64x512xf32, #tpu.memory_space<vmem>>[vector<16xi32>, vector<16xi32>], vector<16xf32>,
        %add3A_855 = arith.addf %gather3A_853, %gather3A_854 : vector<16xf32>
        %scatter3A_856 = arith.constant 0 : i32
        %scatter3A_857 = arith.constant 0 : i32
        %scatter3A_858 = arith.constant 0 : i32
        %scatter3A_859 = tpu.memref_slice %arg10[%scatter3A_856, %scatter3A_857, %scatter3A_858] : memref<2x64x128xf32, #tpu.memory_space<vmem>> -> memref<1x64x128xf32, #tpu.memory_space<vmem>>
        %scatter3A_860 = tpu.memref_squeeze %scatter3A_859 : memref<1x64x128xf32, #tpu.memory_space<vmem>> -> memref<64x128xf32, #tpu.memory_space<vmem>>
        tpu.vector_store_idx %scatter3A_860[%add3A_846, %add3A_302], %add3A_855 : memref<64x128xf32, #tpu.memory_space<vmem>>[vector<16xi32>, vector<16xi32>], vector<16xf32>,
      }
      %scan3A_311 = arith.constant 16 : i32
      %get3A_312 = arith.constant 0 : i32
      %get3A_313 = arith.index_cast %get3A_312 : i32 to index
      %get3A_314 = arith.constant 48 : index
      %get3A_315 = tpu.vector_load %arg7[%get3A_313, %get3A_314] {strides = array<i32>} : memref<2x128xi32, #tpu.memory_space<vmem>>, vector<16xi32>,
      %and3A_316 = arith.constant 1 : i32
      %and3A_317 = vector.broadcast %and3A_316 : i32 to vector<16xi32>
      %and3A_318 = arith.andi %get3A_315, %and3A_317 : vector<16xi32>
      %mul3A_319 = arith.constant 64 : i32
      %mul3A_320 = vector.broadcast %mul3A_319 : i32 to vector<16xi32>
      %mul3A_321 = arith.muli %and3A_318, %mul3A_320 : vector<16xi32>
      %add3A_322 = arith.constant 48 : i32
      %add3A_323 = vector.broadcast %add3A_322 : i32 to vector<16xi32>
      %add3A_324 = arith.addi %iota3A, %add3A_323 : vector<16xi32>
      %add3A_325 = arith.constant 48 : i32
      %add3A_326 = arith.addi %mul3A_245, %add3A_325 : i32
      %add3A_327 = vector.broadcast %add3A_326 : i32 to vector<16xi32>
      %add3A_328 = arith.addi %iota3A, %add3A_327 : vector<16xi32>
      %scan3A_329 = arith.constant 0 : i32
      %scan3A_330 = arith.constant 16 : i32
      %scan3A_331 = arith.addi %scan3A_329, %scan3A_330 : i32
      %scan3A_332 = arith.constant 1 : i32
      scf.for %scan3A_785 = %scan3A_329 to %scan3A_331 step %scan3A_332  : i32 {
        %mul3A_786 = arith.constant 1 : i32
        %mul3A_787 = arith.muli %scan3A_785, %mul3A_786 : i32
        %add3A_788 = arith.constant 0 : i32
        %add3A_789 = arith.addi %add3A_788, %mul3A_787 : i32
        %add3A_790 = vector.broadcast %add3A_789 : i32 to vector<16xi32>
        %add3A_791 = arith.addi %iota3A, %add3A_790 : vector<16xi32>
        %and3A_792 = arith.constant 15 : i32
        %and3A_793 = vector.broadcast %and3A_792 : i32 to vector<16xi32>
        %and3A_794 = arith.andi %add3A_791, %and3A_793 : vector<16xi32>
        %add3A_795 = arith.constant 0 : i32
        %add3A_796 = vector.broadcast %add3A_795 : i32 to vector<16xi32>
        %add3A_797 = arith.addi %and3A_794, %add3A_796 : vector<16xi32>
        %add3A_798 = arith.addi %mul3A_321, %add3A_797 : vector<16xi32>
        %gather3A = arith.constant 0 : i32
        %gather3A_799 = arith.constant 0 : i32
        %gather3A_800 = arith.constant 0 : i32
        %gather3A_801 = tpu.memref_slice %arg9[%gather3A, %gather3A_799, %gather3A_800] : memref<2x128x128xf32, #tpu.memory_space<vmem>> -> memref<1x128x128xf32, #tpu.memory_space<vmem>>
        %gather3A_802 = tpu.memref_squeeze %gather3A_801 : memref<1x128x128xf32, #tpu.memory_space<vmem>> -> memref<128x128xf32, #tpu.memory_space<vmem>>
        %gather3A_803 = tpu.vector_load_idx %gather3A_802[%add3A_324, %add3A_798] : memref<128x128xf32, #tpu.memory_space<vmem>>[vector<16xi32>, vector<16xi32>], vector<16xf32>,
        %gather3A_804 = tpu.vector_load_idx %arg6[%add3A_797, %add3A_328] : memref<64x512xf32, #tpu.memory_space<vmem>>[vector<16xi32>, vector<16xi32>], vector<16xf32>,
        %add3A_805 = arith.addf %gather3A_803, %gather3A_804 : vector<16xf32>
        %scatter3A = arith.constant 0 : i32
        %scatter3A_806 = arith.constant 0 : i32
        %scatter3A_807 = arith.constant 0 : i32
        %scatter3A_808 = tpu.memref_slice %arg10[%scatter3A, %scatter3A_806, %scatter3A_807] : memref<2x64x128xf32, #tpu.memory_space<vmem>> -> memref<1x64x128xf32, #tpu.memory_space<vmem>>
        %scatter3A_809 = tpu.memref_squeeze %scatter3A_808 : memref<1x64x128xf32, #tpu.memory_space<vmem>> -> memref<64x128xf32, #tpu.memory_space<vmem>>
        tpu.vector_store_idx %scatter3A_809[%add3A_797, %add3A_324], %add3A_805 : memref<64x128xf32, #tpu.memory_space<vmem>>[vector<16xi32>, vector<16xi32>], vector<16xf32>,
        %add3A_810 = arith.constant 16 : i32
        %add3A_811 = vector.broadcast %add3A_810 : i32 to vector<16xi32>
        %add3A_812 = arith.addi %and3A_794, %add3A_811 : vector<16xi32>
        %add3A_813 = arith.addi %mul3A_321, %add3A_812 : vector<16xi32>
        %gather3A_814 = arith.constant 0 : i32
        %gather3A_815 = arith.constant 0 : i32
        %gather3A_816 = arith.constant 0 : i32
        %gather3A_817 = tpu.memref_slice %arg9[%gather3A_814, %gather3A_815, %gather3A_816] : memref<2x128x128xf32, #tpu.memory_space<vmem>> -> memref<1x128x128xf32, #tpu.memory_space<vmem>>
        %gather3A_818 = tpu.memref_squeeze %gather3A_817 : memref<1x128x128xf32, #tpu.memory_space<vmem>> -> memref<128x128xf32, #tpu.memory_space<vmem>>
        %gather3A_819 = tpu.vector_load_idx %gather3A_818[%add3A_324, %add3A_813] : memref<128x128xf32, #tpu.memory_space<vmem>>[vector<16xi32>, vector<16xi32>], vector<16xf32>,
        %gather3A_820 = tpu.vector_load_idx %arg6[%add3A_812, %add3A_328] : memref<64x512xf32, #tpu.memory_space<vmem>>[vector<16xi32>, vector<16xi32>], vector<16xf32>,
        %add3A_821 = arith.addf %gather3A_819, %gather3A_820 : vector<16xf32>
        %scatter3A_822 = arith.constant 0 : i32
        %scatter3A_823 = arith.constant 0 : i32
        %scatter3A_824 = arith.constant 0 : i32
        %scatter3A_825 = tpu.memref_slice %arg10[%scatter3A_822, %scatter3A_823, %scatter3A_824] : memref<2x64x128xf32, #tpu.memory_space<vmem>> -> memref<1x64x128xf32, #tpu.memory_space<vmem>>
        %scatter3A_826 = tpu.memref_squeeze %scatter3A_825 : memref<1x64x128xf32, #tpu.memory_space<vmem>> -> memref<64x128xf32, #tpu.memory_space<vmem>>
        tpu.vector_store_idx %scatter3A_826[%add3A_812, %add3A_324], %add3A_821 : memref<64x128xf32, #tpu.memory_space<vmem>>[vector<16xi32>, vector<16xi32>], vector<16xf32>,
        %add3A_827 = arith.constant 32 : i32
        %add3A_828 = vector.broadcast %add3A_827 : i32 to vector<16xi32>
        %add3A_829 = arith.addi %and3A_794, %add3A_828 : vector<16xi32>
        %add3A_830 = arith.addi %mul3A_321, %add3A_829 : vector<16xi32>
        %gather3A_831 = arith.constant 0 : i32
        %gather3A_832 = arith.constant 0 : i32
        %gather3A_833 = arith.constant 0 : i32
        %gather3A_834 = tpu.memref_slice %arg9[%gather3A_831, %gather3A_832, %gather3A_833] : memref<2x128x128xf32, #tpu.memory_space<vmem>> -> memref<1x128x128xf32, #tpu.memory_space<vmem>>
        %gather3A_835 = tpu.memref_squeeze %gather3A_834 : memref<1x128x128xf32, #tpu.memory_space<vmem>> -> memref<128x128xf32, #tpu.memory_space<vmem>>
        %gather3A_836 = tpu.vector_load_idx %gather3A_835[%add3A_324, %add3A_830] : memref<128x128xf32, #tpu.memory_space<vmem>>[vector<16xi32>, vector<16xi32>], vector<16xf32>,
        %gather3A_837 = tpu.vector_load_idx %arg6[%add3A_829, %add3A_328] : memref<64x512xf32, #tpu.memory_space<vmem>>[vector<16xi32>, vector<16xi32>], vector<16xf32>,
        %add3A_838 = arith.addf %gather3A_836, %gather3A_837 : vector<16xf32>
        %scatter3A_839 = arith.constant 0 : i32
        %scatter3A_840 = arith.constant 0 : i32
        %scatter3A_841 = arith.constant 0 : i32
        %scatter3A_842 = tpu.memref_slice %arg10[%scatter3A_839, %scatter3A_840, %scatter3A_841] : memref<2x64x128xf32, #tpu.memory_space<vmem>> -> memref<1x64x128xf32, #tpu.memory_space<vmem>>
        %scatter3A_843 = tpu.memref_squeeze %scatter3A_842 : memref<1x64x128xf32, #tpu.memory_space<vmem>> -> memref<64x128xf32, #tpu.memory_space<vmem>>
        tpu.vector_store_idx %scatter3A_843[%add3A_829, %add3A_324], %add3A_838 : memref<64x128xf32, #tpu.memory_space<vmem>>[vector<16xi32>, vector<16xi32>], vector<16xf32>,
        %add3A_844 = arith.constant 48 : i32
        %add3A_845 = vector.broadcast %add3A_844 : i32 to vector<16xi32>
        %add3A_846 = arith.addi %and3A_794, %add3A_845 : vector<16xi32>
        %add3A_847 = arith.addi %mul3A_321, %add3A_846 : vector<16xi32>
        %gather3A_848 = arith.constant 0 : i32
        %gather3A_849 = arith.constant 0 : i32
        %gather3A_850 = arith.constant 0 : i32
        %gather3A_851 = tpu.memref_slice %arg9[%gather3A_848, %gather3A_849, %gather3A_850] : memref<2x128x128xf32, #tpu.memory_space<vmem>> -> memref<1x128x128xf32, #tpu.memory_space<vmem>>
        %gather3A_852 = tpu.memref_squeeze %gather3A_851 : memref<1x128x128xf32, #tpu.memory_space<vmem>> -> memref<128x128xf32, #tpu.memory_space<vmem>>
        %gather3A_853 = tpu.vector_load_idx %gather3A_852[%add3A_324, %add3A_847] : memref<128x128xf32, #tpu.memory_space<vmem>>[vector<16xi32>, vector<16xi32>], vector<16xf32>,
        %gather3A_854 = tpu.vector_load_idx %arg6[%add3A_846, %add3A_328] : memref<64x512xf32, #tpu.memory_space<vmem>>[vector<16xi32>, vector<16xi32>], vector<16xf32>,
        %add3A_855 = arith.addf %gather3A_853, %gather3A_854 : vector<16xf32>
        %scatter3A_856 = arith.constant 0 : i32
        %scatter3A_857 = arith.constant 0 : i32
        %scatter3A_858 = arith.constant 0 : i32
        %scatter3A_859 = tpu.memref_slice %arg10[%scatter3A_856, %scatter3A_857, %scatter3A_858] : memref<2x64x128xf32, #tpu.memory_space<vmem>> -> memref<1x64x128xf32, #tpu.memory_space<vmem>>
        %scatter3A_860 = tpu.memref_squeeze %scatter3A_859 : memref<1x64x128xf32, #tpu.memory_space<vmem>> -> memref<64x128xf32, #tpu.memory_space<vmem>>
        tpu.vector_store_idx %scatter3A_860[%add3A_846, %add3A_324], %add3A_855 : memref<64x128xf32, #tpu.memory_space<vmem>>[vector<16xi32>, vector<16xi32>], vector<16xf32>,
      }
      %scan3A_333 = arith.constant 16 : i32
      %get3A_334 = arith.constant 0 : i32
      %get3A_335 = arith.index_cast %get3A_334 : i32 to index
      %get3A_336 = arith.constant 64 : index
      %get3A_337 = tpu.vector_load %arg7[%get3A_335, %get3A_336] {strides = array<i32>} : memref<2x128xi32, #tpu.memory_space<vmem>>, vector<16xi32>,
      %and3A_338 = arith.constant 1 : i32
      %and3A_339 = vector.broadcast %and3A_338 : i32 to vector<16xi32>
      %and3A_340 = arith.andi %get3A_337, %and3A_339 : vector<16xi32>
      %mul3A_341 = arith.constant 64 : i32
      %mul3A_342 = vector.broadcast %mul3A_341 : i32 to vector<16xi32>
      %mul3A_343 = arith.muli %and3A_340, %mul3A_342 : vector<16xi32>
      %add3A_344 = arith.constant 64 : i32
      %add3A_345 = vector.broadcast %add3A_344 : i32 to vector<16xi32>
      %add3A_346 = arith.addi %iota3A, %add3A_345 : vector<16xi32>
      %add3A_347 = arith.constant 64 : i32
      %add3A_348 = arith.addi %mul3A_245, %add3A_347 : i32
      %add3A_349 = vector.broadcast %add3A_348 : i32 to vector<16xi32>
      %add3A_350 = arith.addi %iota3A, %add3A_349 : vector<16xi32>
      %scan3A_351 = arith.constant 0 : i32
      %scan3A_352 = arith.constant 16 : i32
      %scan3A_353 = arith.addi %scan3A_351, %scan3A_352 : i32
      %scan3A_354 = arith.constant 1 : i32
      scf.for %scan3A_785 = %scan3A_351 to %scan3A_353 step %scan3A_354  : i32 {
        %mul3A_786 = arith.constant 1 : i32
        %mul3A_787 = arith.muli %scan3A_785, %mul3A_786 : i32
        %add3A_788 = arith.constant 0 : i32
        %add3A_789 = arith.addi %add3A_788, %mul3A_787 : i32
        %add3A_790 = vector.broadcast %add3A_789 : i32 to vector<16xi32>
        %add3A_791 = arith.addi %iota3A, %add3A_790 : vector<16xi32>
        %and3A_792 = arith.constant 15 : i32
        %and3A_793 = vector.broadcast %and3A_792 : i32 to vector<16xi32>
        %and3A_794 = arith.andi %add3A_791, %and3A_793 : vector<16xi32>
        %add3A_795 = arith.constant 0 : i32
        %add3A_796 = vector.broadcast %add3A_795 : i32 to vector<16xi32>
        %add3A_797 = arith.addi %and3A_794, %add3A_796 : vector<16xi32>
        %add3A_798 = arith.addi %mul3A_343, %add3A_797 : vector<16xi32>
        %gather3A = arith.constant 0 : i32
        %gather3A_799 = arith.constant 0 : i32
        %gather3A_800 = arith.constant 0 : i32
        %gather3A_801 = tpu.memref_slice %arg9[%gather3A, %gather3A_799, %gather3A_800] : memref<2x128x128xf32, #tpu.memory_space<vmem>> -> memref<1x128x128xf32, #tpu.memory_space<vmem>>
        %gather3A_802 = tpu.memref_squeeze %gather3A_801 : memref<1x128x128xf32, #tpu.memory_space<vmem>> -> memref<128x128xf32, #tpu.memory_space<vmem>>
        %gather3A_803 = tpu.vector_load_idx %gather3A_802[%add3A_346, %add3A_798] : memref<128x128xf32, #tpu.memory_space<vmem>>[vector<16xi32>, vector<16xi32>], vector<16xf32>,
        %gather3A_804 = tpu.vector_load_idx %arg6[%add3A_797, %add3A_350] : memref<64x512xf32, #tpu.memory_space<vmem>>[vector<16xi32>, vector<16xi32>], vector<16xf32>,
        %add3A_805 = arith.addf %gather3A_803, %gather3A_804 : vector<16xf32>
        %scatter3A = arith.constant 0 : i32
        %scatter3A_806 = arith.constant 0 : i32
        %scatter3A_807 = arith.constant 0 : i32
        %scatter3A_808 = tpu.memref_slice %arg10[%scatter3A, %scatter3A_806, %scatter3A_807] : memref<2x64x128xf32, #tpu.memory_space<vmem>> -> memref<1x64x128xf32, #tpu.memory_space<vmem>>
        %scatter3A_809 = tpu.memref_squeeze %scatter3A_808 : memref<1x64x128xf32, #tpu.memory_space<vmem>> -> memref<64x128xf32, #tpu.memory_space<vmem>>
        tpu.vector_store_idx %scatter3A_809[%add3A_797, %add3A_346], %add3A_805 : memref<64x128xf32, #tpu.memory_space<vmem>>[vector<16xi32>, vector<16xi32>], vector<16xf32>,
        %add3A_810 = arith.constant 16 : i32
        %add3A_811 = vector.broadcast %add3A_810 : i32 to vector<16xi32>
        %add3A_812 = arith.addi %and3A_794, %add3A_811 : vector<16xi32>
        %add3A_813 = arith.addi %mul3A_343, %add3A_812 : vector<16xi32>
        %gather3A_814 = arith.constant 0 : i32
        %gather3A_815 = arith.constant 0 : i32
        %gather3A_816 = arith.constant 0 : i32
        %gather3A_817 = tpu.memref_slice %arg9[%gather3A_814, %gather3A_815, %gather3A_816] : memref<2x128x128xf32, #tpu.memory_space<vmem>> -> memref<1x128x128xf32, #tpu.memory_space<vmem>>
        %gather3A_818 = tpu.memref_squeeze %gather3A_817 : memref<1x128x128xf32, #tpu.memory_space<vmem>> -> memref<128x128xf32, #tpu.memory_space<vmem>>
        %gather3A_819 = tpu.vector_load_idx %gather3A_818[%add3A_346, %add3A_813] : memref<128x128xf32, #tpu.memory_space<vmem>>[vector<16xi32>, vector<16xi32>], vector<16xf32>,
        %gather3A_820 = tpu.vector_load_idx %arg6[%add3A_812, %add3A_350] : memref<64x512xf32, #tpu.memory_space<vmem>>[vector<16xi32>, vector<16xi32>], vector<16xf32>,
        %add3A_821 = arith.addf %gather3A_819, %gather3A_820 : vector<16xf32>
        %scatter3A_822 = arith.constant 0 : i32
        %scatter3A_823 = arith.constant 0 : i32
        %scatter3A_824 = arith.constant 0 : i32
        %scatter3A_825 = tpu.memref_slice %arg10[%scatter3A_822, %scatter3A_823, %scatter3A_824] : memref<2x64x128xf32, #tpu.memory_space<vmem>> -> memref<1x64x128xf32, #tpu.memory_space<vmem>>
        %scatter3A_826 = tpu.memref_squeeze %scatter3A_825 : memref<1x64x128xf32, #tpu.memory_space<vmem>> -> memref<64x128xf32, #tpu.memory_space<vmem>>
        tpu.vector_store_idx %scatter3A_826[%add3A_812, %add3A_346], %add3A_821 : memref<64x128xf32, #tpu.memory_space<vmem>>[vector<16xi32>, vector<16xi32>], vector<16xf32>,
        %add3A_827 = arith.constant 32 : i32
        %add3A_828 = vector.broadcast %add3A_827 : i32 to vector<16xi32>
        %add3A_829 = arith.addi %and3A_794, %add3A_828 : vector<16xi32>
        %add3A_830 = arith.addi %mul3A_343, %add3A_829 : vector<16xi32>
        %gather3A_831 = arith.constant 0 : i32
        %gather3A_832 = arith.constant 0 : i32
        %gather3A_833 = arith.constant 0 : i32
        %gather3A_834 = tpu.memref_slice %arg9[%gather3A_831, %gather3A_832, %gather3A_833] : memref<2x128x128xf32, #tpu.memory_space<vmem>> -> memref<1x128x128xf32, #tpu.memory_space<vmem>>
        %gather3A_835 = tpu.memref_squeeze %gather3A_834 : memref<1x128x128xf32, #tpu.memory_space<vmem>> -> memref<128x128xf32, #tpu.memory_space<vmem>>
        %gather3A_836 = tpu.vector_load_idx %gather3A_835[%add3A_346, %add3A_830] : memref<128x128xf32, #tpu.memory_space<vmem>>[vector<16xi32>, vector<16xi32>], vector<16xf32>,
        %gather3A_837 = tpu.vector_load_idx %arg6[%add3A_829, %add3A_350] : memref<64x512xf32, #tpu.memory_space<vmem>>[vector<16xi32>, vector<16xi32>], vector<16xf32>,
        %add3A_838 = arith.addf %gather3A_836, %gather3A_837 : vector<16xf32>
        %scatter3A_839 = arith.constant 0 : i32
        %scatter3A_840 = arith.constant 0 : i32
        %scatter3A_841 = arith.constant 0 : i32
        %scatter3A_842 = tpu.memref_slice %arg10[%scatter3A_839, %scatter3A_840, %scatter3A_841] : memref<2x64x128xf32, #tpu.memory_space<vmem>> -> memref<1x64x128xf32, #tpu.memory_space<vmem>>
        %scatter3A_843 = tpu.memref_squeeze %scatter3A_842 : memref<1x64x128xf32, #tpu.memory_space<vmem>> -> memref<64x128xf32, #tpu.memory_space<vmem>>
        tpu.vector_store_idx %scatter3A_843[%add3A_829, %add3A_346], %add3A_838 : memref<64x128xf32, #tpu.memory_space<vmem>>[vector<16xi32>, vector<16xi32>], vector<16xf32>,
        %add3A_844 = arith.constant 48 : i32
        %add3A_845 = vector.broadcast %add3A_844 : i32 to vector<16xi32>
        %add3A_846 = arith.addi %and3A_794, %add3A_845 : vector<16xi32>
        %add3A_847 = arith.addi %mul3A_343, %add3A_846 : vector<16xi32>
        %gather3A_848 = arith.constant 0 : i32
        %gather3A_849 = arith.constant 0 : i32
        %gather3A_850 = arith.constant 0 : i32
        %gather3A_851 = tpu.memref_slice %arg9[%gather3A_848, %gather3A_849, %gather3A_850] : memref<2x128x128xf32, #tpu.memory_space<vmem>> -> memref<1x128x128xf32, #tpu.memory_space<vmem>>
        %gather3A_852 = tpu.memref_squeeze %gather3A_851 : memref<1x128x128xf32, #tpu.memory_space<vmem>> -> memref<128x128xf32, #tpu.memory_space<vmem>>
        %gather3A_853 = tpu.vector_load_idx %gather3A_852[%add3A_346, %add3A_847] : memref<128x128xf32, #tpu.memory_space<vmem>>[vector<16xi32>, vector<16xi32>], vector<16xf32>,
        %gather3A_854 = tpu.vector_load_idx %arg6[%add3A_846, %add3A_350] : memref<64x512xf32, #tpu.memory_space<vmem>>[vector<16xi32>, vector<16xi32>], vector<16xf32>,
        %add3A_855 = arith.addf %gather3A_853, %gather3A_854 : vector<16xf32>
        %scatter3A_856 = arith.constant 0 : i32
        %scatter3A_857 = arith.constant 0 : i32
        %scatter3A_858 = arith.constant 0 : i32
        %scatter3A_859 = tpu.memref_slice %arg10[%scatter3A_856, %scatter3A_857, %scatter3A_858] : memref<2x64x128xf32, #tpu.memory_space<vmem>> -> memref<1x64x128xf32, #tpu.memory_space<vmem>>
        %scatter3A_860 = tpu.memref_squeeze %scatter3A_859 : memref<1x64x128xf32, #tpu.memory_space<vmem>> -> memref<64x128xf32, #tpu.memory_space<vmem>>
        tpu.vector_store_idx %scatter3A_860[%add3A_846, %add3A_346], %add3A_855 : memref<64x128xf32, #tpu.memory_space<vmem>>[vector<16xi32>, vector<16xi32>], vector<16xf32>,
      }
      %scan3A_355 = arith.constant 16 : i32
      %get3A_356 = arith.constant 0 : i32
      %get3A_357 = arith.index_cast %get3A_356 : i32 to index
      %get3A_358 = arith.constant 80 : index
      %get3A_359 = tpu.vector_load %arg7[%get3A_357, %get3A_358] {strides = array<i32>} : memref<2x128xi32, #tpu.memory_space<vmem>>, vector<16xi32>,
      %and3A_360 = arith.constant 1 : i32
      %and3A_361 = vector.broadcast %and3A_360 : i32 to vector<16xi32>
      %and3A_362 = arith.andi %get3A_359, %and3A_361 : vector<16xi32>
      %mul3A_363 = arith.constant 64 : i32
      %mul3A_364 = vector.broadcast %mul3A_363 : i32 to vector<16xi32>
      %mul3A_365 = arith.muli %and3A_362, %mul3A_364 : vector<16xi32>
      %add3A_366 = arith.constant 80 : i32
      %add3A_367 = vector.broadcast %add3A_366 : i32 to vector<16xi32>
      %add3A_368 = arith.addi %iota3A, %add3A_367 : vector<16xi32>
      %add3A_369 = arith.constant 80 : i32
      %add3A_370 = arith.addi %mul3A_245, %add3A_369 : i32
      %add3A_371 = vector.broadcast %add3A_370 : i32 to vector<16xi32>
      %add3A_372 = arith.addi %iota3A, %add3A_371 : vector<16xi32>
      %scan3A_373 = arith.constant 0 : i32
      %scan3A_374 = arith.constant 16 : i32
      %scan3A_375 = arith.addi %scan3A_373, %scan3A_374 : i32
      %scan3A_376 = arith.constant 1 : i32
      scf.for %scan3A_785 = %scan3A_373 to %scan3A_375 step %scan3A_376  : i32 {
        %mul3A_786 = arith.constant 1 : i32
        %mul3A_787 = arith.muli %scan3A_785, %mul3A_786 : i32
        %add3A_788 = arith.constant 0 : i32
        %add3A_789 = arith.addi %add3A_788, %mul3A_787 : i32
        %add3A_790 = vector.broadcast %add3A_789 : i32 to vector<16xi32>
        %add3A_791 = arith.addi %iota3A, %add3A_790 : vector<16xi32>
        %and3A_792 = arith.constant 15 : i32
        %and3A_793 = vector.broadcast %and3A_792 : i32 to vector<16xi32>
        %and3A_794 = arith.andi %add3A_791, %and3A_793 : vector<16xi32>
        %add3A_795 = arith.constant 0 : i32
        %add3A_796 = vector.broadcast %add3A_795 : i32 to vector<16xi32>
        %add3A_797 = arith.addi %and3A_794, %add3A_796 : vector<16xi32>
        %add3A_798 = arith.addi %mul3A_365, %add3A_797 : vector<16xi32>
        %gather3A = arith.constant 0 : i32
        %gather3A_799 = arith.constant 0 : i32
        %gather3A_800 = arith.constant 0 : i32
        %gather3A_801 = tpu.memref_slice %arg9[%gather3A, %gather3A_799, %gather3A_800] : memref<2x128x128xf32, #tpu.memory_space<vmem>> -> memref<1x128x128xf32, #tpu.memory_space<vmem>>
        %gather3A_802 = tpu.memref_squeeze %gather3A_801 : memref<1x128x128xf32, #tpu.memory_space<vmem>> -> memref<128x128xf32, #tpu.memory_space<vmem>>
        %gather3A_803 = tpu.vector_load_idx %gather3A_802[%add3A_368, %add3A_798] : memref<128x128xf32, #tpu.memory_space<vmem>>[vector<16xi32>, vector<16xi32>], vector<16xf32>,
        %gather3A_804 = tpu.vector_load_idx %arg6[%add3A_797, %add3A_372] : memref<64x512xf32, #tpu.memory_space<vmem>>[vector<16xi32>, vector<16xi32>], vector<16xf32>,
        %add3A_805 = arith.addf %gather3A_803, %gather3A_804 : vector<16xf32>
        %scatter3A = arith.constant 0 : i32
        %scatter3A_806 = arith.constant 0 : i32
        %scatter3A_807 = arith.constant 0 : i32
        %scatter3A_808 = tpu.memref_slice %arg10[%scatter3A, %scatter3A_806, %scatter3A_807] : memref<2x64x128xf32, #tpu.memory_space<vmem>> -> memref<1x64x128xf32, #tpu.memory_space<vmem>>
        %scatter3A_809 = tpu.memref_squeeze %scatter3A_808 : memref<1x64x128xf32, #tpu.memory_space<vmem>> -> memref<64x128xf32, #tpu.memory_space<vmem>>
        tpu.vector_store_idx %scatter3A_809[%add3A_797, %add3A_368], %add3A_805 : memref<64x128xf32, #tpu.memory_space<vmem>>[vector<16xi32>, vector<16xi32>], vector<16xf32>,
        %add3A_810 = arith.constant 16 : i32
        %add3A_811 = vector.broadcast %add3A_810 : i32 to vector<16xi32>
        %add3A_812 = arith.addi %and3A_794, %add3A_811 : vector<16xi32>
        %add3A_813 = arith.addi %mul3A_365, %add3A_812 : vector<16xi32>
        %gather3A_814 = arith.constant 0 : i32
        %gather3A_815 = arith.constant 0 : i32
        %gather3A_816 = arith.constant 0 : i32
        %gather3A_817 = tpu.memref_slice %arg9[%gather3A_814, %gather3A_815, %gather3A_816] : memref<2x128x128xf32, #tpu.memory_space<vmem>> -> memref<1x128x128xf32, #tpu.memory_space<vmem>>
        %gather3A_818 = tpu.memref_squeeze %gather3A_817 : memref<1x128x128xf32, #tpu.memory_space<vmem>> -> memref<128x128xf32, #tpu.memory_space<vmem>>
        %gather3A_819 = tpu.vector_load_idx %gather3A_818[%add3A_368, %add3A_813] : memref<128x128xf32, #tpu.memory_space<vmem>>[vector<16xi32>, vector<16xi32>], vector<16xf32>,
        %gather3A_820 = tpu.vector_load_idx %arg6[%add3A_812, %add3A_372] : memref<64x512xf32, #tpu.memory_space<vmem>>[vector<16xi32>, vector<16xi32>], vector<16xf32>,
        %add3A_821 = arith.addf %gather3A_819, %gather3A_820 : vector<16xf32>
        %scatter3A_822 = arith.constant 0 : i32
        %scatter3A_823 = arith.constant 0 : i32
        %scatter3A_824 = arith.constant 0 : i32
        %scatter3A_825 = tpu.memref_slice %arg10[%scatter3A_822, %scatter3A_823, %scatter3A_824] : memref<2x64x128xf32, #tpu.memory_space<vmem>> -> memref<1x64x128xf32, #tpu.memory_space<vmem>>
        %scatter3A_826 = tpu.memref_squeeze %scatter3A_825 : memref<1x64x128xf32, #tpu.memory_space<vmem>> -> memref<64x128xf32, #tpu.memory_space<vmem>>
        tpu.vector_store_idx %scatter3A_826[%add3A_812, %add3A_368], %add3A_821 : memref<64x128xf32, #tpu.memory_space<vmem>>[vector<16xi32>, vector<16xi32>], vector<16xf32>,
        %add3A_827 = arith.constant 32 : i32
        %add3A_828 = vector.broadcast %add3A_827 : i32 to vector<16xi32>
        %add3A_829 = arith.addi %and3A_794, %add3A_828 : vector<16xi32>
        %add3A_830 = arith.addi %mul3A_365, %add3A_829 : vector<16xi32>
        %gather3A_831 = arith.constant 0 : i32
        %gather3A_832 = arith.constant 0 : i32
        %gather3A_833 = arith.constant 0 : i32
        %gather3A_834 = tpu.memref_slice %arg9[%gather3A_831, %gather3A_832, %gather3A_833] : memref<2x128x128xf32, #tpu.memory_space<vmem>> -> memref<1x128x128xf32, #tpu.memory_space<vmem>>
        %gather3A_835 = tpu.memref_squeeze %gather3A_834 : memref<1x128x128xf32, #tpu.memory_space<vmem>> -> memref<128x128xf32, #tpu.memory_space<vmem>>
        %gather3A_836 = tpu.vector_load_idx %gather3A_835[%add3A_368, %add3A_830] : memref<128x128xf32, #tpu.memory_space<vmem>>[vector<16xi32>, vector<16xi32>], vector<16xf32>,
        %gather3A_837 = tpu.vector_load_idx %arg6[%add3A_829, %add3A_372] : memref<64x512xf32, #tpu.memory_space<vmem>>[vector<16xi32>, vector<16xi32>], vector<16xf32>,
        %add3A_838 = arith.addf %gather3A_836, %gather3A_837 : vector<16xf32>
        %scatter3A_839 = arith.constant 0 : i32
        %scatter3A_840 = arith.constant 0 : i32
        %scatter3A_841 = arith.constant 0 : i32
        %scatter3A_842 = tpu.memref_slice %arg10[%scatter3A_839, %scatter3A_840, %scatter3A_841] : memref<2x64x128xf32, #tpu.memory_space<vmem>> -> memref<1x64x128xf32, #tpu.memory_space<vmem>>
        %scatter3A_843 = tpu.memref_squeeze %scatter3A_842 : memref<1x64x128xf32, #tpu.memory_space<vmem>> -> memref<64x128xf32, #tpu.memory_space<vmem>>
        tpu.vector_store_idx %scatter3A_843[%add3A_829, %add3A_368], %add3A_838 : memref<64x128xf32, #tpu.memory_space<vmem>>[vector<16xi32>, vector<16xi32>], vector<16xf32>,
        %add3A_844 = arith.constant 48 : i32
        %add3A_845 = vector.broadcast %add3A_844 : i32 to vector<16xi32>
        %add3A_846 = arith.addi %and3A_794, %add3A_845 : vector<16xi32>
        %add3A_847 = arith.addi %mul3A_365, %add3A_846 : vector<16xi32>
        %gather3A_848 = arith.constant 0 : i32
        %gather3A_849 = arith.constant 0 : i32
        %gather3A_850 = arith.constant 0 : i32
        %gather3A_851 = tpu.memref_slice %arg9[%gather3A_848, %gather3A_849, %gather3A_850] : memref<2x128x128xf32, #tpu.memory_space<vmem>> -> memref<1x128x128xf32, #tpu.memory_space<vmem>>
        %gather3A_852 = tpu.memref_squeeze %gather3A_851 : memref<1x128x128xf32, #tpu.memory_space<vmem>> -> memref<128x128xf32, #tpu.memory_space<vmem>>
        %gather3A_853 = tpu.vector_load_idx %gather3A_852[%add3A_368, %add3A_847] : memref<128x128xf32, #tpu.memory_space<vmem>>[vector<16xi32>, vector<16xi32>], vector<16xf32>,
        %gather3A_854 = tpu.vector_load_idx %arg6[%add3A_846, %add3A_372] : memref<64x512xf32, #tpu.memory_space<vmem>>[vector<16xi32>, vector<16xi32>], vector<16xf32>,
        %add3A_855 = arith.addf %gather3A_853, %gather3A_854 : vector<16xf32>
        %scatter3A_856 = arith.constant 0 : i32
        %scatter3A_857 = arith.constant 0 : i32
        %scatter3A_858 = arith.constant 0 : i32
        %scatter3A_859 = tpu.memref_slice %arg10[%scatter3A_856, %scatter3A_857, %scatter3A_858] : memref<2x64x128xf32, #tpu.memory_space<vmem>> -> memref<1x64x128xf32, #tpu.memory_space<vmem>>
        %scatter3A_860 = tpu.memref_squeeze %scatter3A_859 : memref<1x64x128xf32, #tpu.memory_space<vmem>> -> memref<64x128xf32, #tpu.memory_space<vmem>>
        tpu.vector_store_idx %scatter3A_860[%add3A_846, %add3A_368], %add3A_855 : memref<64x128xf32, #tpu.memory_space<vmem>>[vector<16xi32>, vector<16xi32>], vector<16xf32>,
      }
      %scan3A_377 = arith.constant 16 : i32
      %get3A_378 = arith.constant 0 : i32
      %get3A_379 = arith.index_cast %get3A_378 : i32 to index
      %get3A_380 = arith.constant 96 : index
      %get3A_381 = tpu.vector_load %arg7[%get3A_379, %get3A_380] {strides = array<i32>} : memref<2x128xi32, #tpu.memory_space<vmem>>, vector<16xi32>,
      %and3A_382 = arith.constant 1 : i32
      %and3A_383 = vector.broadcast %and3A_382 : i32 to vector<16xi32>
      %and3A_384 = arith.andi %get3A_381, %and3A_383 : vector<16xi32>
      %mul3A_385 = arith.constant 64 : i32
      %mul3A_386 = vector.broadcast %mul3A_385 : i32 to vector<16xi32>
      %mul3A_387 = arith.muli %and3A_384, %mul3A_386 : vector<16xi32>
      %add3A_388 = arith.constant 96 : i32
      %add3A_389 = vector.broadcast %add3A_388 : i32 to vector<16xi32>
      %add3A_390 = arith.addi %iota3A, %add3A_389 : vector<16xi32>
      %add3A_391 = arith.constant 96 : i32
      %add3A_392 = arith.addi %mul3A_245, %add3A_391 : i32
      %add3A_393 = vector.broadcast %add3A_392 : i32 to vector<16xi32>
      %add3A_394 = arith.addi %iota3A, %add3A_393 : vector<16xi32>
      %scan3A_395 = arith.constant 0 : i32
      %scan3A_396 = arith.constant 16 : i32
      %scan3A_397 = arith.addi %scan3A_395, %scan3A_396 : i32
      %scan3A_398 = arith.constant 1 : i32
      scf.for %scan3A_785 = %scan3A_395 to %scan3A_397 step %scan3A_398  : i32 {
        %mul3A_786 = arith.constant 1 : i32
        %mul3A_787 = arith.muli %scan3A_785, %mul3A_786 : i32
        %add3A_788 = arith.constant 0 : i32
        %add3A_789 = arith.addi %add3A_788, %mul3A_787 : i32
        %add3A_790 = vector.broadcast %add3A_789 : i32 to vector<16xi32>
        %add3A_791 = arith.addi %iota3A, %add3A_790 : vector<16xi32>
        %and3A_792 = arith.constant 15 : i32
        %and3A_793 = vector.broadcast %and3A_792 : i32 to vector<16xi32>
        %and3A_794 = arith.andi %add3A_791, %and3A_793 : vector<16xi32>
        %add3A_795 = arith.constant 0 : i32
        %add3A_796 = vector.broadcast %add3A_795 : i32 to vector<16xi32>
        %add3A_797 = arith.addi %and3A_794, %add3A_796 : vector<16xi32>
        %add3A_798 = arith.addi %mul3A_387, %add3A_797 : vector<16xi32>
        %gather3A = arith.constant 0 : i32
        %gather3A_799 = arith.constant 0 : i32
        %gather3A_800 = arith.constant 0 : i32
        %gather3A_801 = tpu.memref_slice %arg9[%gather3A, %gather3A_799, %gather3A_800] : memref<2x128x128xf32, #tpu.memory_space<vmem>> -> memref<1x128x128xf32, #tpu.memory_space<vmem>>
        %gather3A_802 = tpu.memref_squeeze %gather3A_801 : memref<1x128x128xf32, #tpu.memory_space<vmem>> -> memref<128x128xf32, #tpu.memory_space<vmem>>
        %gather3A_803 = tpu.vector_load_idx %gather3A_802[%add3A_390, %add3A_798] : memref<128x128xf32, #tpu.memory_space<vmem>>[vector<16xi32>, vector<16xi32>], vector<16xf32>,
        %gather3A_804 = tpu.vector_load_idx %arg6[%add3A_797, %add3A_394] : memref<64x512xf32, #tpu.memory_space<vmem>>[vector<16xi32>, vector<16xi32>], vector<16xf32>,
        %add3A_805 = arith.addf %gather3A_803, %gather3A_804 : vector<16xf32>
        %scatter3A = arith.constant 0 : i32
        %scatter3A_806 = arith.constant 0 : i32
        %scatter3A_807 = arith.constant 0 : i32
        %scatter3A_808 = tpu.memref_slice %arg10[%scatter3A, %scatter3A_806, %scatter3A_807] : memref<2x64x128xf32, #tpu.memory_space<vmem>> -> memref<1x64x128xf32, #tpu.memory_space<vmem>>
        %scatter3A_809 = tpu.memref_squeeze %scatter3A_808 : memref<1x64x128xf32, #tpu.memory_space<vmem>> -> memref<64x128xf32, #tpu.memory_space<vmem>>
        tpu.vector_store_idx %scatter3A_809[%add3A_797, %add3A_390], %add3A_805 : memref<64x128xf32, #tpu.memory_space<vmem>>[vector<16xi32>, vector<16xi32>], vector<16xf32>,
        %add3A_810 = arith.constant 16 : i32
        %add3A_811 = vector.broadcast %add3A_810 : i32 to vector<16xi32>
        %add3A_812 = arith.addi %and3A_794, %add3A_811 : vector<16xi32>
        %add3A_813 = arith.addi %mul3A_387, %add3A_812 : vector<16xi32>
        %gather3A_814 = arith.constant 0 : i32
        %gather3A_815 = arith.constant 0 : i32
        %gather3A_816 = arith.constant 0 : i32
        %gather3A_817 = tpu.memref_slice %arg9[%gather3A_814, %gather3A_815, %gather3A_816] : memref<2x128x128xf32, #tpu.memory_space<vmem>> -> memref<1x128x128xf32, #tpu.memory_space<vmem>>
        %gather3A_818 = tpu.memref_squeeze %gather3A_817 : memref<1x128x128xf32, #tpu.memory_space<vmem>> -> memref<128x128xf32, #tpu.memory_space<vmem>>
        %gather3A_819 = tpu.vector_load_idx %gather3A_818[%add3A_390, %add3A_813] : memref<128x128xf32, #tpu.memory_space<vmem>>[vector<16xi32>, vector<16xi32>], vector<16xf32>,
        %gather3A_820 = tpu.vector_load_idx %arg6[%add3A_812, %add3A_394] : memref<64x512xf32, #tpu.memory_space<vmem>>[vector<16xi32>, vector<16xi32>], vector<16xf32>,
        %add3A_821 = arith.addf %gather3A_819, %gather3A_820 : vector<16xf32>
        %scatter3A_822 = arith.constant 0 : i32
        %scatter3A_823 = arith.constant 0 : i32
        %scatter3A_824 = arith.constant 0 : i32
        %scatter3A_825 = tpu.memref_slice %arg10[%scatter3A_822, %scatter3A_823, %scatter3A_824] : memref<2x64x128xf32, #tpu.memory_space<vmem>> -> memref<1x64x128xf32, #tpu.memory_space<vmem>>
        %scatter3A_826 = tpu.memref_squeeze %scatter3A_825 : memref<1x64x128xf32, #tpu.memory_space<vmem>> -> memref<64x128xf32, #tpu.memory_space<vmem>>
        tpu.vector_store_idx %scatter3A_826[%add3A_812, %add3A_390], %add3A_821 : memref<64x128xf32, #tpu.memory_space<vmem>>[vector<16xi32>, vector<16xi32>], vector<16xf32>,
        %add3A_827 = arith.constant 32 : i32
        %add3A_828 = vector.broadcast %add3A_827 : i32 to vector<16xi32>
        %add3A_829 = arith.addi %and3A_794, %add3A_828 : vector<16xi32>
        %add3A_830 = arith.addi %mul3A_387, %add3A_829 : vector<16xi32>
        %gather3A_831 = arith.constant 0 : i32
        %gather3A_832 = arith.constant 0 : i32
        %gather3A_833 = arith.constant 0 : i32
        %gather3A_834 = tpu.memref_slice %arg9[%gather3A_831, %gather3A_832, %gather3A_833] : memref<2x128x128xf32, #tpu.memory_space<vmem>> -> memref<1x128x128xf32, #tpu.memory_space<vmem>>
        %gather3A_835 = tpu.memref_squeeze %gather3A_834 : memref<1x128x128xf32, #tpu.memory_space<vmem>> -> memref<128x128xf32, #tpu.memory_space<vmem>>
        %gather3A_836 = tpu.vector_load_idx %gather3A_835[%add3A_390, %add3A_830] : memref<128x128xf32, #tpu.memory_space<vmem>>[vector<16xi32>, vector<16xi32>], vector<16xf32>,
        %gather3A_837 = tpu.vector_load_idx %arg6[%add3A_829, %add3A_394] : memref<64x512xf32, #tpu.memory_space<vmem>>[vector<16xi32>, vector<16xi32>], vector<16xf32>,
        %add3A_838 = arith.addf %gather3A_836, %gather3A_837 : vector<16xf32>
        %scatter3A_839 = arith.constant 0 : i32
        %scatter3A_840 = arith.constant 0 : i32
        %scatter3A_841 = arith.constant 0 : i32
        %scatter3A_842 = tpu.memref_slice %arg10[%scatter3A_839, %scatter3A_840, %scatter3A_841] : memref<2x64x128xf32, #tpu.memory_space<vmem>> -> memref<1x64x128xf32, #tpu.memory_space<vmem>>
        %scatter3A_843 = tpu.memref_squeeze %scatter3A_842 : memref<1x64x128xf32, #tpu.memory_space<vmem>> -> memref<64x128xf32, #tpu.memory_space<vmem>>
        tpu.vector_store_idx %scatter3A_843[%add3A_829, %add3A_390], %add3A_838 : memref<64x128xf32, #tpu.memory_space<vmem>>[vector<16xi32>, vector<16xi32>], vector<16xf32>,
        %add3A_844 = arith.constant 48 : i32
        %add3A_845 = vector.broadcast %add3A_844 : i32 to vector<16xi32>
        %add3A_846 = arith.addi %and3A_794, %add3A_845 : vector<16xi32>
        %add3A_847 = arith.addi %mul3A_387, %add3A_846 : vector<16xi32>
        %gather3A_848 = arith.constant 0 : i32
        %gather3A_849 = arith.constant 0 : i32
        %gather3A_850 = arith.constant 0 : i32
        %gather3A_851 = tpu.memref_slice %arg9[%gather3A_848, %gather3A_849, %gather3A_850] : memref<2x128x128xf32, #tpu.memory_space<vmem>> -> memref<1x128x128xf32, #tpu.memory_space<vmem>>
        %gather3A_852 = tpu.memref_squeeze %gather3A_851 : memref<1x128x128xf32, #tpu.memory_space<vmem>> -> memref<128x128xf32, #tpu.memory_space<vmem>>
        %gather3A_853 = tpu.vector_load_idx %gather3A_852[%add3A_390, %add3A_847] : memref<128x128xf32, #tpu.memory_space<vmem>>[vector<16xi32>, vector<16xi32>], vector<16xf32>,
        %gather3A_854 = tpu.vector_load_idx %arg6[%add3A_846, %add3A_394] : memref<64x512xf32, #tpu.memory_space<vmem>>[vector<16xi32>, vector<16xi32>], vector<16xf32>,
        %add3A_855 = arith.addf %gather3A_853, %gather3A_854 : vector<16xf32>
        %scatter3A_856 = arith.constant 0 : i32
        %scatter3A_857 = arith.constant 0 : i32
        %scatter3A_858 = arith.constant 0 : i32
        %scatter3A_859 = tpu.memref_slice %arg10[%scatter3A_856, %scatter3A_857, %scatter3A_858] : memref<2x64x128xf32, #tpu.memory_space<vmem>> -> memref<1x64x128xf32, #tpu.memory_space<vmem>>
        %scatter3A_860 = tpu.memref_squeeze %scatter3A_859 : memref<1x64x128xf32, #tpu.memory_space<vmem>> -> memref<64x128xf32, #tpu.memory_space<vmem>>
        tpu.vector_store_idx %scatter3A_860[%add3A_846, %add3A_390], %add3A_855 : memref<64x128xf32, #tpu.memory_space<vmem>>[vector<16xi32>, vector<16xi32>], vector<16xf32>,
      }
      %scan3A_399 = arith.constant 16 : i32
      %get3A_400 = arith.constant 0 : i32
      %get3A_401 = arith.index_cast %get3A_400 : i32 to index
      %get3A_402 = arith.constant 112 : index
      %get3A_403 = tpu.vector_load %arg7[%get3A_401, %get3A_402] {strides = array<i32>} : memref<2x128xi32, #tpu.memory_space<vmem>>, vector<16xi32>,
      %and3A_404 = arith.constant 1 : i32
      %and3A_405 = vector.broadcast %and3A_404 : i32 to vector<16xi32>
      %and3A_406 = arith.andi %get3A_403, %and3A_405 : vector<16xi32>
      %mul3A_407 = arith.constant 64 : i32
      %mul3A_408 = vector.broadcast %mul3A_407 : i32 to vector<16xi32>
      %mul3A_409 = arith.muli %and3A_406, %mul3A_408 : vector<16xi32>
      %add3A_410 = arith.constant 112 : i32
      %add3A_411 = vector.broadcast %add3A_410 : i32 to vector<16xi32>
      %add3A_412 = arith.addi %iota3A, %add3A_411 : vector<16xi32>
      %add3A_413 = arith.constant 112 : i32
      %add3A_414 = arith.addi %mul3A_245, %add3A_413 : i32
      %add3A_415 = vector.broadcast %add3A_414 : i32 to vector<16xi32>
      %add3A_416 = arith.addi %iota3A, %add3A_415 : vector<16xi32>
      %scan3A_417 = arith.constant 0 : i32
      %scan3A_418 = arith.constant 16 : i32
      %scan3A_419 = arith.addi %scan3A_417, %scan3A_418 : i32
      %scan3A_420 = arith.constant 1 : i32
      scf.for %scan3A_785 = %scan3A_417 to %scan3A_419 step %scan3A_420  : i32 {
        %mul3A_786 = arith.constant 1 : i32
        %mul3A_787 = arith.muli %scan3A_785, %mul3A_786 : i32
        %add3A_788 = arith.constant 0 : i32
        %add3A_789 = arith.addi %add3A_788, %mul3A_787 : i32
        %add3A_790 = vector.broadcast %add3A_789 : i32 to vector<16xi32>
        %add3A_791 = arith.addi %iota3A, %add3A_790 : vector<16xi32>
        %and3A_792 = arith.constant 15 : i32
        %and3A_793 = vector.broadcast %and3A_792 : i32 to vector<16xi32>
        %and3A_794 = arith.andi %add3A_791, %and3A_793 : vector<16xi32>
        %add3A_795 = arith.constant 0 : i32
        %add3A_796 = vector.broadcast %add3A_795 : i32 to vector<16xi32>
        %add3A_797 = arith.addi %and3A_794, %add3A_796 : vector<16xi32>
        %add3A_798 = arith.addi %mul3A_409, %add3A_797 : vector<16xi32>
        %gather3A = arith.constant 0 : i32
        %gather3A_799 = arith.constant 0 : i32
        %gather3A_800 = arith.constant 0 : i32
        %gather3A_801 = tpu.memref_slice %arg9[%gather3A, %gather3A_799, %gather3A_800] : memref<2x128x128xf32, #tpu.memory_space<vmem>> -> memref<1x128x128xf32, #tpu.memory_space<vmem>>
        %gather3A_802 = tpu.memref_squeeze %gather3A_801 : memref<1x128x128xf32, #tpu.memory_space<vmem>> -> memref<128x128xf32, #tpu.memory_space<vmem>>
        %gather3A_803 = tpu.vector_load_idx %gather3A_802[%add3A_412, %add3A_798] : memref<128x128xf32, #tpu.memory_space<vmem>>[vector<16xi32>, vector<16xi32>], vector<16xf32>,
        %gather3A_804 = tpu.vector_load_idx %arg6[%add3A_797, %add3A_416] : memref<64x512xf32, #tpu.memory_space<vmem>>[vector<16xi32>, vector<16xi32>], vector<16xf32>,
        %add3A_805 = arith.addf %gather3A_803, %gather3A_804 : vector<16xf32>
        %scatter3A = arith.constant 0 : i32
        %scatter3A_806 = arith.constant 0 : i32
        %scatter3A_807 = arith.constant 0 : i32
        %scatter3A_808 = tpu.memref_slice %arg10[%scatter3A, %scatter3A_806, %scatter3A_807] : memref<2x64x128xf32, #tpu.memory_space<vmem>> -> memref<1x64x128xf32, #tpu.memory_space<vmem>>
        %scatter3A_809 = tpu.memref_squeeze %scatter3A_808 : memref<1x64x128xf32, #tpu.memory_space<vmem>> -> memref<64x128xf32, #tpu.memory_space<vmem>>
        tpu.vector_store_idx %scatter3A_809[%add3A_797, %add3A_412], %add3A_805 : memref<64x128xf32, #tpu.memory_space<vmem>>[vector<16xi32>, vector<16xi32>], vector<16xf32>,
        %add3A_810 = arith.constant 16 : i32
        %add3A_811 = vector.broadcast %add3A_810 : i32 to vector<16xi32>
        %add3A_812 = arith.addi %and3A_794, %add3A_811 : vector<16xi32>
        %add3A_813 = arith.addi %mul3A_409, %add3A_812 : vector<16xi32>
        %gather3A_814 = arith.constant 0 : i32
        %gather3A_815 = arith.constant 0 : i32
        %gather3A_816 = arith.constant 0 : i32
        %gather3A_817 = tpu.memref_slice %arg9[%gather3A_814, %gather3A_815, %gather3A_816] : memref<2x128x128xf32, #tpu.memory_space<vmem>> -> memref<1x128x128xf32, #tpu.memory_space<vmem>>
        %gather3A_818 = tpu.memref_squeeze %gather3A_817 : memref<1x128x128xf32, #tpu.memory_space<vmem>> -> memref<128x128xf32, #tpu.memory_space<vmem>>
        %gather3A_819 = tpu.vector_load_idx %gather3A_818[%add3A_412, %add3A_813] : memref<128x128xf32, #tpu.memory_space<vmem>>[vector<16xi32>, vector<16xi32>], vector<16xf32>,
        %gather3A_820 = tpu.vector_load_idx %arg6[%add3A_812, %add3A_416] : memref<64x512xf32, #tpu.memory_space<vmem>>[vector<16xi32>, vector<16xi32>], vector<16xf32>,
        %add3A_821 = arith.addf %gather3A_819, %gather3A_820 : vector<16xf32>
        %scatter3A_822 = arith.constant 0 : i32
        %scatter3A_823 = arith.constant 0 : i32
        %scatter3A_824 = arith.constant 0 : i32
        %scatter3A_825 = tpu.memref_slice %arg10[%scatter3A_822, %scatter3A_823, %scatter3A_824] : memref<2x64x128xf32, #tpu.memory_space<vmem>> -> memref<1x64x128xf32, #tpu.memory_space<vmem>>
        %scatter3A_826 = tpu.memref_squeeze %scatter3A_825 : memref<1x64x128xf32, #tpu.memory_space<vmem>> -> memref<64x128xf32, #tpu.memory_space<vmem>>
        tpu.vector_store_idx %scatter3A_826[%add3A_812, %add3A_412], %add3A_821 : memref<64x128xf32, #tpu.memory_space<vmem>>[vector<16xi32>, vector<16xi32>], vector<16xf32>,
        %add3A_827 = arith.constant 32 : i32
        %add3A_828 = vector.broadcast %add3A_827 : i32 to vector<16xi32>
        %add3A_829 = arith.addi %and3A_794, %add3A_828 : vector<16xi32>
        %add3A_830 = arith.addi %mul3A_409, %add3A_829 : vector<16xi32>
        %gather3A_831 = arith.constant 0 : i32
        %gather3A_832 = arith.constant 0 : i32
        %gather3A_833 = arith.constant 0 : i32
        %gather3A_834 = tpu.memref_slice %arg9[%gather3A_831, %gather3A_832, %gather3A_833] : memref<2x128x128xf32, #tpu.memory_space<vmem>> -> memref<1x128x128xf32, #tpu.memory_space<vmem>>
        %gather3A_835 = tpu.memref_squeeze %gather3A_834 : memref<1x128x128xf32, #tpu.memory_space<vmem>> -> memref<128x128xf32, #tpu.memory_space<vmem>>
        %gather3A_836 = tpu.vector_load_idx %gather3A_835[%add3A_412, %add3A_830] : memref<128x128xf32, #tpu.memory_space<vmem>>[vector<16xi32>, vector<16xi32>], vector<16xf32>,
        %gather3A_837 = tpu.vector_load_idx %arg6[%add3A_829, %add3A_416] : memref<64x512xf32, #tpu.memory_space<vmem>>[vector<16xi32>, vector<16xi32>], vector<16xf32>,
        %add3A_838 = arith.addf %gather3A_836, %gather3A_837 : vector<16xf32>
        %scatter3A_839 = arith.constant 0 : i32
        %scatter3A_840 = arith.constant 0 : i32
        %scatter3A_841 = arith.constant 0 : i32
        %scatter3A_842 = tpu.memref_slice %arg10[%scatter3A_839, %scatter3A_840, %scatter3A_841] : memref<2x64x128xf32, #tpu.memory_space<vmem>> -> memref<1x64x128xf32, #tpu.memory_space<vmem>>
        %scatter3A_843 = tpu.memref_squeeze %scatter3A_842 : memref<1x64x128xf32, #tpu.memory_space<vmem>> -> memref<64x128xf32, #tpu.memory_space<vmem>>
        tpu.vector_store_idx %scatter3A_843[%add3A_829, %add3A_412], %add3A_838 : memref<64x128xf32, #tpu.memory_space<vmem>>[vector<16xi32>, vector<16xi32>], vector<16xf32>,
        %add3A_844 = arith.constant 48 : i32
        %add3A_845 = vector.broadcast %add3A_844 : i32 to vector<16xi32>
        %add3A_846 = arith.addi %and3A_794, %add3A_845 : vector<16xi32>
        %add3A_847 = arith.addi %mul3A_409, %add3A_846 : vector<16xi32>
        %gather3A_848 = arith.constant 0 : i32
        %gather3A_849 = arith.constant 0 : i32
        %gather3A_850 = arith.constant 0 : i32
        %gather3A_851 = tpu.memref_slice %arg9[%gather3A_848, %gather3A_849, %gather3A_850] : memref<2x128x128xf32, #tpu.memory_space<vmem>> -> memref<1x128x128xf32, #tpu.memory_space<vmem>>
        %gather3A_852 = tpu.memref_squeeze %gather3A_851 : memref<1x128x128xf32, #tpu.memory_space<vmem>> -> memref<128x128xf32, #tpu.memory_space<vmem>>
        %gather3A_853 = tpu.vector_load_idx %gather3A_852[%add3A_412, %add3A_847] : memref<128x128xf32, #tpu.memory_space<vmem>>[vector<16xi32>, vector<16xi32>], vector<16xf32>,
        %gather3A_854 = tpu.vector_load_idx %arg6[%add3A_846, %add3A_416] : memref<64x512xf32, #tpu.memory_space<vmem>>[vector<16xi32>, vector<16xi32>], vector<16xf32>,
        %add3A_855 = arith.addf %gather3A_853, %gather3A_854 : vector<16xf32>
        %scatter3A_856 = arith.constant 0 : i32
        %scatter3A_857 = arith.constant 0 : i32
        %scatter3A_858 = arith.constant 0 : i32
        %scatter3A_859 = tpu.memref_slice %arg10[%scatter3A_856, %scatter3A_857, %scatter3A_858] : memref<2x64x128xf32, #tpu.memory_space<vmem>> -> memref<1x64x128xf32, #tpu.memory_space<vmem>>
        %scatter3A_860 = tpu.memref_squeeze %scatter3A_859 : memref<1x64x128xf32, #tpu.memory_space<vmem>> -> memref<64x128xf32, #tpu.memory_space<vmem>>
        tpu.vector_store_idx %scatter3A_860[%add3A_846, %add3A_412], %add3A_855 : memref<64x128xf32, #tpu.memory_space<vmem>>[vector<16xi32>, vector<16xi32>], vector<16xf32>,
      }
      %scan3A_421 = arith.constant 16 : i32
      %add3A_422 = arith.constant 2 : i32
      %add3A_423 = arith.addi %add3A_206, %add3A_422 : i32
      %lt3A_424 = arith.constant 128 : i32
      %lt3A_425 = arith.cmpi slt, %add3A_423, %lt3A_424 : i32
      %convert_element_type3A_426 = arith.extui %lt3A_425 : i1 to i32
      %cond3A_427 = arith.constant 0 : i32
      %cond3A_428 = arith.cmpi ne, %convert_element_type3A_426, %cond3A_427 : i32
      scf.if %cond3A_428 {
        %add3A_785 = arith.constant 2 : i32
        %add3A_786 = arith.addi %add3A_206, %add3A_785 : i32
        %add3A_787 = arith.addi %mul3A_2, %add3A_786 : i32
        %dma_start3A_788 = arith.constant 0 : i32
        %dma_start3A_789 = arith.constant 0 : i32
        %dma_start3A_790 = tpu.memref_slice %arg7[%dma_start3A_788, %dma_start3A_789] : memref<2x128xi32, #tpu.memory_space<vmem>> -> memref<1x128xi32, #tpu.memory_space<vmem>>
        %dma_start3A_791 = tpu.memref_squeeze %dma_start3A_790 : memref<1x128xi32, #tpu.memory_space<vmem>> -> memref<128xi32, #tpu.memory_space<vmem>>
        %dma_start3A_792 = arith.constant 0 : i32
        %dma_start3A_793 = tpu.memref_slice %arg2[%add3A_787, %dma_start3A_792] : memref<4096x128xi32, #tpu.memory_space<hbm>> -> memref<1x128xi32, #tpu.memory_space<hbm>>
        %dma_start3A_794 = tpu.memref_squeeze %dma_start3A_793 : memref<1x128xi32, #tpu.memory_space<hbm>> -> memref<128xi32, #tpu.memory_space<hbm>>
        %dma_start3A_795 = arith.constant 0 : i32
        %dma_start3A_796 = tpu.memref_slice %arg7[%dma_start3A_788, %dma_start3A_795] : memref<2x128xi32, #tpu.memory_space<vmem>> -> memref<1x128xi32, #tpu.memory_space<vmem>>
        %dma_start3A_797 = tpu.memref_squeeze %dma_start3A_796 : memref<1x128xi32, #tpu.memory_space<vmem>> -> memref<128xi32, #tpu.memory_space<vmem>>
        %dma_start3A_798 = arith.constant 0 : i32
        %dma_start3A_799 = tpu.memref_slice %arg2[%add3A_787, %dma_start3A_798] : memref<4096x128xi32, #tpu.memory_space<hbm>> -> memref<1x128xi32, #tpu.memory_space<hbm>>
        %dma_start3A_800 = tpu.memref_squeeze %dma_start3A_799 : memref<1x128xi32, #tpu.memory_space<hbm>> -> memref<128xi32, #tpu.memory_space<hbm>>
        tpu.enqueue_dma source(%dma_start3A_800 : memref<128xi32, #tpu.memory_space<hbm>>) target(%dma_start3A_797 : memref<128xi32, #tpu.memory_space<vmem>>) target_semaphore(%arg13 : memref<!tpu.dma_semaphore, #tpu.memory_space<semaphore_mem>>)
      } else {
      }
      %add3A_429 = arith.addi %mul3A_2, %add3A_206 : i32
      %jit3A_430 = arith.constant 4 : i32
      %div3A_431 = arith.divsi %add3A_429, %jit3A_430 : i32
      %sign3A_432 = arith.constant 0 : i32
      %sign3A_433 = arith.cmpi sgt, %add3A_429, %sign3A_432 : i32
      %sign3A_434 = arith.extui %sign3A_433 : i1 to i32
      %sign3A_435 = arith.constant 0 : i32
      %sign3A_436 = arith.cmpi slt, %add3A_429, %sign3A_435 : i32
      %sign3A_437 = arith.extui %sign3A_436 : i1 to i32
      %sign3A_438 = arith.subi %sign3A_434, %sign3A_437 : i32
      %sign3A_439 = arith.constant 0 : i32
      %sign3A_440 = arith.cmpi sgt, %jit3A_430, %sign3A_439 : i32
      %sign3A_441 = arith.extui %sign3A_440 : i1 to i32
      %sign3A_442 = arith.constant 0 : i32
      %sign3A_443 = arith.cmpi slt, %jit3A_430, %sign3A_442 : i32
      %sign3A_444 = arith.extui %sign3A_443 : i1 to i32
      %sign3A_445 = arith.subi %sign3A_441, %sign3A_444 : i32
      %ne3A_446 = arith.cmpi ne, %sign3A_438, %sign3A_445 : i32
      %rem3A_447 = arith.remsi %add3A_429, %jit3A_430 : i32
      %ne3A_448 = arith.constant 0 : i32
      %ne3A_449 = arith.cmpi ne, %rem3A_447, %ne3A_448 : i32
      %and3A_450 = arith.andi %ne3A_446, %ne3A_449 : i1
      %sub3A_451 = arith.constant 1 : i32
      %sub3A_452 = arith.subi %div3A_431, %sub3A_451 : i32
      %select_n3A_453 = arith.select %and3A_450, %sub3A_452, %div3A_431 : i32
      %jit3A_454 = arith.constant 4 : i32
      %eq3A_455 = arith.constant 0 : i32
      %eq3A_456 = arith.cmpi eq, %jit3A_454, %eq3A_455 : i32
      %jit3A_457 = arith.constant 1 : i32
      %select_n3A_458 = arith.select %eq3A_456, %jit3A_457, %jit3A_454 : i32
      %rem3A_459 = arith.remsi %add3A_429, %select_n3A_458 : i32
      %ne3A_460 = arith.constant 0 : i32
      %ne3A_461 = arith.cmpi ne, %rem3A_459, %ne3A_460 : i32
      %lt3A_462 = arith.constant 0 : i32
      %lt3A_463 = arith.cmpi slt, %rem3A_459, %lt3A_462 : i32
      %lt3A_464 = arith.constant 0 : i32
      %lt3A_465 = arith.cmpi slt, %select_n3A_458, %lt3A_464 : i32
      %ne3A_466 = arith.xori %lt3A_463, %lt3A_465 : i1
      %and3A_467 = arith.andi %ne3A_466, %ne3A_461 : i1
      %add3A_468 = arith.addi %rem3A_459, %select_n3A_458 : i32
      %select_n3A_469 = arith.select %and3A_467, %add3A_468, %rem3A_459 : i32
      %mul3A_470 = arith.constant 128 : i32
      %mul3A_471 = arith.muli %select_n3A_469, %mul3A_470 : i32
      %dma_start3A_472 = arith.constant 0 : i32
      %dma_start3A_473 = arith.constant 0 : i32
      %dma_start3A_474 = arith.constant 0 : i32
      %dma_start3A_475 = tpu.memref_slice %arg10[%dma_start3A_472, %dma_start3A_473, %dma_start3A_474] : memref<2x64x128xf32, #tpu.memory_space<vmem>> -> memref<1x64x128xf32, #tpu.memory_space<vmem>>
      %dma_start3A_476 = tpu.memref_squeeze %dma_start3A_475 : memref<1x64x128xf32, #tpu.memory_space<vmem>> -> memref<64x128xf32, #tpu.memory_space<vmem>>
      %dma_start3A_477 = arith.constant 0 : i32
      %dma_start3A_478 = arith.constant 0 : i32
      %dma_start3A_479 = tpu.memref_slice %arg5[%select_n3A_453, %dma_start3A_477, %dma_start3A_478] : memref<1024x64x512xf32, #tpu.memory_space<hbm>> -> memref<1x64x512xf32, #tpu.memory_space<hbm>>
      %dma_start3A_480 = tpu.memref_squeeze %dma_start3A_479 : memref<1x64x512xf32, #tpu.memory_space<hbm>> -> memref<64x512xf32, #tpu.memory_space<hbm>>
      %dma_start3A_481 = arith.constant 0 : i32
      %dma_start3A_482 = tpu.memref_slice %dma_start3A_480[%dma_start3A_481, %mul3A_471] : memref<64x512xf32, #tpu.memory_space<hbm>> -> memref<64x128xf32, #tpu.memory_space<hbm>>
      %dma_start3A_483 = arith.constant 0 : i32
      %dma_start3A_484 = arith.constant 0 : i32
      %dma_start3A_485 = tpu.memref_slice %arg5[%select_n3A_453, %dma_start3A_483, %dma_start3A_484] : memref<1024x64x512xf32, #tpu.memory_space<hbm>> -> memref<1x64x512xf32, #tpu.memory_space<hbm>>
      %dma_start3A_486 = tpu.memref_squeeze %dma_start3A_485 : memref<1x64x512xf32, #tpu.memory_space<hbm>> -> memref<64x512xf32, #tpu.memory_space<hbm>>
      %dma_start3A_487 = arith.constant 0 : i32
      %dma_start3A_488 = tpu.memref_slice %dma_start3A_486[%dma_start3A_487, %mul3A_471] : memref<64x512xf32, #tpu.memory_space<hbm>> -> memref<64x128xf32, #tpu.memory_space<hbm>>
      %dma_start3A_489 = arith.constant 0 : i32
      %dma_start3A_490 = arith.constant 0 : i32
      %dma_start3A_491 = tpu.memref_slice %arg10[%dma_start3A_472, %dma_start3A_489, %dma_start3A_490] : memref<2x64x128xf32, #tpu.memory_space<vmem>> -> memref<1x64x128xf32, #tpu.memory_space<vmem>>
      %dma_start3A_492 = tpu.memref_squeeze %dma_start3A_491 : memref<1x64x128xf32, #tpu.memory_space<vmem>> -> memref<64x128xf32, #tpu.memory_space<vmem>>
      tpu.enqueue_dma source(%dma_start3A_492 : memref<64x128xf32, #tpu.memory_space<vmem>>) target(%dma_start3A_488 : memref<64x128xf32, #tpu.memory_space<hbm>>) target_semaphore(%arg15 : memref<!tpu.dma_semaphore, #tpu.memory_space<semaphore_mem>>)
      %add3A_493 = arith.constant 1 : i32
      %add3A_494 = arith.addi %add3A_204, %add3A_493 : i32
      %dma_wait3A_495 = arith.constant 1 : i32
      %dma_wait3A_496 = arith.constant 1 : i32
      %dma_wait3A_497 = arith.constant 0 : i32
      %dma_wait3A_498 = arith.constant 0 : i32
      %dma_wait3A_499 = tpu.memref_slice %arg9[%dma_wait3A_496, %dma_wait3A_497, %dma_wait3A_498] : memref<2x128x128xf32, #tpu.memory_space<vmem>> -> memref<1x128x128xf32, #tpu.memory_space<vmem>>
      %dma_wait3A_500 = tpu.memref_squeeze %dma_wait3A_499 : memref<1x128x128xf32, #tpu.memory_space<vmem>> -> memref<128x128xf32, #tpu.memory_space<vmem>>
      %dma_wait3A_501 = arith.constant 0 : i32
      %dma_wait3A_502 = tpu.memref_slice %arg8[%dma_wait3A_495, %dma_wait3A_501] : memref<2x128xi32, #tpu.memory_space<vmem>> -> memref<1x128xi32, #tpu.memory_space<vmem>>
      %dma_wait3A_503 = tpu.memref_squeeze %dma_wait3A_502 : memref<1x128xi32, #tpu.memory_space<vmem>> -> memref<128xi32, #tpu.memory_space<vmem>>
      %dma_wait3A_504 = arith.constant 0 : i32
      %dma_wait3A_505 = arith.constant 0 : i32
      %dma_wait3A_506 = tpu.memref_slice %arg3[%dma_wait3A_504, %dma_wait3A_505] : memref<500000x128xf32, #tpu.memory_space<hbm>> -> memref<500000x128xf32, #tpu.memory_space<hbm>>
      tpu.wait_indirect_dma semaphore(%arg12 : memref<!tpu.dma_semaphore, #tpu.memory_space<semaphore_mem>>) src(%dma_wait3A_506 : memref<500000x128xf32, #tpu.memory_space<hbm>>) dst(%dma_wait3A_500 : memref<128x128xf32, #tpu.memory_space<vmem>>)
      %gt3A_507 = arith.constant 0 : i32
      %gt3A_508 = arith.cmpi sgt, %add3A_494, %gt3A_507 : i32
      %convert_element_type3A_509 = arith.extui %gt3A_508 : i1 to i32
      %cond3A_510 = arith.constant 0 : i32
      %cond3A_511 = arith.cmpi ne, %convert_element_type3A_509, %cond3A_510 : i32
      scf.if %cond3A_511 {
        %sub3A_785 = arith.constant 1 : i32
        %sub3A_786 = arith.subi %add3A_494, %sub3A_785 : i32
        %add3A_787 = arith.addi %mul3A_2, %sub3A_786 : i32
        %jit3A_788 = arith.constant 4 : i32
        %div3A_789 = arith.divsi %add3A_787, %jit3A_788 : i32
        %sign3A_790 = arith.constant 0 : i32
        %sign3A_791 = arith.cmpi sgt, %add3A_787, %sign3A_790 : i32
        %sign3A_792 = arith.extui %sign3A_791 : i1 to i32
        %sign3A_793 = arith.constant 0 : i32
        %sign3A_794 = arith.cmpi slt, %add3A_787, %sign3A_793 : i32
        %sign3A_795 = arith.extui %sign3A_794 : i1 to i32
        %sign3A_796 = arith.subi %sign3A_792, %sign3A_795 : i32
        %sign3A_797 = arith.constant 0 : i32
        %sign3A_798 = arith.cmpi sgt, %jit3A_788, %sign3A_797 : i32
        %sign3A_799 = arith.extui %sign3A_798 : i1 to i32
        %sign3A_800 = arith.constant 0 : i32
        %sign3A_801 = arith.cmpi slt, %jit3A_788, %sign3A_800 : i32
        %sign3A_802 = arith.extui %sign3A_801 : i1 to i32
        %sign3A_803 = arith.subi %sign3A_799, %sign3A_802 : i32
        %ne3A_804 = arith.cmpi ne, %sign3A_796, %sign3A_803 : i32
        %rem3A_805 = arith.remsi %add3A_787, %jit3A_788 : i32
        %ne3A_806 = arith.constant 0 : i32
        %ne3A_807 = arith.cmpi ne, %rem3A_805, %ne3A_806 : i32
        %and3A_808 = arith.andi %ne3A_804, %ne3A_807 : i1
        %sub3A_809 = arith.constant 1 : i32
        %sub3A_810 = arith.subi %div3A_789, %sub3A_809 : i32
        %select_n3A_811 = arith.select %and3A_808, %sub3A_810, %div3A_789 : i32
        %jit3A_812 = arith.constant 4 : i32
        %eq3A_813 = arith.constant 0 : i32
        %eq3A_814 = arith.cmpi eq, %jit3A_812, %eq3A_813 : i32
        %jit3A_815 = arith.constant 1 : i32
        %select_n3A_816 = arith.select %eq3A_814, %jit3A_815, %jit3A_812 : i32
        %rem3A_817 = arith.remsi %add3A_787, %select_n3A_816 : i32
        %ne3A_818 = arith.constant 0 : i32
        %ne3A_819 = arith.cmpi ne, %rem3A_817, %ne3A_818 : i32
        %lt3A_820 = arith.constant 0 : i32
        %lt3A_821 = arith.cmpi slt, %rem3A_817, %lt3A_820 : i32
        %lt3A_822 = arith.constant 0 : i32
        %lt3A_823 = arith.cmpi slt, %select_n3A_816, %lt3A_822 : i32
        %ne3A_824 = arith.xori %lt3A_821, %lt3A_823 : i1
        %and3A_825 = arith.andi %ne3A_824, %ne3A_819 : i1
        %add3A_826 = arith.addi %rem3A_817, %select_n3A_816 : i32
        %select_n3A_827 = arith.select %and3A_825, %add3A_826, %rem3A_817 : i32
        %mul3A_828 = arith.constant 128 : i32
        %mul3A_829 = arith.muli %select_n3A_827, %mul3A_828 : i32
        %dma_wait3A_830 = arith.constant 0 : i32
        %dma_wait3A_831 = arith.constant 0 : i32
        %dma_wait3A_832 = arith.constant 0 : i32
        %dma_wait3A_833 = tpu.memref_slice %arg10[%dma_wait3A_830, %dma_wait3A_831, %dma_wait3A_832] : memref<2x64x128xf32, #tpu.memory_space<vmem>> -> memref<1x64x128xf32, #tpu.memory_space<vmem>>
        %dma_wait3A_834 = tpu.memref_squeeze %dma_wait3A_833 : memref<1x64x128xf32, #tpu.memory_space<vmem>> -> memref<64x128xf32, #tpu.memory_space<vmem>>
        %dma_wait3A_835 = arith.constant 0 : i32
        %dma_wait3A_836 = arith.constant 0 : i32
        %dma_wait3A_837 = tpu.memref_slice %arg5[%select_n3A_811, %dma_wait3A_835, %dma_wait3A_836] : memref<1024x64x512xf32, #tpu.memory_space<hbm>> -> memref<1x64x512xf32, #tpu.memory_space<hbm>>
        %dma_wait3A_838 = tpu.memref_squeeze %dma_wait3A_837 : memref<1x64x512xf32, #tpu.memory_space<hbm>> -> memref<64x512xf32, #tpu.memory_space<hbm>>
        %dma_wait3A_839 = arith.constant 0 : i32
        %dma_wait3A_840 = tpu.memref_slice %dma_wait3A_838[%dma_wait3A_839, %mul3A_829] : memref<64x512xf32, #tpu.memory_space<hbm>> -> memref<64x128xf32, #tpu.memory_space<hbm>>
        %dma_wait3A_841 = arith.constant 0 : i32
        %dma_wait3A_842 = arith.constant 0 : i32
        %dma_wait3A_843 = tpu.memref_slice %arg5[%select_n3A_811, %dma_wait3A_841, %dma_wait3A_842] : memref<1024x64x512xf32, #tpu.memory_space<hbm>> -> memref<1x64x512xf32, #tpu.memory_space<hbm>>
        %dma_wait3A_844 = tpu.memref_squeeze %dma_wait3A_843 : memref<1x64x512xf32, #tpu.memory_space<hbm>> -> memref<64x512xf32, #tpu.memory_space<hbm>>
        %dma_wait3A_845 = arith.constant 0 : i32
        %dma_wait3A_846 = tpu.memref_slice %dma_wait3A_844[%dma_wait3A_845, %mul3A_829] : memref<64x512xf32, #tpu.memory_space<hbm>> -> memref<64x128xf32, #tpu.memory_space<hbm>>
        %dma_wait3A_847 = arith.constant 0 : i32
        %dma_wait3A_848 = arith.constant 0 : i32
        %dma_wait3A_849 = tpu.memref_slice %arg10[%dma_wait3A_830, %dma_wait3A_847, %dma_wait3A_848] : memref<2x64x128xf32, #tpu.memory_space<vmem>> -> memref<1x64x128xf32, #tpu.memory_space<vmem>>
        %dma_wait3A_850 = tpu.memref_squeeze %dma_wait3A_849 : memref<1x64x128xf32, #tpu.memory_space<vmem>> -> memref<64x128xf32, #tpu.memory_space<vmem>>
        tpu.wait_dma2 semaphore(%arg15 : memref<!tpu.dma_semaphore, #tpu.memory_space<semaphore_mem>>) src(%dma_wait3A_850 : memref<64x128xf32, #tpu.memory_space<vmem>>) dst(%dma_wait3A_846 : memref<64x128xf32, #tpu.memory_space<hbm>>)
      } else {
      }
      %add3A_512 = arith.constant 1 : i32
      %add3A_513 = arith.addi %add3A_494, %add3A_512 : i32
      %lt3A_514 = arith.constant 128 : i32
      %lt3A_515 = arith.cmpi slt, %add3A_513, %lt3A_514 : i32
      %convert_element_type3A_516 = arith.extui %lt3A_515 : i1 to i32
      %cond3A_517 = arith.constant 0 : i32
      %cond3A_518 = arith.cmpi ne, %convert_element_type3A_516, %cond3A_517 : i32
      scf.if %cond3A_518 {
        %add3A_785 = arith.addi %mul3A_2, %add3A_494 : i32
        %add3A_786 = arith.constant 1 : i32
        %add3A_787 = arith.addi %add3A_785, %add3A_786 : i32
        %dma_wait3A_788 = arith.constant 0 : i32
        %dma_wait3A_789 = arith.constant 0 : i32
        %dma_wait3A_790 = tpu.memref_slice %arg7[%dma_wait3A_788, %dma_wait3A_789] : memref<2x128xi32, #tpu.memory_space<vmem>> -> memref<1x128xi32, #tpu.memory_space<vmem>>
        %dma_wait3A_791 = tpu.memref_squeeze %dma_wait3A_790 : memref<1x128xi32, #tpu.memory_space<vmem>> -> memref<128xi32, #tpu.memory_space<vmem>>
        %dma_wait3A_792 = arith.constant 0 : i32
        %dma_wait3A_793 = tpu.memref_slice %arg2[%add3A_787, %dma_wait3A_792] : memref<4096x128xi32, #tpu.memory_space<hbm>> -> memref<1x128xi32, #tpu.memory_space<hbm>>
        %dma_wait3A_794 = tpu.memref_squeeze %dma_wait3A_793 : memref<1x128xi32, #tpu.memory_space<hbm>> -> memref<128xi32, #tpu.memory_space<hbm>>
        %dma_wait3A_795 = arith.constant 0 : i32
        %dma_wait3A_796 = tpu.memref_slice %arg7[%dma_wait3A_788, %dma_wait3A_795] : memref<2x128xi32, #tpu.memory_space<vmem>> -> memref<1x128xi32, #tpu.memory_space<vmem>>
        %dma_wait3A_797 = tpu.memref_squeeze %dma_wait3A_796 : memref<1x128xi32, #tpu.memory_space<vmem>> -> memref<128xi32, #tpu.memory_space<vmem>>
        %dma_wait3A_798 = arith.constant 0 : i32
        %dma_wait3A_799 = tpu.memref_slice %arg2[%add3A_787, %dma_wait3A_798] : memref<4096x128xi32, #tpu.memory_space<hbm>> -> memref<1x128xi32, #tpu.memory_space<hbm>>
        %dma_wait3A_800 = tpu.memref_squeeze %dma_wait3A_799 : memref<1x128xi32, #tpu.memory_space<hbm>> -> memref<128xi32, #tpu.memory_space<hbm>>
        tpu.wait_dma2 semaphore(%arg13 : memref<!tpu.dma_semaphore, #tpu.memory_space<semaphore_mem>>) src(%dma_wait3A_800 : memref<128xi32, #tpu.memory_space<hbm>>) dst(%dma_wait3A_797 : memref<128xi32, #tpu.memory_space<vmem>>)
        %get3A_801 = arith.constant 0 : i32
        %get3A_802 = arith.index_cast %get3A_801 : i32 to index
        %get3A_803 = arith.constant 0 : index
        %get3A_804 = tpu.vector_load %arg7[%get3A_802, %get3A_803] {strides = array<i32>} : memref<2x128xi32, #tpu.memory_space<vmem>>, vector<16xi32>,
        %shift_right_logical3A_805 = arith.constant 1 : i32
        %shift_right_logical3A_806 = vector.broadcast %shift_right_logical3A_805 : i32 to vector<16xi32>
        %shift_right_logical3A_807 = arith.shrui %get3A_804, %shift_right_logical3A_806 : vector<16xi32>
        %swap3A_808 = arith.constant 0 : i32
        %swap3A_809 = arith.index_cast %swap3A_808 : i32 to index
        %swap3A_810 = arith.constant 0 : index
        %swap3A_811 = tpu.vector_load %arg8[%swap3A_809, %swap3A_810] {strides = array<i32>} : memref<2x128xi32, #tpu.memory_space<vmem>>, vector<16xi32>,
        tpu.vector_store %arg8[%swap3A_809, %swap3A_810], %shift_right_logical3A_807 {strides = array<i32>} : memref<2x128xi32, #tpu.memory_space<vmem>>, vector<16xi32>,
        %get3A_812 = arith.constant 0 : i32
        %get3A_813 = arith.index_cast %get3A_812 : i32 to index
        %get3A_814 = arith.constant 16 : index
        %get3A_815 = tpu.vector_load %arg7[%get3A_813, %get3A_814] {strides = array<i32>} : memref<2x128xi32, #tpu.memory_space<vmem>>, vector<16xi32>,
        %shift_right_logical3A_816 = arith.constant 1 : i32
        %shift_right_logical3A_817 = vector.broadcast %shift_right_logical3A_816 : i32 to vector<16xi32>
        %shift_right_logical3A_818 = arith.shrui %get3A_815, %shift_right_logical3A_817 : vector<16xi32>
        %swap3A_819 = arith.constant 0 : i32
        %swap3A_820 = arith.index_cast %swap3A_819 : i32 to index
        %swap3A_821 = arith.constant 16 : index
        %swap3A_822 = tpu.vector_load %arg8[%swap3A_820, %swap3A_821] {strides = array<i32>} : memref<2x128xi32, #tpu.memory_space<vmem>>, vector<16xi32>,
        tpu.vector_store %arg8[%swap3A_820, %swap3A_821], %shift_right_logical3A_818 {strides = array<i32>} : memref<2x128xi32, #tpu.memory_space<vmem>>, vector<16xi32>,
        %get3A_823 = arith.constant 0 : i32
        %get3A_824 = arith.index_cast %get3A_823 : i32 to index
        %get3A_825 = arith.constant 32 : index
        %get3A_826 = tpu.vector_load %arg7[%get3A_824, %get3A_825] {strides = array<i32>} : memref<2x128xi32, #tpu.memory_space<vmem>>, vector<16xi32>,
        %shift_right_logical3A_827 = arith.constant 1 : i32
        %shift_right_logical3A_828 = vector.broadcast %shift_right_logical3A_827 : i32 to vector<16xi32>
        %shift_right_logical3A_829 = arith.shrui %get3A_826, %shift_right_logical3A_828 : vector<16xi32>
        %swap3A_830 = arith.constant 0 : i32
        %swap3A_831 = arith.index_cast %swap3A_830 : i32 to index
        %swap3A_832 = arith.constant 32 : index
        %swap3A_833 = tpu.vector_load %arg8[%swap3A_831, %swap3A_832] {strides = array<i32>} : memref<2x128xi32, #tpu.memory_space<vmem>>, vector<16xi32>,
        tpu.vector_store %arg8[%swap3A_831, %swap3A_832], %shift_right_logical3A_829 {strides = array<i32>} : memref<2x128xi32, #tpu.memory_space<vmem>>, vector<16xi32>,
        %get3A_834 = arith.constant 0 : i32
        %get3A_835 = arith.index_cast %get3A_834 : i32 to index
        %get3A_836 = arith.constant 48 : index
        %get3A_837 = tpu.vector_load %arg7[%get3A_835, %get3A_836] {strides = array<i32>} : memref<2x128xi32, #tpu.memory_space<vmem>>, vector<16xi32>,
        %shift_right_logical3A_838 = arith.constant 1 : i32
        %shift_right_logical3A_839 = vector.broadcast %shift_right_logical3A_838 : i32 to vector<16xi32>
        %shift_right_logical3A_840 = arith.shrui %get3A_837, %shift_right_logical3A_839 : vector<16xi32>
        %swap3A_841 = arith.constant 0 : i32
        %swap3A_842 = arith.index_cast %swap3A_841 : i32 to index
        %swap3A_843 = arith.constant 48 : index
        %swap3A_844 = tpu.vector_load %arg8[%swap3A_842, %swap3A_843] {strides = array<i32>} : memref<2x128xi32, #tpu.memory_space<vmem>>, vector<16xi32>,
        tpu.vector_store %arg8[%swap3A_842, %swap3A_843], %shift_right_logical3A_840 {strides = array<i32>} : memref<2x128xi32, #tpu.memory_space<vmem>>, vector<16xi32>,
        %get3A_845 = arith.constant 0 : i32
        %get3A_846 = arith.index_cast %get3A_845 : i32 to index
        %get3A_847 = arith.constant 64 : index
        %get3A_848 = tpu.vector_load %arg7[%get3A_846, %get3A_847] {strides = array<i32>} : memref<2x128xi32, #tpu.memory_space<vmem>>, vector<16xi32>,
        %shift_right_logical3A_849 = arith.constant 1 : i32
        %shift_right_logical3A_850 = vector.broadcast %shift_right_logical3A_849 : i32 to vector<16xi32>
        %shift_right_logical3A_851 = arith.shrui %get3A_848, %shift_right_logical3A_850 : vector<16xi32>
        %swap3A_852 = arith.constant 0 : i32
        %swap3A_853 = arith.index_cast %swap3A_852 : i32 to index
        %swap3A_854 = arith.constant 64 : index
        %swap3A_855 = tpu.vector_load %arg8[%swap3A_853, %swap3A_854] {strides = array<i32>} : memref<2x128xi32, #tpu.memory_space<vmem>>, vector<16xi32>,
        tpu.vector_store %arg8[%swap3A_853, %swap3A_854], %shift_right_logical3A_851 {strides = array<i32>} : memref<2x128xi32, #tpu.memory_space<vmem>>, vector<16xi32>,
        %get3A_856 = arith.constant 0 : i32
        %get3A_857 = arith.index_cast %get3A_856 : i32 to index
        %get3A_858 = arith.constant 80 : index
        %get3A_859 = tpu.vector_load %arg7[%get3A_857, %get3A_858] {strides = array<i32>} : memref<2x128xi32, #tpu.memory_space<vmem>>, vector<16xi32>,
        %shift_right_logical3A_860 = arith.constant 1 : i32
        %shift_right_logical3A_861 = vector.broadcast %shift_right_logical3A_860 : i32 to vector<16xi32>
        %shift_right_logical3A_862 = arith.shrui %get3A_859, %shift_right_logical3A_861 : vector<16xi32>
        %swap3A_863 = arith.constant 0 : i32
        %swap3A_864 = arith.index_cast %swap3A_863 : i32 to index
        %swap3A_865 = arith.constant 80 : index
        %swap3A_866 = tpu.vector_load %arg8[%swap3A_864, %swap3A_865] {strides = array<i32>} : memref<2x128xi32, #tpu.memory_space<vmem>>, vector<16xi32>,
        tpu.vector_store %arg8[%swap3A_864, %swap3A_865], %shift_right_logical3A_862 {strides = array<i32>} : memref<2x128xi32, #tpu.memory_space<vmem>>, vector<16xi32>,
        %get3A_867 = arith.constant 0 : i32
        %get3A_868 = arith.index_cast %get3A_867 : i32 to index
        %get3A_869 = arith.constant 96 : index
        %get3A_870 = tpu.vector_load %arg7[%get3A_868, %get3A_869] {strides = array<i32>} : memref<2x128xi32, #tpu.memory_space<vmem>>, vector<16xi32>,
        %shift_right_logical3A_871 = arith.constant 1 : i32
        %shift_right_logical3A_872 = vector.broadcast %shift_right_logical3A_871 : i32 to vector<16xi32>
        %shift_right_logical3A_873 = arith.shrui %get3A_870, %shift_right_logical3A_872 : vector<16xi32>
        %swap3A_874 = arith.constant 0 : i32
        %swap3A_875 = arith.index_cast %swap3A_874 : i32 to index
        %swap3A_876 = arith.constant 96 : index
        %swap3A_877 = tpu.vector_load %arg8[%swap3A_875, %swap3A_876] {strides = array<i32>} : memref<2x128xi32, #tpu.memory_space<vmem>>, vector<16xi32>,
        tpu.vector_store %arg8[%swap3A_875, %swap3A_876], %shift_right_logical3A_873 {strides = array<i32>} : memref<2x128xi32, #tpu.memory_space<vmem>>, vector<16xi32>,
        %get3A_878 = arith.constant 0 : i32
        %get3A_879 = arith.index_cast %get3A_878 : i32 to index
        %get3A_880 = arith.constant 112 : index
        %get3A_881 = tpu.vector_load %arg7[%get3A_879, %get3A_880] {strides = array<i32>} : memref<2x128xi32, #tpu.memory_space<vmem>>, vector<16xi32>,
        %shift_right_logical3A_882 = arith.constant 1 : i32
        %shift_right_logical3A_883 = vector.broadcast %shift_right_logical3A_882 : i32 to vector<16xi32>
        %shift_right_logical3A_884 = arith.shrui %get3A_881, %shift_right_logical3A_883 : vector<16xi32>
        %swap3A_885 = arith.constant 0 : i32
        %swap3A_886 = arith.index_cast %swap3A_885 : i32 to index
        %swap3A_887 = arith.constant 112 : index
        %swap3A_888 = tpu.vector_load %arg8[%swap3A_886, %swap3A_887] {strides = array<i32>} : memref<2x128xi32, #tpu.memory_space<vmem>>, vector<16xi32>,
        tpu.vector_store %arg8[%swap3A_886, %swap3A_887], %shift_right_logical3A_884 {strides = array<i32>} : memref<2x128xi32, #tpu.memory_space<vmem>>, vector<16xi32>,
        %dma_start3A_889 = arith.constant 0 : i32
        %dma_start3A_890 = arith.constant 0 : i32
        %dma_start3A_891 = arith.constant 0 : i32
        %dma_start3A_892 = arith.constant 0 : i32
        %dma_start3A_893 = tpu.memref_slice %arg9[%dma_start3A_890, %dma_start3A_891, %dma_start3A_892] : memref<2x128x128xf32, #tpu.memory_space<vmem>> -> memref<1x128x128xf32, #tpu.memory_space<vmem>>
        %dma_start3A_894 = tpu.memref_squeeze %dma_start3A_893 : memref<1x128x128xf32, #tpu.memory_space<vmem>> -> memref<128x128xf32, #tpu.memory_space<vmem>>
        %dma_start3A_895 = arith.constant 0 : i32
        %dma_start3A_896 = tpu.memref_slice %arg8[%dma_start3A_889, %dma_start3A_895] : memref<2x128xi32, #tpu.memory_space<vmem>> -> memref<1x128xi32, #tpu.memory_space<vmem>>
        %dma_start3A_897 = tpu.memref_squeeze %dma_start3A_896 : memref<1x128xi32, #tpu.memory_space<vmem>> -> memref<128xi32, #tpu.memory_space<vmem>>
        %dma_start3A_898 = arith.constant 0 : i32
        %dma_start3A_899 = arith.constant 0 : i32
        %dma_start3A_900 = tpu.memref_slice %arg3[%dma_start3A_898, %dma_start3A_899] : memref<500000x128xf32, #tpu.memory_space<hbm>> -> memref<500000x128xf32, #tpu.memory_space<hbm>>
        tpu.enqueue_indirect_dma source(%dma_start3A_900 : memref<500000x128xf32, #tpu.memory_space<hbm>>) target(%dma_start3A_894 : memref<128x128xf32, #tpu.memory_space<vmem>>) offsets(%dma_start3A_897 : memref<128xi32, #tpu.memory_space<vmem>>) semaphore(%arg11 : memref<!tpu.dma_semaphore, #tpu.memory_space<semaphore_mem>>)
      } else {
      }
      %jit3A_519 = arith.constant 4 : i32
      %eq3A_520 = arith.constant 0 : i32
      %eq3A_521 = arith.cmpi eq, %jit3A_519, %eq3A_520 : i32
      %jit3A_522 = arith.constant 1 : i32
      %select_n3A_523 = arith.select %eq3A_521, %jit3A_522, %jit3A_519 : i32
      %rem3A_524 = arith.remsi %add3A_494, %select_n3A_523 : i32
      %ne3A_525 = arith.constant 0 : i32
      %ne3A_526 = arith.cmpi ne, %rem3A_524, %ne3A_525 : i32
      %lt3A_527 = arith.constant 0 : i32
      %lt3A_528 = arith.cmpi slt, %rem3A_524, %lt3A_527 : i32
      %lt3A_529 = arith.constant 0 : i32
      %lt3A_530 = arith.cmpi slt, %select_n3A_523, %lt3A_529 : i32
      %ne3A_531 = arith.xori %lt3A_528, %lt3A_530 : i1
      %and3A_532 = arith.andi %ne3A_531, %ne3A_526 : i1
      %add3A_533 = arith.addi %rem3A_524, %select_n3A_523 : i32
      %select_n3A_534 = arith.select %and3A_532, %add3A_533, %rem3A_524 : i32
      %mul3A_535 = arith.constant 128 : i32
      %mul3A_536 = arith.muli %select_n3A_534, %mul3A_535 : i32
      %iota3A_537 = tpu.iota {dimensions = array<i32: 0>} : vector<16xi32>
      %get3A_538 = arith.constant 1 : i32
      %get3A_539 = arith.index_cast %get3A_538 : i32 to index
      %get3A_540 = arith.constant 0 : index
      %get3A_541 = tpu.vector_load %arg7[%get3A_539, %get3A_540] {strides = array<i32>} : memref<2x128xi32, #tpu.memory_space<vmem>>, vector<16xi32>,
      %and3A_542 = arith.constant 1 : i32
      %and3A_543 = vector.broadcast %and3A_542 : i32 to vector<16xi32>
      %and3A_544 = arith.andi %get3A_541, %and3A_543 : vector<16xi32>
      %mul3A_545 = arith.constant 64 : i32
      %mul3A_546 = vector.broadcast %mul3A_545 : i32 to vector<16xi32>
      %mul3A_547 = arith.muli %and3A_544, %mul3A_546 : vector<16xi32>
      %add3A_548 = arith.constant 0 : i32
      %add3A_549 = vector.broadcast %add3A_548 : i32 to vector<16xi32>
      %add3A_550 = arith.addi %iota3A_537, %add3A_549 : vector<16xi32>
      %add3A_551 = arith.constant 0 : i32
      %add3A_552 = arith.addi %mul3A_536, %add3A_551 : i32
      %add3A_553 = vector.broadcast %add3A_552 : i32 to vector<16xi32>
      %add3A_554 = arith.addi %iota3A_537, %add3A_553 : vector<16xi32>
      %scan3A_555 = arith.constant 0 : i32
      %scan3A_556 = arith.constant 16 : i32
      %scan3A_557 = arith.addi %scan3A_555, %scan3A_556 : i32
      %scan3A_558 = arith.constant 1 : i32
      scf.for %scan3A_785 = %scan3A_555 to %scan3A_557 step %scan3A_558  : i32 {
        %mul3A_786 = arith.constant 1 : i32
        %mul3A_787 = arith.muli %scan3A_785, %mul3A_786 : i32
        %add3A_788 = arith.constant 0 : i32
        %add3A_789 = arith.addi %add3A_788, %mul3A_787 : i32
        %add3A_790 = vector.broadcast %add3A_789 : i32 to vector<16xi32>
        %add3A_791 = arith.addi %iota3A_537, %add3A_790 : vector<16xi32>
        %and3A_792 = arith.constant 15 : i32
        %and3A_793 = vector.broadcast %and3A_792 : i32 to vector<16xi32>
        %and3A_794 = arith.andi %add3A_791, %and3A_793 : vector<16xi32>
        %add3A_795 = arith.constant 0 : i32
        %add3A_796 = vector.broadcast %add3A_795 : i32 to vector<16xi32>
        %add3A_797 = arith.addi %and3A_794, %add3A_796 : vector<16xi32>
        %add3A_798 = arith.addi %mul3A_547, %add3A_797 : vector<16xi32>
        %gather3A = arith.constant 1 : i32
        %gather3A_799 = arith.constant 0 : i32
        %gather3A_800 = arith.constant 0 : i32
        %gather3A_801 = tpu.memref_slice %arg9[%gather3A, %gather3A_799, %gather3A_800] : memref<2x128x128xf32, #tpu.memory_space<vmem>> -> memref<1x128x128xf32, #tpu.memory_space<vmem>>
        %gather3A_802 = tpu.memref_squeeze %gather3A_801 : memref<1x128x128xf32, #tpu.memory_space<vmem>> -> memref<128x128xf32, #tpu.memory_space<vmem>>
        %gather3A_803 = tpu.vector_load_idx %gather3A_802[%add3A_550, %add3A_798] : memref<128x128xf32, #tpu.memory_space<vmem>>[vector<16xi32>, vector<16xi32>], vector<16xf32>,
        %gather3A_804 = tpu.vector_load_idx %arg6[%add3A_797, %add3A_554] : memref<64x512xf32, #tpu.memory_space<vmem>>[vector<16xi32>, vector<16xi32>], vector<16xf32>,
        %add3A_805 = arith.addf %gather3A_803, %gather3A_804 : vector<16xf32>
        %scatter3A = arith.constant 1 : i32
        %scatter3A_806 = arith.constant 0 : i32
        %scatter3A_807 = arith.constant 0 : i32
        %scatter3A_808 = tpu.memref_slice %arg10[%scatter3A, %scatter3A_806, %scatter3A_807] : memref<2x64x128xf32, #tpu.memory_space<vmem>> -> memref<1x64x128xf32, #tpu.memory_space<vmem>>
        %scatter3A_809 = tpu.memref_squeeze %scatter3A_808 : memref<1x64x128xf32, #tpu.memory_space<vmem>> -> memref<64x128xf32, #tpu.memory_space<vmem>>
        tpu.vector_store_idx %scatter3A_809[%add3A_797, %add3A_550], %add3A_805 : memref<64x128xf32, #tpu.memory_space<vmem>>[vector<16xi32>, vector<16xi32>], vector<16xf32>,
        %add3A_810 = arith.constant 16 : i32
        %add3A_811 = vector.broadcast %add3A_810 : i32 to vector<16xi32>
        %add3A_812 = arith.addi %and3A_794, %add3A_811 : vector<16xi32>
        %add3A_813 = arith.addi %mul3A_547, %add3A_812 : vector<16xi32>
        %gather3A_814 = arith.constant 1 : i32
        %gather3A_815 = arith.constant 0 : i32
        %gather3A_816 = arith.constant 0 : i32
        %gather3A_817 = tpu.memref_slice %arg9[%gather3A_814, %gather3A_815, %gather3A_816] : memref<2x128x128xf32, #tpu.memory_space<vmem>> -> memref<1x128x128xf32, #tpu.memory_space<vmem>>
        %gather3A_818 = tpu.memref_squeeze %gather3A_817 : memref<1x128x128xf32, #tpu.memory_space<vmem>> -> memref<128x128xf32, #tpu.memory_space<vmem>>
        %gather3A_819 = tpu.vector_load_idx %gather3A_818[%add3A_550, %add3A_813] : memref<128x128xf32, #tpu.memory_space<vmem>>[vector<16xi32>, vector<16xi32>], vector<16xf32>,
        %gather3A_820 = tpu.vector_load_idx %arg6[%add3A_812, %add3A_554] : memref<64x512xf32, #tpu.memory_space<vmem>>[vector<16xi32>, vector<16xi32>], vector<16xf32>,
        %add3A_821 = arith.addf %gather3A_819, %gather3A_820 : vector<16xf32>
        %scatter3A_822 = arith.constant 1 : i32
        %scatter3A_823 = arith.constant 0 : i32
        %scatter3A_824 = arith.constant 0 : i32
        %scatter3A_825 = tpu.memref_slice %arg10[%scatter3A_822, %scatter3A_823, %scatter3A_824] : memref<2x64x128xf32, #tpu.memory_space<vmem>> -> memref<1x64x128xf32, #tpu.memory_space<vmem>>
        %scatter3A_826 = tpu.memref_squeeze %scatter3A_825 : memref<1x64x128xf32, #tpu.memory_space<vmem>> -> memref<64x128xf32, #tpu.memory_space<vmem>>
        tpu.vector_store_idx %scatter3A_826[%add3A_812, %add3A_550], %add3A_821 : memref<64x128xf32, #tpu.memory_space<vmem>>[vector<16xi32>, vector<16xi32>], vector<16xf32>,
        %add3A_827 = arith.constant 32 : i32
        %add3A_828 = vector.broadcast %add3A_827 : i32 to vector<16xi32>
        %add3A_829 = arith.addi %and3A_794, %add3A_828 : vector<16xi32>
        %add3A_830 = arith.addi %mul3A_547, %add3A_829 : vector<16xi32>
        %gather3A_831 = arith.constant 1 : i32
        %gather3A_832 = arith.constant 0 : i32
        %gather3A_833 = arith.constant 0 : i32
        %gather3A_834 = tpu.memref_slice %arg9[%gather3A_831, %gather3A_832, %gather3A_833] : memref<2x128x128xf32, #tpu.memory_space<vmem>> -> memref<1x128x128xf32, #tpu.memory_space<vmem>>
        %gather3A_835 = tpu.memref_squeeze %gather3A_834 : memref<1x128x128xf32, #tpu.memory_space<vmem>> -> memref<128x128xf32, #tpu.memory_space<vmem>>
        %gather3A_836 = tpu.vector_load_idx %gather3A_835[%add3A_550, %add3A_830] : memref<128x128xf32, #tpu.memory_space<vmem>>[vector<16xi32>, vector<16xi32>], vector<16xf32>,
        %gather3A_837 = tpu.vector_load_idx %arg6[%add3A_829, %add3A_554] : memref<64x512xf32, #tpu.memory_space<vmem>>[vector<16xi32>, vector<16xi32>], vector<16xf32>,
        %add3A_838 = arith.addf %gather3A_836, %gather3A_837 : vector<16xf32>
        %scatter3A_839 = arith.constant 1 : i32
        %scatter3A_840 = arith.constant 0 : i32
        %scatter3A_841 = arith.constant 0 : i32
        %scatter3A_842 = tpu.memref_slice %arg10[%scatter3A_839, %scatter3A_840, %scatter3A_841] : memref<2x64x128xf32, #tpu.memory_space<vmem>> -> memref<1x64x128xf32, #tpu.memory_space<vmem>>
        %scatter3A_843 = tpu.memref_squeeze %scatter3A_842 : memref<1x64x128xf32, #tpu.memory_space<vmem>> -> memref<64x128xf32, #tpu.memory_space<vmem>>
        tpu.vector_store_idx %scatter3A_843[%add3A_829, %add3A_550], %add3A_838 : memref<64x128xf32, #tpu.memory_space<vmem>>[vector<16xi32>, vector<16xi32>], vector<16xf32>,
        %add3A_844 = arith.constant 48 : i32
        %add3A_845 = vector.broadcast %add3A_844 : i32 to vector<16xi32>
        %add3A_846 = arith.addi %and3A_794, %add3A_845 : vector<16xi32>
        %add3A_847 = arith.addi %mul3A_547, %add3A_846 : vector<16xi32>
        %gather3A_848 = arith.constant 1 : i32
        %gather3A_849 = arith.constant 0 : i32
        %gather3A_850 = arith.constant 0 : i32
        %gather3A_851 = tpu.memref_slice %arg9[%gather3A_848, %gather3A_849, %gather3A_850] : memref<2x128x128xf32, #tpu.memory_space<vmem>> -> memref<1x128x128xf32, #tpu.memory_space<vmem>>
        %gather3A_852 = tpu.memref_squeeze %gather3A_851 : memref<1x128x128xf32, #tpu.memory_space<vmem>> -> memref<128x128xf32, #tpu.memory_space<vmem>>
        %gather3A_853 = tpu.vector_load_idx %gather3A_852[%add3A_550, %add3A_847] : memref<128x128xf32, #tpu.memory_space<vmem>>[vector<16xi32>, vector<16xi32>], vector<16xf32>,
        %gather3A_854 = tpu.vector_load_idx %arg6[%add3A_846, %add3A_554] : memref<64x512xf32, #tpu.memory_space<vmem>>[vector<16xi32>, vector<16xi32>], vector<16xf32>,
        %add3A_855 = arith.addf %gather3A_853, %gather3A_854 : vector<16xf32>
        %scatter3A_856 = arith.constant 1 : i32
        %scatter3A_857 = arith.constant 0 : i32
        %scatter3A_858 = arith.constant 0 : i32
        %scatter3A_859 = tpu.memref_slice %arg10[%scatter3A_856, %scatter3A_857, %scatter3A_858] : memref<2x64x128xf32, #tpu.memory_space<vmem>> -> memref<1x64x128xf32, #tpu.memory_space<vmem>>
        %scatter3A_860 = tpu.memref_squeeze %scatter3A_859 : memref<1x64x128xf32, #tpu.memory_space<vmem>> -> memref<64x128xf32, #tpu.memory_space<vmem>>
        tpu.vector_store_idx %scatter3A_860[%add3A_846, %add3A_550], %add3A_855 : memref<64x128xf32, #tpu.memory_space<vmem>>[vector<16xi32>, vector<16xi32>], vector<16xf32>,
      }
      %scan3A_559 = arith.constant 16 : i32
      %get3A_560 = arith.constant 1 : i32
      %get3A_561 = arith.index_cast %get3A_560 : i32 to index
      %get3A_562 = arith.constant 16 : index
      %get3A_563 = tpu.vector_load %arg7[%get3A_561, %get3A_562] {strides = array<i32>} : memref<2x128xi32, #tpu.memory_space<vmem>>, vector<16xi32>,
      %and3A_564 = arith.constant 1 : i32
      %and3A_565 = vector.broadcast %and3A_564 : i32 to vector<16xi32>
      %and3A_566 = arith.andi %get3A_563, %and3A_565 : vector<16xi32>
      %mul3A_567 = arith.constant 64 : i32
      %mul3A_568 = vector.broadcast %mul3A_567 : i32 to vector<16xi32>
      %mul3A_569 = arith.muli %and3A_566, %mul3A_568 : vector<16xi32>
      %add3A_570 = arith.constant 16 : i32
      %add3A_571 = vector.broadcast %add3A_570 : i32 to vector<16xi32>
      %add3A_572 = arith.addi %iota3A_537, %add3A_571 : vector<16xi32>
      %add3A_573 = arith.constant 16 : i32
      %add3A_574 = arith.addi %mul3A_536, %add3A_573 : i32
      %add3A_575 = vector.broadcast %add3A_574 : i32 to vector<16xi32>
      %add3A_576 = arith.addi %iota3A_537, %add3A_575 : vector<16xi32>
      %scan3A_577 = arith.constant 0 : i32
      %scan3A_578 = arith.constant 16 : i32
      %scan3A_579 = arith.addi %scan3A_577, %scan3A_578 : i32
      %scan3A_580 = arith.constant 1 : i32
      scf.for %scan3A_785 = %scan3A_577 to %scan3A_579 step %scan3A_580  : i32 {
        %mul3A_786 = arith.constant 1 : i32
        %mul3A_787 = arith.muli %scan3A_785, %mul3A_786 : i32
        %add3A_788 = arith.constant 0 : i32
        %add3A_789 = arith.addi %add3A_788, %mul3A_787 : i32
        %add3A_790 = vector.broadcast %add3A_789 : i32 to vector<16xi32>
        %add3A_791 = arith.addi %iota3A_537, %add3A_790 : vector<16xi32>
        %and3A_792 = arith.constant 15 : i32
        %and3A_793 = vector.broadcast %and3A_792 : i32 to vector<16xi32>
        %and3A_794 = arith.andi %add3A_791, %and3A_793 : vector<16xi32>
        %add3A_795 = arith.constant 0 : i32
        %add3A_796 = vector.broadcast %add3A_795 : i32 to vector<16xi32>
        %add3A_797 = arith.addi %and3A_794, %add3A_796 : vector<16xi32>
        %add3A_798 = arith.addi %mul3A_569, %add3A_797 : vector<16xi32>
        %gather3A = arith.constant 1 : i32
        %gather3A_799 = arith.constant 0 : i32
        %gather3A_800 = arith.constant 0 : i32
        %gather3A_801 = tpu.memref_slice %arg9[%gather3A, %gather3A_799, %gather3A_800] : memref<2x128x128xf32, #tpu.memory_space<vmem>> -> memref<1x128x128xf32, #tpu.memory_space<vmem>>
        %gather3A_802 = tpu.memref_squeeze %gather3A_801 : memref<1x128x128xf32, #tpu.memory_space<vmem>> -> memref<128x128xf32, #tpu.memory_space<vmem>>
        %gather3A_803 = tpu.vector_load_idx %gather3A_802[%add3A_572, %add3A_798] : memref<128x128xf32, #tpu.memory_space<vmem>>[vector<16xi32>, vector<16xi32>], vector<16xf32>,
        %gather3A_804 = tpu.vector_load_idx %arg6[%add3A_797, %add3A_576] : memref<64x512xf32, #tpu.memory_space<vmem>>[vector<16xi32>, vector<16xi32>], vector<16xf32>,
        %add3A_805 = arith.addf %gather3A_803, %gather3A_804 : vector<16xf32>
        %scatter3A = arith.constant 1 : i32
        %scatter3A_806 = arith.constant 0 : i32
        %scatter3A_807 = arith.constant 0 : i32
        %scatter3A_808 = tpu.memref_slice %arg10[%scatter3A, %scatter3A_806, %scatter3A_807] : memref<2x64x128xf32, #tpu.memory_space<vmem>> -> memref<1x64x128xf32, #tpu.memory_space<vmem>>
        %scatter3A_809 = tpu.memref_squeeze %scatter3A_808 : memref<1x64x128xf32, #tpu.memory_space<vmem>> -> memref<64x128xf32, #tpu.memory_space<vmem>>
        tpu.vector_store_idx %scatter3A_809[%add3A_797, %add3A_572], %add3A_805 : memref<64x128xf32, #tpu.memory_space<vmem>>[vector<16xi32>, vector<16xi32>], vector<16xf32>,
        %add3A_810 = arith.constant 16 : i32
        %add3A_811 = vector.broadcast %add3A_810 : i32 to vector<16xi32>
        %add3A_812 = arith.addi %and3A_794, %add3A_811 : vector<16xi32>
        %add3A_813 = arith.addi %mul3A_569, %add3A_812 : vector<16xi32>
        %gather3A_814 = arith.constant 1 : i32
        %gather3A_815 = arith.constant 0 : i32
        %gather3A_816 = arith.constant 0 : i32
        %gather3A_817 = tpu.memref_slice %arg9[%gather3A_814, %gather3A_815, %gather3A_816] : memref<2x128x128xf32, #tpu.memory_space<vmem>> -> memref<1x128x128xf32, #tpu.memory_space<vmem>>
        %gather3A_818 = tpu.memref_squeeze %gather3A_817 : memref<1x128x128xf32, #tpu.memory_space<vmem>> -> memref<128x128xf32, #tpu.memory_space<vmem>>
        %gather3A_819 = tpu.vector_load_idx %gather3A_818[%add3A_572, %add3A_813] : memref<128x128xf32, #tpu.memory_space<vmem>>[vector<16xi32>, vector<16xi32>], vector<16xf32>,
        %gather3A_820 = tpu.vector_load_idx %arg6[%add3A_812, %add3A_576] : memref<64x512xf32, #tpu.memory_space<vmem>>[vector<16xi32>, vector<16xi32>], vector<16xf32>,
        %add3A_821 = arith.addf %gather3A_819, %gather3A_820 : vector<16xf32>
        %scatter3A_822 = arith.constant 1 : i32
        %scatter3A_823 = arith.constant 0 : i32
        %scatter3A_824 = arith.constant 0 : i32
        %scatter3A_825 = tpu.memref_slice %arg10[%scatter3A_822, %scatter3A_823, %scatter3A_824] : memref<2x64x128xf32, #tpu.memory_space<vmem>> -> memref<1x64x128xf32, #tpu.memory_space<vmem>>
        %scatter3A_826 = tpu.memref_squeeze %scatter3A_825 : memref<1x64x128xf32, #tpu.memory_space<vmem>> -> memref<64x128xf32, #tpu.memory_space<vmem>>
        tpu.vector_store_idx %scatter3A_826[%add3A_812, %add3A_572], %add3A_821 : memref<64x128xf32, #tpu.memory_space<vmem>>[vector<16xi32>, vector<16xi32>], vector<16xf32>,
        %add3A_827 = arith.constant 32 : i32
        %add3A_828 = vector.broadcast %add3A_827 : i32 to vector<16xi32>
        %add3A_829 = arith.addi %and3A_794, %add3A_828 : vector<16xi32>
        %add3A_830 = arith.addi %mul3A_569, %add3A_829 : vector<16xi32>
        %gather3A_831 = arith.constant 1 : i32
        %gather3A_832 = arith.constant 0 : i32
        %gather3A_833 = arith.constant 0 : i32
        %gather3A_834 = tpu.memref_slice %arg9[%gather3A_831, %gather3A_832, %gather3A_833] : memref<2x128x128xf32, #tpu.memory_space<vmem>> -> memref<1x128x128xf32, #tpu.memory_space<vmem>>
        %gather3A_835 = tpu.memref_squeeze %gather3A_834 : memref<1x128x128xf32, #tpu.memory_space<vmem>> -> memref<128x128xf32, #tpu.memory_space<vmem>>
        %gather3A_836 = tpu.vector_load_idx %gather3A_835[%add3A_572, %add3A_830] : memref<128x128xf32, #tpu.memory_space<vmem>>[vector<16xi32>, vector<16xi32>], vector<16xf32>,
        %gather3A_837 = tpu.vector_load_idx %arg6[%add3A_829, %add3A_576] : memref<64x512xf32, #tpu.memory_space<vmem>>[vector<16xi32>, vector<16xi32>], vector<16xf32>,
        %add3A_838 = arith.addf %gather3A_836, %gather3A_837 : vector<16xf32>
        %scatter3A_839 = arith.constant 1 : i32
        %scatter3A_840 = arith.constant 0 : i32
        %scatter3A_841 = arith.constant 0 : i32
        %scatter3A_842 = tpu.memref_slice %arg10[%scatter3A_839, %scatter3A_840, %scatter3A_841] : memref<2x64x128xf32, #tpu.memory_space<vmem>> -> memref<1x64x128xf32, #tpu.memory_space<vmem>>
        %scatter3A_843 = tpu.memref_squeeze %scatter3A_842 : memref<1x64x128xf32, #tpu.memory_space<vmem>> -> memref<64x128xf32, #tpu.memory_space<vmem>>
        tpu.vector_store_idx %scatter3A_843[%add3A_829, %add3A_572], %add3A_838 : memref<64x128xf32, #tpu.memory_space<vmem>>[vector<16xi32>, vector<16xi32>], vector<16xf32>,
        %add3A_844 = arith.constant 48 : i32
        %add3A_845 = vector.broadcast %add3A_844 : i32 to vector<16xi32>
        %add3A_846 = arith.addi %and3A_794, %add3A_845 : vector<16xi32>
        %add3A_847 = arith.addi %mul3A_569, %add3A_846 : vector<16xi32>
        %gather3A_848 = arith.constant 1 : i32
        %gather3A_849 = arith.constant 0 : i32
        %gather3A_850 = arith.constant 0 : i32
        %gather3A_851 = tpu.memref_slice %arg9[%gather3A_848, %gather3A_849, %gather3A_850] : memref<2x128x128xf32, #tpu.memory_space<vmem>> -> memref<1x128x128xf32, #tpu.memory_space<vmem>>
        %gather3A_852 = tpu.memref_squeeze %gather3A_851 : memref<1x128x128xf32, #tpu.memory_space<vmem>> -> memref<128x128xf32, #tpu.memory_space<vmem>>
        %gather3A_853 = tpu.vector_load_idx %gather3A_852[%add3A_572, %add3A_847] : memref<128x128xf32, #tpu.memory_space<vmem>>[vector<16xi32>, vector<16xi32>], vector<16xf32>,
        %gather3A_854 = tpu.vector_load_idx %arg6[%add3A_846, %add3A_576] : memref<64x512xf32, #tpu.memory_space<vmem>>[vector<16xi32>, vector<16xi32>], vector<16xf32>,
        %add3A_855 = arith.addf %gather3A_853, %gather3A_854 : vector<16xf32>
        %scatter3A_856 = arith.constant 1 : i32
        %scatter3A_857 = arith.constant 0 : i32
        %scatter3A_858 = arith.constant 0 : i32
        %scatter3A_859 = tpu.memref_slice %arg10[%scatter3A_856, %scatter3A_857, %scatter3A_858] : memref<2x64x128xf32, #tpu.memory_space<vmem>> -> memref<1x64x128xf32, #tpu.memory_space<vmem>>
        %scatter3A_860 = tpu.memref_squeeze %scatter3A_859 : memref<1x64x128xf32, #tpu.memory_space<vmem>> -> memref<64x128xf32, #tpu.memory_space<vmem>>
        tpu.vector_store_idx %scatter3A_860[%add3A_846, %add3A_572], %add3A_855 : memref<64x128xf32, #tpu.memory_space<vmem>>[vector<16xi32>, vector<16xi32>], vector<16xf32>,
      }
      %scan3A_581 = arith.constant 16 : i32
      %get3A_582 = arith.constant 1 : i32
      %get3A_583 = arith.index_cast %get3A_582 : i32 to index
      %get3A_584 = arith.constant 32 : index
      %get3A_585 = tpu.vector_load %arg7[%get3A_583, %get3A_584] {strides = array<i32>} : memref<2x128xi32, #tpu.memory_space<vmem>>, vector<16xi32>,
      %and3A_586 = arith.constant 1 : i32
      %and3A_587 = vector.broadcast %and3A_586 : i32 to vector<16xi32>
      %and3A_588 = arith.andi %get3A_585, %and3A_587 : vector<16xi32>
      %mul3A_589 = arith.constant 64 : i32
      %mul3A_590 = vector.broadcast %mul3A_589 : i32 to vector<16xi32>
      %mul3A_591 = arith.muli %and3A_588, %mul3A_590 : vector<16xi32>
      %add3A_592 = arith.constant 32 : i32
      %add3A_593 = vector.broadcast %add3A_592 : i32 to vector<16xi32>
      %add3A_594 = arith.addi %iota3A_537, %add3A_593 : vector<16xi32>
      %add3A_595 = arith.constant 32 : i32
      %add3A_596 = arith.addi %mul3A_536, %add3A_595 : i32
      %add3A_597 = vector.broadcast %add3A_596 : i32 to vector<16xi32>
      %add3A_598 = arith.addi %iota3A_537, %add3A_597 : vector<16xi32>
      %scan3A_599 = arith.constant 0 : i32
      %scan3A_600 = arith.constant 16 : i32
      %scan3A_601 = arith.addi %scan3A_599, %scan3A_600 : i32
      %scan3A_602 = arith.constant 1 : i32
      scf.for %scan3A_785 = %scan3A_599 to %scan3A_601 step %scan3A_602  : i32 {
        %mul3A_786 = arith.constant 1 : i32
        %mul3A_787 = arith.muli %scan3A_785, %mul3A_786 : i32
        %add3A_788 = arith.constant 0 : i32
        %add3A_789 = arith.addi %add3A_788, %mul3A_787 : i32
        %add3A_790 = vector.broadcast %add3A_789 : i32 to vector<16xi32>
        %add3A_791 = arith.addi %iota3A_537, %add3A_790 : vector<16xi32>
        %and3A_792 = arith.constant 15 : i32
        %and3A_793 = vector.broadcast %and3A_792 : i32 to vector<16xi32>
        %and3A_794 = arith.andi %add3A_791, %and3A_793 : vector<16xi32>
        %add3A_795 = arith.constant 0 : i32
        %add3A_796 = vector.broadcast %add3A_795 : i32 to vector<16xi32>
        %add3A_797 = arith.addi %and3A_794, %add3A_796 : vector<16xi32>
        %add3A_798 = arith.addi %mul3A_591, %add3A_797 : vector<16xi32>
        %gather3A = arith.constant 1 : i32
        %gather3A_799 = arith.constant 0 : i32
        %gather3A_800 = arith.constant 0 : i32
        %gather3A_801 = tpu.memref_slice %arg9[%gather3A, %gather3A_799, %gather3A_800] : memref<2x128x128xf32, #tpu.memory_space<vmem>> -> memref<1x128x128xf32, #tpu.memory_space<vmem>>
        %gather3A_802 = tpu.memref_squeeze %gather3A_801 : memref<1x128x128xf32, #tpu.memory_space<vmem>> -> memref<128x128xf32, #tpu.memory_space<vmem>>
        %gather3A_803 = tpu.vector_load_idx %gather3A_802[%add3A_594, %add3A_798] : memref<128x128xf32, #tpu.memory_space<vmem>>[vector<16xi32>, vector<16xi32>], vector<16xf32>,
        %gather3A_804 = tpu.vector_load_idx %arg6[%add3A_797, %add3A_598] : memref<64x512xf32, #tpu.memory_space<vmem>>[vector<16xi32>, vector<16xi32>], vector<16xf32>,
        %add3A_805 = arith.addf %gather3A_803, %gather3A_804 : vector<16xf32>
        %scatter3A = arith.constant 1 : i32
        %scatter3A_806 = arith.constant 0 : i32
        %scatter3A_807 = arith.constant 0 : i32
        %scatter3A_808 = tpu.memref_slice %arg10[%scatter3A, %scatter3A_806, %scatter3A_807] : memref<2x64x128xf32, #tpu.memory_space<vmem>> -> memref<1x64x128xf32, #tpu.memory_space<vmem>>
        %scatter3A_809 = tpu.memref_squeeze %scatter3A_808 : memref<1x64x128xf32, #tpu.memory_space<vmem>> -> memref<64x128xf32, #tpu.memory_space<vmem>>
        tpu.vector_store_idx %scatter3A_809[%add3A_797, %add3A_594], %add3A_805 : memref<64x128xf32, #tpu.memory_space<vmem>>[vector<16xi32>, vector<16xi32>], vector<16xf32>,
        %add3A_810 = arith.constant 16 : i32
        %add3A_811 = vector.broadcast %add3A_810 : i32 to vector<16xi32>
        %add3A_812 = arith.addi %and3A_794, %add3A_811 : vector<16xi32>
        %add3A_813 = arith.addi %mul3A_591, %add3A_812 : vector<16xi32>
        %gather3A_814 = arith.constant 1 : i32
        %gather3A_815 = arith.constant 0 : i32
        %gather3A_816 = arith.constant 0 : i32
        %gather3A_817 = tpu.memref_slice %arg9[%gather3A_814, %gather3A_815, %gather3A_816] : memref<2x128x128xf32, #tpu.memory_space<vmem>> -> memref<1x128x128xf32, #tpu.memory_space<vmem>>
        %gather3A_818 = tpu.memref_squeeze %gather3A_817 : memref<1x128x128xf32, #tpu.memory_space<vmem>> -> memref<128x128xf32, #tpu.memory_space<vmem>>
        %gather3A_819 = tpu.vector_load_idx %gather3A_818[%add3A_594, %add3A_813] : memref<128x128xf32, #tpu.memory_space<vmem>>[vector<16xi32>, vector<16xi32>], vector<16xf32>,
        %gather3A_820 = tpu.vector_load_idx %arg6[%add3A_812, %add3A_598] : memref<64x512xf32, #tpu.memory_space<vmem>>[vector<16xi32>, vector<16xi32>], vector<16xf32>,
        %add3A_821 = arith.addf %gather3A_819, %gather3A_820 : vector<16xf32>
        %scatter3A_822 = arith.constant 1 : i32
        %scatter3A_823 = arith.constant 0 : i32
        %scatter3A_824 = arith.constant 0 : i32
        %scatter3A_825 = tpu.memref_slice %arg10[%scatter3A_822, %scatter3A_823, %scatter3A_824] : memref<2x64x128xf32, #tpu.memory_space<vmem>> -> memref<1x64x128xf32, #tpu.memory_space<vmem>>
        %scatter3A_826 = tpu.memref_squeeze %scatter3A_825 : memref<1x64x128xf32, #tpu.memory_space<vmem>> -> memref<64x128xf32, #tpu.memory_space<vmem>>
        tpu.vector_store_idx %scatter3A_826[%add3A_812, %add3A_594], %add3A_821 : memref<64x128xf32, #tpu.memory_space<vmem>>[vector<16xi32>, vector<16xi32>], vector<16xf32>,
        %add3A_827 = arith.constant 32 : i32
        %add3A_828 = vector.broadcast %add3A_827 : i32 to vector<16xi32>
        %add3A_829 = arith.addi %and3A_794, %add3A_828 : vector<16xi32>
        %add3A_830 = arith.addi %mul3A_591, %add3A_829 : vector<16xi32>
        %gather3A_831 = arith.constant 1 : i32
        %gather3A_832 = arith.constant 0 : i32
        %gather3A_833 = arith.constant 0 : i32
        %gather3A_834 = tpu.memref_slice %arg9[%gather3A_831, %gather3A_832, %gather3A_833] : memref<2x128x128xf32, #tpu.memory_space<vmem>> -> memref<1x128x128xf32, #tpu.memory_space<vmem>>
        %gather3A_835 = tpu.memref_squeeze %gather3A_834 : memref<1x128x128xf32, #tpu.memory_space<vmem>> -> memref<128x128xf32, #tpu.memory_space<vmem>>
        %gather3A_836 = tpu.vector_load_idx %gather3A_835[%add3A_594, %add3A_830] : memref<128x128xf32, #tpu.memory_space<vmem>>[vector<16xi32>, vector<16xi32>], vector<16xf32>,
        %gather3A_837 = tpu.vector_load_idx %arg6[%add3A_829, %add3A_598] : memref<64x512xf32, #tpu.memory_space<vmem>>[vector<16xi32>, vector<16xi32>], vector<16xf32>,
        %add3A_838 = arith.addf %gather3A_836, %gather3A_837 : vector<16xf32>
        %scatter3A_839 = arith.constant 1 : i32
        %scatter3A_840 = arith.constant 0 : i32
        %scatter3A_841 = arith.constant 0 : i32
        %scatter3A_842 = tpu.memref_slice %arg10[%scatter3A_839, %scatter3A_840, %scatter3A_841] : memref<2x64x128xf32, #tpu.memory_space<vmem>> -> memref<1x64x128xf32, #tpu.memory_space<vmem>>
        %scatter3A_843 = tpu.memref_squeeze %scatter3A_842 : memref<1x64x128xf32, #tpu.memory_space<vmem>> -> memref<64x128xf32, #tpu.memory_space<vmem>>
        tpu.vector_store_idx %scatter3A_843[%add3A_829, %add3A_594], %add3A_838 : memref<64x128xf32, #tpu.memory_space<vmem>>[vector<16xi32>, vector<16xi32>], vector<16xf32>,
        %add3A_844 = arith.constant 48 : i32
        %add3A_845 = vector.broadcast %add3A_844 : i32 to vector<16xi32>
        %add3A_846 = arith.addi %and3A_794, %add3A_845 : vector<16xi32>
        %add3A_847 = arith.addi %mul3A_591, %add3A_846 : vector<16xi32>
        %gather3A_848 = arith.constant 1 : i32
        %gather3A_849 = arith.constant 0 : i32
        %gather3A_850 = arith.constant 0 : i32
        %gather3A_851 = tpu.memref_slice %arg9[%gather3A_848, %gather3A_849, %gather3A_850] : memref<2x128x128xf32, #tpu.memory_space<vmem>> -> memref<1x128x128xf32, #tpu.memory_space<vmem>>
        %gather3A_852 = tpu.memref_squeeze %gather3A_851 : memref<1x128x128xf32, #tpu.memory_space<vmem>> -> memref<128x128xf32, #tpu.memory_space<vmem>>
        %gather3A_853 = tpu.vector_load_idx %gather3A_852[%add3A_594, %add3A_847] : memref<128x128xf32, #tpu.memory_space<vmem>>[vector<16xi32>, vector<16xi32>], vector<16xf32>,
        %gather3A_854 = tpu.vector_load_idx %arg6[%add3A_846, %add3A_598] : memref<64x512xf32, #tpu.memory_space<vmem>>[vector<16xi32>, vector<16xi32>], vector<16xf32>,
        %add3A_855 = arith.addf %gather3A_853, %gather3A_854 : vector<16xf32>
        %scatter3A_856 = arith.constant 1 : i32
        %scatter3A_857 = arith.constant 0 : i32
        %scatter3A_858 = arith.constant 0 : i32
        %scatter3A_859 = tpu.memref_slice %arg10[%scatter3A_856, %scatter3A_857, %scatter3A_858] : memref<2x64x128xf32, #tpu.memory_space<vmem>> -> memref<1x64x128xf32, #tpu.memory_space<vmem>>
        %scatter3A_860 = tpu.memref_squeeze %scatter3A_859 : memref<1x64x128xf32, #tpu.memory_space<vmem>> -> memref<64x128xf32, #tpu.memory_space<vmem>>
        tpu.vector_store_idx %scatter3A_860[%add3A_846, %add3A_594], %add3A_855 : memref<64x128xf32, #tpu.memory_space<vmem>>[vector<16xi32>, vector<16xi32>], vector<16xf32>,
      }
      %scan3A_603 = arith.constant 16 : i32
      %get3A_604 = arith.constant 1 : i32
      %get3A_605 = arith.index_cast %get3A_604 : i32 to index
      %get3A_606 = arith.constant 48 : index
      %get3A_607 = tpu.vector_load %arg7[%get3A_605, %get3A_606] {strides = array<i32>} : memref<2x128xi32, #tpu.memory_space<vmem>>, vector<16xi32>,
      %and3A_608 = arith.constant 1 : i32
      %and3A_609 = vector.broadcast %and3A_608 : i32 to vector<16xi32>
      %and3A_610 = arith.andi %get3A_607, %and3A_609 : vector<16xi32>
      %mul3A_611 = arith.constant 64 : i32
      %mul3A_612 = vector.broadcast %mul3A_611 : i32 to vector<16xi32>
      %mul3A_613 = arith.muli %and3A_610, %mul3A_612 : vector<16xi32>
      %add3A_614 = arith.constant 48 : i32
      %add3A_615 = vector.broadcast %add3A_614 : i32 to vector<16xi32>
      %add3A_616 = arith.addi %iota3A_537, %add3A_615 : vector<16xi32>
      %add3A_617 = arith.constant 48 : i32
      %add3A_618 = arith.addi %mul3A_536, %add3A_617 : i32
      %add3A_619 = vector.broadcast %add3A_618 : i32 to vector<16xi32>
      %add3A_620 = arith.addi %iota3A_537, %add3A_619 : vector<16xi32>
      %scan3A_621 = arith.constant 0 : i32
      %scan3A_622 = arith.constant 16 : i32
      %scan3A_623 = arith.addi %scan3A_621, %scan3A_622 : i32
      %scan3A_624 = arith.constant 1 : i32
      scf.for %scan3A_785 = %scan3A_621 to %scan3A_623 step %scan3A_624  : i32 {
        %mul3A_786 = arith.constant 1 : i32
        %mul3A_787 = arith.muli %scan3A_785, %mul3A_786 : i32
        %add3A_788 = arith.constant 0 : i32
        %add3A_789 = arith.addi %add3A_788, %mul3A_787 : i32
        %add3A_790 = vector.broadcast %add3A_789 : i32 to vector<16xi32>
        %add3A_791 = arith.addi %iota3A_537, %add3A_790 : vector<16xi32>
        %and3A_792 = arith.constant 15 : i32
        %and3A_793 = vector.broadcast %and3A_792 : i32 to vector<16xi32>
        %and3A_794 = arith.andi %add3A_791, %and3A_793 : vector<16xi32>
        %add3A_795 = arith.constant 0 : i32
        %add3A_796 = vector.broadcast %add3A_795 : i32 to vector<16xi32>
        %add3A_797 = arith.addi %and3A_794, %add3A_796 : vector<16xi32>
        %add3A_798 = arith.addi %mul3A_613, %add3A_797 : vector<16xi32>
        %gather3A = arith.constant 1 : i32
        %gather3A_799 = arith.constant 0 : i32
        %gather3A_800 = arith.constant 0 : i32
        %gather3A_801 = tpu.memref_slice %arg9[%gather3A, %gather3A_799, %gather3A_800] : memref<2x128x128xf32, #tpu.memory_space<vmem>> -> memref<1x128x128xf32, #tpu.memory_space<vmem>>
        %gather3A_802 = tpu.memref_squeeze %gather3A_801 : memref<1x128x128xf32, #tpu.memory_space<vmem>> -> memref<128x128xf32, #tpu.memory_space<vmem>>
        %gather3A_803 = tpu.vector_load_idx %gather3A_802[%add3A_616, %add3A_798] : memref<128x128xf32, #tpu.memory_space<vmem>>[vector<16xi32>, vector<16xi32>], vector<16xf32>,
        %gather3A_804 = tpu.vector_load_idx %arg6[%add3A_797, %add3A_620] : memref<64x512xf32, #tpu.memory_space<vmem>>[vector<16xi32>, vector<16xi32>], vector<16xf32>,
        %add3A_805 = arith.addf %gather3A_803, %gather3A_804 : vector<16xf32>
        %scatter3A = arith.constant 1 : i32
        %scatter3A_806 = arith.constant 0 : i32
        %scatter3A_807 = arith.constant 0 : i32
        %scatter3A_808 = tpu.memref_slice %arg10[%scatter3A, %scatter3A_806, %scatter3A_807] : memref<2x64x128xf32, #tpu.memory_space<vmem>> -> memref<1x64x128xf32, #tpu.memory_space<vmem>>
        %scatter3A_809 = tpu.memref_squeeze %scatter3A_808 : memref<1x64x128xf32, #tpu.memory_space<vmem>> -> memref<64x128xf32, #tpu.memory_space<vmem>>
        tpu.vector_store_idx %scatter3A_809[%add3A_797, %add3A_616], %add3A_805 : memref<64x128xf32, #tpu.memory_space<vmem>>[vector<16xi32>, vector<16xi32>], vector<16xf32>,
        %add3A_810 = arith.constant 16 : i32
        %add3A_811 = vector.broadcast %add3A_810 : i32 to vector<16xi32>
        %add3A_812 = arith.addi %and3A_794, %add3A_811 : vector<16xi32>
        %add3A_813 = arith.addi %mul3A_613, %add3A_812 : vector<16xi32>
        %gather3A_814 = arith.constant 1 : i32
        %gather3A_815 = arith.constant 0 : i32
        %gather3A_816 = arith.constant 0 : i32
        %gather3A_817 = tpu.memref_slice %arg9[%gather3A_814, %gather3A_815, %gather3A_816] : memref<2x128x128xf32, #tpu.memory_space<vmem>> -> memref<1x128x128xf32, #tpu.memory_space<vmem>>
        %gather3A_818 = tpu.memref_squeeze %gather3A_817 : memref<1x128x128xf32, #tpu.memory_space<vmem>> -> memref<128x128xf32, #tpu.memory_space<vmem>>
        %gather3A_819 = tpu.vector_load_idx %gather3A_818[%add3A_616, %add3A_813] : memref<128x128xf32, #tpu.memory_space<vmem>>[vector<16xi32>, vector<16xi32>], vector<16xf32>,
        %gather3A_820 = tpu.vector_load_idx %arg6[%add3A_812, %add3A_620] : memref<64x512xf32, #tpu.memory_space<vmem>>[vector<16xi32>, vector<16xi32>], vector<16xf32>,
        %add3A_821 = arith.addf %gather3A_819, %gather3A_820 : vector<16xf32>
        %scatter3A_822 = arith.constant 1 : i32
        %scatter3A_823 = arith.constant 0 : i32
        %scatter3A_824 = arith.constant 0 : i32
        %scatter3A_825 = tpu.memref_slice %arg10[%scatter3A_822, %scatter3A_823, %scatter3A_824] : memref<2x64x128xf32, #tpu.memory_space<vmem>> -> memref<1x64x128xf32, #tpu.memory_space<vmem>>
        %scatter3A_826 = tpu.memref_squeeze %scatter3A_825 : memref<1x64x128xf32, #tpu.memory_space<vmem>> -> memref<64x128xf32, #tpu.memory_space<vmem>>
        tpu.vector_store_idx %scatter3A_826[%add3A_812, %add3A_616], %add3A_821 : memref<64x128xf32, #tpu.memory_space<vmem>>[vector<16xi32>, vector<16xi32>], vector<16xf32>,
        %add3A_827 = arith.constant 32 : i32
        %add3A_828 = vector.broadcast %add3A_827 : i32 to vector<16xi32>
        %add3A_829 = arith.addi %and3A_794, %add3A_828 : vector<16xi32>
        %add3A_830 = arith.addi %mul3A_613, %add3A_829 : vector<16xi32>
        %gather3A_831 = arith.constant 1 : i32
        %gather3A_832 = arith.constant 0 : i32
        %gather3A_833 = arith.constant 0 : i32
        %gather3A_834 = tpu.memref_slice %arg9[%gather3A_831, %gather3A_832, %gather3A_833] : memref<2x128x128xf32, #tpu.memory_space<vmem>> -> memref<1x128x128xf32, #tpu.memory_space<vmem>>
        %gather3A_835 = tpu.memref_squeeze %gather3A_834 : memref<1x128x128xf32, #tpu.memory_space<vmem>> -> memref<128x128xf32, #tpu.memory_space<vmem>>
        %gather3A_836 = tpu.vector_load_idx %gather3A_835[%add3A_616, %add3A_830] : memref<128x128xf32, #tpu.memory_space<vmem>>[vector<16xi32>, vector<16xi32>], vector<16xf32>,
        %gather3A_837 = tpu.vector_load_idx %arg6[%add3A_829, %add3A_620] : memref<64x512xf32, #tpu.memory_space<vmem>>[vector<16xi32>, vector<16xi32>], vector<16xf32>,
        %add3A_838 = arith.addf %gather3A_836, %gather3A_837 : vector<16xf32>
        %scatter3A_839 = arith.constant 1 : i32
        %scatter3A_840 = arith.constant 0 : i32
        %scatter3A_841 = arith.constant 0 : i32
        %scatter3A_842 = tpu.memref_slice %arg10[%scatter3A_839, %scatter3A_840, %scatter3A_841] : memref<2x64x128xf32, #tpu.memory_space<vmem>> -> memref<1x64x128xf32, #tpu.memory_space<vmem>>
        %scatter3A_843 = tpu.memref_squeeze %scatter3A_842 : memref<1x64x128xf32, #tpu.memory_space<vmem>> -> memref<64x128xf32, #tpu.memory_space<vmem>>
        tpu.vector_store_idx %scatter3A_843[%add3A_829, %add3A_616], %add3A_838 : memref<64x128xf32, #tpu.memory_space<vmem>>[vector<16xi32>, vector<16xi32>], vector<16xf32>,
        %add3A_844 = arith.constant 48 : i32
        %add3A_845 = vector.broadcast %add3A_844 : i32 to vector<16xi32>
        %add3A_846 = arith.addi %and3A_794, %add3A_845 : vector<16xi32>
        %add3A_847 = arith.addi %mul3A_613, %add3A_846 : vector<16xi32>
        %gather3A_848 = arith.constant 1 : i32
        %gather3A_849 = arith.constant 0 : i32
        %gather3A_850 = arith.constant 0 : i32
        %gather3A_851 = tpu.memref_slice %arg9[%gather3A_848, %gather3A_849, %gather3A_850] : memref<2x128x128xf32, #tpu.memory_space<vmem>> -> memref<1x128x128xf32, #tpu.memory_space<vmem>>
        %gather3A_852 = tpu.memref_squeeze %gather3A_851 : memref<1x128x128xf32, #tpu.memory_space<vmem>> -> memref<128x128xf32, #tpu.memory_space<vmem>>
        %gather3A_853 = tpu.vector_load_idx %gather3A_852[%add3A_616, %add3A_847] : memref<128x128xf32, #tpu.memory_space<vmem>>[vector<16xi32>, vector<16xi32>], vector<16xf32>,
        %gather3A_854 = tpu.vector_load_idx %arg6[%add3A_846, %add3A_620] : memref<64x512xf32, #tpu.memory_space<vmem>>[vector<16xi32>, vector<16xi32>], vector<16xf32>,
        %add3A_855 = arith.addf %gather3A_853, %gather3A_854 : vector<16xf32>
        %scatter3A_856 = arith.constant 1 : i32
        %scatter3A_857 = arith.constant 0 : i32
        %scatter3A_858 = arith.constant 0 : i32
        %scatter3A_859 = tpu.memref_slice %arg10[%scatter3A_856, %scatter3A_857, %scatter3A_858] : memref<2x64x128xf32, #tpu.memory_space<vmem>> -> memref<1x64x128xf32, #tpu.memory_space<vmem>>
        %scatter3A_860 = tpu.memref_squeeze %scatter3A_859 : memref<1x64x128xf32, #tpu.memory_space<vmem>> -> memref<64x128xf32, #tpu.memory_space<vmem>>
        tpu.vector_store_idx %scatter3A_860[%add3A_846, %add3A_616], %add3A_855 : memref<64x128xf32, #tpu.memory_space<vmem>>[vector<16xi32>, vector<16xi32>], vector<16xf32>,
      }
      %scan3A_625 = arith.constant 16 : i32
      %get3A_626 = arith.constant 1 : i32
      %get3A_627 = arith.index_cast %get3A_626 : i32 to index
      %get3A_628 = arith.constant 64 : index
      %get3A_629 = tpu.vector_load %arg7[%get3A_627, %get3A_628] {strides = array<i32>} : memref<2x128xi32, #tpu.memory_space<vmem>>, vector<16xi32>,
      %and3A_630 = arith.constant 1 : i32
      %and3A_631 = vector.broadcast %and3A_630 : i32 to vector<16xi32>
      %and3A_632 = arith.andi %get3A_629, %and3A_631 : vector<16xi32>
      %mul3A_633 = arith.constant 64 : i32
      %mul3A_634 = vector.broadcast %mul3A_633 : i32 to vector<16xi32>
      %mul3A_635 = arith.muli %and3A_632, %mul3A_634 : vector<16xi32>
      %add3A_636 = arith.constant 64 : i32
      %add3A_637 = vector.broadcast %add3A_636 : i32 to vector<16xi32>
      %add3A_638 = arith.addi %iota3A_537, %add3A_637 : vector<16xi32>
      %add3A_639 = arith.constant 64 : i32
      %add3A_640 = arith.addi %mul3A_536, %add3A_639 : i32
      %add3A_641 = vector.broadcast %add3A_640 : i32 to vector<16xi32>
      %add3A_642 = arith.addi %iota3A_537, %add3A_641 : vector<16xi32>
      %scan3A_643 = arith.constant 0 : i32
      %scan3A_644 = arith.constant 16 : i32
      %scan3A_645 = arith.addi %scan3A_643, %scan3A_644 : i32
      %scan3A_646 = arith.constant 1 : i32
      scf.for %scan3A_785 = %scan3A_643 to %scan3A_645 step %scan3A_646  : i32 {
        %mul3A_786 = arith.constant 1 : i32
        %mul3A_787 = arith.muli %scan3A_785, %mul3A_786 : i32
        %add3A_788 = arith.constant 0 : i32
        %add3A_789 = arith.addi %add3A_788, %mul3A_787 : i32
        %add3A_790 = vector.broadcast %add3A_789 : i32 to vector<16xi32>
        %add3A_791 = arith.addi %iota3A_537, %add3A_790 : vector<16xi32>
        %and3A_792 = arith.constant 15 : i32
        %and3A_793 = vector.broadcast %and3A_792 : i32 to vector<16xi32>
        %and3A_794 = arith.andi %add3A_791, %and3A_793 : vector<16xi32>
        %add3A_795 = arith.constant 0 : i32
        %add3A_796 = vector.broadcast %add3A_795 : i32 to vector<16xi32>
        %add3A_797 = arith.addi %and3A_794, %add3A_796 : vector<16xi32>
        %add3A_798 = arith.addi %mul3A_635, %add3A_797 : vector<16xi32>
        %gather3A = arith.constant 1 : i32
        %gather3A_799 = arith.constant 0 : i32
        %gather3A_800 = arith.constant 0 : i32
        %gather3A_801 = tpu.memref_slice %arg9[%gather3A, %gather3A_799, %gather3A_800] : memref<2x128x128xf32, #tpu.memory_space<vmem>> -> memref<1x128x128xf32, #tpu.memory_space<vmem>>
        %gather3A_802 = tpu.memref_squeeze %gather3A_801 : memref<1x128x128xf32, #tpu.memory_space<vmem>> -> memref<128x128xf32, #tpu.memory_space<vmem>>
        %gather3A_803 = tpu.vector_load_idx %gather3A_802[%add3A_638, %add3A_798] : memref<128x128xf32, #tpu.memory_space<vmem>>[vector<16xi32>, vector<16xi32>], vector<16xf32>,
        %gather3A_804 = tpu.vector_load_idx %arg6[%add3A_797, %add3A_642] : memref<64x512xf32, #tpu.memory_space<vmem>>[vector<16xi32>, vector<16xi32>], vector<16xf32>,
        %add3A_805 = arith.addf %gather3A_803, %gather3A_804 : vector<16xf32>
        %scatter3A = arith.constant 1 : i32
        %scatter3A_806 = arith.constant 0 : i32
        %scatter3A_807 = arith.constant 0 : i32
        %scatter3A_808 = tpu.memref_slice %arg10[%scatter3A, %scatter3A_806, %scatter3A_807] : memref<2x64x128xf32, #tpu.memory_space<vmem>> -> memref<1x64x128xf32, #tpu.memory_space<vmem>>
        %scatter3A_809 = tpu.memref_squeeze %scatter3A_808 : memref<1x64x128xf32, #tpu.memory_space<vmem>> -> memref<64x128xf32, #tpu.memory_space<vmem>>
        tpu.vector_store_idx %scatter3A_809[%add3A_797, %add3A_638], %add3A_805 : memref<64x128xf32, #tpu.memory_space<vmem>>[vector<16xi32>, vector<16xi32>], vector<16xf32>,
        %add3A_810 = arith.constant 16 : i32
        %add3A_811 = vector.broadcast %add3A_810 : i32 to vector<16xi32>
        %add3A_812 = arith.addi %and3A_794, %add3A_811 : vector<16xi32>
        %add3A_813 = arith.addi %mul3A_635, %add3A_812 : vector<16xi32>
        %gather3A_814 = arith.constant 1 : i32
        %gather3A_815 = arith.constant 0 : i32
        %gather3A_816 = arith.constant 0 : i32
        %gather3A_817 = tpu.memref_slice %arg9[%gather3A_814, %gather3A_815, %gather3A_816] : memref<2x128x128xf32, #tpu.memory_space<vmem>> -> memref<1x128x128xf32, #tpu.memory_space<vmem>>
        %gather3A_818 = tpu.memref_squeeze %gather3A_817 : memref<1x128x128xf32, #tpu.memory_space<vmem>> -> memref<128x128xf32, #tpu.memory_space<vmem>>
        %gather3A_819 = tpu.vector_load_idx %gather3A_818[%add3A_638, %add3A_813] : memref<128x128xf32, #tpu.memory_space<vmem>>[vector<16xi32>, vector<16xi32>], vector<16xf32>,
        %gather3A_820 = tpu.vector_load_idx %arg6[%add3A_812, %add3A_642] : memref<64x512xf32, #tpu.memory_space<vmem>>[vector<16xi32>, vector<16xi32>], vector<16xf32>,
        %add3A_821 = arith.addf %gather3A_819, %gather3A_820 : vector<16xf32>
        %scatter3A_822 = arith.constant 1 : i32
        %scatter3A_823 = arith.constant 0 : i32
        %scatter3A_824 = arith.constant 0 : i32
        %scatter3A_825 = tpu.memref_slice %arg10[%scatter3A_822, %scatter3A_823, %scatter3A_824] : memref<2x64x128xf32, #tpu.memory_space<vmem>> -> memref<1x64x128xf32, #tpu.memory_space<vmem>>
        %scatter3A_826 = tpu.memref_squeeze %scatter3A_825 : memref<1x64x128xf32, #tpu.memory_space<vmem>> -> memref<64x128xf32, #tpu.memory_space<vmem>>
        tpu.vector_store_idx %scatter3A_826[%add3A_812, %add3A_638], %add3A_821 : memref<64x128xf32, #tpu.memory_space<vmem>>[vector<16xi32>, vector<16xi32>], vector<16xf32>,
        %add3A_827 = arith.constant 32 : i32
        %add3A_828 = vector.broadcast %add3A_827 : i32 to vector<16xi32>
        %add3A_829 = arith.addi %and3A_794, %add3A_828 : vector<16xi32>
        %add3A_830 = arith.addi %mul3A_635, %add3A_829 : vector<16xi32>
        %gather3A_831 = arith.constant 1 : i32
        %gather3A_832 = arith.constant 0 : i32
        %gather3A_833 = arith.constant 0 : i32
        %gather3A_834 = tpu.memref_slice %arg9[%gather3A_831, %gather3A_832, %gather3A_833] : memref<2x128x128xf32, #tpu.memory_space<vmem>> -> memref<1x128x128xf32, #tpu.memory_space<vmem>>
        %gather3A_835 = tpu.memref_squeeze %gather3A_834 : memref<1x128x128xf32, #tpu.memory_space<vmem>> -> memref<128x128xf32, #tpu.memory_space<vmem>>
        %gather3A_836 = tpu.vector_load_idx %gather3A_835[%add3A_638, %add3A_830] : memref<128x128xf32, #tpu.memory_space<vmem>>[vector<16xi32>, vector<16xi32>], vector<16xf32>,
        %gather3A_837 = tpu.vector_load_idx %arg6[%add3A_829, %add3A_642] : memref<64x512xf32, #tpu.memory_space<vmem>>[vector<16xi32>, vector<16xi32>], vector<16xf32>,
        %add3A_838 = arith.addf %gather3A_836, %gather3A_837 : vector<16xf32>
        %scatter3A_839 = arith.constant 1 : i32
        %scatter3A_840 = arith.constant 0 : i32
        %scatter3A_841 = arith.constant 0 : i32
        %scatter3A_842 = tpu.memref_slice %arg10[%scatter3A_839, %scatter3A_840, %scatter3A_841] : memref<2x64x128xf32, #tpu.memory_space<vmem>> -> memref<1x64x128xf32, #tpu.memory_space<vmem>>
        %scatter3A_843 = tpu.memref_squeeze %scatter3A_842 : memref<1x64x128xf32, #tpu.memory_space<vmem>> -> memref<64x128xf32, #tpu.memory_space<vmem>>
        tpu.vector_store_idx %scatter3A_843[%add3A_829, %add3A_638], %add3A_838 : memref<64x128xf32, #tpu.memory_space<vmem>>[vector<16xi32>, vector<16xi32>], vector<16xf32>,
        %add3A_844 = arith.constant 48 : i32
        %add3A_845 = vector.broadcast %add3A_844 : i32 to vector<16xi32>
        %add3A_846 = arith.addi %and3A_794, %add3A_845 : vector<16xi32>
        %add3A_847 = arith.addi %mul3A_635, %add3A_846 : vector<16xi32>
        %gather3A_848 = arith.constant 1 : i32
        %gather3A_849 = arith.constant 0 : i32
        %gather3A_850 = arith.constant 0 : i32
        %gather3A_851 = tpu.memref_slice %arg9[%gather3A_848, %gather3A_849, %gather3A_850] : memref<2x128x128xf32, #tpu.memory_space<vmem>> -> memref<1x128x128xf32, #tpu.memory_space<vmem>>
        %gather3A_852 = tpu.memref_squeeze %gather3A_851 : memref<1x128x128xf32, #tpu.memory_space<vmem>> -> memref<128x128xf32, #tpu.memory_space<vmem>>
        %gather3A_853 = tpu.vector_load_idx %gather3A_852[%add3A_638, %add3A_847] : memref<128x128xf32, #tpu.memory_space<vmem>>[vector<16xi32>, vector<16xi32>], vector<16xf32>,
        %gather3A_854 = tpu.vector_load_idx %arg6[%add3A_846, %add3A_642] : memref<64x512xf32, #tpu.memory_space<vmem>>[vector<16xi32>, vector<16xi32>], vector<16xf32>,
        %add3A_855 = arith.addf %gather3A_853, %gather3A_854 : vector<16xf32>
        %scatter3A_856 = arith.constant 1 : i32
        %scatter3A_857 = arith.constant 0 : i32
        %scatter3A_858 = arith.constant 0 : i32
        %scatter3A_859 = tpu.memref_slice %arg10[%scatter3A_856, %scatter3A_857, %scatter3A_858] : memref<2x64x128xf32, #tpu.memory_space<vmem>> -> memref<1x64x128xf32, #tpu.memory_space<vmem>>
        %scatter3A_860 = tpu.memref_squeeze %scatter3A_859 : memref<1x64x128xf32, #tpu.memory_space<vmem>> -> memref<64x128xf32, #tpu.memory_space<vmem>>
        tpu.vector_store_idx %scatter3A_860[%add3A_846, %add3A_638], %add3A_855 : memref<64x128xf32, #tpu.memory_space<vmem>>[vector<16xi32>, vector<16xi32>], vector<16xf32>,
      }
      %scan3A_647 = arith.constant 16 : i32
      %get3A_648 = arith.constant 1 : i32
      %get3A_649 = arith.index_cast %get3A_648 : i32 to index
      %get3A_650 = arith.constant 80 : index
      %get3A_651 = tpu.vector_load %arg7[%get3A_649, %get3A_650] {strides = array<i32>} : memref<2x128xi32, #tpu.memory_space<vmem>>, vector<16xi32>,
      %and3A_652 = arith.constant 1 : i32
      %and3A_653 = vector.broadcast %and3A_652 : i32 to vector<16xi32>
      %and3A_654 = arith.andi %get3A_651, %and3A_653 : vector<16xi32>
      %mul3A_655 = arith.constant 64 : i32
      %mul3A_656 = vector.broadcast %mul3A_655 : i32 to vector<16xi32>
      %mul3A_657 = arith.muli %and3A_654, %mul3A_656 : vector<16xi32>
      %add3A_658 = arith.constant 80 : i32
      %add3A_659 = vector.broadcast %add3A_658 : i32 to vector<16xi32>
      %add3A_660 = arith.addi %iota3A_537, %add3A_659 : vector<16xi32>
      %add3A_661 = arith.constant 80 : i32
      %add3A_662 = arith.addi %mul3A_536, %add3A_661 : i32
      %add3A_663 = vector.broadcast %add3A_662 : i32 to vector<16xi32>
      %add3A_664 = arith.addi %iota3A_537, %add3A_663 : vector<16xi32>
      %scan3A_665 = arith.constant 0 : i32
      %scan3A_666 = arith.constant 16 : i32
      %scan3A_667 = arith.addi %scan3A_665, %scan3A_666 : i32
      %scan3A_668 = arith.constant 1 : i32
      scf.for %scan3A_785 = %scan3A_665 to %scan3A_667 step %scan3A_668  : i32 {
        %mul3A_786 = arith.constant 1 : i32
        %mul3A_787 = arith.muli %scan3A_785, %mul3A_786 : i32
        %add3A_788 = arith.constant 0 : i32
        %add3A_789 = arith.addi %add3A_788, %mul3A_787 : i32
        %add3A_790 = vector.broadcast %add3A_789 : i32 to vector<16xi32>
        %add3A_791 = arith.addi %iota3A_537, %add3A_790 : vector<16xi32>
        %and3A_792 = arith.constant 15 : i32
        %and3A_793 = vector.broadcast %and3A_792 : i32 to vector<16xi32>
        %and3A_794 = arith.andi %add3A_791, %and3A_793 : vector<16xi32>
        %add3A_795 = arith.constant 0 : i32
        %add3A_796 = vector.broadcast %add3A_795 : i32 to vector<16xi32>
        %add3A_797 = arith.addi %and3A_794, %add3A_796 : vector<16xi32>
        %add3A_798 = arith.addi %mul3A_657, %add3A_797 : vector<16xi32>
        %gather3A = arith.constant 1 : i32
        %gather3A_799 = arith.constant 0 : i32
        %gather3A_800 = arith.constant 0 : i32
        %gather3A_801 = tpu.memref_slice %arg9[%gather3A, %gather3A_799, %gather3A_800] : memref<2x128x128xf32, #tpu.memory_space<vmem>> -> memref<1x128x128xf32, #tpu.memory_space<vmem>>
        %gather3A_802 = tpu.memref_squeeze %gather3A_801 : memref<1x128x128xf32, #tpu.memory_space<vmem>> -> memref<128x128xf32, #tpu.memory_space<vmem>>
        %gather3A_803 = tpu.vector_load_idx %gather3A_802[%add3A_660, %add3A_798] : memref<128x128xf32, #tpu.memory_space<vmem>>[vector<16xi32>, vector<16xi32>], vector<16xf32>,
        %gather3A_804 = tpu.vector_load_idx %arg6[%add3A_797, %add3A_664] : memref<64x512xf32, #tpu.memory_space<vmem>>[vector<16xi32>, vector<16xi32>], vector<16xf32>,
        %add3A_805 = arith.addf %gather3A_803, %gather3A_804 : vector<16xf32>
        %scatter3A = arith.constant 1 : i32
        %scatter3A_806 = arith.constant 0 : i32
        %scatter3A_807 = arith.constant 0 : i32
        %scatter3A_808 = tpu.memref_slice %arg10[%scatter3A, %scatter3A_806, %scatter3A_807] : memref<2x64x128xf32, #tpu.memory_space<vmem>> -> memref<1x64x128xf32, #tpu.memory_space<vmem>>
        %scatter3A_809 = tpu.memref_squeeze %scatter3A_808 : memref<1x64x128xf32, #tpu.memory_space<vmem>> -> memref<64x128xf32, #tpu.memory_space<vmem>>
        tpu.vector_store_idx %scatter3A_809[%add3A_797, %add3A_660], %add3A_805 : memref<64x128xf32, #tpu.memory_space<vmem>>[vector<16xi32>, vector<16xi32>], vector<16xf32>,
        %add3A_810 = arith.constant 16 : i32
        %add3A_811 = vector.broadcast %add3A_810 : i32 to vector<16xi32>
        %add3A_812 = arith.addi %and3A_794, %add3A_811 : vector<16xi32>
        %add3A_813 = arith.addi %mul3A_657, %add3A_812 : vector<16xi32>
        %gather3A_814 = arith.constant 1 : i32
        %gather3A_815 = arith.constant 0 : i32
        %gather3A_816 = arith.constant 0 : i32
        %gather3A_817 = tpu.memref_slice %arg9[%gather3A_814, %gather3A_815, %gather3A_816] : memref<2x128x128xf32, #tpu.memory_space<vmem>> -> memref<1x128x128xf32, #tpu.memory_space<vmem>>
        %gather3A_818 = tpu.memref_squeeze %gather3A_817 : memref<1x128x128xf32, #tpu.memory_space<vmem>> -> memref<128x128xf32, #tpu.memory_space<vmem>>
        %gather3A_819 = tpu.vector_load_idx %gather3A_818[%add3A_660, %add3A_813] : memref<128x128xf32, #tpu.memory_space<vmem>>[vector<16xi32>, vector<16xi32>], vector<16xf32>,
        %gather3A_820 = tpu.vector_load_idx %arg6[%add3A_812, %add3A_664] : memref<64x512xf32, #tpu.memory_space<vmem>>[vector<16xi32>, vector<16xi32>], vector<16xf32>,
        %add3A_821 = arith.addf %gather3A_819, %gather3A_820 : vector<16xf32>
        %scatter3A_822 = arith.constant 1 : i32
        %scatter3A_823 = arith.constant 0 : i32
        %scatter3A_824 = arith.constant 0 : i32
        %scatter3A_825 = tpu.memref_slice %arg10[%scatter3A_822, %scatter3A_823, %scatter3A_824] : memref<2x64x128xf32, #tpu.memory_space<vmem>> -> memref<1x64x128xf32, #tpu.memory_space<vmem>>
        %scatter3A_826 = tpu.memref_squeeze %scatter3A_825 : memref<1x64x128xf32, #tpu.memory_space<vmem>> -> memref<64x128xf32, #tpu.memory_space<vmem>>
        tpu.vector_store_idx %scatter3A_826[%add3A_812, %add3A_660], %add3A_821 : memref<64x128xf32, #tpu.memory_space<vmem>>[vector<16xi32>, vector<16xi32>], vector<16xf32>,
        %add3A_827 = arith.constant 32 : i32
        %add3A_828 = vector.broadcast %add3A_827 : i32 to vector<16xi32>
        %add3A_829 = arith.addi %and3A_794, %add3A_828 : vector<16xi32>
        %add3A_830 = arith.addi %mul3A_657, %add3A_829 : vector<16xi32>
        %gather3A_831 = arith.constant 1 : i32
        %gather3A_832 = arith.constant 0 : i32
        %gather3A_833 = arith.constant 0 : i32
        %gather3A_834 = tpu.memref_slice %arg9[%gather3A_831, %gather3A_832, %gather3A_833] : memref<2x128x128xf32, #tpu.memory_space<vmem>> -> memref<1x128x128xf32, #tpu.memory_space<vmem>>
        %gather3A_835 = tpu.memref_squeeze %gather3A_834 : memref<1x128x128xf32, #tpu.memory_space<vmem>> -> memref<128x128xf32, #tpu.memory_space<vmem>>
        %gather3A_836 = tpu.vector_load_idx %gather3A_835[%add3A_660, %add3A_830] : memref<128x128xf32, #tpu.memory_space<vmem>>[vector<16xi32>, vector<16xi32>], vector<16xf32>,
        %gather3A_837 = tpu.vector_load_idx %arg6[%add3A_829, %add3A_664] : memref<64x512xf32, #tpu.memory_space<vmem>>[vector<16xi32>, vector<16xi32>], vector<16xf32>,
        %add3A_838 = arith.addf %gather3A_836, %gather3A_837 : vector<16xf32>
        %scatter3A_839 = arith.constant 1 : i32
        %scatter3A_840 = arith.constant 0 : i32
        %scatter3A_841 = arith.constant 0 : i32
        %scatter3A_842 = tpu.memref_slice %arg10[%scatter3A_839, %scatter3A_840, %scatter3A_841] : memref<2x64x128xf32, #tpu.memory_space<vmem>> -> memref<1x64x128xf32, #tpu.memory_space<vmem>>
        %scatter3A_843 = tpu.memref_squeeze %scatter3A_842 : memref<1x64x128xf32, #tpu.memory_space<vmem>> -> memref<64x128xf32, #tpu.memory_space<vmem>>
        tpu.vector_store_idx %scatter3A_843[%add3A_829, %add3A_660], %add3A_838 : memref<64x128xf32, #tpu.memory_space<vmem>>[vector<16xi32>, vector<16xi32>], vector<16xf32>,
        %add3A_844 = arith.constant 48 : i32
        %add3A_845 = vector.broadcast %add3A_844 : i32 to vector<16xi32>
        %add3A_846 = arith.addi %and3A_794, %add3A_845 : vector<16xi32>
        %add3A_847 = arith.addi %mul3A_657, %add3A_846 : vector<16xi32>
        %gather3A_848 = arith.constant 1 : i32
        %gather3A_849 = arith.constant 0 : i32
        %gather3A_850 = arith.constant 0 : i32
        %gather3A_851 = tpu.memref_slice %arg9[%gather3A_848, %gather3A_849, %gather3A_850] : memref<2x128x128xf32, #tpu.memory_space<vmem>> -> memref<1x128x128xf32, #tpu.memory_space<vmem>>
        %gather3A_852 = tpu.memref_squeeze %gather3A_851 : memref<1x128x128xf32, #tpu.memory_space<vmem>> -> memref<128x128xf32, #tpu.memory_space<vmem>>
        %gather3A_853 = tpu.vector_load_idx %gather3A_852[%add3A_660, %add3A_847] : memref<128x128xf32, #tpu.memory_space<vmem>>[vector<16xi32>, vector<16xi32>], vector<16xf32>,
        %gather3A_854 = tpu.vector_load_idx %arg6[%add3A_846, %add3A_664] : memref<64x512xf32, #tpu.memory_space<vmem>>[vector<16xi32>, vector<16xi32>], vector<16xf32>,
        %add3A_855 = arith.addf %gather3A_853, %gather3A_854 : vector<16xf32>
        %scatter3A_856 = arith.constant 1 : i32
        %scatter3A_857 = arith.constant 0 : i32
        %scatter3A_858 = arith.constant 0 : i32
        %scatter3A_859 = tpu.memref_slice %arg10[%scatter3A_856, %scatter3A_857, %scatter3A_858] : memref<2x64x128xf32, #tpu.memory_space<vmem>> -> memref<1x64x128xf32, #tpu.memory_space<vmem>>
        %scatter3A_860 = tpu.memref_squeeze %scatter3A_859 : memref<1x64x128xf32, #tpu.memory_space<vmem>> -> memref<64x128xf32, #tpu.memory_space<vmem>>
        tpu.vector_store_idx %scatter3A_860[%add3A_846, %add3A_660], %add3A_855 : memref<64x128xf32, #tpu.memory_space<vmem>>[vector<16xi32>, vector<16xi32>], vector<16xf32>,
      }
      %scan3A_669 = arith.constant 16 : i32
      %get3A_670 = arith.constant 1 : i32
      %get3A_671 = arith.index_cast %get3A_670 : i32 to index
      %get3A_672 = arith.constant 96 : index
      %get3A_673 = tpu.vector_load %arg7[%get3A_671, %get3A_672] {strides = array<i32>} : memref<2x128xi32, #tpu.memory_space<vmem>>, vector<16xi32>,
      %and3A_674 = arith.constant 1 : i32
      %and3A_675 = vector.broadcast %and3A_674 : i32 to vector<16xi32>
      %and3A_676 = arith.andi %get3A_673, %and3A_675 : vector<16xi32>
      %mul3A_677 = arith.constant 64 : i32
      %mul3A_678 = vector.broadcast %mul3A_677 : i32 to vector<16xi32>
      %mul3A_679 = arith.muli %and3A_676, %mul3A_678 : vector<16xi32>
      %add3A_680 = arith.constant 96 : i32
      %add3A_681 = vector.broadcast %add3A_680 : i32 to vector<16xi32>
      %add3A_682 = arith.addi %iota3A_537, %add3A_681 : vector<16xi32>
      %add3A_683 = arith.constant 96 : i32
      %add3A_684 = arith.addi %mul3A_536, %add3A_683 : i32
      %add3A_685 = vector.broadcast %add3A_684 : i32 to vector<16xi32>
      %add3A_686 = arith.addi %iota3A_537, %add3A_685 : vector<16xi32>
      %scan3A_687 = arith.constant 0 : i32
      %scan3A_688 = arith.constant 16 : i32
      %scan3A_689 = arith.addi %scan3A_687, %scan3A_688 : i32
      %scan3A_690 = arith.constant 1 : i32
      scf.for %scan3A_785 = %scan3A_687 to %scan3A_689 step %scan3A_690  : i32 {
        %mul3A_786 = arith.constant 1 : i32
        %mul3A_787 = arith.muli %scan3A_785, %mul3A_786 : i32
        %add3A_788 = arith.constant 0 : i32
        %add3A_789 = arith.addi %add3A_788, %mul3A_787 : i32
        %add3A_790 = vector.broadcast %add3A_789 : i32 to vector<16xi32>
        %add3A_791 = arith.addi %iota3A_537, %add3A_790 : vector<16xi32>
        %and3A_792 = arith.constant 15 : i32
        %and3A_793 = vector.broadcast %and3A_792 : i32 to vector<16xi32>
        %and3A_794 = arith.andi %add3A_791, %and3A_793 : vector<16xi32>
        %add3A_795 = arith.constant 0 : i32
        %add3A_796 = vector.broadcast %add3A_795 : i32 to vector<16xi32>
        %add3A_797 = arith.addi %and3A_794, %add3A_796 : vector<16xi32>
        %add3A_798 = arith.addi %mul3A_679, %add3A_797 : vector<16xi32>
        %gather3A = arith.constant 1 : i32
        %gather3A_799 = arith.constant 0 : i32
        %gather3A_800 = arith.constant 0 : i32
        %gather3A_801 = tpu.memref_slice %arg9[%gather3A, %gather3A_799, %gather3A_800] : memref<2x128x128xf32, #tpu.memory_space<vmem>> -> memref<1x128x128xf32, #tpu.memory_space<vmem>>
        %gather3A_802 = tpu.memref_squeeze %gather3A_801 : memref<1x128x128xf32, #tpu.memory_space<vmem>> -> memref<128x128xf32, #tpu.memory_space<vmem>>
        %gather3A_803 = tpu.vector_load_idx %gather3A_802[%add3A_682, %add3A_798] : memref<128x128xf32, #tpu.memory_space<vmem>>[vector<16xi32>, vector<16xi32>], vector<16xf32>,
        %gather3A_804 = tpu.vector_load_idx %arg6[%add3A_797, %add3A_686] : memref<64x512xf32, #tpu.memory_space<vmem>>[vector<16xi32>, vector<16xi32>], vector<16xf32>,
        %add3A_805 = arith.addf %gather3A_803, %gather3A_804 : vector<16xf32>
        %scatter3A = arith.constant 1 : i32
        %scatter3A_806 = arith.constant 0 : i32
        %scatter3A_807 = arith.constant 0 : i32
        %scatter3A_808 = tpu.memref_slice %arg10[%scatter3A, %scatter3A_806, %scatter3A_807] : memref<2x64x128xf32, #tpu.memory_space<vmem>> -> memref<1x64x128xf32, #tpu.memory_space<vmem>>
        %scatter3A_809 = tpu.memref_squeeze %scatter3A_808 : memref<1x64x128xf32, #tpu.memory_space<vmem>> -> memref<64x128xf32, #tpu.memory_space<vmem>>
        tpu.vector_store_idx %scatter3A_809[%add3A_797, %add3A_682], %add3A_805 : memref<64x128xf32, #tpu.memory_space<vmem>>[vector<16xi32>, vector<16xi32>], vector<16xf32>,
        %add3A_810 = arith.constant 16 : i32
        %add3A_811 = vector.broadcast %add3A_810 : i32 to vector<16xi32>
        %add3A_812 = arith.addi %and3A_794, %add3A_811 : vector<16xi32>
        %add3A_813 = arith.addi %mul3A_679, %add3A_812 : vector<16xi32>
        %gather3A_814 = arith.constant 1 : i32
        %gather3A_815 = arith.constant 0 : i32
        %gather3A_816 = arith.constant 0 : i32
        %gather3A_817 = tpu.memref_slice %arg9[%gather3A_814, %gather3A_815, %gather3A_816] : memref<2x128x128xf32, #tpu.memory_space<vmem>> -> memref<1x128x128xf32, #tpu.memory_space<vmem>>
        %gather3A_818 = tpu.memref_squeeze %gather3A_817 : memref<1x128x128xf32, #tpu.memory_space<vmem>> -> memref<128x128xf32, #tpu.memory_space<vmem>>
        %gather3A_819 = tpu.vector_load_idx %gather3A_818[%add3A_682, %add3A_813] : memref<128x128xf32, #tpu.memory_space<vmem>>[vector<16xi32>, vector<16xi32>], vector<16xf32>,
        %gather3A_820 = tpu.vector_load_idx %arg6[%add3A_812, %add3A_686] : memref<64x512xf32, #tpu.memory_space<vmem>>[vector<16xi32>, vector<16xi32>], vector<16xf32>,
        %add3A_821 = arith.addf %gather3A_819, %gather3A_820 : vector<16xf32>
        %scatter3A_822 = arith.constant 1 : i32
        %scatter3A_823 = arith.constant 0 : i32
        %scatter3A_824 = arith.constant 0 : i32
        %scatter3A_825 = tpu.memref_slice %arg10[%scatter3A_822, %scatter3A_823, %scatter3A_824] : memref<2x64x128xf32, #tpu.memory_space<vmem>> -> memref<1x64x128xf32, #tpu.memory_space<vmem>>
        %scatter3A_826 = tpu.memref_squeeze %scatter3A_825 : memref<1x64x128xf32, #tpu.memory_space<vmem>> -> memref<64x128xf32, #tpu.memory_space<vmem>>
        tpu.vector_store_idx %scatter3A_826[%add3A_812, %add3A_682], %add3A_821 : memref<64x128xf32, #tpu.memory_space<vmem>>[vector<16xi32>, vector<16xi32>], vector<16xf32>,
        %add3A_827 = arith.constant 32 : i32
        %add3A_828 = vector.broadcast %add3A_827 : i32 to vector<16xi32>
        %add3A_829 = arith.addi %and3A_794, %add3A_828 : vector<16xi32>
        %add3A_830 = arith.addi %mul3A_679, %add3A_829 : vector<16xi32>
        %gather3A_831 = arith.constant 1 : i32
        %gather3A_832 = arith.constant 0 : i32
        %gather3A_833 = arith.constant 0 : i32
        %gather3A_834 = tpu.memref_slice %arg9[%gather3A_831, %gather3A_832, %gather3A_833] : memref<2x128x128xf32, #tpu.memory_space<vmem>> -> memref<1x128x128xf32, #tpu.memory_space<vmem>>
        %gather3A_835 = tpu.memref_squeeze %gather3A_834 : memref<1x128x128xf32, #tpu.memory_space<vmem>> -> memref<128x128xf32, #tpu.memory_space<vmem>>
        %gather3A_836 = tpu.vector_load_idx %gather3A_835[%add3A_682, %add3A_830] : memref<128x128xf32, #tpu.memory_space<vmem>>[vector<16xi32>, vector<16xi32>], vector<16xf32>,
        %gather3A_837 = tpu.vector_load_idx %arg6[%add3A_829, %add3A_686] : memref<64x512xf32, #tpu.memory_space<vmem>>[vector<16xi32>, vector<16xi32>], vector<16xf32>,
        %add3A_838 = arith.addf %gather3A_836, %gather3A_837 : vector<16xf32>
        %scatter3A_839 = arith.constant 1 : i32
        %scatter3A_840 = arith.constant 0 : i32
        %scatter3A_841 = arith.constant 0 : i32
        %scatter3A_842 = tpu.memref_slice %arg10[%scatter3A_839, %scatter3A_840, %scatter3A_841] : memref<2x64x128xf32, #tpu.memory_space<vmem>> -> memref<1x64x128xf32, #tpu.memory_space<vmem>>
        %scatter3A_843 = tpu.memref_squeeze %scatter3A_842 : memref<1x64x128xf32, #tpu.memory_space<vmem>> -> memref<64x128xf32, #tpu.memory_space<vmem>>
        tpu.vector_store_idx %scatter3A_843[%add3A_829, %add3A_682], %add3A_838 : memref<64x128xf32, #tpu.memory_space<vmem>>[vector<16xi32>, vector<16xi32>], vector<16xf32>,
        %add3A_844 = arith.constant 48 : i32
        %add3A_845 = vector.broadcast %add3A_844 : i32 to vector<16xi32>
        %add3A_846 = arith.addi %and3A_794, %add3A_845 : vector<16xi32>
        %add3A_847 = arith.addi %mul3A_679, %add3A_846 : vector<16xi32>
        %gather3A_848 = arith.constant 1 : i32
        %gather3A_849 = arith.constant 0 : i32
        %gather3A_850 = arith.constant 0 : i32
        %gather3A_851 = tpu.memref_slice %arg9[%gather3A_848, %gather3A_849, %gather3A_850] : memref<2x128x128xf32, #tpu.memory_space<vmem>> -> memref<1x128x128xf32, #tpu.memory_space<vmem>>
        %gather3A_852 = tpu.memref_squeeze %gather3A_851 : memref<1x128x128xf32, #tpu.memory_space<vmem>> -> memref<128x128xf32, #tpu.memory_space<vmem>>
        %gather3A_853 = tpu.vector_load_idx %gather3A_852[%add3A_682, %add3A_847] : memref<128x128xf32, #tpu.memory_space<vmem>>[vector<16xi32>, vector<16xi32>], vector<16xf32>,
        %gather3A_854 = tpu.vector_load_idx %arg6[%add3A_846, %add3A_686] : memref<64x512xf32, #tpu.memory_space<vmem>>[vector<16xi32>, vector<16xi32>], vector<16xf32>,
        %add3A_855 = arith.addf %gather3A_853, %gather3A_854 : vector<16xf32>
        %scatter3A_856 = arith.constant 1 : i32
        %scatter3A_857 = arith.constant 0 : i32
        %scatter3A_858 = arith.constant 0 : i32
        %scatter3A_859 = tpu.memref_slice %arg10[%scatter3A_856, %scatter3A_857, %scatter3A_858] : memref<2x64x128xf32, #tpu.memory_space<vmem>> -> memref<1x64x128xf32, #tpu.memory_space<vmem>>
        %scatter3A_860 = tpu.memref_squeeze %scatter3A_859 : memref<1x64x128xf32, #tpu.memory_space<vmem>> -> memref<64x128xf32, #tpu.memory_space<vmem>>
        tpu.vector_store_idx %scatter3A_860[%add3A_846, %add3A_682], %add3A_855 : memref<64x128xf32, #tpu.memory_space<vmem>>[vector<16xi32>, vector<16xi32>], vector<16xf32>,
      }
      %scan3A_691 = arith.constant 16 : i32
      %get3A_692 = arith.constant 1 : i32
      %get3A_693 = arith.index_cast %get3A_692 : i32 to index
      %get3A_694 = arith.constant 112 : index
      %get3A_695 = tpu.vector_load %arg7[%get3A_693, %get3A_694] {strides = array<i32>} : memref<2x128xi32, #tpu.memory_space<vmem>>, vector<16xi32>,
      %and3A_696 = arith.constant 1 : i32
      %and3A_697 = vector.broadcast %and3A_696 : i32 to vector<16xi32>
      %and3A_698 = arith.andi %get3A_695, %and3A_697 : vector<16xi32>
      %mul3A_699 = arith.constant 64 : i32
      %mul3A_700 = vector.broadcast %mul3A_699 : i32 to vector<16xi32>
      %mul3A_701 = arith.muli %and3A_698, %mul3A_700 : vector<16xi32>
      %add3A_702 = arith.constant 112 : i32
      %add3A_703 = vector.broadcast %add3A_702 : i32 to vector<16xi32>
      %add3A_704 = arith.addi %iota3A_537, %add3A_703 : vector<16xi32>
      %add3A_705 = arith.constant 112 : i32
      %add3A_706 = arith.addi %mul3A_536, %add3A_705 : i32
      %add3A_707 = vector.broadcast %add3A_706 : i32 to vector<16xi32>
      %add3A_708 = arith.addi %iota3A_537, %add3A_707 : vector<16xi32>
      %scan3A_709 = arith.constant 0 : i32
      %scan3A_710 = arith.constant 16 : i32
      %scan3A_711 = arith.addi %scan3A_709, %scan3A_710 : i32
      %scan3A_712 = arith.constant 1 : i32
      scf.for %scan3A_785 = %scan3A_709 to %scan3A_711 step %scan3A_712  : i32 {
        %mul3A_786 = arith.constant 1 : i32
        %mul3A_787 = arith.muli %scan3A_785, %mul3A_786 : i32
        %add3A_788 = arith.constant 0 : i32
        %add3A_789 = arith.addi %add3A_788, %mul3A_787 : i32
        %add3A_790 = vector.broadcast %add3A_789 : i32 to vector<16xi32>
        %add3A_791 = arith.addi %iota3A_537, %add3A_790 : vector<16xi32>
        %and3A_792 = arith.constant 15 : i32
        %and3A_793 = vector.broadcast %and3A_792 : i32 to vector<16xi32>
        %and3A_794 = arith.andi %add3A_791, %and3A_793 : vector<16xi32>
        %add3A_795 = arith.constant 0 : i32
        %add3A_796 = vector.broadcast %add3A_795 : i32 to vector<16xi32>
        %add3A_797 = arith.addi %and3A_794, %add3A_796 : vector<16xi32>
        %add3A_798 = arith.addi %mul3A_701, %add3A_797 : vector<16xi32>
        %gather3A = arith.constant 1 : i32
        %gather3A_799 = arith.constant 0 : i32
        %gather3A_800 = arith.constant 0 : i32
        %gather3A_801 = tpu.memref_slice %arg9[%gather3A, %gather3A_799, %gather3A_800] : memref<2x128x128xf32, #tpu.memory_space<vmem>> -> memref<1x128x128xf32, #tpu.memory_space<vmem>>
        %gather3A_802 = tpu.memref_squeeze %gather3A_801 : memref<1x128x128xf32, #tpu.memory_space<vmem>> -> memref<128x128xf32, #tpu.memory_space<vmem>>
        %gather3A_803 = tpu.vector_load_idx %gather3A_802[%add3A_704, %add3A_798] : memref<128x128xf32, #tpu.memory_space<vmem>>[vector<16xi32>, vector<16xi32>], vector<16xf32>,
        %gather3A_804 = tpu.vector_load_idx %arg6[%add3A_797, %add3A_708] : memref<64x512xf32, #tpu.memory_space<vmem>>[vector<16xi32>, vector<16xi32>], vector<16xf32>,
        %add3A_805 = arith.addf %gather3A_803, %gather3A_804 : vector<16xf32>
        %scatter3A = arith.constant 1 : i32
        %scatter3A_806 = arith.constant 0 : i32
        %scatter3A_807 = arith.constant 0 : i32
        %scatter3A_808 = tpu.memref_slice %arg10[%scatter3A, %scatter3A_806, %scatter3A_807] : memref<2x64x128xf32, #tpu.memory_space<vmem>> -> memref<1x64x128xf32, #tpu.memory_space<vmem>>
        %scatter3A_809 = tpu.memref_squeeze %scatter3A_808 : memref<1x64x128xf32, #tpu.memory_space<vmem>> -> memref<64x128xf32, #tpu.memory_space<vmem>>
        tpu.vector_store_idx %scatter3A_809[%add3A_797, %add3A_704], %add3A_805 : memref<64x128xf32, #tpu.memory_space<vmem>>[vector<16xi32>, vector<16xi32>], vector<16xf32>,
        %add3A_810 = arith.constant 16 : i32
        %add3A_811 = vector.broadcast %add3A_810 : i32 to vector<16xi32>
        %add3A_812 = arith.addi %and3A_794, %add3A_811 : vector<16xi32>
        %add3A_813 = arith.addi %mul3A_701, %add3A_812 : vector<16xi32>
        %gather3A_814 = arith.constant 1 : i32
        %gather3A_815 = arith.constant 0 : i32
        %gather3A_816 = arith.constant 0 : i32
        %gather3A_817 = tpu.memref_slice %arg9[%gather3A_814, %gather3A_815, %gather3A_816] : memref<2x128x128xf32, #tpu.memory_space<vmem>> -> memref<1x128x128xf32, #tpu.memory_space<vmem>>
        %gather3A_818 = tpu.memref_squeeze %gather3A_817 : memref<1x128x128xf32, #tpu.memory_space<vmem>> -> memref<128x128xf32, #tpu.memory_space<vmem>>
        %gather3A_819 = tpu.vector_load_idx %gather3A_818[%add3A_704, %add3A_813] : memref<128x128xf32, #tpu.memory_space<vmem>>[vector<16xi32>, vector<16xi32>], vector<16xf32>,
        %gather3A_820 = tpu.vector_load_idx %arg6[%add3A_812, %add3A_708] : memref<64x512xf32, #tpu.memory_space<vmem>>[vector<16xi32>, vector<16xi32>], vector<16xf32>,
        %add3A_821 = arith.addf %gather3A_819, %gather3A_820 : vector<16xf32>
        %scatter3A_822 = arith.constant 1 : i32
        %scatter3A_823 = arith.constant 0 : i32
        %scatter3A_824 = arith.constant 0 : i32
        %scatter3A_825 = tpu.memref_slice %arg10[%scatter3A_822, %scatter3A_823, %scatter3A_824] : memref<2x64x128xf32, #tpu.memory_space<vmem>> -> memref<1x64x128xf32, #tpu.memory_space<vmem>>
        %scatter3A_826 = tpu.memref_squeeze %scatter3A_825 : memref<1x64x128xf32, #tpu.memory_space<vmem>> -> memref<64x128xf32, #tpu.memory_space<vmem>>
        tpu.vector_store_idx %scatter3A_826[%add3A_812, %add3A_704], %add3A_821 : memref<64x128xf32, #tpu.memory_space<vmem>>[vector<16xi32>, vector<16xi32>], vector<16xf32>,
        %add3A_827 = arith.constant 32 : i32
        %add3A_828 = vector.broadcast %add3A_827 : i32 to vector<16xi32>
        %add3A_829 = arith.addi %and3A_794, %add3A_828 : vector<16xi32>
        %add3A_830 = arith.addi %mul3A_701, %add3A_829 : vector<16xi32>
        %gather3A_831 = arith.constant 1 : i32
        %gather3A_832 = arith.constant 0 : i32
        %gather3A_833 = arith.constant 0 : i32
        %gather3A_834 = tpu.memref_slice %arg9[%gather3A_831, %gather3A_832, %gather3A_833] : memref<2x128x128xf32, #tpu.memory_space<vmem>> -> memref<1x128x128xf32, #tpu.memory_space<vmem>>
        %gather3A_835 = tpu.memref_squeeze %gather3A_834 : memref<1x128x128xf32, #tpu.memory_space<vmem>> -> memref<128x128xf32, #tpu.memory_space<vmem>>
        %gather3A_836 = tpu.vector_load_idx %gather3A_835[%add3A_704, %add3A_830] : memref<128x128xf32, #tpu.memory_space<vmem>>[vector<16xi32>, vector<16xi32>], vector<16xf32>,
        %gather3A_837 = tpu.vector_load_idx %arg6[%add3A_829, %add3A_708] : memref<64x512xf32, #tpu.memory_space<vmem>>[vector<16xi32>, vector<16xi32>], vector<16xf32>,
        %add3A_838 = arith.addf %gather3A_836, %gather3A_837 : vector<16xf32>
        %scatter3A_839 = arith.constant 1 : i32
        %scatter3A_840 = arith.constant 0 : i32
        %scatter3A_841 = arith.constant 0 : i32
        %scatter3A_842 = tpu.memref_slice %arg10[%scatter3A_839, %scatter3A_840, %scatter3A_841] : memref<2x64x128xf32, #tpu.memory_space<vmem>> -> memref<1x64x128xf32, #tpu.memory_space<vmem>>
        %scatter3A_843 = tpu.memref_squeeze %scatter3A_842 : memref<1x64x128xf32, #tpu.memory_space<vmem>> -> memref<64x128xf32, #tpu.memory_space<vmem>>
        tpu.vector_store_idx %scatter3A_843[%add3A_829, %add3A_704], %add3A_838 : memref<64x128xf32, #tpu.memory_space<vmem>>[vector<16xi32>, vector<16xi32>], vector<16xf32>,
        %add3A_844 = arith.constant 48 : i32
        %add3A_845 = vector.broadcast %add3A_844 : i32 to vector<16xi32>
        %add3A_846 = arith.addi %and3A_794, %add3A_845 : vector<16xi32>
        %add3A_847 = arith.addi %mul3A_701, %add3A_846 : vector<16xi32>
        %gather3A_848 = arith.constant 1 : i32
        %gather3A_849 = arith.constant 0 : i32
        %gather3A_850 = arith.constant 0 : i32
        %gather3A_851 = tpu.memref_slice %arg9[%gather3A_848, %gather3A_849, %gather3A_850] : memref<2x128x128xf32, #tpu.memory_space<vmem>> -> memref<1x128x128xf32, #tpu.memory_space<vmem>>
        %gather3A_852 = tpu.memref_squeeze %gather3A_851 : memref<1x128x128xf32, #tpu.memory_space<vmem>> -> memref<128x128xf32, #tpu.memory_space<vmem>>
        %gather3A_853 = tpu.vector_load_idx %gather3A_852[%add3A_704, %add3A_847] : memref<128x128xf32, #tpu.memory_space<vmem>>[vector<16xi32>, vector<16xi32>], vector<16xf32>,
        %gather3A_854 = tpu.vector_load_idx %arg6[%add3A_846, %add3A_708] : memref<64x512xf32, #tpu.memory_space<vmem>>[vector<16xi32>, vector<16xi32>], vector<16xf32>,
        %add3A_855 = arith.addf %gather3A_853, %gather3A_854 : vector<16xf32>
        %scatter3A_856 = arith.constant 1 : i32
        %scatter3A_857 = arith.constant 0 : i32
        %scatter3A_858 = arith.constant 0 : i32
        %scatter3A_859 = tpu.memref_slice %arg10[%scatter3A_856, %scatter3A_857, %scatter3A_858] : memref<2x64x128xf32, #tpu.memory_space<vmem>> -> memref<1x64x128xf32, #tpu.memory_space<vmem>>
        %scatter3A_860 = tpu.memref_squeeze %scatter3A_859 : memref<1x64x128xf32, #tpu.memory_space<vmem>> -> memref<64x128xf32, #tpu.memory_space<vmem>>
        tpu.vector_store_idx %scatter3A_860[%add3A_846, %add3A_704], %add3A_855 : memref<64x128xf32, #tpu.memory_space<vmem>>[vector<16xi32>, vector<16xi32>], vector<16xf32>,
      }
      %scan3A_713 = arith.constant 16 : i32
      %add3A_714 = arith.constant 2 : i32
      %add3A_715 = arith.addi %add3A_494, %add3A_714 : i32
      %lt3A_716 = arith.constant 128 : i32
      %lt3A_717 = arith.cmpi slt, %add3A_715, %lt3A_716 : i32
      %convert_element_type3A_718 = arith.extui %lt3A_717 : i1 to i32
      %cond3A_719 = arith.constant 0 : i32
      %cond3A_720 = arith.cmpi ne, %convert_element_type3A_718, %cond3A_719 : i32
      scf.if %cond3A_720 {
        %add3A_785 = arith.constant 2 : i32
        %add3A_786 = arith.addi %add3A_494, %add3A_785 : i32
        %add3A_787 = arith.addi %mul3A_2, %add3A_786 : i32
        %dma_start3A_788 = arith.constant 1 : i32
        %dma_start3A_789 = arith.constant 0 : i32
        %dma_start3A_790 = tpu.memref_slice %arg7[%dma_start3A_788, %dma_start3A_789] : memref<2x128xi32, #tpu.memory_space<vmem>> -> memref<1x128xi32, #tpu.memory_space<vmem>>
        %dma_start3A_791 = tpu.memref_squeeze %dma_start3A_790 : memref<1x128xi32, #tpu.memory_space<vmem>> -> memref<128xi32, #tpu.memory_space<vmem>>
        %dma_start3A_792 = arith.constant 0 : i32
        %dma_start3A_793 = tpu.memref_slice %arg2[%add3A_787, %dma_start3A_792] : memref<4096x128xi32, #tpu.memory_space<hbm>> -> memref<1x128xi32, #tpu.memory_space<hbm>>
        %dma_start3A_794 = tpu.memref_squeeze %dma_start3A_793 : memref<1x128xi32, #tpu.memory_space<hbm>> -> memref<128xi32, #tpu.memory_space<hbm>>
        %dma_start3A_795 = arith.constant 0 : i32
        %dma_start3A_796 = tpu.memref_slice %arg7[%dma_start3A_788, %dma_start3A_795] : memref<2x128xi32, #tpu.memory_space<vmem>> -> memref<1x128xi32, #tpu.memory_space<vmem>>
        %dma_start3A_797 = tpu.memref_squeeze %dma_start3A_796 : memref<1x128xi32, #tpu.memory_space<vmem>> -> memref<128xi32, #tpu.memory_space<vmem>>
        %dma_start3A_798 = arith.constant 0 : i32
        %dma_start3A_799 = tpu.memref_slice %arg2[%add3A_787, %dma_start3A_798] : memref<4096x128xi32, #tpu.memory_space<hbm>> -> memref<1x128xi32, #tpu.memory_space<hbm>>
        %dma_start3A_800 = tpu.memref_squeeze %dma_start3A_799 : memref<1x128xi32, #tpu.memory_space<hbm>> -> memref<128xi32, #tpu.memory_space<hbm>>
        tpu.enqueue_dma source(%dma_start3A_800 : memref<128xi32, #tpu.memory_space<hbm>>) target(%dma_start3A_797 : memref<128xi32, #tpu.memory_space<vmem>>) target_semaphore(%arg14 : memref<!tpu.dma_semaphore, #tpu.memory_space<semaphore_mem>>)
      } else {
      }
      %add3A_721 = arith.addi %mul3A_2, %add3A_494 : i32
      %jit3A_722 = arith.constant 4 : i32
      %div3A_723 = arith.divsi %add3A_721, %jit3A_722 : i32
      %sign3A_724 = arith.constant 0 : i32
      %sign3A_725 = arith.cmpi sgt, %add3A_721, %sign3A_724 : i32
      %sign3A_726 = arith.extui %sign3A_725 : i1 to i32
      %sign3A_727 = arith.constant 0 : i32
      %sign3A_728 = arith.cmpi slt, %add3A_721, %sign3A_727 : i32
      %sign3A_729 = arith.extui %sign3A_728 : i1 to i32
      %sign3A_730 = arith.subi %sign3A_726, %sign3A_729 : i32
      %sign3A_731 = arith.constant 0 : i32
      %sign3A_732 = arith.cmpi sgt, %jit3A_722, %sign3A_731 : i32
      %sign3A_733 = arith.extui %sign3A_732 : i1 to i32
      %sign3A_734 = arith.constant 0 : i32
      %sign3A_735 = arith.cmpi slt, %jit3A_722, %sign3A_734 : i32
      %sign3A_736 = arith.extui %sign3A_735 : i1 to i32
      %sign3A_737 = arith.subi %sign3A_733, %sign3A_736 : i32
      %ne3A_738 = arith.cmpi ne, %sign3A_730, %sign3A_737 : i32
      %rem3A_739 = arith.remsi %add3A_721, %jit3A_722 : i32
      %ne3A_740 = arith.constant 0 : i32
      %ne3A_741 = arith.cmpi ne, %rem3A_739, %ne3A_740 : i32
      %and3A_742 = arith.andi %ne3A_738, %ne3A_741 : i1
      %sub3A_743 = arith.constant 1 : i32
      %sub3A_744 = arith.subi %div3A_723, %sub3A_743 : i32
      %select_n3A_745 = arith.select %and3A_742, %sub3A_744, %div3A_723 : i32
      %jit3A_746 = arith.constant 4 : i32
      %eq3A_747 = arith.constant 0 : i32
      %eq3A_748 = arith.cmpi eq, %jit3A_746, %eq3A_747 : i32
      %jit3A_749 = arith.constant 1 : i32
      %select_n3A_750 = arith.select %eq3A_748, %jit3A_749, %jit3A_746 : i32
      %rem3A_751 = arith.remsi %add3A_721, %select_n3A_750 : i32
      %ne3A_752 = arith.constant 0 : i32
      %ne3A_753 = arith.cmpi ne, %rem3A_751, %ne3A_752 : i32
      %lt3A_754 = arith.constant 0 : i32
      %lt3A_755 = arith.cmpi slt, %rem3A_751, %lt3A_754 : i32
      %lt3A_756 = arith.constant 0 : i32
      %lt3A_757 = arith.cmpi slt, %select_n3A_750, %lt3A_756 : i32
      %ne3A_758 = arith.xori %lt3A_755, %lt3A_757 : i1
      %and3A_759 = arith.andi %ne3A_758, %ne3A_753 : i1
      %add3A_760 = arith.addi %rem3A_751, %select_n3A_750 : i32
      %select_n3A_761 = arith.select %and3A_759, %add3A_760, %rem3A_751 : i32
      %mul3A_762 = arith.constant 128 : i32
      %mul3A_763 = arith.muli %select_n3A_761, %mul3A_762 : i32
      %dma_start3A_764 = arith.constant 1 : i32
      %dma_start3A_765 = arith.constant 0 : i32
      %dma_start3A_766 = arith.constant 0 : i32
      %dma_start3A_767 = tpu.memref_slice %arg10[%dma_start3A_764, %dma_start3A_765, %dma_start3A_766] : memref<2x64x128xf32, #tpu.memory_space<vmem>> -> memref<1x64x128xf32, #tpu.memory_space<vmem>>
      %dma_start3A_768 = tpu.memref_squeeze %dma_start3A_767 : memref<1x64x128xf32, #tpu.memory_space<vmem>> -> memref<64x128xf32, #tpu.memory_space<vmem>>
      %dma_start3A_769 = arith.constant 0 : i32
      %dma_start3A_770 = arith.constant 0 : i32
      %dma_start3A_771 = tpu.memref_slice %arg5[%select_n3A_745, %dma_start3A_769, %dma_start3A_770] : memref<1024x64x512xf32, #tpu.memory_space<hbm>> -> memref<1x64x512xf32, #tpu.memory_space<hbm>>
      %dma_start3A_772 = tpu.memref_squeeze %dma_start3A_771 : memref<1x64x512xf32, #tpu.memory_space<hbm>> -> memref<64x512xf32, #tpu.memory_space<hbm>>
      %dma_start3A_773 = arith.constant 0 : i32
      %dma_start3A_774 = tpu.memref_slice %dma_start3A_772[%dma_start3A_773, %mul3A_763] : memref<64x512xf32, #tpu.memory_space<hbm>> -> memref<64x128xf32, #tpu.memory_space<hbm>>
      %dma_start3A_775 = arith.constant 0 : i32
      %dma_start3A_776 = arith.constant 0 : i32
      %dma_start3A_777 = tpu.memref_slice %arg5[%select_n3A_745, %dma_start3A_775, %dma_start3A_776] : memref<1024x64x512xf32, #tpu.memory_space<hbm>> -> memref<1x64x512xf32, #tpu.memory_space<hbm>>
      %dma_start3A_778 = tpu.memref_squeeze %dma_start3A_777 : memref<1x64x512xf32, #tpu.memory_space<hbm>> -> memref<64x512xf32, #tpu.memory_space<hbm>>
      %dma_start3A_779 = arith.constant 0 : i32
      %dma_start3A_780 = tpu.memref_slice %dma_start3A_778[%dma_start3A_779, %mul3A_763] : memref<64x512xf32, #tpu.memory_space<hbm>> -> memref<64x128xf32, #tpu.memory_space<hbm>>
      %dma_start3A_781 = arith.constant 0 : i32
      %dma_start3A_782 = arith.constant 0 : i32
      %dma_start3A_783 = tpu.memref_slice %arg10[%dma_start3A_764, %dma_start3A_781, %dma_start3A_782] : memref<2x64x128xf32, #tpu.memory_space<vmem>> -> memref<1x64x128xf32, #tpu.memory_space<vmem>>
      %dma_start3A_784 = tpu.memref_squeeze %dma_start3A_783 : memref<1x64x128xf32, #tpu.memory_space<vmem>> -> memref<64x128xf32, #tpu.memory_space<vmem>>
      tpu.enqueue_dma source(%dma_start3A_784 : memref<64x128xf32, #tpu.memory_space<vmem>>) target(%dma_start3A_780 : memref<64x128xf32, #tpu.memory_space<hbm>>) target_semaphore(%arg16 : memref<!tpu.dma_semaphore, #tpu.memory_space<semaphore_mem>>)
    }
    %scan3A_144 = arith.constant 64 : i32
    %add3A_145 = arith.constant 127 : i32
    %add3A_146 = arith.addi %mul3A_2, %add3A_145 : i32
    %jit3A = arith.constant 4 : i32
    %div3A = arith.divsi %add3A_146, %jit3A : i32
    %sign3A = arith.constant 0 : i32
    %sign3A_147 = arith.cmpi sgt, %add3A_146, %sign3A : i32
    %sign3A_148 = arith.extui %sign3A_147 : i1 to i32
    %sign3A_149 = arith.constant 0 : i32
    %sign3A_150 = arith.cmpi slt, %add3A_146, %sign3A_149 : i32
    %sign3A_151 = arith.extui %sign3A_150 : i1 to i32
    %sign3A_152 = arith.subi %sign3A_148, %sign3A_151 : i32
    %sign3A_153 = arith.constant 0 : i32
    %sign3A_154 = arith.cmpi sgt, %jit3A, %sign3A_153 : i32
    %sign3A_155 = arith.extui %sign3A_154 : i1 to i32
    %sign3A_156 = arith.constant 0 : i32
    %sign3A_157 = arith.cmpi slt, %jit3A, %sign3A_156 : i32
    %sign3A_158 = arith.extui %sign3A_157 : i1 to i32
    %sign3A_159 = arith.subi %sign3A_155, %sign3A_158 : i32
    %ne3A = arith.cmpi ne, %sign3A_152, %sign3A_159 : i32
    %rem3A = arith.remsi %add3A_146, %jit3A : i32
    %ne3A_160 = arith.constant 0 : i32
    %ne3A_161 = arith.cmpi ne, %rem3A, %ne3A_160 : i32
    %and3A = arith.andi %ne3A, %ne3A_161 : i1
    %sub3A = arith.constant 1 : i32
    %sub3A_162 = arith.subi %div3A, %sub3A : i32
    %select_n3A = arith.select %and3A, %sub3A_162, %div3A : i32
    %jit3A_163 = arith.constant 4 : i32
    %eq3A = arith.constant 0 : i32
    %eq3A_164 = arith.cmpi eq, %jit3A_163, %eq3A : i32
    %jit3A_165 = arith.constant 1 : i32
    %select_n3A_166 = arith.select %eq3A_164, %jit3A_165, %jit3A_163 : i32
    %rem3A_167 = arith.remsi %add3A_146, %select_n3A_166 : i32
    %ne3A_168 = arith.constant 0 : i32
    %ne3A_169 = arith.cmpi ne, %rem3A_167, %ne3A_168 : i32
    %lt3A = arith.constant 0 : i32
    %lt3A_170 = arith.cmpi slt, %rem3A_167, %lt3A : i32
    %lt3A_171 = arith.constant 0 : i32
    %lt3A_172 = arith.cmpi slt, %select_n3A_166, %lt3A_171 : i32
    %ne3A_173 = arith.xori %lt3A_170, %lt3A_172 : i1
    %and3A_174 = arith.andi %ne3A_173, %ne3A_169 : i1
    %add3A_175 = arith.addi %rem3A_167, %select_n3A_166 : i32
    %select_n3A_176 = arith.select %and3A_174, %add3A_175, %rem3A_167 : i32
    %mul3A_177 = arith.constant 128 : i32
    %mul3A_178 = arith.muli %select_n3A_176, %mul3A_177 : i32
    %dma_wait3A_179 = arith.constant 1 : i32
    %dma_wait3A_180 = arith.constant 0 : i32
    %dma_wait3A_181 = arith.constant 0 : i32
    %dma_wait3A_182 = tpu.memref_slice %arg10[%dma_wait3A_179, %dma_wait3A_180, %dma_wait3A_181] : memref<2x64x128xf32, #tpu.memory_space<vmem>> -> memref<1x64x128xf32, #tpu.memory_space<vmem>>
    %dma_wait3A_183 = tpu.memref_squeeze %dma_wait3A_182 : memref<1x64x128xf32, #tpu.memory_space<vmem>> -> memref<64x128xf32, #tpu.memory_space<vmem>>
    %dma_wait3A_184 = arith.constant 0 : i32
    %dma_wait3A_185 = arith.constant 0 : i32
    %dma_wait3A_186 = tpu.memref_slice %arg5[%select_n3A, %dma_wait3A_184, %dma_wait3A_185] : memref<1024x64x512xf32, #tpu.memory_space<hbm>> -> memref<1x64x512xf32, #tpu.memory_space<hbm>>
    %dma_wait3A_187 = tpu.memref_squeeze %dma_wait3A_186 : memref<1x64x512xf32, #tpu.memory_space<hbm>> -> memref<64x512xf32, #tpu.memory_space<hbm>>
    %dma_wait3A_188 = arith.constant 0 : i32
    %dma_wait3A_189 = tpu.memref_slice %dma_wait3A_187[%dma_wait3A_188, %mul3A_178] : memref<64x512xf32, #tpu.memory_space<hbm>> -> memref<64x128xf32, #tpu.memory_space<hbm>>
    %dma_wait3A_190 = arith.constant 0 : i32
    %dma_wait3A_191 = arith.constant 0 : i32
    %dma_wait3A_192 = tpu.memref_slice %arg5[%select_n3A, %dma_wait3A_190, %dma_wait3A_191] : memref<1024x64x512xf32, #tpu.memory_space<hbm>> -> memref<1x64x512xf32, #tpu.memory_space<hbm>>
    %dma_wait3A_193 = tpu.memref_squeeze %dma_wait3A_192 : memref<1x64x512xf32, #tpu.memory_space<hbm>> -> memref<64x512xf32, #tpu.memory_space<hbm>>
    %dma_wait3A_194 = arith.constant 0 : i32
    %dma_wait3A_195 = tpu.memref_slice %dma_wait3A_193[%dma_wait3A_194, %mul3A_178] : memref<64x512xf32, #tpu.memory_space<hbm>> -> memref<64x128xf32, #tpu.memory_space<hbm>>
    %dma_wait3A_196 = arith.constant 0 : i32
    %dma_wait3A_197 = arith.constant 0 : i32
    %dma_wait3A_198 = tpu.memref_slice %arg10[%dma_wait3A_179, %dma_wait3A_196, %dma_wait3A_197] : memref<2x64x128xf32, #tpu.memory_space<vmem>> -> memref<1x64x128xf32, #tpu.memory_space<vmem>>
    %dma_wait3A_199 = tpu.memref_squeeze %dma_wait3A_198 : memref<1x64x128xf32, #tpu.memory_space<vmem>> -> memref<64x128xf32, #tpu.memory_space<vmem>>
    tpu.wait_dma2 semaphore(%arg16 : memref<!tpu.dma_semaphore, #tpu.memory_space<semaphore_mem>>) src(%dma_wait3A_199 : memref<64x128xf32, #tpu.memory_space<vmem>>) dst(%dma_wait3A_195 : memref<64x128xf32, #tpu.memory_space<hbm>>)
    return
  }
}

</mosaic_0001>

<sc_bundles>
// kernel: _embed.3.cloned.1.call-start
scs
__scs_entry_jumppad:
0x0: {  	(pc) =	sbr.rel $0x88, $3  }
0x1: {  	(tag) =	ssettag $0x0;
	lr =	simm.s32 $0x1  }
0x2: {  	[smem:$0x3F9F] =	sst lr;
	_ =	strace $0xD0000000  }
0x3: {  	_ = 	snop  }
0x4: {  	_ = 	snop  }
0x5: {  	_ = 	snop  }
0x6: {  	_ = 	snop  }
0x7: {  	_ = 	snop  }
__scs_overlays_trampoline_lowered:
0x8: {  	[smem:$0x3FAE] =	sst s0  }
0x9: {  	[smem:$0x3FAF] =	sst s1  }
0xa: {  	[smem:$0x3FB0] =	sst s2  }
0xb: {  	[smem:$0x3FB1] =	sst s3  }
0xc: {  	[smem:$0x3FB2] =	sst s4  }
0xd: {  	[smem:$0x3FB3] =	sst s5  }
0xe: {  	[smem:$0x3FB4] =	sst s6  }
0xf: {  	[smem:$0x3FB5] =	sst s7  }
0x10: {  	[smem:$0x3FB6] =	sst s8  }
0x11: {  	[smem:$0x3FB7] =	sst s9;
	s0 =	simm.s32 @!p0 $0x0  }
0x12: {  	s1 =	sld [smem:$0x3F9D];
	s0 =	simm.s32 @p0 $0x1  }
0x13: {  	[smem:$0x3FB8] =	sst s0;
	s0 =	simm.s32 @!p1 $0x0  }
0x14: {  	s2 =	sld [smem:$0x3F9C];
	s0 =	simm.s32 @p1 $0x1  }
0x15: {  	[smem:$0x3FB9] =	sst s0;
	s0 =	simm.s32 @!p2 $0x0  }
0x16: {  	s3 =	sld [smem:$0x3FDB];
	s0 =	simm.s32 @p2 $0x1  }
0x17: {  	s4 =	simm.s32 $0x1BF5;
	[smem:$0x3FBB] =	sst s0  }
0x18: {  	s0 =	sld [smem:$0x3F9E];
	_ =	swait.ge [sflag:s4], $0x0  }
0x19: {  	s7 =	sld [smem:$0x3F9F]  }
0x1a: {  	s8 =	sadd.s32 $0xFFFFE003, lr  }
0x1b: {  	s9 =	sadd.s32 $0xFFFFFEF7, lr;
	s5 =	simm.s32 $0xFFFFFFFF;
	p2 =	slt.u32 s8, $0xFFFFF086  }
0x1c: {  	p1 =	slt.u32 s9, $0xF7A;
	s5 =	simm.s32 @!p2 $0x0  }
0x1d: {  	s5 =	simm.s32 @p1 $0x1;
	p0 =	seq.s32 s7, s2  }
0x1e: {  	s7 =	smul.u32 @!p0 $0xF7A, s2;
	p2 =	seq.s32 @!p0 s5, $0x0  }
0x1f: {  	s9 =	smul.u32 $0xF7A, s1;
	s8 =	simm.s32 @!p0 $0x1BF5;
	p2 =	por !p2, p0  }
0x20: {  	[sflag:s8] =	ssyncset.s32 @!p0 $0xFFFFF086;
	s6 =	sadd.s32 @!p0 s3, s7;
	s7 =	simm.s32 @!p0 $0x108  }
0x21: {  	s3 =	sadd.s32 s3, s9;
	s6 =	sadd.s32 @!p0 $0x88, s6;
	s7 =	simm.s32 @p2 $0x1082  }
0x22: {  	[simem:s7], [sflag:s8] =	dma.local @!p0 [hbm:s6], $0xF7A  }
0x23: {  	s9 =	sor.u32 $0xD0000000, s2;
	s6 =	simm.s32 $0x108;
	_ =	swait.ge @!p0 [sflag:s8], $0x0  }
0x24: {  	s3 =	sadd.s32 $0x88, s3;
	s6 =	simm.s32 @!p1 $0x1082;
	[sflag:s4] =	ssyncset.s32 $0xFFFFF086  }
0x25: {  	[simem:s6], [sflag:s4] =	dma.local [hbm:s3], $0xF7A  }
0x26: {  	[smem:$0x3F9F] =	sst s1;
	(tag) =	ssettag s2;
	_ =	strace s9  }
0x27: {  	s1 =	sld [smem:$0x3FAF]  }
0x28: {  	s2 =	sld [smem:$0x3FB0]  }
0x29: {  	s4 =	sld [smem:$0x3FB2]  }
0x2a: {  	p0 =	seq.s32 s5, $0x0;
	s5 =	sld [smem:$0x3FB3]  }
0x2b: {  	s6 =	sld [smem:$0x3FB4]  }
0x2c: {  	s7 =	sld [smem:$0x3FB5]  }
0x2d: {  	s3 =	simm.s32 $0x108;
	s8 =	sld [smem:$0x3FB6]  }
0x2e: {  	s3 =	simm.s32 @!p0 $0x1082;
	s9 =	sld [smem:$0x3FB7]  }
0x2f: {  	lr =	sadd.s32 s0, s3;
	s0 =	sld [smem:$0x3FAE]  }
0x30: {  	s3 =	sld [smem:$0x3FB1]  }
0x31: {  	[smem:$0x3FBA] =	sst s10  }
0x32: {  	s10 =	sld [smem:$0x3FB8];
	_ =	sdelay $0x3  }
0x33: {  	p0 =	seq.s32 s10, $0x1;
	s10 =	sld [smem:$0x3FBA];
	_ =	sdelay $0x3  }
0x34: {  	[smem:$0x3FBA] =	sst s10  }
0x35: {  	s10 =	sld [smem:$0x3FB9];
	_ =	sdelay $0x3  }
0x36: {  	p1 =	seq.s32 s10, $0x1;
	s10 =	sld [smem:$0x3FBA];
	_ =	sdelay $0x3  }
0x37: {  	[smem:$0x3FBA] =	sst s10  }
0x38: {  	s10 =	sld [smem:$0x3FBB]  }
0x39: {  	_ = 	snop;
	(pc) =	sbr.ind lr, $3  }
0x3a: {  	_ = 	snop  }
0x3b: {  	_ = 	snop  }
0x3c: {  	p2 =	seq.s32 s10, $0x1;
	s10 =	sld [smem:$0x3FBA]  }
0x3d: {  	_ =	shalt  }
0x3e: {  	_ =	shalt  }
0x3f: {  	_ =	shalt  }
0x40: {  	_ =	shalt  }
0x41: {  	_ =	shalt  }
0x42: {  	_ =	shalt  }
0x43: {  	_ =	shalt  }
0x44: {  	_ =	shalt  }
0x45: {  	_ =	shalt  }
0x46: {  	_ =	shalt  }
0x47: {  	_ =	shalt  }
0x48: {  	_ =	shalt  }
0x49: {  	_ =	shalt  }
0x4a: {  	_ =	shalt  }
0x4b: {  	_ =	shalt  }
0x4c: {  	_ =	shalt  }
0x4d: {  	_ =	shalt  }
0x4e: {  	_ =	shalt  }
0x4f: {  	_ =	shalt  }
0x50: {  	_ =	shalt  }
0x51: {  	_ =	shalt  }
0x52: {  	_ =	shalt  }
0x53: {  	_ =	shalt  }
0x54: {  	_ =	shalt  }
0x55: {  	_ =	shalt  }
0x56: {  	_ =	shalt  }
0x57: {  	_ =	shalt  }
0x58: {  	_ =	shalt  }
0x59: {  	_ =	shalt  }
0x5a: {  	_ =	shalt  }
0x5b: {  	_ =	shalt  }
0x5c: {  	_ =	shalt  }
0x5d: {  	_ =	shalt  }
0x5e: {  	_ =	shalt  }
0x5f: {  	_ =	shalt  }
0x60: {  	_ =	shalt  }
0x61: {  	_ =	shalt  }
0x62: {  	_ =	shalt  }
0x63: {  	_ =	shalt  }
0x64: {  	_ =	shalt  }
0x65: {  	_ =	shalt  }
0x66: {  	_ =	shalt  }
0x67: {  	_ =	shalt  }
0x68: {  	_ =	shalt  }
0x69: {  	_ =	shalt  }
0x6a: {  	_ =	shalt  }
0x6b: {  	_ =	shalt  }
0x6c: {  	_ =	shalt  }
0x6d: {  	_ =	shalt  }
0x6e: {  	_ =	shalt  }
0x6f: {  	_ =	shalt  }
0x70: {  	_ =	shalt  }
0x71: {  	_ =	shalt  }
0x72: {  	_ =	shalt  }
0x73: {  	_ =	shalt  }
0x74: {  	_ =	shalt  }
0x75: {  	_ =	shalt  }
0x76: {  	_ =	shalt  }
0x77: {  	_ =	shalt  }
0x78: {  	_ =	shalt  }
0x79: {  	_ =	shalt  }
0x7a: {  	_ =	shalt  }
0x7b: {  	_ =	shalt  }
0x7c: {  	_ =	shalt  }
0x7d: {  	_ =	shalt  }
0x7e: {  	_ =	shalt  }
0x7f: {  	_ =	shalt  }
0x80: {  	_ =	shalt  }
0x81: {  	_ =	shalt  }
0x82: {  	_ =	shalt  }
0x83: {  	_ =	shalt  }
0x84: {  	_ =	shalt  }
0x85: {  	_ =	shalt  }
0x86: {  	_ =	shalt  }
0x87: {  	_ =	shalt  }
.Lfunc_end0:
.L_simem_size_0:
called_computation_lowered:
.L_overlay_start_0:
0x88: {  	s2 =	sld [smem:$0x3FD9]  }
0x89: {  	s3 =	sld [smem:$0x3FFE];
	_ =	sdelay $0x1  }
0x8a: {  	s1 =	srdreg.scid  }
0x8b: {  	s0 =	sand.u32 $0x1, s1  }
0x8c: {  	s17 =	sshll.u32 s0, $0xA;
	s2 =	sadd.s32 s3, s2  }
0x8d: {  	s2 =	sadd.s32 s2, s17  }
0x8e: {  	[smem:$0x3FC6] =	sst s2  }
0x8f: {  	_ = 	snop  }
0x90: {  	s2 =	sld [smem:$0x3FD0];
	(tm) =	ssettm $0x1  }
0x91: {  	s18 =	sld [smem:$0x3FFB];
	_ =	sdelay $0x3  }
0x92: {  	_ =	strace s18  }
0x93: {  	s3 =	sld [smem:$0x3FFC];
	_ =	sdelay $0x3  }
0x94: {  	_ =	strace s3  }
0x95: {  	s3 =	sld [smem:$0x3FFD];
	_ =	sdelay $0x3  }
0x96: {  	_ =	strace s3  }
0x97: {  	_ =	strace $0x8FFFFFFF  }
0x98: {  	s19 =	sld [smem:$0x3FDB];
	_ =	sdelay $0x1  }
0x99: {  	s4 =	simm.s32 $_scs_section_size  }
0x9a: {  	s5 =	simm.s32 $_size__tile_overlayer_lowered;
	s6 =	simm.s32 $_tile_overlayer_lowered  }
0x9b: {  	s22 =	simm.s32 $0x1BFF;
	s21 =	sshll.u32 s6, $0x1;
	s3 =	sadd.s32 s4, s19  }
0x9c: {  	s7 =	simm.s32 $0x0;
	s20 =	sshll.u32 s5, $0x1;
	s5 =	sadd.s32 s21, s3  }
0x9d: {  	[timem:s7], [sflag:s22] =	dma.local [hbm:s5], s20  }
0x9e: {  	_ =	swait.ge [sflag:s22], s20  }
0x9f: {  	s4 =	ssub.s32 $0x0, s20;
	[sflag:s22] =	ssyncset.done $0x0  }
0xa0: {  	[sflag:s22] =	ssyncadd.s32 s4;
	_ =	sdelay $0x1  }
0xa1: {  	s23 =	simm.s32 $0x1B8B  }
0xa2: {  	_ =	swait.ge [sflag:s23], $0x1  }
0xa3: {  	[sflag:s23] =	ssyncset.done $0x0  }
0xa4: {  	s25 =	simm.s32 $0x1B8E;
	s24 =	sld [smem:$0x3FFE];
	[sflag:s23] =	ssyncadd.s32 $0xFFFFFFFF  }
0xa5: {  	s26 =	simm.s32 $execute0_lowered;
	[smem:$0x3FD2] =	sst s25  }
0xa6: {  	s5 =	sshll.u32 s26, $0x1;
	_ =	strace $0x80000046;
	[dreg:$0x1] =	wrdreg $0xFFFFFFFF  }
0xa7: {  	s28 =	simm.s32 $_size_execute0_lowered;
	s3 =	sadd.s32 s3, s5;
	[dreg:$0x0] =	wrdreg $0x0  }
0xa8: {  	s5 =	sshll.u32 s28, $0x1;
	[dreg:$0x2] =	wrdreg s3  }
0xa9: {  	[dreg:$0x3] =	wrdreg s5  }
0xaa: {  	[dreg:$0x4] =	wrdreg $0xC0  }
0xab: {  	_ =	task [dreg:s7], $0x5FFFF  }
0xac: {  	[dreg:$0x1] =	wrdreg $0xFFFFFFFF  }
0xad: {  	[dreg:$0x0] =	wrdreg $0x60  }
0xae: {  	[dreg:$0x2] =	wrdreg s24  }
0xaf: {  	[dreg:$0x3] =	wrdreg s2  }
0xb0: {  	[dreg:$0x4] =	wrdreg $0x9  }
0xb1: {  	_ =	task.clear_ibuf [dreg:s7], $0x5FFFF;
	_ =	strace $0x90000046  }
0xb2: {  	s29 =	simm.s32 $0x9;
	_ =	strace $0x80000048  }
0xb3: {  	_ =	swait.ge [sflag:s29], $0x1  }
0xb4: {  	[sflag:s29] =	ssyncadd.s32 $0xFFFFFFFF  }
0xb5: {  	_ =	strace $0x90000048  }
0xb6: {  	_ =	sfence  }
0xb7: {  	s30 =	sld [smem:$0x0];
	_ =	sdelay $0x2  }
0xb8: {  	s31 =	sshll.u32 s1, $0xD;
	s1 =	sshrl.u32 s1, $0x2  }
0xb9: {  	s3 =	sand.u32 $0x4000, s31;
	s1 =	sadd.s32 s1, s30  }
0xba: {  	s0 =	sor.u32 s3, s0;
	s1 =	sshll.u32 s1, $0x11  }
0xbb: {  	s0 =	sor.u32 s1, s0  }
0xbc: {  	s0 =	sadd.s32 $0x8F2B, s0  }
0xbd: {  	[sflag:s0] =	ssyncadd.remote.s32 $0x1  }
0xbe: {  	_ =	sfence.sel $0xFFFF  }
0xbf: {  	[dreg:$0x0] =	wrdreg $0xFFFFFFFF;
	(pc) =	sbr.abs _section_cstart, $3  }
0xc0: {  	[dreg:$0x1] =	wrdreg $0xFFFFFFFF  }
0xc1: {  	_ =	task.clear_ibuf [dreg:s7], $0x2FFFF;
	_ =	strace $0x9FFFFFFF  }
0xc2: {  	(tm) =	ssettm $0x7FFFFFFF  }
0xc3: {  	_ =	shalt  }
tec
execute0_lowered:
.L_overlay_start_1:
0x0: {  	(tag) =	ssettag $0x1  }
0x1: {  	s0 =	rddreg [dreg:$0x0]  }
0x2: {  	s1 =	rddreg [dreg:$0x1]  }
0x3: {  	s3 =	simm.s32 $0x0;
	s2 =	srdreg.scid;
	s4 =	stileid.u32  }
0x4: {  	s11 =	simm.s32 $0x7;
	s13 =	simm.s32 $0x3;
	s14 =	simm.s32 $0x80  }
0x5: {  	s16 =	simm.s32 $0x8200;
	s18 =	simm.s32 $0x1;
	s19 =	simm.s32 $0x4  }
0x6: {  	s20 =	simm.s32 $0x8180;
	s21 =	simm.s32 $0xC200;
	s22 =	simm.s32 $0x10200  }
0x7: {  	s23 =	simm.s32 $0x400;
	s24 =	simm.s32 $0x1000;
	s25 =	simm.s32 $0x2  }
0x8: {  	s26 =	simm.s32 $0x5;
	s28 =	simm.s32 $0x12200;
	s29 =	simm.s32 $0x6  }
0x9: {  	v0 =	vlaneseq.u32;
	s30 =	simm.s32 $0x0;
	[smem:$0x7FF] =	sst s3;
	s2 =	sand.u32 $0x1, s2  }
0xa: {  	s5 =	sshll.u32 s4, $0x8;
	s4 =	sadd.s32 $0x800, s0;
	v1 =	vmul.u32 $0x80, v0;
	v3 =	vor.u32 $0x10, v0;
	v5 =	vor.u32 $0x20, v0;
	s6 =	sshll.u32 s2, $0x7  }
0xb: {  	v7 =	vor.u32 $0x30, v0;
	v9 =	vor.u32 $0x40, v0;
	v11 =	vor.u32 $0x50, v0;
	_ =	strace $0x80000047;
	s2 =	ssub.s32 $0x2, s2;
	s5 =	sor.u32 s6, s5  }
0xc: {  	v13 =	vor.u32 $0x60, v0;
	v15 =	vor.u32 $0x70, v0;
	s6 =	sadd.s32 $0xF42C00, s0;
	s8 =	sshrl.u32 s2, $0x1;
	v2 =	vor.u32 $0x800, v1;
	s9 =	sshll.u32 s5, $0x4  }
0xd: {  	s0 =	sadd.s32 $0x10800, s0;
	v4 =	vor.u32 $0x1000, v1;
	v6 =	vor.u32 $0x1800, v1;
	v8 =	vor.u32 $0x2000, v1;
	s31 =	ssub.s32 s2, s8;
	s8 =	sadd.s32 s4, s9  }
0xe: {  	v10 =	vor.u32 $0x2800, v1;
	v12 =	vor.u32 $0x3000, v1;
	v14 =	vor.u32 $0x3800, v1;
	[dreg:$0x3] =	wrdreg s0;
	s10 =	smax.u32 s31, $0x1;
	s9 =	sadd.s32 $0x10, s8  }
.LBB2_1:
0xf: {  	s0 =	rddreg [dreg:$0x3]  }
0x10: {  	[tilespmem:s3], [sflag:$0x7] =	stream.linear.gather [hbm4b:s0+s3], $0x8000, $0x38;
	[tilespmem:$0x14200] =	vst v63  }
0x11: {  	_ =	swait.ge [sflag:s11], $0x8000  }
0x12: {  	[sflag:s11] =	ssyncset.done $0x0  }
0x13: {  	s12 =	simm.s32 $0x8000;
	[sflag:s11] =	ssyncadd.s32 $0xFFFF8000  }
0x14: {  	[tilespmem:s12], [sflag:$0x3] =	stream.linear.gather [hbm4b:s8+s3], $0x80, $0x38;
	[tilespmem:$0x14200] =	vst v63  }
0x15: {  	_ =	swait.ge [sflag:s13], $0x80  }
0x16: {  	[sflag:s13] =	ssyncset.done $0x0  }
0x17: {  	[sflag:s13] =	ssyncadd.s32 $0xFFFFFF80  }
0x18: {  	v16 =	vld [tilespmem:$0x8000]  }
0x19: {  	v17 =	vld [tilespmem:$0x8010]  }
0x1a: {  	v18 =	vld [tilespmem:$0x8020]  }
0x1b: {  	v19 =	vld [tilespmem:$0x8030]  }
0x1c: {  	v20 =	vld [tilespmem:$0x8040]  }
0x1d: {  	v21 =	vld [tilespmem:$0x8050];
	v16 =	vshrl.u32 v16, $0x1  }
0x1e: {  	[tilespmem:$0x8100] =	vst v16;
	v16 =	vshrl.u32 v17, $0x1;
	v17 =	vld [tilespmem:$0x8060]  }
0x1f: {  	v63 =	vld [tilespmem:$0x8070];
	[tilespmem:$0x8110] =	vst v16;
	v16 =	vshrl.u32 v18, $0x1  }
0x20: {  	[tilespmem:$0x8120] =	vst v16;
	v16 =	vshrl.u32 v19, $0x1  }
0x21: {  	[tilespmem:$0x8130] =	vst v16;
	v16 =	vshrl.u32 v20, $0x1  }
0x22: {  	[tilespmem:$0x8140] =	vst v16;
	v16 =	vshrl.u32 v21, $0x1  }
0x23: {  	[tilespmem:$0x8150] =	vst v16;
	v16 =	vshrl.u32 v17, $0x1  }
0x24: {  	[tilespmem:$0x8160] =	vst v16;
	v16 =	vshrl.u32 v63, $0x1  }
0x25: {  	s15 =	simm.s32 $0x8100;
	[tilespmem:$0x8170] =	vst v16  }
0x26: {  	[tilespmem:s16], [sflag:$0x1] =	stream.indirect.gather [hbm4b:s6+s14], $0x80, s15, s14, $0xb8;
	[tilespmem:$0x14200] =	vst v63  }
0x27: {  	s17 =	simm.s32 $0x8080;
	s31 =	simm.s32 $0x0  }
0x28: {  	[tilespmem:s17], [sflag:$0x4] =	stream.linear.gather [hbm4b:s9+s3], $0x80, $0x38;
	[tilespmem:$0x14200] =	vst v63  }
.LBB2_2:
0x29: {  	_ =	swait.ge [sflag:s18], $0x4000  }
0x2a: {  	p0 =	seq.s32 s31, $0x0;
	[sflag:s18] =	ssyncset.done $0x0  }
0x2b: {  	s0 =	simm.s32 @!p0 $0x6;
	[sflag:s18] =	ssyncadd.s32 $0xFFFFC000  }
0x2c: {  	_ =	swait.ge @!p0 [sflag:s0], $0x2000  }
0x2d: {  	[sflag:s0] =	ssyncset.done @!p0 $0x0  }
0x2e: {  	[sflag:s0] =	ssyncadd.s32 @!p0 $0xFFFFE000  }
0x2f: {  	_ =	swait.ge [sflag:s19], $0x80  }
0x30: {  	[sflag:s19] =	ssyncset.done $0x0  }
0x31: {  	[sflag:s19] =	ssyncadd.s32 $0xFFFFFF80  }
0x32: {  	v16 =	vld [tilespmem:$0x8080]  }
0x33: {  	v17 =	vld [tilespmem:$0x8090]  }
0x34: {  	v18 =	vld [tilespmem:$0x80A0]  }
0x35: {  	v19 =	vld [tilespmem:$0x80B0]  }
0x36: {  	v20 =	vld [tilespmem:$0x80C0]  }
0x37: {  	v21 =	vld [tilespmem:$0x80D0];
	v16 =	vshrl.u32 v16, $0x1  }
0x38: {  	[tilespmem:$0x8180] =	vst v16;
	v16 =	vshrl.u32 v17, $0x1;
	v17 =	vld [tilespmem:$0x80E0]  }
0x39: {  	[tilespmem:$0x8190] =	vst v16;
	v16 =	vshrl.u32 v18, $0x1;
	v18 =	vld [tilespmem:$0x80F0]  }
0x3a: {  	[tilespmem:$0x81A0] =	vst v16;
	v16 =	vshrl.u32 v19, $0x1  }
0x3b: {  	[tilespmem:$0x81B0] =	vst v16;
	v16 =	vshrl.u32 v20, $0x1  }
0x3c: {  	[tilespmem:$0x81C0] =	vst v16;
	v16 =	vshrl.u32 v21, $0x1  }
0x3d: {  	[tilespmem:$0x81D0] =	vst v16;
	v16 =	vshrl.u32 v17, $0x1  }
0x3e: {  	[tilespmem:$0x81E0] =	vst v16;
	v16 =	vshrl.u32 v18, $0x1  }
0x3f: {  	[tilespmem:$0x81F0] =	vst v16  }
0x40: {  	[tilespmem:s21], [sflag:$0x2] =	stream.indirect.gather [hbm4b:s6+s14], $0x80, s20, s14, $0xb8;
	[tilespmem:$0x14200] =	vst v63  }
0x41: {  	s12 =	sshll.u32 s31, $0x8;
	v16 =	vld [tilespmem:$0x8000]  }
0x42: {  	s2 =	sand.u32 $0x100, s12  }
0x43: {  	v17 =	vmov s2  }
0x44: {  	s15 =	simm.s32 $0x0;
	v17 =	vshrl.u32 v17, $0x7  }
0x45: {  	v19 =	vadd.s32 s15, v0;
	v17 =	vshll.u32 v17, $0xA  }
0x46: {  	v20 =	vshll.u32 v19, $0x9;
	v18 =	vshll.u32 v16, $0x6;
	v16 =	vbroadcast v17, $0x0  }
0x47: {  	v22 =	vshll.u32 v19, $0x7;
	v21 =	vand.u32 $0xF, v19;
	v17 =	vand.u32 $0x40, v18  }
0x48: {  	v20 =	vand.u32 $0x1000, v20;
	v17 =	vor.u32 v1, v17;
	v18 =	vor.u32 v0, v16  }
0x49: {  	v22 =	vand.u32 $0x380, v22;
	v23 =	vor.u32 v21, v17;
	v20 =	vor.u32 v20, v18  }
0x4a: {  	v20 =	vor.u32 v22, v20;
	_ =	sdelay $0x3  }
0x4b: {  	v23 =	vld.idx.msk [tilespmem:v23+s16+$0x0], $0xffff  }
0x4c: {  	v24 =	vor.u32 $0x10, v19;
	v20 =	vld.idx.msk [tilespmem:v20+s3+$0x0], $0xffff  }
0x4d: {  	v26 =	vshll.u32 v24, $0x9;
	v25 =	vshll.u32 v21, $0x7  }
0x4e: {  	v26 =	vand.u32 $0x3000, v26;
	v25 =	vor.u32 v0, v25  }
0x4f: {  	v26 =	vor.u32 v26, v18;
	v27 =	vor.u32 v24, v17  }
0x50: {  	v26 =	vor.u32 v22, v26  }
0x51: {  	v20 =	vadd.f32 v20, v23;
	_ =	sdelay $0x1  }
0x52: {  	[tilespmem:v25+s22+$0x0] =	vst.idx.msk $0xffff, v20  }
0x53: {  	v20 =	vld.idx.msk [tilespmem:v27+s16+$0x0], $0xffff  }
0x54: {  	v21 =	vor.u32 $0x20, v21;
	v23 =	vld.idx.msk [tilespmem:v26+s3+$0x0], $0xffff  }
0x55: {  	v24 =	vshll.u32 v24, $0x7;
	v25 =	vshll.u32 v21, $0x9  }
0x56: {  	v24 =	vor.u32 v0, v24;
	v25 =	vand.u32 $0x5000, v25  }
0x57: {  	v26 =	vor.u32 v21, v17;
	v25 =	vor.u32 v25, v18  }
0x58: {  	v25 =	vor.u32 v22, v25  }
0x59: {  	v20 =	vadd.f32 v23, v20;
	_ =	sdelay $0x1  }
0x5a: {  	[tilespmem:v24+s22+$0x0] =	vst.idx.msk $0xffff, v20  }
0x5b: {  	v20 =	vld.idx.msk [tilespmem:v26+s16+$0x0], $0xffff  }
0x5c: {  	v19 =	vor.u32 $0x30, v19;
	v23 =	vld.idx.msk [tilespmem:v25+s3+$0x0], $0xffff  }
0x5d: {  	v21 =	vshll.u32 v21, $0x7;
	v24 =	vshll.u32 v19, $0x9  }
0x5e: {  	v21 =	vor.u32 v0, v21;
	v24 =	vand.u32 $0x7000, v24  }
0x5f: {  	v25 =	vor.u32 v19, v17;
	v24 =	vor.u32 v24, v18  }
0x60: {  	v26 =	vor.u32 v22, v24  }
0x61: {  	v20 =	vadd.f32 v23, v20;
	_ =	sdelay $0x1  }
0x62: {  	[tilespmem:v21+s22+$0x0] =	vst.idx.msk $0xffff, v20  }
0x63: {  	s17 =	simm.s32 $0x1;
	v19 =	vshll.u32 v19, $0x7;
	v25 =	vld.idx.msk [tilespmem:v25+s16+$0x0], $0xffff  }
0x64: {  	v23 =	vor.u32 v0, v19;
	v19 =	vadd.s32 s17, v0;
	v26 =	vld.idx.msk [tilespmem:v26+s3+$0x0], $0xffff  }
0x65: {  	v24 =	vand.u32 $0xF, v19;
	v28 =	vshll.u32 v19, $0x7;
	v20 =	vshll.u32 v19, $0x9  }
0x66: {  	v22 =	vshll.u32 v24, $0x7;
	v21 =	vor.u32 $0x10, v19;
	v29 =	vand.u32 $0x1000, v20  }
0x67: {  	s12 =	simm.s32 $0x2;
	s0 =	sshll.u32 s31, $0x1;
	v27 =	vor.u32 v24, v17;
	v20 =	vand.u32 $0x380, v28;
	v28 =	vor.u32 v29, v18  }
.LBB2_3:
0x68: {  	p0 =	sne.s32 s12, $0xF;
	v28 =	vor.u32 v20, v28;
	v29 =	vshll.u32 v21, $0x9;
	v24 =	vor.u32 $0x20, v24;
	s15 =	smov.u32 s12;
	s12 =	sadd.s32 $0x1, s12  }
0x69: {  	v25 =	vadd.f32 v26, v25;
	v29 =	vand.u32 $0x3000, v29;
	v30 =	vshll.u32 v24, $0x9  }
0x6a: {  	v26 =	vor.u32 v29, v18;
	v29 =	vshll.u32 v21, $0x7;
	v30 =	vand.u32 $0x5000, v30  }
0x6b: {  	v31 =	vshll.u32 v24, $0x7;
	v26 =	vor.u32 v20, v26;
	v30 =	vor.u32 v30, v18;
	[tilespmem:v23+s22+$0x0] =	vst.idx.msk $0xffff, v25  }
0x6c: {  	v19 =	vor.u32 $0x30, v19;
	v23 =	vld.idx.msk [tilespmem:v27+s16+$0x0], $0xffff;
	v25 =	vor.u32 v20, v30  }
0x6d: {  	v30 =	vshll.u32 v19, $0x7;
	v27 =	vld.idx.msk [tilespmem:v28+s3+$0x0], $0xffff;
	v28 =	vshll.u32 v19, $0x9  }
0x6e: {  	v28 =	vand.u32 $0x7000, v28  }
0x6f: {  	v28 =	vor.u32 v28, v18  }
0x70: {  	v22 =	vor.u32 v0, v22;
	v20 =	vor.u32 v20, v28  }
0x71: {  	v21 =	vor.u32 v21, v17;
	_ =	sdelay $0x1  }
0x72: {  	v23 =	vadd.f32 v27, v23;
	_ =	sdelay $0x1  }
0x73: {  	[tilespmem:v22+s22+$0x0] =	vst.idx.msk $0xffff, v23  }
0x74: {  	v21 =	vld.idx.msk [tilespmem:v21+s16+$0x0], $0xffff  }
0x75: {  	v22 =	vld.idx.msk [tilespmem:v26+s3+$0x0], $0xffff;
	_ =	sdelay $0x1  }
0x76: {  	v23 =	vor.u32 v0, v29;
	_ =	sdelay $0x1  }
0x77: {  	v24 =	vor.u32 v24, v17;
	_ =	sdelay $0x1  }
0x78: {  	v21 =	vadd.f32 v22, v21;
	_ =	sdelay $0x1  }
0x79: {  	[tilespmem:v23+s22+$0x0] =	vst.idx.msk $0xffff, v21  }
0x7a: {  	v21 =	vld.idx.msk [tilespmem:v24+s16+$0x0], $0xffff  }
0x7b: {  	v22 =	vld.idx.msk [tilespmem:v25+s3+$0x0], $0xffff  }
0x7c: {  	v23 =	vor.u32 v0, v31;
	_ =	sdelay $0x2  }
0x7d: {  	v19 =	vor.u32 v19, v17;
	_ =	sdelay $0x1  }
0x7e: {  	v21 =	vadd.f32 v22, v21;
	_ =	sdelay $0x1  }
0x7f: {  	[tilespmem:v23+s22+$0x0] =	vst.idx.msk $0xffff, v21  }
0x80: {  	v25 =	vld.idx.msk [tilespmem:v19+s16+$0x0], $0xffff  }
.Ltmp0:
0x81: {  	v23 =	vor.u32 v0, v30;
	v26 =	vld.idx.msk [tilespmem:v20+s3+$0x0], $0xffff;
	(pc) =	sbr.rel @p0 .LBB2_3-.Ltmp0, $4  }
0x82: {  	v19 =	vadd.s32 s15, v0  }
0x83: {  	v24 =	vand.u32 $0xF, v19;
	v20 =	vshll.u32 v19, $0x9;
	v28 =	vshll.u32 v19, $0x7  }
0x84: {  	v21 =	vor.u32 $0x10, v19;
	v29 =	vand.u32 $0x1000, v20;
	v22 =	vshll.u32 v24, $0x7  }
0x85: {  	v27 =	vor.u32 v24, v17;
	v20 =	vand.u32 $0x380, v28;
	v28 =	vor.u32 v29, v18  }
0x86: {  	_ = 	snop  }
0x87: {  	v28 =	vor.u32 v20, v28  }
0x88: {  	v25 =	vadd.f32 v26, v25;
	_ =	sdelay $0x1  }
0x89: {  	[tilespmem:v23+s22+$0x0] =	vst.idx.msk $0xffff, v25  }
0x8a: {  	v23 =	vld.idx.msk [tilespmem:v27+s16+$0x0], $0xffff  }
0x8b: {  	v25 =	vld.idx.msk [tilespmem:v28+s3+$0x0], $0xffff  }
0x8c: {  	v26 =	vshll.u32 v21, $0x9  }
0x8d: {  	v22 =	vor.u32 v0, v22;
	v26 =	vand.u32 $0x3000, v26  }
0x8e: {  	v26 =	vor.u32 v26, v18;
	v27 =	vor.u32 v21, v17  }
0x8f: {  	v26 =	vor.u32 v20, v26  }
0x90: {  	v23 =	vadd.f32 v25, v23;
	_ =	sdelay $0x1  }
0x91: {  	[tilespmem:v22+s22+$0x0] =	vst.idx.msk $0xffff, v23  }
0x92: {  	v22 =	vld.idx.msk [tilespmem:v27+s16+$0x0], $0xffff  }
0x93: {  	v23 =	vor.u32 $0x20, v24;
	v24 =	vld.idx.msk [tilespmem:v26+s3+$0x0], $0xffff  }
0x94: {  	v21 =	vshll.u32 v21, $0x7;
	v25 =	vshll.u32 v23, $0x9  }
0x95: {  	v21 =	vor.u32 v0, v21;
	v25 =	vand.u32 $0x5000, v25  }
0x96: {  	v26 =	vor.u32 v23, v17;
	v25 =	vor.u32 v25, v18  }
0x97: {  	v25 =	vor.u32 v20, v25  }
0x98: {  	v22 =	vadd.f32 v24, v22;
	_ =	sdelay $0x1  }
0x99: {  	[tilespmem:v21+s22+$0x0] =	vst.idx.msk $0xffff, v22  }
0x9a: {  	v21 =	vld.idx.msk [tilespmem:v26+s16+$0x0], $0xffff  }
0x9b: {  	v19 =	vor.u32 $0x30, v19;
	v22 =	vld.idx.msk [tilespmem:v25+s3+$0x0], $0xffff  }
0x9c: {  	v23 =	vshll.u32 v23, $0x7;
	v24 =	vshll.u32 v19, $0x9  }
0x9d: {  	v23 =	vor.u32 v0, v23;
	v24 =	vand.u32 $0x7000, v24  }
0x9e: {  	v17 =	vor.u32 v19, v17;
	v18 =	vor.u32 v24, v18  }
0x9f: {  	v18 =	vor.u32 v20, v18  }
0xa0: {  	v20 =	vadd.f32 v22, v21;
	_ =	sdelay $0x1  }
0xa1: {  	[tilespmem:v23+s22+$0x0] =	vst.idx.msk $0xffff, v20  }
0xa2: {  	v17 =	vld.idx.msk [tilespmem:v17+s16+$0x0], $0xffff  }
0xa3: {  	v18 =	vld.idx.msk [tilespmem:v18+s3+$0x0], $0xffff  }
0xa4: {  	v19 =	vshll.u32 v19, $0x7  }
0xa5: {  	v19 =	vor.u32 v0, v19;
	_ =	sdelay $0x2  }
0xa6: {  	v17 =	vadd.f32 v18, v17;
	_ =	sdelay $0x1  }
0xa7: {  	[tilespmem:v19+s22+$0x0] =	vst.idx.msk $0xffff, v17  }
0xa8: {  	v17 =	vld [tilespmem:$0x8010];
	_ =	sdelay $0x1  }
0xa9: {  	s12 =	simm.s32 $0x0  }
0xaa: {  	v19 =	vadd.s32 s12, v0  }
0xab: {  	v18 =	vor.u32 v3, v16;
	v20 =	vshll.u32 v19, $0x9  }
0xac: {  	v22 =	vshll.u32 v19, $0x7;
	v20 =	vand.u32 $0x1000, v20;
	v17 =	vshll.u32 v17, $0x6  }
0xad: {  	v22 =	vand.u32 $0x380, v22;
	v20 =	vor.u32 v20, v18;
	v17 =	vand.u32 $0x40, v17  }
0xae: {  	v21 =	vand.u32 $0xF, v19;
	v20 =	vor.u32 v22, v20;
	v17 =	vor.u32 v2, v17  }
0xaf: {  	v23 =	vor.u32 v21, v17;
	_ =	sdelay $0x3  }
0xb0: {  	v20 =	vld.idx.msk [tilespmem:v20+s3+$0x0], $0xffff  }
0xb1: {  	v24 =	vor.u32 $0x10, v19;
	v23 =	vld.idx.msk [tilespmem:v23+s16+$0x0], $0xffff  }
0xb2: {  	v25 =	vshll.u32 v21, $0x7;
	v26 =	vshll.u32 v24, $0x9  }
0xb3: {  	v26 =	vand.u32 $0x3000, v26;
	v25 =	vor.u32 v3, v25  }
0xb4: {  	v26 =	vor.u32 v26, v18;
	v27 =	vor.u32 v24, v17  }
0xb5: {  	v26 =	vor.u32 v22, v26  }
0xb6: {  	v20 =	vadd.f32 v20, v23;
	_ =	sdelay $0x1  }
0xb7: {  	[tilespmem:v25+s22+$0x0] =	vst.idx.msk $0xffff, v20  }
0xb8: {  	v20 =	vld.idx.msk [tilespmem:v27+s16+$0x0], $0xffff  }
0xb9: {  	v21 =	vor.u32 $0x20, v21;
	v23 =	vld.idx.msk [tilespmem:v26+s3+$0x0], $0xffff  }
0xba: {  	v24 =	vshll.u32 v24, $0x7;
	v25 =	vshll.u32 v21, $0x9  }
0xbb: {  	v24 =	vor.u32 v3, v24;
	v25 =	vand.u32 $0x5000, v25  }
0xbc: {  	v26 =	vor.u32 v21, v17;
	v25 =	vor.u32 v25, v18  }
0xbd: {  	v25 =	vor.u32 v22, v25  }
0xbe: {  	v20 =	vadd.f32 v23, v20;
	_ =	sdelay $0x1  }
0xbf: {  	[tilespmem:v24+s22+$0x0] =	vst.idx.msk $0xffff, v20  }
0xc0: {  	v20 =	vld.idx.msk [tilespmem:v26+s16+$0x0], $0xffff  }
0xc1: {  	v19 =	vor.u32 $0x30, v19;
	v23 =	vld.idx.msk [tilespmem:v25+s3+$0x0], $0xffff  }
0xc2: {  	v21 =	vshll.u32 v21, $0x7;
	v24 =	vshll.u32 v19, $0x9  }
0xc3: {  	v21 =	vor.u32 v3, v21;
	v24 =	vand.u32 $0x7000, v24  }
0xc4: {  	v25 =	vor.u32 v19, v17;
	v24 =	vor.u32 v24, v18  }
0xc5: {  	v26 =	vor.u32 v22, v24  }
0xc6: {  	v20 =	vadd.f32 v23, v20;
	_ =	sdelay $0x1  }
0xc7: {  	[tilespmem:v21+s22+$0x0] =	vst.idx.msk $0xffff, v20  }
0xc8: {  	s17 =	simm.s32 $0x1;
	v19 =	vshll.u32 v19, $0x7;
	v25 =	vld.idx.msk [tilespmem:v25+s16+$0x0], $0xffff  }
0xc9: {  	v23 =	vor.u32 v3, v19;
	v19 =	vadd.s32 s17, v0;
	v26 =	vld.idx.msk [tilespmem:v26+s3+$0x0], $0xffff  }
0xca: {  	v24 =	vand.u32 $0xF, v19;
	v28 =	vshll.u32 v19, $0x7;
	v20 =	vshll.u32 v19, $0x9  }
0xcb: {  	v22 =	vshll.u32 v24, $0x7;
	v21 =	vor.u32 $0x10, v19;
	v29 =	vand.u32 $0x1000, v20  }
0xcc: {  	s12 =	simm.s32 $0x2;
	v27 =	vor.u32 v24, v17;
	v20 =	vand.u32 $0x380, v28;
	v28 =	vor.u32 v29, v18  }
.LBB2_5:
0xcd: {  	p0 =	sne.s32 s12, $0xF;
	v28 =	vor.u32 v20, v28;
	v29 =	vshll.u32 v21, $0x9;
	v24 =	vor.u32 $0x20, v24;
	s15 =	smov.u32 s12;
	s12 =	sadd.s32 $0x1, s12  }
0xce: {  	v25 =	vadd.f32 v26, v25;
	v29 =	vand.u32 $0x3000, v29;
	v30 =	vshll.u32 v24, $0x9  }
0xcf: {  	v26 =	vor.u32 v29, v18;
	v29 =	vshll.u32 v21, $0x7;
	v30 =	vand.u32 $0x5000, v30  }
0xd0: {  	v31 =	vshll.u32 v24, $0x7;
	v26 =	vor.u32 v20, v26;
	v30 =	vor.u32 v30, v18;
	[tilespmem:v23+s22+$0x0] =	vst.idx.msk $0xffff, v25  }
0xd1: {  	v19 =	vor.u32 $0x30, v19;
	v23 =	vld.idx.msk [tilespmem:v27+s16+$0x0], $0xffff;
	v25 =	vor.u32 v20, v30  }
0xd2: {  	v30 =	vshll.u32 v19, $0x7;
	v27 =	vld.idx.msk [tilespmem:v28+s3+$0x0], $0xffff;
	v28 =	vshll.u32 v19, $0x9  }
0xd3: {  	v28 =	vand.u32 $0x7000, v28  }
0xd4: {  	v28 =	vor.u32 v28, v18  }
0xd5: {  	v22 =	vor.u32 v3, v22;
	v20 =	vor.u32 v20, v28  }
0xd6: {  	v21 =	vor.u32 v21, v17;
	_ =	sdelay $0x1  }
0xd7: {  	v23 =	vadd.f32 v27, v23;
	_ =	sdelay $0x1  }
0xd8: {  	[tilespmem:v22+s22+$0x0] =	vst.idx.msk $0xffff, v23  }
0xd9: {  	v21 =	vld.idx.msk [tilespmem:v21+s16+$0x0], $0xffff  }
0xda: {  	v22 =	vld.idx.msk [tilespmem:v26+s3+$0x0], $0xffff;
	_ =	sdelay $0x1  }
0xdb: {  	v23 =	vor.u32 v3, v29;
	_ =	sdelay $0x1  }
0xdc: {  	v24 =	vor.u32 v24, v17;
	_ =	sdelay $0x1  }
0xdd: {  	v21 =	vadd.f32 v22, v21;
	_ =	sdelay $0x1  }
0xde: {  	[tilespmem:v23+s22+$0x0] =	vst.idx.msk $0xffff, v21  }
0xdf: {  	v21 =	vld.idx.msk [tilespmem:v24+s16+$0x0], $0xffff  }
0xe0: {  	v22 =	vld.idx.msk [tilespmem:v25+s3+$0x0], $0xffff  }
0xe1: {  	v23 =	vor.u32 v3, v31;
	_ =	sdelay $0x2  }
0xe2: {  	v19 =	vor.u32 v19, v17;
	_ =	sdelay $0x1  }
0xe3: {  	v21 =	vadd.f32 v22, v21;
	_ =	sdelay $0x1  }
0xe4: {  	[tilespmem:v23+s22+$0x0] =	vst.idx.msk $0xffff, v21  }
0xe5: {  	v25 =	vld.idx.msk [tilespmem:v19+s16+$0x0], $0xffff  }
.Ltmp1:
0xe6: {  	v23 =	vor.u32 v3, v30;
	v26 =	vld.idx.msk [tilespmem:v20+s3+$0x0], $0xffff;
	(pc) =	sbr.rel @p0 .LBB2_5-.Ltmp1, $4  }
0xe7: {  	v19 =	vadd.s32 s15, v0  }
0xe8: {  	v24 =	vand.u32 $0xF, v19;
	v20 =	vshll.u32 v19, $0x9;
	v28 =	vshll.u32 v19, $0x7  }
0xe9: {  	v21 =	vor.u32 $0x10, v19;
	v29 =	vand.u32 $0x1000, v20;
	v22 =	vshll.u32 v24, $0x7  }
0xea: {  	v27 =	vor.u32 v24, v17;
	v20 =	vand.u32 $0x380, v28;
	v28 =	vor.u32 v29, v18  }
0xeb: {  	_ = 	snop  }
0xec: {  	v28 =	vor.u32 v20, v28  }
0xed: {  	v25 =	vadd.f32 v26, v25;
	_ =	sdelay $0x1  }
0xee: {  	[tilespmem:v23+s22+$0x0] =	vst.idx.msk $0xffff, v25  }
0xef: {  	v23 =	vld.idx.msk [tilespmem:v27+s16+$0x0], $0xffff  }
0xf0: {  	v25 =	vld.idx.msk [tilespmem:v28+s3+$0x0], $0xffff  }
0xf1: {  	v26 =	vshll.u32 v21, $0x9  }
0xf2: {  	v22 =	vor.u32 v3, v22;
	v26 =	vand.u32 $0x3000, v26  }
0xf3: {  	v26 =	vor.u32 v26, v18;
	v27 =	vor.u32 v21, v17  }
0xf4: {  	v26 =	vor.u32 v20, v26  }
0xf5: {  	v23 =	vadd.f32 v25, v23;
	_ =	sdelay $0x1  }
0xf6: {  	[tilespmem:v22+s22+$0x0] =	vst.idx.msk $0xffff, v23  }
0xf7: {  	v22 =	vld.idx.msk [tilespmem:v27+s16+$0x0], $0xffff  }
0xf8: {  	v23 =	vor.u32 $0x20, v24;
	v24 =	vld.idx.msk [tilespmem:v26+s3+$0x0], $0xffff  }
0xf9: {  	v21 =	vshll.u32 v21, $0x7;
	v25 =	vshll.u32 v23, $0x9  }
0xfa: {  	v21 =	vor.u32 v3, v21;
	v25 =	vand.u32 $0x5000, v25  }
0xfb: {  	v26 =	vor.u32 v23, v17;
	v25 =	vor.u32 v25, v18  }
0xfc: {  	v25 =	vor.u32 v20, v25  }
0xfd: {  	v22 =	vadd.f32 v24, v22;
	_ =	sdelay $0x1  }
0xfe: {  	[tilespmem:v21+s22+$0x0] =	vst.idx.msk $0xffff, v22  }
0xff: {  	v21 =	vld.idx.msk [tilespmem:v26+s16+$0x0], $0xffff  }
0x100: {  	v19 =	vor.u32 $0x30, v19;
	v22 =	vld.idx.msk [tilespmem:v25+s3+$0x0], $0xffff  }
0x101: {  	v23 =	vshll.u32 v23, $0x7;
	v24 =	vshll.u32 v19, $0x9  }
0x102: {  	v23 =	vor.u32 v3, v23;
	v24 =	vand.u32 $0x7000, v24  }
0x103: {  	v17 =	vor.u32 v19, v17;
	v18 =	vor.u32 v24, v18  }
0x104: {  	v18 =	vor.u32 v20, v18  }
0x105: {  	v20 =	vadd.f32 v22, v21;
	_ =	sdelay $0x1  }
0x106: {  	[tilespmem:v23+s22+$0x0] =	vst.idx.msk $0xffff, v20  }
0x107: {  	v17 =	vld.idx.msk [tilespmem:v17+s16+$0x0], $0xffff  }
0x108: {  	v18 =	vld.idx.msk [tilespmem:v18+s3+$0x0], $0xffff  }
0x109: {  	v19 =	vshll.u32 v19, $0x7  }
0x10a: {  	v19 =	vor.u32 v3, v19;
	_ =	sdelay $0x2  }
0x10b: {  	v17 =	vadd.f32 v18, v17;
	_ =	sdelay $0x1  }
0x10c: {  	[tilespmem:v19+s22+$0x0] =	vst.idx.msk $0xffff, v17  }
0x10d: {  	v17 =	vld [tilespmem:$0x8020];
	_ =	sdelay $0x1  }
0x10e: {  	s12 =	simm.s32 $0x0  }
0x10f: {  	v19 =	vadd.s32 s12, v0  }
0x110: {  	v18 =	vor.u32 v5, v16;
	v20 =	vshll.u32 v19, $0x9  }
0x111: {  	v22 =	vshll.u32 v19, $0x7;
	v20 =	vand.u32 $0x1000, v20;
	v17 =	vshll.u32 v17, $0x6  }
0x112: {  	v22 =	vand.u32 $0x380, v22;
	v20 =	vor.u32 v20, v18;
	v17 =	vand.u32 $0x40, v17  }
0x113: {  	v21 =	vand.u32 $0xF, v19;
	v20 =	vor.u32 v22, v20;
	v17 =	vor.u32 v4, v17  }
0x114: {  	v23 =	vor.u32 v21, v17;
	_ =	sdelay $0x3  }
0x115: {  	v20 =	vld.idx.msk [tilespmem:v20+s3+$0x0], $0xffff  }
0x116: {  	v24 =	vor.u32 $0x10, v19;
	v23 =	vld.idx.msk [tilespmem:v23+s16+$0x0], $0xffff  }
0x117: {  	v25 =	vshll.u32 v21, $0x7;
	v26 =	vshll.u32 v24, $0x9  }
0x118: {  	v26 =	vand.u32 $0x3000, v26;
	v25 =	vor.u32 v5, v25  }
0x119: {  	v26 =	vor.u32 v26, v18;
	v27 =	vor.u32 v24, v17  }
0x11a: {  	v26 =	vor.u32 v22, v26  }
0x11b: {  	v20 =	vadd.f32 v20, v23;
	_ =	sdelay $0x1  }
0x11c: {  	[tilespmem:v25+s22+$0x0] =	vst.idx.msk $0xffff, v20  }
0x11d: {  	v20 =	vld.idx.msk [tilespmem:v27+s16+$0x0], $0xffff  }
0x11e: {  	v21 =	vor.u32 $0x20, v21;
	v23 =	vld.idx.msk [tilespmem:v26+s3+$0x0], $0xffff  }
0x11f: {  	v24 =	vshll.u32 v24, $0x7;
	v25 =	vshll.u32 v21, $0x9  }
0x120: {  	v24 =	vor.u32 v5, v24;
	v25 =	vand.u32 $0x5000, v25  }
0x121: {  	v26 =	vor.u32 v21, v17;
	v25 =	vor.u32 v25, v18  }
0x122: {  	v25 =	vor.u32 v22, v25  }
0x123: {  	v20 =	vadd.f32 v23, v20;
	_ =	sdelay $0x1  }
0x124: {  	[tilespmem:v24+s22+$0x0] =	vst.idx.msk $0xffff, v20  }
0x125: {  	v20 =	vld.idx.msk [tilespmem:v26+s16+$0x0], $0xffff  }
0x126: {  	v19 =	vor.u32 $0x30, v19;
	v23 =	vld.idx.msk [tilespmem:v25+s3+$0x0], $0xffff  }
0x127: {  	v21 =	vshll.u32 v21, $0x7;
	v24 =	vshll.u32 v19, $0x9  }
0x128: {  	v21 =	vor.u32 v5, v21;
	v24 =	vand.u32 $0x7000, v24  }
0x129: {  	v25 =	vor.u32 v19, v17;
	v24 =	vor.u32 v24, v18  }
0x12a: {  	v26 =	vor.u32 v22, v24  }
0x12b: {  	v20 =	vadd.f32 v23, v20;
	_ =	sdelay $0x1  }
0x12c: {  	[tilespmem:v21+s22+$0x0] =	vst.idx.msk $0xffff, v20  }
0x12d: {  	s17 =	simm.s32 $0x1;
	v19 =	vshll.u32 v19, $0x7;
	v25 =	vld.idx.msk [tilespmem:v25+s16+$0x0], $0xffff  }
0x12e: {  	v23 =	vor.u32 v5, v19;
	v19 =	vadd.s32 s17, v0;
	v26 =	vld.idx.msk [tilespmem:v26+s3+$0x0], $0xffff  }
0x12f: {  	v24 =	vand.u32 $0xF, v19;
	v28 =	vshll.u32 v19, $0x7;
	v20 =	vshll.u32 v19, $0x9  }
0x130: {  	v22 =	vshll.u32 v24, $0x7;
	v21 =	vor.u32 $0x10, v19;
	v29 =	vand.u32 $0x1000, v20  }
0x131: {  	s12 =	simm.s32 $0x2;
	v27 =	vor.u32 v24, v17;
	v20 =	vand.u32 $0x380, v28;
	v28 =	vor.u32 v29, v18  }
.LBB2_7:
0x132: {  	p0 =	sne.s32 s12, $0xF;
	v28 =	vor.u32 v20, v28;
	v29 =	vshll.u32 v21, $0x9;
	v24 =	vor.u32 $0x20, v24;
	s15 =	smov.u32 s12;
	s12 =	sadd.s32 $0x1, s12  }
0x133: {  	v25 =	vadd.f32 v26, v25;
	v29 =	vand.u32 $0x3000, v29;
	v30 =	vshll.u32 v24, $0x9  }
0x134: {  	v26 =	vor.u32 v29, v18;
	v29 =	vshll.u32 v21, $0x7;
	v30 =	vand.u32 $0x5000, v30  }
0x135: {  	v31 =	vshll.u32 v24, $0x7;
	v26 =	vor.u32 v20, v26;
	v30 =	vor.u32 v30, v18;
	[tilespmem:v23+s22+$0x0] =	vst.idx.msk $0xffff, v25  }
0x136: {  	v19 =	vor.u32 $0x30, v19;
	v23 =	vld.idx.msk [tilespmem:v27+s16+$0x0], $0xffff;
	v25 =	vor.u32 v20, v30  }
0x137: {  	v30 =	vshll.u32 v19, $0x7;
	v27 =	vld.idx.msk [tilespmem:v28+s3+$0x0], $0xffff;
	v28 =	vshll.u32 v19, $0x9  }
0x138: {  	v28 =	vand.u32 $0x7000, v28  }
0x139: {  	v28 =	vor.u32 v28, v18  }
0x13a: {  	v22 =	vor.u32 v5, v22;
	v20 =	vor.u32 v20, v28  }
0x13b: {  	v21 =	vor.u32 v21, v17;
	_ =	sdelay $0x1  }
0x13c: {  	v23 =	vadd.f32 v27, v23;
	_ =	sdelay $0x1  }
0x13d: {  	[tilespmem:v22+s22+$0x0] =	vst.idx.msk $0xffff, v23  }
0x13e: {  	v21 =	vld.idx.msk [tilespmem:v21+s16+$0x0], $0xffff  }
0x13f: {  	v22 =	vld.idx.msk [tilespmem:v26+s3+$0x0], $0xffff;
	_ =	sdelay $0x1  }
0x140: {  	v23 =	vor.u32 v5, v29;
	_ =	sdelay $0x1  }
0x141: {  	v24 =	vor.u32 v24, v17;
	_ =	sdelay $0x1  }
0x142: {  	v21 =	vadd.f32 v22, v21;
	_ =	sdelay $0x1  }
0x143: {  	[tilespmem:v23+s22+$0x0] =	vst.idx.msk $0xffff, v21  }
0x144: {  	v21 =	vld.idx.msk [tilespmem:v24+s16+$0x0], $0xffff  }
0x145: {  	v22 =	vld.idx.msk [tilespmem:v25+s3+$0x0], $0xffff  }
0x146: {  	v23 =	vor.u32 v5, v31;
	_ =	sdelay $0x2  }
0x147: {  	v19 =	vor.u32 v19, v17;
	_ =	sdelay $0x1  }
0x148: {  	v21 =	vadd.f32 v22, v21;
	_ =	sdelay $0x1  }
0x149: {  	[tilespmem:v23+s22+$0x0] =	vst.idx.msk $0xffff, v21  }
0x14a: {  	v25 =	vld.idx.msk [tilespmem:v19+s16+$0x0], $0xffff  }
.Ltmp2:
0x14b: {  	v23 =	vor.u32 v5, v30;
	v26 =	vld.idx.msk [tilespmem:v20+s3+$0x0], $0xffff;
	(pc) =	sbr.rel @p0 .LBB2_7-.Ltmp2, $4  }
0x14c: {  	v19 =	vadd.s32 s15, v0  }
0x14d: {  	v24 =	vand.u32 $0xF, v19;
	v20 =	vshll.u32 v19, $0x9;
	v28 =	vshll.u32 v19, $0x7  }
0x14e: {  	v21 =	vor.u32 $0x10, v19;
	v29 =	vand.u32 $0x1000, v20;
	v22 =	vshll.u32 v24, $0x7  }
0x14f: {  	v27 =	vor.u32 v24, v17;
	v20 =	vand.u32 $0x380, v28;
	v28 =	vor.u32 v29, v18  }
0x150: {  	_ = 	snop  }
0x151: {  	v28 =	vor.u32 v20, v28  }
0x152: {  	v25 =	vadd.f32 v26, v25;
	_ =	sdelay $0x1  }
0x153: {  	[tilespmem:v23+s22+$0x0] =	vst.idx.msk $0xffff, v25  }
0x154: {  	v23 =	vld.idx.msk [tilespmem:v27+s16+$0x0], $0xffff  }
0x155: {  	v25 =	vld.idx.msk [tilespmem:v28+s3+$0x0], $0xffff  }
0x156: {  	v26 =	vshll.u32 v21, $0x9  }
0x157: {  	v22 =	vor.u32 v5, v22;
	v26 =	vand.u32 $0x3000, v26  }
0x158: {  	v26 =	vor.u32 v26, v18;
	v27 =	vor.u32 v21, v17  }
0x159: {  	v26 =	vor.u32 v20, v26  }
0x15a: {  	v23 =	vadd.f32 v25, v23;
	_ =	sdelay $0x1  }
0x15b: {  	[tilespmem:v22+s22+$0x0] =	vst.idx.msk $0xffff, v23  }
0x15c: {  	v22 =	vld.idx.msk [tilespmem:v27+s16+$0x0], $0xffff  }
0x15d: {  	v23 =	vor.u32 $0x20, v24;
	v24 =	vld.idx.msk [tilespmem:v26+s3+$0x0], $0xffff  }
0x15e: {  	v21 =	vshll.u32 v21, $0x7;
	v25 =	vshll.u32 v23, $0x9  }
0x15f: {  	v21 =	vor.u32 v5, v21;
	v25 =	vand.u32 $0x5000, v25  }
0x160: {  	v26 =	vor.u32 v23, v17;
	v25 =	vor.u32 v25, v18  }
0x161: {  	v25 =	vor.u32 v20, v25  }
0x162: {  	v22 =	vadd.f32 v24, v22;
	_ =	sdelay $0x1  }
0x163: {  	[tilespmem:v21+s22+$0x0] =	vst.idx.msk $0xffff, v22  }
0x164: {  	v21 =	vld.idx.msk [tilespmem:v26+s16+$0x0], $0xffff  }
0x165: {  	v19 =	vor.u32 $0x30, v19;
	v22 =	vld.idx.msk [tilespmem:v25+s3+$0x0], $0xffff  }
0x166: {  	v23 =	vshll.u32 v23, $0x7;
	v24 =	vshll.u32 v19, $0x9  }
0x167: {  	v23 =	vor.u32 v5, v23;
	v24 =	vand.u32 $0x7000, v24  }
0x168: {  	v17 =	vor.u32 v19, v17;
	v18 =	vor.u32 v24, v18  }
0x169: {  	v18 =	vor.u32 v20, v18  }
0x16a: {  	v20 =	vadd.f32 v22, v21;
	_ =	sdelay $0x1  }
0x16b: {  	[tilespmem:v23+s22+$0x0] =	vst.idx.msk $0xffff, v20  }
0x16c: {  	v17 =	vld.idx.msk [tilespmem:v17+s16+$0x0], $0xffff  }
0x16d: {  	v18 =	vld.idx.msk [tilespmem:v18+s3+$0x0], $0xffff  }
0x16e: {  	v19 =	vshll.u32 v19, $0x7  }
0x16f: {  	v19 =	vor.u32 v5, v19;
	_ =	sdelay $0x2  }
0x170: {  	v17 =	vadd.f32 v18, v17;
	_ =	sdelay $0x1  }
0x171: {  	[tilespmem:v19+s22+$0x0] =	vst.idx.msk $0xffff, v17  }
0x172: {  	v17 =	vld [tilespmem:$0x8030];
	_ =	sdelay $0x1  }
0x173: {  	s12 =	simm.s32 $0x0  }
0x174: {  	v19 =	vadd.s32 s12, v0  }
0x175: {  	v18 =	vor.u32 v7, v16;
	v20 =	vshll.u32 v19, $0x9  }
0x176: {  	v22 =	vshll.u32 v19, $0x7;
	v20 =	vand.u32 $0x1000, v20;
	v17 =	vshll.u32 v17, $0x6  }
0x177: {  	v22 =	vand.u32 $0x380, v22;
	v20 =	vor.u32 v20, v18;
	v17 =	vand.u32 $0x40, v17  }
0x178: {  	v21 =	vand.u32 $0xF, v19;
	v20 =	vor.u32 v22, v20;
	v17 =	vor.u32 v6, v17  }
0x179: {  	v23 =	vor.u32 v21, v17;
	_ =	sdelay $0x3  }
0x17a: {  	v20 =	vld.idx.msk [tilespmem:v20+s3+$0x0], $0xffff  }
0x17b: {  	v24 =	vor.u32 $0x10, v19;
	v23 =	vld.idx.msk [tilespmem:v23+s16+$0x0], $0xffff  }
0x17c: {  	v25 =	vshll.u32 v21, $0x7;
	v26 =	vshll.u32 v24, $0x9  }
0x17d: {  	v26 =	vand.u32 $0x3000, v26;
	v25 =	vor.u32 v7, v25  }
0x17e: {  	v26 =	vor.u32 v26, v18;
	v27 =	vor.u32 v24, v17  }
0x17f: {  	v26 =	vor.u32 v22, v26  }
0x180: {  	v20 =	vadd.f32 v20, v23;
	_ =	sdelay $0x1  }
0x181: {  	[tilespmem:v25+s22+$0x0] =	vst.idx.msk $0xffff, v20  }
0x182: {  	v20 =	vld.idx.msk [tilespmem:v27+s16+$0x0], $0xffff  }
0x183: {  	v21 =	vor.u32 $0x20, v21;
	v23 =	vld.idx.msk [tilespmem:v26+s3+$0x0], $0xffff  }
0x184: {  	v24 =	vshll.u32 v24, $0x7;
	v25 =	vshll.u32 v21, $0x9  }
0x185: {  	v24 =	vor.u32 v7, v24;
	v25 =	vand.u32 $0x5000, v25  }
0x186: {  	v26 =	vor.u32 v21, v17;
	v25 =	vor.u32 v25, v18  }
0x187: {  	v25 =	vor.u32 v22, v25  }
0x188: {  	v20 =	vadd.f32 v23, v20;
	_ =	sdelay $0x1  }
0x189: {  	[tilespmem:v24+s22+$0x0] =	vst.idx.msk $0xffff, v20  }
0x18a: {  	v20 =	vld.idx.msk [tilespmem:v26+s16+$0x0], $0xffff  }
0x18b: {  	v19 =	vor.u32 $0x30, v19;
	v23 =	vld.idx.msk [tilespmem:v25+s3+$0x0], $0xffff  }
0x18c: {  	v21 =	vshll.u32 v21, $0x7;
	v24 =	vshll.u32 v19, $0x9  }
0x18d: {  	v21 =	vor.u32 v7, v21;
	v24 =	vand.u32 $0x7000, v24  }
0x18e: {  	v25 =	vor.u32 v19, v17;
	v24 =	vor.u32 v24, v18  }
0x18f: {  	v26 =	vor.u32 v22, v24  }
0x190: {  	v20 =	vadd.f32 v23, v20;
	_ =	sdelay $0x1  }
0x191: {  	[tilespmem:v21+s22+$0x0] =	vst.idx.msk $0xffff, v20  }
0x192: {  	s17 =	simm.s32 $0x1;
	v19 =	vshll.u32 v19, $0x7;
	v25 =	vld.idx.msk [tilespmem:v25+s16+$0x0], $0xffff  }
0x193: {  	v23 =	vor.u32 v7, v19;
	v19 =	vadd.s32 s17, v0;
	v26 =	vld.idx.msk [tilespmem:v26+s3+$0x0], $0xffff  }
0x194: {  	v24 =	vand.u32 $0xF, v19;
	v28 =	vshll.u32 v19, $0x7;
	v20 =	vshll.u32 v19, $0x9  }
0x195: {  	v22 =	vshll.u32 v24, $0x7;
	v21 =	vor.u32 $0x10, v19;
	v29 =	vand.u32 $0x1000, v20  }
0x196: {  	s12 =	simm.s32 $0x2;
	v27 =	vor.u32 v24, v17;
	v20 =	vand.u32 $0x380, v28;
	v28 =	vor.u32 v29, v18  }
.LBB2_9:
0x197: {  	p0 =	sne.s32 s12, $0xF;
	v28 =	vor.u32 v20, v28;
	v29 =	vshll.u32 v21, $0x9;
	v24 =	vor.u32 $0x20, v24;
	s15 =	smov.u32 s12;
	s12 =	sadd.s32 $0x1, s12  }
0x198: {  	v25 =	vadd.f32 v26, v25;
	v29 =	vand.u32 $0x3000, v29;
	v30 =	vshll.u32 v24, $0x9  }
0x199: {  	v26 =	vor.u32 v29, v18;
	v29 =	vshll.u32 v21, $0x7;
	v30 =	vand.u32 $0x5000, v30  }
0x19a: {  	v31 =	vshll.u32 v24, $0x7;
	v26 =	vor.u32 v20, v26;
	v30 =	vor.u32 v30, v18;
	[tilespmem:v23+s22+$0x0] =	vst.idx.msk $0xffff, v25  }
0x19b: {  	v19 =	vor.u32 $0x30, v19;
	v23 =	vld.idx.msk [tilespmem:v27+s16+$0x0], $0xffff;
	v25 =	vor.u32 v20, v30  }
0x19c: {  	v30 =	vshll.u32 v19, $0x7;
	v27 =	vld.idx.msk [tilespmem:v28+s3+$0x0], $0xffff;
	v28 =	vshll.u32 v19, $0x9  }
0x19d: {  	v28 =	vand.u32 $0x7000, v28  }
0x19e: {  	v28 =	vor.u32 v28, v18  }
0x19f: {  	v22 =	vor.u32 v7, v22;
	v20 =	vor.u32 v20, v28  }
0x1a0: {  	v21 =	vor.u32 v21, v17;
	_ =	sdelay $0x1  }
0x1a1: {  	v23 =	vadd.f32 v27, v23;
	_ =	sdelay $0x1  }
0x1a2: {  	[tilespmem:v22+s22+$0x0] =	vst.idx.msk $0xffff, v23  }
0x1a3: {  	v21 =	vld.idx.msk [tilespmem:v21+s16+$0x0], $0xffff  }
0x1a4: {  	v22 =	vld.idx.msk [tilespmem:v26+s3+$0x0], $0xffff;
	_ =	sdelay $0x1  }
0x1a5: {  	v23 =	vor.u32 v7, v29;
	_ =	sdelay $0x1  }
0x1a6: {  	v24 =	vor.u32 v24, v17;
	_ =	sdelay $0x1  }
0x1a7: {  	v21 =	vadd.f32 v22, v21;
	_ =	sdelay $0x1  }
0x1a8: {  	[tilespmem:v23+s22+$0x0] =	vst.idx.msk $0xffff, v21  }
0x1a9: {  	v21 =	vld.idx.msk [tilespmem:v24+s16+$0x0], $0xffff  }
0x1aa: {  	v22 =	vld.idx.msk [tilespmem:v25+s3+$0x0], $0xffff  }
0x1ab: {  	v23 =	vor.u32 v7, v31;
	_ =	sdelay $0x2  }
0x1ac: {  	v19 =	vor.u32 v19, v17;
	_ =	sdelay $0x1  }
0x1ad: {  	v21 =	vadd.f32 v22, v21;
	_ =	sdelay $0x1  }
0x1ae: {  	[tilespmem:v23+s22+$0x0] =	vst.idx.msk $0xffff, v21  }
0x1af: {  	v25 =	vld.idx.msk [tilespmem:v19+s16+$0x0], $0xffff  }
.Ltmp3:
0x1b0: {  	v23 =	vor.u32 v7, v30;
	v26 =	vld.idx.msk [tilespmem:v20+s3+$0x0], $0xffff;
	(pc) =	sbr.rel @p0 .LBB2_9-.Ltmp3, $4  }
0x1b1: {  	v19 =	vadd.s32 s15, v0  }
0x1b2: {  	v24 =	vand.u32 $0xF, v19;
	v20 =	vshll.u32 v19, $0x9;
	v28 =	vshll.u32 v19, $0x7  }
0x1b3: {  	v21 =	vor.u32 $0x10, v19;
	v29 =	vand.u32 $0x1000, v20;
	v22 =	vshll.u32 v24, $0x7  }
0x1b4: {  	v27 =	vor.u32 v24, v17;
	v20 =	vand.u32 $0x380, v28;
	v28 =	vor.u32 v29, v18  }
0x1b5: {  	_ = 	snop  }
0x1b6: {  	v28 =	vor.u32 v20, v28  }
0x1b7: {  	v25 =	vadd.f32 v26, v25;
	_ =	sdelay $0x1  }
0x1b8: {  	[tilespmem:v23+s22+$0x0] =	vst.idx.msk $0xffff, v25  }
0x1b9: {  	v23 =	vld.idx.msk [tilespmem:v27+s16+$0x0], $0xffff  }
0x1ba: {  	v25 =	vld.idx.msk [tilespmem:v28+s3+$0x0], $0xffff  }
0x1bb: {  	v26 =	vshll.u32 v21, $0x9  }
0x1bc: {  	v22 =	vor.u32 v7, v22;
	v26 =	vand.u32 $0x3000, v26  }
0x1bd: {  	v26 =	vor.u32 v26, v18;
	v27 =	vor.u32 v21, v17  }
0x1be: {  	v26 =	vor.u32 v20, v26  }
0x1bf: {  	v23 =	vadd.f32 v25, v23;
	_ =	sdelay $0x1  }
0x1c0: {  	[tilespmem:v22+s22+$0x0] =	vst.idx.msk $0xffff, v23  }
0x1c1: {  	v22 =	vld.idx.msk [tilespmem:v27+s16+$0x0], $0xffff  }
0x1c2: {  	v23 =	vor.u32 $0x20, v24;
	v24 =	vld.idx.msk [tilespmem:v26+s3+$0x0], $0xffff  }
0x1c3: {  	v21 =	vshll.u32 v21, $0x7;
	v25 =	vshll.u32 v23, $0x9  }
0x1c4: {  	v21 =	vor.u32 v7, v21;
	v25 =	vand.u32 $0x5000, v25  }
0x1c5: {  	v26 =	vor.u32 v23, v17;
	v25 =	vor.u32 v25, v18  }
0x1c6: {  	v25 =	vor.u32 v20, v25  }
0x1c7: {  	v22 =	vadd.f32 v24, v22;
	_ =	sdelay $0x1  }
0x1c8: {  	[tilespmem:v21+s22+$0x0] =	vst.idx.msk $0xffff, v22  }
0x1c9: {  	v21 =	vld.idx.msk [tilespmem:v26+s16+$0x0], $0xffff  }
0x1ca: {  	v19 =	vor.u32 $0x30, v19;
	v22 =	vld.idx.msk [tilespmem:v25+s3+$0x0], $0xffff  }
0x1cb: {  	v23 =	vshll.u32 v23, $0x7;
	v24 =	vshll.u32 v19, $0x9  }
0x1cc: {  	v23 =	vor.u32 v7, v23;
	v24 =	vand.u32 $0x7000, v24  }
0x1cd: {  	v17 =	vor.u32 v19, v17;
	v18 =	vor.u32 v24, v18  }
0x1ce: {  	v18 =	vor.u32 v20, v18  }
0x1cf: {  	v20 =	vadd.f32 v22, v21;
	_ =	sdelay $0x1  }
0x1d0: {  	[tilespmem:v23+s22+$0x0] =	vst.idx.msk $0xffff, v20  }
0x1d1: {  	v17 =	vld.idx.msk [tilespmem:v17+s16+$0x0], $0xffff  }
0x1d2: {  	v18 =	vld.idx.msk [tilespmem:v18+s3+$0x0], $0xffff  }
0x1d3: {  	v19 =	vshll.u32 v19, $0x7  }
0x1d4: {  	v19 =	vor.u32 v7, v19;
	_ =	sdelay $0x2  }
0x1d5: {  	v17 =	vadd.f32 v18, v17;
	_ =	sdelay $0x1  }
0x1d6: {  	[tilespmem:v19+s22+$0x0] =	vst.idx.msk $0xffff, v17  }
0x1d7: {  	v17 =	vld [tilespmem:$0x8040];
	_ =	sdelay $0x1  }
0x1d8: {  	s12 =	simm.s32 $0x0  }
0x1d9: {  	v19 =	vadd.s32 s12, v0  }
0x1da: {  	v18 =	vor.u32 v9, v16;
	v20 =	vshll.u32 v19, $0x9  }
0x1db: {  	v22 =	vshll.u32 v19, $0x7;
	v20 =	vand.u32 $0x1000, v20;
	v17 =	vshll.u32 v17, $0x6  }
0x1dc: {  	v22 =	vand.u32 $0x380, v22;
	v20 =	vor.u32 v20, v18;
	v17 =	vand.u32 $0x40, v17  }
0x1dd: {  	v21 =	vand.u32 $0xF, v19;
	v20 =	vor.u32 v22, v20;
	v17 =	vor.u32 v8, v17  }
0x1de: {  	v23 =	vor.u32 v21, v17;
	_ =	sdelay $0x3  }
0x1df: {  	v20 =	vld.idx.msk [tilespmem:v20+s3+$0x0], $0xffff  }
0x1e0: {  	v24 =	vor.u32 $0x10, v19;
	v23 =	vld.idx.msk [tilespmem:v23+s16+$0x0], $0xffff  }
0x1e1: {  	v25 =	vshll.u32 v21, $0x7;
	v26 =	vshll.u32 v24, $0x9  }
0x1e2: {  	v26 =	vand.u32 $0x3000, v26;
	v25 =	vor.u32 v9, v25  }
0x1e3: {  	v26 =	vor.u32 v26, v18;
	v27 =	vor.u32 v24, v17  }
0x1e4: {  	v26 =	vor.u32 v22, v26  }
0x1e5: {  	v20 =	vadd.f32 v20, v23;
	_ =	sdelay $0x1  }
0x1e6: {  	[tilespmem:v25+s22+$0x0] =	vst.idx.msk $0xffff, v20  }
0x1e7: {  	v20 =	vld.idx.msk [tilespmem:v27+s16+$0x0], $0xffff  }
0x1e8: {  	v21 =	vor.u32 $0x20, v21;
	v23 =	vld.idx.msk [tilespmem:v26+s3+$0x0], $0xffff  }
0x1e9: {  	v24 =	vshll.u32 v24, $0x7;
	v25 =	vshll.u32 v21, $0x9  }
0x1ea: {  	v24 =	vor.u32 v9, v24;
	v25 =	vand.u32 $0x5000, v25  }
0x1eb: {  	v26 =	vor.u32 v21, v17;
	v25 =	vor.u32 v25, v18  }
0x1ec: {  	v25 =	vor.u32 v22, v25  }
0x1ed: {  	v20 =	vadd.f32 v23, v20;
	_ =	sdelay $0x1  }
0x1ee: {  	[tilespmem:v24+s22+$0x0] =	vst.idx.msk $0xffff, v20  }
0x1ef: {  	v20 =	vld.idx.msk [tilespmem:v26+s16+$0x0], $0xffff  }
0x1f0: {  	v19 =	vor.u32 $0x30, v19;
	v23 =	vld.idx.msk [tilespmem:v25+s3+$0x0], $0xffff  }
0x1f1: {  	v21 =	vshll.u32 v21, $0x7;
	v24 =	vshll.u32 v19, $0x9  }
0x1f2: {  	v21 =	vor.u32 v9, v21;
	v24 =	vand.u32 $0x7000, v24  }
0x1f3: {  	v25 =	vor.u32 v19, v17;
	v24 =	vor.u32 v24, v18  }
0x1f4: {  	v26 =	vor.u32 v22, v24  }
0x1f5: {  	v20 =	vadd.f32 v23, v20;
	_ =	sdelay $0x1  }
0x1f6: {  	[tilespmem:v21+s22+$0x0] =	vst.idx.msk $0xffff, v20  }
0x1f7: {  	s17 =	simm.s32 $0x1;
	v19 =	vshll.u32 v19, $0x7;
	v25 =	vld.idx.msk [tilespmem:v25+s16+$0x0], $0xffff  }
0x1f8: {  	v23 =	vor.u32 v9, v19;
	v19 =	vadd.s32 s17, v0;
	v26 =	vld.idx.msk [tilespmem:v26+s3+$0x0], $0xffff  }
0x1f9: {  	v24 =	vand.u32 $0xF, v19;
	v28 =	vshll.u32 v19, $0x7;
	v20 =	vshll.u32 v19, $0x9  }
0x1fa: {  	v22 =	vshll.u32 v24, $0x7;
	v21 =	vor.u32 $0x10, v19;
	v29 =	vand.u32 $0x1000, v20  }
0x1fb: {  	s12 =	simm.s32 $0x2;
	v27 =	vor.u32 v24, v17;
	v20 =	vand.u32 $0x380, v28;
	v28 =	vor.u32 v29, v18  }
.LBB2_11:
0x1fc: {  	p0 =	sne.s32 s12, $0xF;
	v28 =	vor.u32 v20, v28;
	v29 =	vshll.u32 v21, $0x9;
	v24 =	vor.u32 $0x20, v24;
	s15 =	smov.u32 s12;
	s12 =	sadd.s32 $0x1, s12  }
0x1fd: {  	v25 =	vadd.f32 v26, v25;
	v29 =	vand.u32 $0x3000, v29;
	v30 =	vshll.u32 v24, $0x9  }
0x1fe: {  	v26 =	vor.u32 v29, v18;
	v29 =	vshll.u32 v21, $0x7;
	v30 =	vand.u32 $0x5000, v30  }
0x1ff: {  	v31 =	vshll.u32 v24, $0x7;
	v26 =	vor.u32 v20, v26;
	v30 =	vor.u32 v30, v18;
	[tilespmem:v23+s22+$0x0] =	vst.idx.msk $0xffff, v25  }
0x200: {  	v19 =	vor.u32 $0x30, v19;
	v23 =	vld.idx.msk [tilespmem:v27+s16+$0x0], $0xffff;
	v25 =	vor.u32 v20, v30  }
0x201: {  	v30 =	vshll.u32 v19, $0x7;
	v27 =	vld.idx.msk [tilespmem:v28+s3+$0x0], $0xffff;
	v28 =	vshll.u32 v19, $0x9  }
0x202: {  	v28 =	vand.u32 $0x7000, v28  }
0x203: {  	v28 =	vor.u32 v28, v18  }
0x204: {  	v22 =	vor.u32 v9, v22;
	v20 =	vor.u32 v20, v28  }
0x205: {  	v21 =	vor.u32 v21, v17;
	_ =	sdelay $0x1  }
0x206: {  	v23 =	vadd.f32 v27, v23;
	_ =	sdelay $0x1  }
0x207: {  	[tilespmem:v22+s22+$0x0] =	vst.idx.msk $0xffff, v23  }
0x208: {  	v21 =	vld.idx.msk [tilespmem:v21+s16+$0x0], $0xffff  }
0x209: {  	v22 =	vld.idx.msk [tilespmem:v26+s3+$0x0], $0xffff;
	_ =	sdelay $0x1  }
0x20a: {  	v23 =	vor.u32 v9, v29;
	_ =	sdelay $0x1  }
0x20b: {  	v24 =	vor.u32 v24, v17;
	_ =	sdelay $0x1  }
0x20c: {  	v21 =	vadd.f32 v22, v21;
	_ =	sdelay $0x1  }
0x20d: {  	[tilespmem:v23+s22+$0x0] =	vst.idx.msk $0xffff, v21  }
0x20e: {  	v21 =	vld.idx.msk [tilespmem:v24+s16+$0x0], $0xffff  }
0x20f: {  	v22 =	vld.idx.msk [tilespmem:v25+s3+$0x0], $0xffff  }
0x210: {  	v23 =	vor.u32 v9, v31;
	_ =	sdelay $0x2  }
0x211: {  	v19 =	vor.u32 v19, v17;
	_ =	sdelay $0x1  }
0x212: {  	v21 =	vadd.f32 v22, v21;
	_ =	sdelay $0x1  }
0x213: {  	[tilespmem:v23+s22+$0x0] =	vst.idx.msk $0xffff, v21  }
0x214: {  	v25 =	vld.idx.msk [tilespmem:v19+s16+$0x0], $0xffff  }
.Ltmp4:
0x215: {  	v23 =	vor.u32 v9, v30;
	v26 =	vld.idx.msk [tilespmem:v20+s3+$0x0], $0xffff;
	(pc) =	sbr.rel @p0 .LBB2_11-.Ltmp4, $4  }
0x216: {  	v19 =	vadd.s32 s15, v0  }
0x217: {  	v24 =	vand.u32 $0xF, v19;
	v20 =	vshll.u32 v19, $0x9;
	v28 =	vshll.u32 v19, $0x7  }
0x218: {  	v21 =	vor.u32 $0x10, v19;
	v29 =	vand.u32 $0x1000, v20;
	v22 =	vshll.u32 v24, $0x7  }
0x219: {  	v27 =	vor.u32 v24, v17;
	v20 =	vand.u32 $0x380, v28;
	v28 =	vor.u32 v29, v18  }
0x21a: {  	_ = 	snop  }
0x21b: {  	v28 =	vor.u32 v20, v28  }
0x21c: {  	v25 =	vadd.f32 v26, v25;
	_ =	sdelay $0x1  }
0x21d: {  	[tilespmem:v23+s22+$0x0] =	vst.idx.msk $0xffff, v25  }
0x21e: {  	v23 =	vld.idx.msk [tilespmem:v27+s16+$0x0], $0xffff  }
0x21f: {  	v25 =	vld.idx.msk [tilespmem:v28+s3+$0x0], $0xffff  }
0x220: {  	v26 =	vshll.u32 v21, $0x9  }
0x221: {  	v22 =	vor.u32 v9, v22;
	v26 =	vand.u32 $0x3000, v26  }
0x222: {  	v26 =	vor.u32 v26, v18;
	v27 =	vor.u32 v21, v17  }
0x223: {  	v26 =	vor.u32 v20, v26  }
0x224: {  	v23 =	vadd.f32 v25, v23;
	_ =	sdelay $0x1  }
0x225: {  	[tilespmem:v22+s22+$0x0] =	vst.idx.msk $0xffff, v23  }
0x226: {  	v22 =	vld.idx.msk [tilespmem:v27+s16+$0x0], $0xffff  }
0x227: {  	v23 =	vor.u32 $0x20, v24;
	v24 =	vld.idx.msk [tilespmem:v26+s3+$0x0], $0xffff  }
0x228: {  	v21 =	vshll.u32 v21, $0x7;
	v25 =	vshll.u32 v23, $0x9  }
0x229: {  	v21 =	vor.u32 v9, v21;
	v25 =	vand.u32 $0x5000, v25  }
0x22a: {  	v26 =	vor.u32 v23, v17;
	v25 =	vor.u32 v25, v18  }
0x22b: {  	v25 =	vor.u32 v20, v25  }
0x22c: {  	v22 =	vadd.f32 v24, v22;
	_ =	sdelay $0x1  }
0x22d: {  	[tilespmem:v21+s22+$0x0] =	vst.idx.msk $0xffff, v22  }
0x22e: {  	v21 =	vld.idx.msk [tilespmem:v26+s16+$0x0], $0xffff  }
0x22f: {  	v19 =	vor.u32 $0x30, v19;
	v22 =	vld.idx.msk [tilespmem:v25+s3+$0x0], $0xffff  }
0x230: {  	v23 =	vshll.u32 v23, $0x7;
	v24 =	vshll.u32 v19, $0x9  }
0x231: {  	v23 =	vor.u32 v9, v23;
	v24 =	vand.u32 $0x7000, v24  }
0x232: {  	v17 =	vor.u32 v19, v17;
	v18 =	vor.u32 v24, v18  }
0x233: {  	v18 =	vor.u32 v20, v18  }
0x234: {  	v20 =	vadd.f32 v22, v21;
	_ =	sdelay $0x1  }
0x235: {  	[tilespmem:v23+s22+$0x0] =	vst.idx.msk $0xffff, v20  }
0x236: {  	v17 =	vld.idx.msk [tilespmem:v17+s16+$0x0], $0xffff  }
0x237: {  	v18 =	vld.idx.msk [tilespmem:v18+s3+$0x0], $0xffff  }
0x238: {  	v19 =	vshll.u32 v19, $0x7  }
0x239: {  	v19 =	vor.u32 v9, v19;
	_ =	sdelay $0x2  }
0x23a: {  	v17 =	vadd.f32 v18, v17;
	_ =	sdelay $0x1  }
0x23b: {  	[tilespmem:v19+s22+$0x0] =	vst.idx.msk $0xffff, v17  }
0x23c: {  	v17 =	vld [tilespmem:$0x8050];
	_ =	sdelay $0x1  }
0x23d: {  	s12 =	simm.s32 $0x0  }
0x23e: {  	v19 =	vadd.s32 s12, v0  }
0x23f: {  	v18 =	vor.u32 v11, v16;
	v20 =	vshll.u32 v19, $0x9  }
0x240: {  	v22 =	vshll.u32 v19, $0x7;
	v20 =	vand.u32 $0x1000, v20;
	v17 =	vshll.u32 v17, $0x6  }
0x241: {  	v22 =	vand.u32 $0x380, v22;
	v20 =	vor.u32 v20, v18;
	v17 =	vand.u32 $0x40, v17  }
0x242: {  	v21 =	vand.u32 $0xF, v19;
	v20 =	vor.u32 v22, v20;
	v17 =	vor.u32 v10, v17  }
0x243: {  	v23 =	vor.u32 v21, v17;
	_ =	sdelay $0x3  }
0x244: {  	v20 =	vld.idx.msk [tilespmem:v20+s3+$0x0], $0xffff  }
0x245: {  	v24 =	vor.u32 $0x10, v19;
	v23 =	vld.idx.msk [tilespmem:v23+s16+$0x0], $0xffff  }
0x246: {  	v25 =	vshll.u32 v21, $0x7;
	v26 =	vshll.u32 v24, $0x9  }
0x247: {  	v26 =	vand.u32 $0x3000, v26;
	v25 =	vor.u32 v11, v25  }
0x248: {  	v26 =	vor.u32 v26, v18;
	v27 =	vor.u32 v24, v17  }
0x249: {  	v26 =	vor.u32 v22, v26  }
0x24a: {  	v20 =	vadd.f32 v20, v23;
	_ =	sdelay $0x1  }
0x24b: {  	[tilespmem:v25+s22+$0x0] =	vst.idx.msk $0xffff, v20  }
0x24c: {  	v20 =	vld.idx.msk [tilespmem:v27+s16+$0x0], $0xffff  }
0x24d: {  	v21 =	vor.u32 $0x20, v21;
	v23 =	vld.idx.msk [tilespmem:v26+s3+$0x0], $0xffff  }
0x24e: {  	v24 =	vshll.u32 v24, $0x7;
	v25 =	vshll.u32 v21, $0x9  }
0x24f: {  	v24 =	vor.u32 v11, v24;
	v25 =	vand.u32 $0x5000, v25  }
0x250: {  	v26 =	vor.u32 v21, v17;
	v25 =	vor.u32 v25, v18  }
0x251: {  	v25 =	vor.u32 v22, v25  }
0x252: {  	v20 =	vadd.f32 v23, v20;
	_ =	sdelay $0x1  }
0x253: {  	[tilespmem:v24+s22+$0x0] =	vst.idx.msk $0xffff, v20  }
0x254: {  	v20 =	vld.idx.msk [tilespmem:v26+s16+$0x0], $0xffff  }
0x255: {  	v19 =	vor.u32 $0x30, v19;
	v23 =	vld.idx.msk [tilespmem:v25+s3+$0x0], $0xffff  }
0x256: {  	v21 =	vshll.u32 v21, $0x7;
	v24 =	vshll.u32 v19, $0x9  }
0x257: {  	v21 =	vor.u32 v11, v21;
	v24 =	vand.u32 $0x7000, v24  }
0x258: {  	v25 =	vor.u32 v19, v17;
	v24 =	vor.u32 v24, v18  }
0x259: {  	v26 =	vor.u32 v22, v24  }
0x25a: {  	v20 =	vadd.f32 v23, v20;
	_ =	sdelay $0x1  }
0x25b: {  	[tilespmem:v21+s22+$0x0] =	vst.idx.msk $0xffff, v20  }
0x25c: {  	s17 =	simm.s32 $0x1;
	v19 =	vshll.u32 v19, $0x7;
	v25 =	vld.idx.msk [tilespmem:v25+s16+$0x0], $0xffff  }
0x25d: {  	v23 =	vor.u32 v11, v19;
	v19 =	vadd.s32 s17, v0;
	v26 =	vld.idx.msk [tilespmem:v26+s3+$0x0], $0xffff  }
0x25e: {  	v24 =	vand.u32 $0xF, v19;
	v28 =	vshll.u32 v19, $0x7;
	v20 =	vshll.u32 v19, $0x9  }
0x25f: {  	v22 =	vshll.u32 v24, $0x7;
	v21 =	vor.u32 $0x10, v19;
	v29 =	vand.u32 $0x1000, v20  }
0x260: {  	s12 =	simm.s32 $0x2;
	v27 =	vor.u32 v24, v17;
	v20 =	vand.u32 $0x380, v28;
	v28 =	vor.u32 v29, v18  }
.LBB2_13:
0x261: {  	p0 =	sne.s32 s12, $0xF;
	v28 =	vor.u32 v20, v28;
	v29 =	vshll.u32 v21, $0x9;
	v24 =	vor.u32 $0x20, v24;
	s15 =	smov.u32 s12;
	s12 =	sadd.s32 $0x1, s12  }
0x262: {  	v25 =	vadd.f32 v26, v25;
	v29 =	vand.u32 $0x3000, v29;
	v30 =	vshll.u32 v24, $0x9  }
0x263: {  	v26 =	vor.u32 v29, v18;
	v29 =	vshll.u32 v21, $0x7;
	v30 =	vand.u32 $0x5000, v30  }
0x264: {  	v31 =	vshll.u32 v24, $0x7;
	v26 =	vor.u32 v20, v26;
	v30 =	vor.u32 v30, v18;
	[tilespmem:v23+s22+$0x0] =	vst.idx.msk $0xffff, v25  }
0x265: {  	v19 =	vor.u32 $0x30, v19;
	v23 =	vld.idx.msk [tilespmem:v27+s16+$0x0], $0xffff;
	v25 =	vor.u32 v20, v30  }
0x266: {  	v30 =	vshll.u32 v19, $0x7;
	v27 =	vld.idx.msk [tilespmem:v28+s3+$0x0], $0xffff;
	v28 =	vshll.u32 v19, $0x9  }
0x267: {  	v28 =	vand.u32 $0x7000, v28  }
0x268: {  	v28 =	vor.u32 v28, v18  }
0x269: {  	v22 =	vor.u32 v11, v22;
	v20 =	vor.u32 v20, v28  }
0x26a: {  	v21 =	vor.u32 v21, v17;
	_ =	sdelay $0x1  }
0x26b: {  	v23 =	vadd.f32 v27, v23;
	_ =	sdelay $0x1  }
0x26c: {  	[tilespmem:v22+s22+$0x0] =	vst.idx.msk $0xffff, v23  }
0x26d: {  	v21 =	vld.idx.msk [tilespmem:v21+s16+$0x0], $0xffff  }
0x26e: {  	v22 =	vld.idx.msk [tilespmem:v26+s3+$0x0], $0xffff;
	_ =	sdelay $0x1  }
0x26f: {  	v23 =	vor.u32 v11, v29;
	_ =	sdelay $0x1  }
0x270: {  	v24 =	vor.u32 v24, v17;
	_ =	sdelay $0x1  }
0x271: {  	v21 =	vadd.f32 v22, v21;
	_ =	sdelay $0x1  }
0x272: {  	[tilespmem:v23+s22+$0x0] =	vst.idx.msk $0xffff, v21  }
0x273: {  	v21 =	vld.idx.msk [tilespmem:v24+s16+$0x0], $0xffff  }
0x274: {  	v22 =	vld.idx.msk [tilespmem:v25+s3+$0x0], $0xffff  }
0x275: {  	v23 =	vor.u32 v11, v31;
	_ =	sdelay $0x2  }
0x276: {  	v19 =	vor.u32 v19, v17;
	_ =	sdelay $0x1  }
0x277: {  	v21 =	vadd.f32 v22, v21;
	_ =	sdelay $0x1  }
0x278: {  	[tilespmem:v23+s22+$0x0] =	vst.idx.msk $0xffff, v21  }
0x279: {  	v25 =	vld.idx.msk [tilespmem:v19+s16+$0x0], $0xffff  }
.Ltmp5:
0x27a: {  	v23 =	vor.u32 v11, v30;
	v26 =	vld.idx.msk [tilespmem:v20+s3+$0x0], $0xffff;
	(pc) =	sbr.rel @p0 .LBB2_13-.Ltmp5, $4  }
0x27b: {  	v19 =	vadd.s32 s15, v0  }
0x27c: {  	v24 =	vand.u32 $0xF, v19;
	v20 =	vshll.u32 v19, $0x9;
	v28 =	vshll.u32 v19, $0x7  }
0x27d: {  	v21 =	vor.u32 $0x10, v19;
	v29 =	vand.u32 $0x1000, v20;
	v22 =	vshll.u32 v24, $0x7  }
0x27e: {  	v27 =	vor.u32 v24, v17;
	v20 =	vand.u32 $0x380, v28;
	v28 =	vor.u32 v29, v18  }
0x27f: {  	_ = 	snop  }
0x280: {  	v28 =	vor.u32 v20, v28  }
0x281: {  	v25 =	vadd.f32 v26, v25;
	_ =	sdelay $0x1  }
0x282: {  	[tilespmem:v23+s22+$0x0] =	vst.idx.msk $0xffff, v25  }
0x283: {  	v23 =	vld.idx.msk [tilespmem:v27+s16+$0x0], $0xffff  }
0x284: {  	v25 =	vld.idx.msk [tilespmem:v28+s3+$0x0], $0xffff  }
0x285: {  	v26 =	vshll.u32 v21, $0x9  }
0x286: {  	v22 =	vor.u32 v11, v22;
	v26 =	vand.u32 $0x3000, v26  }
0x287: {  	v26 =	vor.u32 v26, v18;
	v27 =	vor.u32 v21, v17  }
0x288: {  	v26 =	vor.u32 v20, v26  }
0x289: {  	v23 =	vadd.f32 v25, v23;
	_ =	sdelay $0x1  }
0x28a: {  	[tilespmem:v22+s22+$0x0] =	vst.idx.msk $0xffff, v23  }
0x28b: {  	v22 =	vld.idx.msk [tilespmem:v27+s16+$0x0], $0xffff  }
0x28c: {  	v23 =	vor.u32 $0x20, v24;
	v24 =	vld.idx.msk [tilespmem:v26+s3+$0x0], $0xffff  }
0x28d: {  	v21 =	vshll.u32 v21, $0x7;
	v25 =	vshll.u32 v23, $0x9  }
0x28e: {  	v21 =	vor.u32 v11, v21;
	v25 =	vand.u32 $0x5000, v25  }
0x28f: {  	v26 =	vor.u32 v23, v17;
	v25 =	vor.u32 v25, v18  }
0x290: {  	v25 =	vor.u32 v20, v25  }
0x291: {  	v22 =	vadd.f32 v24, v22;
	_ =	sdelay $0x1  }
0x292: {  	[tilespmem:v21+s22+$0x0] =	vst.idx.msk $0xffff, v22  }
0x293: {  	v21 =	vld.idx.msk [tilespmem:v26+s16+$0x0], $0xffff  }
0x294: {  	v19 =	vor.u32 $0x30, v19;
	v22 =	vld.idx.msk [tilespmem:v25+s3+$0x0], $0xffff  }
0x295: {  	v23 =	vshll.u32 v23, $0x7;
	v24 =	vshll.u32 v19, $0x9  }
0x296: {  	v23 =	vor.u32 v11, v23;
	v24 =	vand.u32 $0x7000, v24  }
0x297: {  	v17 =	vor.u32 v19, v17;
	v18 =	vor.u32 v24, v18  }
0x298: {  	v18 =	vor.u32 v20, v18  }
0x299: {  	v20 =	vadd.f32 v22, v21;
	_ =	sdelay $0x1  }
0x29a: {  	[tilespmem:v23+s22+$0x0] =	vst.idx.msk $0xffff, v20  }
0x29b: {  	v17 =	vld.idx.msk [tilespmem:v17+s16+$0x0], $0xffff  }
0x29c: {  	v18 =	vld.idx.msk [tilespmem:v18+s3+$0x0], $0xffff  }
0x29d: {  	v19 =	vshll.u32 v19, $0x7  }
0x29e: {  	v19 =	vor.u32 v11, v19;
	_ =	sdelay $0x2  }
0x29f: {  	v17 =	vadd.f32 v18, v17;
	_ =	sdelay $0x1  }
0x2a0: {  	[tilespmem:v19+s22+$0x0] =	vst.idx.msk $0xffff, v17  }
0x2a1: {  	v17 =	vld [tilespmem:$0x8060];
	_ =	sdelay $0x1  }
0x2a2: {  	s12 =	simm.s32 $0x0  }
0x2a3: {  	v19 =	vadd.s32 s12, v0  }
0x2a4: {  	v18 =	vor.u32 v13, v16;
	v20 =	vshll.u32 v19, $0x9  }
0x2a5: {  	v22 =	vshll.u32 v19, $0x7;
	v20 =	vand.u32 $0x1000, v20;
	v17 =	vshll.u32 v17, $0x6  }
0x2a6: {  	v22 =	vand.u32 $0x380, v22;
	v20 =	vor.u32 v20, v18;
	v17 =	vand.u32 $0x40, v17  }
0x2a7: {  	v21 =	vand.u32 $0xF, v19;
	v20 =	vor.u32 v22, v20;
	v17 =	vor.u32 v12, v17  }
0x2a8: {  	v23 =	vor.u32 v21, v17;
	_ =	sdelay $0x3  }
0x2a9: {  	v20 =	vld.idx.msk [tilespmem:v20+s3+$0x0], $0xffff  }
0x2aa: {  	v24 =	vor.u32 $0x10, v19;
	v23 =	vld.idx.msk [tilespmem:v23+s16+$0x0], $0xffff  }
0x2ab: {  	v25 =	vshll.u32 v21, $0x7;
	v26 =	vshll.u32 v24, $0x9  }
0x2ac: {  	v26 =	vand.u32 $0x3000, v26;
	v25 =	vor.u32 v13, v25  }
0x2ad: {  	v26 =	vor.u32 v26, v18;
	v27 =	vor.u32 v24, v17  }
0x2ae: {  	v26 =	vor.u32 v22, v26  }
0x2af: {  	v20 =	vadd.f32 v20, v23;
	_ =	sdelay $0x1  }
0x2b0: {  	[tilespmem:v25+s22+$0x0] =	vst.idx.msk $0xffff, v20  }
0x2b1: {  	v20 =	vld.idx.msk [tilespmem:v27+s16+$0x0], $0xffff  }
0x2b2: {  	v21 =	vor.u32 $0x20, v21;
	v23 =	vld.idx.msk [tilespmem:v26+s3+$0x0], $0xffff  }
0x2b3: {  	v24 =	vshll.u32 v24, $0x7;
	v25 =	vshll.u32 v21, $0x9  }
0x2b4: {  	v24 =	vor.u32 v13, v24;
	v25 =	vand.u32 $0x5000, v25  }
0x2b5: {  	v26 =	vor.u32 v21, v17;
	v25 =	vor.u32 v25, v18  }
0x2b6: {  	v25 =	vor.u32 v22, v25  }
0x2b7: {  	v20 =	vadd.f32 v23, v20;
	_ =	sdelay $0x1  }
0x2b8: {  	[tilespmem:v24+s22+$0x0] =	vst.idx.msk $0xffff, v20  }
0x2b9: {  	v20 =	vld.idx.msk [tilespmem:v26+s16+$0x0], $0xffff  }
0x2ba: {  	v19 =	vor.u32 $0x30, v19;
	v23 =	vld.idx.msk [tilespmem:v25+s3+$0x0], $0xffff  }
0x2bb: {  	v21 =	vshll.u32 v21, $0x7;
	v24 =	vshll.u32 v19, $0x9  }
0x2bc: {  	v21 =	vor.u32 v13, v21;
	v24 =	vand.u32 $0x7000, v24  }
0x2bd: {  	v25 =	vor.u32 v19, v17;
	v24 =	vor.u32 v24, v18  }
0x2be: {  	v26 =	vor.u32 v22, v24  }
0x2bf: {  	v20 =	vadd.f32 v23, v20;
	_ =	sdelay $0x1  }
0x2c0: {  	[tilespmem:v21+s22+$0x0] =	vst.idx.msk $0xffff, v20  }
0x2c1: {  	s17 =	simm.s32 $0x1;
	v19 =	vshll.u32 v19, $0x7;
	v25 =	vld.idx.msk [tilespmem:v25+s16+$0x0], $0xffff  }
0x2c2: {  	v23 =	vor.u32 v13, v19;
	v19 =	vadd.s32 s17, v0;
	v26 =	vld.idx.msk [tilespmem:v26+s3+$0x0], $0xffff  }
0x2c3: {  	v24 =	vand.u32 $0xF, v19;
	v28 =	vshll.u32 v19, $0x7;
	v20 =	vshll.u32 v19, $0x9  }
0x2c4: {  	v22 =	vshll.u32 v24, $0x7;
	v21 =	vor.u32 $0x10, v19;
	v29 =	vand.u32 $0x1000, v20  }
0x2c5: {  	s12 =	simm.s32 $0x2;
	v27 =	vor.u32 v24, v17;
	v20 =	vand.u32 $0x380, v28;
	v28 =	vor.u32 v29, v18  }
.LBB2_15:
0x2c6: {  	p0 =	sne.s32 s12, $0xF;
	v28 =	vor.u32 v20, v28;
	v29 =	vshll.u32 v21, $0x9;
	v24 =	vor.u32 $0x20, v24;
	s15 =	smov.u32 s12;
	s12 =	sadd.s32 $0x1, s12  }
0x2c7: {  	v25 =	vadd.f32 v26, v25;
	v29 =	vand.u32 $0x3000, v29;
	v30 =	vshll.u32 v24, $0x9  }
0x2c8: {  	v26 =	vor.u32 v29, v18;
	v29 =	vshll.u32 v21, $0x7;
	v30 =	vand.u32 $0x5000, v30  }
0x2c9: {  	v31 =	vshll.u32 v24, $0x7;
	v26 =	vor.u32 v20, v26;
	v30 =	vor.u32 v30, v18;
	[tilespmem:v23+s22+$0x0] =	vst.idx.msk $0xffff, v25  }
0x2ca: {  	v19 =	vor.u32 $0x30, v19;
	v23 =	vld.idx.msk [tilespmem:v27+s16+$0x0], $0xffff;
	v25 =	vor.u32 v20, v30  }
0x2cb: {  	v30 =	vshll.u32 v19, $0x7;
	v27 =	vld.idx.msk [tilespmem:v28+s3+$0x0], $0xffff;
	v28 =	vshll.u32 v19, $0x9  }
0x2cc: {  	v28 =	vand.u32 $0x7000, v28  }
0x2cd: {  	v28 =	vor.u32 v28, v18  }
0x2ce: {  	v22 =	vor.u32 v13, v22;
	v20 =	vor.u32 v20, v28  }
0x2cf: {  	v21 =	vor.u32 v21, v17;
	_ =	sdelay $0x1  }
0x2d0: {  	v23 =	vadd.f32 v27, v23;
	_ =	sdelay $0x1  }
0x2d1: {  	[tilespmem:v22+s22+$0x0] =	vst.idx.msk $0xffff, v23  }
0x2d2: {  	v21 =	vld.idx.msk [tilespmem:v21+s16+$0x0], $0xffff  }
0x2d3: {  	v22 =	vld.idx.msk [tilespmem:v26+s3+$0x0], $0xffff;
	_ =	sdelay $0x1  }
0x2d4: {  	v23 =	vor.u32 v13, v29;
	_ =	sdelay $0x1  }
0x2d5: {  	v24 =	vor.u32 v24, v17;
	_ =	sdelay $0x1  }
0x2d6: {  	v21 =	vadd.f32 v22, v21;
	_ =	sdelay $0x1  }
0x2d7: {  	[tilespmem:v23+s22+$0x0] =	vst.idx.msk $0xffff, v21  }
0x2d8: {  	v21 =	vld.idx.msk [tilespmem:v24+s16+$0x0], $0xffff  }
0x2d9: {  	v22 =	vld.idx.msk [tilespmem:v25+s3+$0x0], $0xffff  }
0x2da: {  	v23 =	vor.u32 v13, v31;
	_ =	sdelay $0x2  }
0x2db: {  	v19 =	vor.u32 v19, v17;
	_ =	sdelay $0x1  }
0x2dc: {  	v21 =	vadd.f32 v22, v21;
	_ =	sdelay $0x1  }
0x2dd: {  	[tilespmem:v23+s22+$0x0] =	vst.idx.msk $0xffff, v21  }
0x2de: {  	v25 =	vld.idx.msk [tilespmem:v19+s16+$0x0], $0xffff  }
.Ltmp6:
0x2df: {  	v23 =	vor.u32 v13, v30;
	v26 =	vld.idx.msk [tilespmem:v20+s3+$0x0], $0xffff;
	(pc) =	sbr.rel @p0 .LBB2_15-.Ltmp6, $4  }
0x2e0: {  	v19 =	vadd.s32 s15, v0  }
0x2e1: {  	v24 =	vand.u32 $0xF, v19;
	v20 =	vshll.u32 v19, $0x9;
	v28 =	vshll.u32 v19, $0x7  }
0x2e2: {  	v21 =	vor.u32 $0x10, v19;
	v29 =	vand.u32 $0x1000, v20;
	v22 =	vshll.u32 v24, $0x7  }
0x2e3: {  	v27 =	vor.u32 v24, v17;
	v20 =	vand.u32 $0x380, v28;
	v28 =	vor.u32 v29, v18  }
0x2e4: {  	_ = 	snop  }
0x2e5: {  	v28 =	vor.u32 v20, v28  }
0x2e6: {  	v25 =	vadd.f32 v26, v25;
	_ =	sdelay $0x1  }
0x2e7: {  	[tilespmem:v23+s22+$0x0] =	vst.idx.msk $0xffff, v25  }
0x2e8: {  	v23 =	vld.idx.msk [tilespmem:v27+s16+$0x0], $0xffff  }
0x2e9: {  	v25 =	vld.idx.msk [tilespmem:v28+s3+$0x0], $0xffff  }
0x2ea: {  	v26 =	vshll.u32 v21, $0x9  }
0x2eb: {  	v22 =	vor.u32 v13, v22;
	v26 =	vand.u32 $0x3000, v26  }
0x2ec: {  	v26 =	vor.u32 v26, v18;
	v27 =	vor.u32 v21, v17  }
0x2ed: {  	v26 =	vor.u32 v20, v26  }
0x2ee: {  	v23 =	vadd.f32 v25, v23;
	_ =	sdelay $0x1  }
0x2ef: {  	[tilespmem:v22+s22+$0x0] =	vst.idx.msk $0xffff, v23  }
0x2f0: {  	v22 =	vld.idx.msk [tilespmem:v27+s16+$0x0], $0xffff  }
0x2f1: {  	v23 =	vor.u32 $0x20, v24;
	v24 =	vld.idx.msk [tilespmem:v26+s3+$0x0], $0xffff  }
0x2f2: {  	v21 =	vshll.u32 v21, $0x7;
	v25 =	vshll.u32 v23, $0x9  }
0x2f3: {  	v21 =	vor.u32 v13, v21;
	v25 =	vand.u32 $0x5000, v25  }
0x2f4: {  	v26 =	vor.u32 v23, v17;
	v25 =	vor.u32 v25, v18  }
0x2f5: {  	v25 =	vor.u32 v20, v25  }
0x2f6: {  	v22 =	vadd.f32 v24, v22;
	_ =	sdelay $0x1  }
0x2f7: {  	[tilespmem:v21+s22+$0x0] =	vst.idx.msk $0xffff, v22  }
0x2f8: {  	v21 =	vld.idx.msk [tilespmem:v26+s16+$0x0], $0xffff  }
0x2f9: {  	v19 =	vor.u32 $0x30, v19;
	v22 =	vld.idx.msk [tilespmem:v25+s3+$0x0], $0xffff  }
0x2fa: {  	v23 =	vshll.u32 v23, $0x7;
	v24 =	vshll.u32 v19, $0x9  }
0x2fb: {  	v23 =	vor.u32 v13, v23;
	v24 =	vand.u32 $0x7000, v24  }
0x2fc: {  	v17 =	vor.u32 v19, v17;
	v18 =	vor.u32 v24, v18  }
0x2fd: {  	v18 =	vor.u32 v20, v18  }
0x2fe: {  	v20 =	vadd.f32 v22, v21;
	_ =	sdelay $0x1  }
0x2ff: {  	[tilespmem:v23+s22+$0x0] =	vst.idx.msk $0xffff, v20  }
0x300: {  	v17 =	vld.idx.msk [tilespmem:v17+s16+$0x0], $0xffff  }
0x301: {  	v18 =	vld.idx.msk [tilespmem:v18+s3+$0x0], $0xffff  }
0x302: {  	v19 =	vshll.u32 v19, $0x7  }
0x303: {  	v19 =	vor.u32 v13, v19;
	_ =	sdelay $0x2  }
0x304: {  	v17 =	vadd.f32 v18, v17;
	_ =	sdelay $0x1  }
0x305: {  	[tilespmem:v19+s22+$0x0] =	vst.idx.msk $0xffff, v17  }
0x306: {  	v17 =	vld [tilespmem:$0x8070];
	_ =	sdelay $0x1  }
0x307: {  	s12 =	simm.s32 $0x0  }
0x308: {  	v18 =	vadd.s32 s12, v0  }
0x309: {  	v16 =	vor.u32 v15, v16;
	v19 =	vshll.u32 v18, $0x9  }
0x30a: {  	v21 =	vshll.u32 v18, $0x7;
	v19 =	vand.u32 $0x1000, v19;
	v17 =	vshll.u32 v17, $0x6  }
0x30b: {  	v21 =	vand.u32 $0x380, v21;
	v19 =	vor.u32 v19, v16;
	v17 =	vand.u32 $0x40, v17  }
0x30c: {  	v20 =	vand.u32 $0xF, v18;
	v19 =	vor.u32 v21, v19;
	v17 =	vor.u32 v14, v17  }
0x30d: {  	v22 =	vor.u32 v20, v17;
	_ =	sdelay $0x3  }
0x30e: {  	v19 =	vld.idx.msk [tilespmem:v19+s3+$0x0], $0xffff  }
0x30f: {  	v23 =	vor.u32 $0x10, v18;
	v22 =	vld.idx.msk [tilespmem:v22+s16+$0x0], $0xffff  }
0x310: {  	v24 =	vshll.u32 v20, $0x7;
	v25 =	vshll.u32 v23, $0x9  }
0x311: {  	v25 =	vand.u32 $0x3000, v25;
	v24 =	vor.u32 v15, v24  }
0x312: {  	v25 =	vor.u32 v25, v16;
	v26 =	vor.u32 v23, v17  }
0x313: {  	v25 =	vor.u32 v21, v25  }
0x314: {  	v19 =	vadd.f32 v19, v22;
	_ =	sdelay $0x1  }
0x315: {  	[tilespmem:v24+s22+$0x0] =	vst.idx.msk $0xffff, v19  }
0x316: {  	v19 =	vld.idx.msk [tilespmem:v26+s16+$0x0], $0xffff  }
0x317: {  	v20 =	vor.u32 $0x20, v20;
	v22 =	vld.idx.msk [tilespmem:v25+s3+$0x0], $0xffff  }
0x318: {  	v23 =	vshll.u32 v23, $0x7;
	v24 =	vshll.u32 v20, $0x9  }
0x319: {  	v23 =	vor.u32 v15, v23;
	v24 =	vand.u32 $0x5000, v24  }
0x31a: {  	v25 =	vor.u32 v20, v17;
	v24 =	vor.u32 v24, v16  }
0x31b: {  	v24 =	vor.u32 v21, v24  }
0x31c: {  	v19 =	vadd.f32 v22, v19;
	_ =	sdelay $0x1  }
0x31d: {  	[tilespmem:v23+s22+$0x0] =	vst.idx.msk $0xffff, v19  }
0x31e: {  	v19 =	vld.idx.msk [tilespmem:v25+s16+$0x0], $0xffff  }
0x31f: {  	v18 =	vor.u32 $0x30, v18;
	v22 =	vld.idx.msk [tilespmem:v24+s3+$0x0], $0xffff  }
0x320: {  	v20 =	vshll.u32 v20, $0x7;
	v23 =	vshll.u32 v18, $0x9  }
0x321: {  	v20 =	vor.u32 v15, v20;
	v23 =	vand.u32 $0x7000, v23  }
0x322: {  	v24 =	vor.u32 v18, v17;
	v23 =	vor.u32 v23, v16  }
0x323: {  	v25 =	vor.u32 v21, v23  }
0x324: {  	v19 =	vadd.f32 v22, v19;
	_ =	sdelay $0x1  }
0x325: {  	[tilespmem:v20+s22+$0x0] =	vst.idx.msk $0xffff, v19  }
0x326: {  	s17 =	simm.s32 $0x1;
	v18 =	vshll.u32 v18, $0x7;
	v24 =	vld.idx.msk [tilespmem:v24+s16+$0x0], $0xffff  }
0x327: {  	v22 =	vor.u32 v15, v18;
	v18 =	vadd.s32 s17, v0;
	v25 =	vld.idx.msk [tilespmem:v25+s3+$0x0], $0xffff  }
0x328: {  	v23 =	vand.u32 $0xF, v18;
	v27 =	vshll.u32 v18, $0x7;
	v19 =	vshll.u32 v18, $0x9  }
0x329: {  	v21 =	vshll.u32 v23, $0x7;
	v20 =	vor.u32 $0x10, v18;
	v28 =	vand.u32 $0x1000, v19  }
0x32a: {  	s12 =	simm.s32 $0x2;
	v26 =	vor.u32 v23, v17;
	v19 =	vand.u32 $0x380, v27;
	v27 =	vor.u32 v28, v16  }
.LBB2_17:
0x32b: {  	p0 =	sne.s32 s12, $0xF;
	v27 =	vor.u32 v19, v27;
	v28 =	vshll.u32 v20, $0x9;
	v23 =	vor.u32 $0x20, v23;
	s15 =	smov.u32 s12;
	s12 =	sadd.s32 $0x1, s12  }
0x32c: {  	v24 =	vadd.f32 v25, v24;
	v28 =	vand.u32 $0x3000, v28;
	v29 =	vshll.u32 v23, $0x9  }
0x32d: {  	v25 =	vor.u32 v28, v16;
	v28 =	vshll.u32 v20, $0x7;
	v29 =	vand.u32 $0x5000, v29  }
0x32e: {  	v30 =	vshll.u32 v23, $0x7;
	v25 =	vor.u32 v19, v25;
	v29 =	vor.u32 v29, v16;
	[tilespmem:v22+s22+$0x0] =	vst.idx.msk $0xffff, v24  }
0x32f: {  	v18 =	vor.u32 $0x30, v18;
	v22 =	vld.idx.msk [tilespmem:v26+s16+$0x0], $0xffff;
	v24 =	vor.u32 v19, v29  }
0x330: {  	v29 =	vshll.u32 v18, $0x7;
	v26 =	vld.idx.msk [tilespmem:v27+s3+$0x0], $0xffff;
	v27 =	vshll.u32 v18, $0x9  }
0x331: {  	v27 =	vand.u32 $0x7000, v27  }
0x332: {  	v27 =	vor.u32 v27, v16  }
0x333: {  	v21 =	vor.u32 v15, v21;
	v19 =	vor.u32 v19, v27  }
0x334: {  	v20 =	vor.u32 v20, v17;
	_ =	sdelay $0x1  }
0x335: {  	v22 =	vadd.f32 v26, v22;
	_ =	sdelay $0x1  }
0x336: {  	[tilespmem:v21+s22+$0x0] =	vst.idx.msk $0xffff, v22  }
0x337: {  	v20 =	vld.idx.msk [tilespmem:v20+s16+$0x0], $0xffff  }
0x338: {  	v21 =	vld.idx.msk [tilespmem:v25+s3+$0x0], $0xffff;
	_ =	sdelay $0x1  }
0x339: {  	v22 =	vor.u32 v15, v28;
	_ =	sdelay $0x1  }
0x33a: {  	v23 =	vor.u32 v23, v17;
	_ =	sdelay $0x1  }
0x33b: {  	v20 =	vadd.f32 v21, v20;
	_ =	sdelay $0x1  }
0x33c: {  	[tilespmem:v22+s22+$0x0] =	vst.idx.msk $0xffff, v20  }
0x33d: {  	v20 =	vld.idx.msk [tilespmem:v23+s16+$0x0], $0xffff  }
0x33e: {  	v21 =	vld.idx.msk [tilespmem:v24+s3+$0x0], $0xffff  }
0x33f: {  	v22 =	vor.u32 v15, v30;
	_ =	sdelay $0x2  }
0x340: {  	v18 =	vor.u32 v18, v17;
	_ =	sdelay $0x1  }
0x341: {  	v20 =	vadd.f32 v21, v20;
	_ =	sdelay $0x1  }
0x342: {  	[tilespmem:v22+s22+$0x0] =	vst.idx.msk $0xffff, v20  }
0x343: {  	v24 =	vld.idx.msk [tilespmem:v18+s16+$0x0], $0xffff  }
.Ltmp7:
0x344: {  	v22 =	vor.u32 v15, v29;
	v25 =	vld.idx.msk [tilespmem:v19+s3+$0x0], $0xffff;
	(pc) =	sbr.rel @p0 .LBB2_17-.Ltmp7, $4  }
0x345: {  	v18 =	vadd.s32 s15, v0  }
0x346: {  	v23 =	vand.u32 $0xF, v18;
	v19 =	vshll.u32 v18, $0x9;
	v27 =	vshll.u32 v18, $0x7  }
0x347: {  	v20 =	vor.u32 $0x10, v18;
	v28 =	vand.u32 $0x1000, v19;
	v21 =	vshll.u32 v23, $0x7  }
0x348: {  	v26 =	vor.u32 v23, v17;
	v19 =	vand.u32 $0x380, v27;
	v27 =	vor.u32 v28, v16  }
0x349: {  	_ = 	snop  }
0x34a: {  	v27 =	vor.u32 v19, v27  }
0x34b: {  	v24 =	vadd.f32 v25, v24;
	_ =	sdelay $0x1  }
0x34c: {  	[tilespmem:v22+s22+$0x0] =	vst.idx.msk $0xffff, v24  }
0x34d: {  	v22 =	vld.idx.msk [tilespmem:v26+s16+$0x0], $0xffff  }
0x34e: {  	v24 =	vld.idx.msk [tilespmem:v27+s3+$0x0], $0xffff  }
0x34f: {  	v25 =	vshll.u32 v20, $0x9  }
0x350: {  	v21 =	vor.u32 v15, v21;
	v25 =	vand.u32 $0x3000, v25  }
0x351: {  	v25 =	vor.u32 v25, v16;
	v26 =	vor.u32 v20, v17  }
0x352: {  	v25 =	vor.u32 v19, v25  }
0x353: {  	v22 =	vadd.f32 v24, v22;
	_ =	sdelay $0x1  }
0x354: {  	[tilespmem:v21+s22+$0x0] =	vst.idx.msk $0xffff, v22  }
0x355: {  	v21 =	vld.idx.msk [tilespmem:v26+s16+$0x0], $0xffff  }
0x356: {  	v22 =	vor.u32 $0x20, v23;
	v23 =	vld.idx.msk [tilespmem:v25+s3+$0x0], $0xffff  }
0x357: {  	v20 =	vshll.u32 v20, $0x7;
	v24 =	vshll.u32 v22, $0x9  }
0x358: {  	v20 =	vor.u32 v15, v20;
	v24 =	vand.u32 $0x5000, v24  }
0x359: {  	v25 =	vor.u32 v22, v17;
	v24 =	vor.u32 v24, v16  }
0x35a: {  	v24 =	vor.u32 v19, v24  }
0x35b: {  	v21 =	vadd.f32 v23, v21;
	_ =	sdelay $0x1  }
0x35c: {  	[tilespmem:v20+s22+$0x0] =	vst.idx.msk $0xffff, v21  }
0x35d: {  	v20 =	vld.idx.msk [tilespmem:v25+s16+$0x0], $0xffff  }
0x35e: {  	v18 =	vor.u32 $0x30, v18;
	v21 =	vld.idx.msk [tilespmem:v24+s3+$0x0], $0xffff  }
0x35f: {  	v22 =	vshll.u32 v22, $0x7;
	v23 =	vshll.u32 v18, $0x9  }
0x360: {  	v22 =	vor.u32 v15, v22;
	v23 =	vand.u32 $0x7000, v23  }
0x361: {  	v17 =	vor.u32 v18, v17;
	v16 =	vor.u32 v23, v16  }
0x362: {  	v16 =	vor.u32 v19, v16  }
0x363: {  	v19 =	vadd.f32 v21, v20;
	_ =	sdelay $0x1  }
0x364: {  	[tilespmem:v22+s22+$0x0] =	vst.idx.msk $0xffff, v19  }
0x365: {  	v17 =	vld.idx.msk [tilespmem:v17+s16+$0x0], $0xffff  }
0x366: {  	v16 =	vld.idx.msk [tilespmem:v16+s3+$0x0], $0xffff  }
0x367: {  	v18 =	vshll.u32 v18, $0x7  }
0x368: {  	p0 =	seq.s32 s31, $0x3F;
	v18 =	vor.u32 v15, v18  }
0x369: {  	s12 =	sadd.s32 @!p0 $0x2, s0  }
0x36a: {  	s15 =	sadd.s32 @!p0 s5, s12;
	s12 =	sshll.u32 @!p0 s12, $0x4  }
0x36b: {  	s15 =	sshll.u32 @!p0 s15, $0x4;
	s12 =	sand.u32 @!p0 $0x60, s12;
	v16 =	vadd.f32 v16, v17  }
0x36c: {  	s15 =	sand.u32 @!p0 $0x1FF80, s15;
	s12 =	sadd.s32 @!p0 s4, s12  }
0x36d: {  	s17 =	simm.s32 @!p0 $0x8000;
	s12 =	sadd.s32 @!p0 s15, s12;
	s15 =	simm.s32 @!p0 $0x0;
	[tilespmem:v18+s22+$0x0] =	vst.idx.msk $0xffff, v16  }
0x36e: {  	[tilespmem:s17], [sflag:$0x3] =	stream.linear.gather @!p0 [hbm4b:s12+s15], $0x80, $0x38;
	[tilespmem:$0x14200] =	vst v63  }
0x36f: {  	s12 =	sor.u32 s5, s0;
	s17 =	sand.u32 $0x1, s31  }
0x370: {  	p1 =	seq.s32 s12, $0x0;
	p2 =	seq.s32 s17, $0x1  }
0x371: {  	p1 =	por !p1, !p2  }
0x372: {  	s15 =	simm.s32 $0x1;
	p1 =	por !p1, !p1  }
0x373: {  	s7 =	sshrl.u32 s12, $0x2;
	s15 =	simm.s32 @!p1 $0x0  }
0x374: {  	s15 =	ssub.s32 s7, s15  }
0x375: {  	s15 =	sshll.u32 s15, $0xC  }
0x376: {  	s15 =	sand.u32 $0x1FFFF000, s15  }
0x377: {  	s15 =	sadd.s32 s1, s15  }
0x378: {  	s15 =	sadd.s32 s2, s15  }
0x379: {  	[hbm4b:s15+s23] =	stream.strided.scatter [tilespmem:s22], [sflag:$0x5], $0x2000, s24, s23, $0x38;
	[tilespmem:$0x14200] =	vst v63  }
0x37a: {  	_ =	swait.ge [sflag:s25], $0x4000  }
0x37b: {  	[sflag:s25] =	ssyncset.done $0x0  }
0x37c: {  	[sflag:s25] =	ssyncadd.s32 $0xFFFFC000  }
0x37d: {  	_ =	swait.ge [sflag:s26], $0x2000  }
0x37e: {  	[sflag:s26] =	ssyncset.done $0x0  }
0x37f: {  	s15 =	simm.s32 @!p0 $0x3;
	[sflag:s26] =	ssyncadd.s32 $0xFFFFE000  }
0x380: {  	_ =	swait.ge @!p0 [sflag:s15], $0x80  }
0x381: {  	[sflag:s15] =	ssyncset.done @!p0 $0x0  }
0x382: {  	[sflag:s15] =	ssyncadd.s32 @!p0 $0xFFFFFF80  }
0x383: {  	v16 =	vld @!p0 [tilespmem:$0x8000]  }
0x384: {  	v17 =	vld @!p0 [tilespmem:$0x8010]  }
0x385: {  	v18 =	vld @!p0 [tilespmem:$0x8020]  }
0x386: {  	v19 =	vld @!p0 [tilespmem:$0x8030]  }
0x387: {  	v20 =	vld @!p0 [tilespmem:$0x8040]  }
0x388: {  	v21 =	vld @!p0 [tilespmem:$0x8050];
	v16 =	vshrl.u32 @!p0 v16, $0x1  }
0x389: {  	[tilespmem:$0x8100] =	vst @!p0 v16;
	v16 =	vshrl.u32 @!p0 v17, $0x1;
	v17 =	vld @!p0 [tilespmem:$0x8060]  }
0x38a: {  	[tilespmem:$0x8110] =	vst @!p0 v16;
	v16 =	vshrl.u32 @!p0 v18, $0x1;
	v18 =	vld @!p0 [tilespmem:$0x8070]  }
0x38b: {  	[tilespmem:$0x8120] =	vst @!p0 v16;
	v16 =	vshrl.u32 @!p0 v19, $0x1  }
0x38c: {  	[tilespmem:$0x8130] =	vst @!p0 v16;
	v16 =	vshrl.u32 @!p0 v20, $0x1  }
0x38d: {  	[tilespmem:$0x8140] =	vst @!p0 v16;
	v16 =	vshrl.u32 @!p0 v21, $0x1  }
0x38e: {  	[tilespmem:$0x8150] =	vst @!p0 v16;
	v16 =	vshrl.u32 @!p0 v17, $0x1  }
0x38f: {  	[tilespmem:$0x8160] =	vst @!p0 v16;
	v16 =	vshrl.u32 @!p0 v18, $0x1  }
0x390: {  	s17 =	simm.s32 @!p0 $0x8100;
	s7 =	simm.s32 @!p0 $0x8200;
	s15 =	simm.s32 @!p0 $0x80;
	[tilespmem:$0x8170] =	vst @!p0 v16  }
0x391: {  	[tilespmem:s7], [sflag:$0x1] =	stream.indirect.gather @!p0 [hbm4b:s6+s15], $0x80, s17, s15, $0xb8;
	[tilespmem:$0x14200] =	vst v63  }
0x392: {  	v16 =	vld [tilespmem:$0x8080]  }
0x393: {  	s2 =	sor.u32 $0x80, s2  }
0x394: {  	v17 =	vmov s2  }
0x395: {  	v17 =	vshrl.u32 v17, $0x7;
	s15 =	simm.s32 $0x0  }
0x396: {  	v17 =	vshll.u32 v17, $0xA;
	v19 =	vadd.s32 s15, v0  }
0x397: {  	v20 =	vshll.u32 v19, $0x9;
	v18 =	vshll.u32 v16, $0x6;
	v16 =	vbroadcast v17, $0x0  }
0x398: {  	v21 =	vand.u32 $0xF, v19;
	v22 =	vshll.u32 v19, $0x7;
	v17 =	vand.u32 $0x40, v18  }
0x399: {  	v20 =	vand.u32 $0x1000, v20;
	v17 =	vor.u32 v1, v17;
	v18 =	vor.u32 v0, v16  }
0x39a: {  	v22 =	vand.u32 $0x380, v22;
	v23 =	vor.u32 v21, v17;
	v20 =	vor.u32 v20, v18  }
0x39b: {  	v20 =	vor.u32 v22, v20;
	_ =	sdelay $0x3  }
0x39c: {  	v23 =	vld.idx.msk [tilespmem:v23+s21+$0x0], $0xffff  }
0x39d: {  	v24 =	vor.u32 $0x10, v19;
	v20 =	vld.idx.msk [tilespmem:v20+s3+$0x0], $0xffff  }
0x39e: {  	v25 =	vshll.u32 v21, $0x7;
	v26 =	vshll.u32 v24, $0x9  }
0x39f: {  	v26 =	vand.u32 $0x3000, v26;
	v25 =	vor.u32 v0, v25  }
0x3a0: {  	v26 =	vor.u32 v26, v18;
	v27 =	vor.u32 v24, v17  }
0x3a1: {  	v26 =	vor.u32 v22, v26  }
0x3a2: {  	v20 =	vadd.f32 v20, v23;
	_ =	sdelay $0x1  }
0x3a3: {  	[tilespmem:v25+s28+$0x0] =	vst.idx.msk $0xffff, v20  }
0x3a4: {  	v20 =	vld.idx.msk [tilespmem:v27+s21+$0x0], $0xffff  }
0x3a5: {  	v21 =	vor.u32 $0x20, v21;
	v23 =	vld.idx.msk [tilespmem:v26+s3+$0x0], $0xffff  }
0x3a6: {  	v24 =	vshll.u32 v24, $0x7;
	v25 =	vshll.u32 v21, $0x9  }
0x3a7: {  	v24 =	vor.u32 v0, v24;
	v25 =	vand.u32 $0x5000, v25  }
0x3a8: {  	v26 =	vor.u32 v21, v17;
	v25 =	vor.u32 v25, v18  }
0x3a9: {  	v25 =	vor.u32 v22, v25  }
0x3aa: {  	v20 =	vadd.f32 v23, v20;
	_ =	sdelay $0x1  }
0x3ab: {  	[tilespmem:v24+s28+$0x0] =	vst.idx.msk $0xffff, v20  }
0x3ac: {  	v20 =	vld.idx.msk [tilespmem:v26+s21+$0x0], $0xffff  }
0x3ad: {  	v19 =	vor.u32 $0x30, v19;
	v23 =	vld.idx.msk [tilespmem:v25+s3+$0x0], $0xffff  }
0x3ae: {  	v21 =	vshll.u32 v21, $0x7;
	v24 =	vshll.u32 v19, $0x9  }
0x3af: {  	v21 =	vor.u32 v0, v21;
	v24 =	vand.u32 $0x7000, v24  }
0x3b0: {  	v25 =	vor.u32 v19, v17;
	v24 =	vor.u32 v24, v18  }
0x3b1: {  	v26 =	vor.u32 v22, v24  }
0x3b2: {  	v20 =	vadd.f32 v23, v20;
	_ =	sdelay $0x1  }
0x3b3: {  	[tilespmem:v21+s28+$0x0] =	vst.idx.msk $0xffff, v20  }
0x3b4: {  	s17 =	simm.s32 $0x1;
	v19 =	vshll.u32 v19, $0x7;
	v25 =	vld.idx.msk [tilespmem:v25+s21+$0x0], $0xffff  }
0x3b5: {  	v23 =	vor.u32 v0, v19;
	v19 =	vadd.s32 s17, v0;
	v26 =	vld.idx.msk [tilespmem:v26+s3+$0x0], $0xffff  }
0x3b6: {  	v24 =	vand.u32 $0xF, v19;
	v28 =	vshll.u32 v19, $0x7;
	v20 =	vshll.u32 v19, $0x9  }
0x3b7: {  	v22 =	vshll.u32 v24, $0x7;
	v21 =	vor.u32 $0x10, v19;
	v29 =	vand.u32 $0x1000, v20  }
0x3b8: {  	s15 =	simm.s32 $0x2;
	v27 =	vor.u32 v24, v17;
	v20 =	vand.u32 $0x380, v28;
	v28 =	vor.u32 v29, v18  }
.LBB2_19:
0x3b9: {  	p1 =	sne.s32 s15, $0xF;
	v28 =	vor.u32 v20, v28;
	v29 =	vshll.u32 v21, $0x9;
	v24 =	vor.u32 $0x20, v24;
	s17 =	smov.u32 s15;
	s15 =	sadd.s32 $0x1, s15  }
0x3ba: {  	v25 =	vadd.f32 v26, v25;
	v29 =	vand.u32 $0x3000, v29;
	v30 =	vshll.u32 v24, $0x9  }
0x3bb: {  	v26 =	vor.u32 v29, v18;
	v29 =	vshll.u32 v21, $0x7;
	v30 =	vand.u32 $0x5000, v30  }
0x3bc: {  	v31 =	vshll.u32 v24, $0x7;
	v26 =	vor.u32 v20, v26;
	v30 =	vor.u32 v30, v18;
	[tilespmem:v23+s28+$0x0] =	vst.idx.msk $0xffff, v25  }
0x3bd: {  	v19 =	vor.u32 $0x30, v19;
	v23 =	vld.idx.msk [tilespmem:v27+s21+$0x0], $0xffff;
	v25 =	vor.u32 v20, v30  }
0x3be: {  	v30 =	vshll.u32 v19, $0x7;
	v27 =	vld.idx.msk [tilespmem:v28+s3+$0x0], $0xffff;
	v28 =	vshll.u32 v19, $0x9  }
0x3bf: {  	v28 =	vand.u32 $0x7000, v28  }
0x3c0: {  	v28 =	vor.u32 v28, v18  }
0x3c1: {  	v22 =	vor.u32 v0, v22;
	v20 =	vor.u32 v20, v28  }
0x3c2: {  	v21 =	vor.u32 v21, v17;
	_ =	sdelay $0x1  }
0x3c3: {  	v23 =	vadd.f32 v27, v23;
	_ =	sdelay $0x1  }
0x3c4: {  	[tilespmem:v22+s28+$0x0] =	vst.idx.msk $0xffff, v23  }
0x3c5: {  	v21 =	vld.idx.msk [tilespmem:v21+s21+$0x0], $0xffff  }
0x3c6: {  	v22 =	vld.idx.msk [tilespmem:v26+s3+$0x0], $0xffff;
	_ =	sdelay $0x1  }
0x3c7: {  	v23 =	vor.u32 v0, v29;
	_ =	sdelay $0x1  }
0x3c8: {  	v24 =	vor.u32 v24, v17;
	_ =	sdelay $0x1  }
0x3c9: {  	v21 =	vadd.f32 v22, v21;
	_ =	sdelay $0x1  }
0x3ca: {  	[tilespmem:v23+s28+$0x0] =	vst.idx.msk $0xffff, v21  }
0x3cb: {  	v21 =	vld.idx.msk [tilespmem:v24+s21+$0x0], $0xffff  }
0x3cc: {  	v22 =	vld.idx.msk [tilespmem:v25+s3+$0x0], $0xffff  }
0x3cd: {  	v23 =	vor.u32 v0, v31;
	_ =	sdelay $0x2  }
0x3ce: {  	v19 =	vor.u32 v19, v17;
	_ =	sdelay $0x1  }
0x3cf: {  	v21 =	vadd.f32 v22, v21;
	_ =	sdelay $0x1  }
0x3d0: {  	[tilespmem:v23+s28+$0x0] =	vst.idx.msk $0xffff, v21  }
0x3d1: {  	v25 =	vld.idx.msk [tilespmem:v19+s21+$0x0], $0xffff  }
.Ltmp8:
0x3d2: {  	v23 =	vor.u32 v0, v30;
	v26 =	vld.idx.msk [tilespmem:v20+s3+$0x0], $0xffff;
	(pc) =	sbr.rel @p1 .LBB2_19-.Ltmp8, $4  }
0x3d3: {  	v19 =	vadd.s32 s17, v0  }
0x3d4: {  	v24 =	vand.u32 $0xF, v19;
	v20 =	vshll.u32 v19, $0x9;
	v28 =	vshll.u32 v19, $0x7  }
0x3d5: {  	v21 =	vor.u32 $0x10, v19;
	v29 =	vand.u32 $0x1000, v20;
	v22 =	vshll.u32 v24, $0x7  }
0x3d6: {  	v27 =	vor.u32 v24, v17;
	v20 =	vand.u32 $0x380, v28;
	v28 =	vor.u32 v29, v18  }
0x3d7: {  	_ = 	snop  }
0x3d8: {  	v28 =	vor.u32 v20, v28  }
0x3d9: {  	v25 =	vadd.f32 v26, v25;
	_ =	sdelay $0x1  }
0x3da: {  	[tilespmem:v23+s28+$0x0] =	vst.idx.msk $0xffff, v25  }
0x3db: {  	v23 =	vld.idx.msk [tilespmem:v27+s21+$0x0], $0xffff  }
0x3dc: {  	v25 =	vld.idx.msk [tilespmem:v28+s3+$0x0], $0xffff  }
0x3dd: {  	v26 =	vshll.u32 v21, $0x9  }
0x3de: {  	v22 =	vor.u32 v0, v22;
	v26 =	vand.u32 $0x3000, v26  }
0x3df: {  	v26 =	vor.u32 v26, v18;
	v27 =	vor.u32 v21, v17  }
0x3e0: {  	v26 =	vor.u32 v20, v26  }
0x3e1: {  	v23 =	vadd.f32 v25, v23;
	_ =	sdelay $0x1  }
0x3e2: {  	[tilespmem:v22+s28+$0x0] =	vst.idx.msk $0xffff, v23  }
0x3e3: {  	v22 =	vld.idx.msk [tilespmem:v27+s21+$0x0], $0xffff  }
0x3e4: {  	v23 =	vor.u32 $0x20, v24;
	v24 =	vld.idx.msk [tilespmem:v26+s3+$0x0], $0xffff  }
0x3e5: {  	v21 =	vshll.u32 v21, $0x7;
	v25 =	vshll.u32 v23, $0x9  }
0x3e6: {  	v21 =	vor.u32 v0, v21;
	v25 =	vand.u32 $0x5000, v25  }
0x3e7: {  	v26 =	vor.u32 v23, v17;
	v25 =	vor.u32 v25, v18  }
0x3e8: {  	v25 =	vor.u32 v20, v25  }
0x3e9: {  	v22 =	vadd.f32 v24, v22;
	_ =	sdelay $0x1  }
0x3ea: {  	[tilespmem:v21+s28+$0x0] =	vst.idx.msk $0xffff, v22  }
0x3eb: {  	v21 =	vld.idx.msk [tilespmem:v26+s21+$0x0], $0xffff  }
0x3ec: {  	v19 =	vor.u32 $0x30, v19;
	v22 =	vld.idx.msk [tilespmem:v25+s3+$0x0], $0xffff  }
0x3ed: {  	v23 =	vshll.u32 v23, $0x7;
	v24 =	vshll.u32 v19, $0x9  }
0x3ee: {  	v23 =	vor.u32 v0, v23;
	v24 =	vand.u32 $0x7000, v24  }
0x3ef: {  	v17 =	vor.u32 v19, v17;
	v18 =	vor.u32 v24, v18  }
0x3f0: {  	v18 =	vor.u32 v20, v18  }
0x3f1: {  	v20 =	vadd.f32 v22, v21;
	_ =	sdelay $0x1  }
0x3f2: {  	[tilespmem:v23+s28+$0x0] =	vst.idx.msk $0xffff, v20  }
0x3f3: {  	v17 =	vld.idx.msk [tilespmem:v17+s21+$0x0], $0xffff  }
0x3f4: {  	v18 =	vld.idx.msk [tilespmem:v18+s3+$0x0], $0xffff  }
0x3f5: {  	v19 =	vshll.u32 v19, $0x7  }
0x3f6: {  	v19 =	vor.u32 v0, v19;
	_ =	sdelay $0x2  }
0x3f7: {  	v17 =	vadd.f32 v18, v17;
	_ =	sdelay $0x1  }
0x3f8: {  	[tilespmem:v19+s28+$0x0] =	vst.idx.msk $0xffff, v17  }
0x3f9: {  	v17 =	vld [tilespmem:$0x8090];
	_ =	sdelay $0x1  }
0x3fa: {  	s7 =	simm.s32 $0x0  }
0x3fb: {  	v19 =	vadd.s32 s7, v0  }
0x3fc: {  	v18 =	vor.u32 v3, v16;
	v20 =	vshll.u32 v19, $0x9  }
0x3fd: {  	v22 =	vshll.u32 v19, $0x7;
	v20 =	vand.u32 $0x1000, v20;
	v17 =	vshll.u32 v17, $0x6  }
0x3fe: {  	v22 =	vand.u32 $0x380, v22;
	v20 =	vor.u32 v20, v18;
	v17 =	vand.u32 $0x40, v17  }
0x3ff: {  	v21 =	vand.u32 $0xF, v19;
	v20 =	vor.u32 v22, v20;
	v17 =	vor.u32 v2, v17  }
0x400: {  	v23 =	vor.u32 v21, v17;
	_ =	sdelay $0x3  }
0x401: {  	v20 =	vld.idx.msk [tilespmem:v20+s3+$0x0], $0xffff  }
0x402: {  	v24 =	vor.u32 $0x10, v19;
	v23 =	vld.idx.msk [tilespmem:v23+s21+$0x0], $0xffff  }
0x403: {  	v25 =	vshll.u32 v21, $0x7;
	v26 =	vshll.u32 v24, $0x9  }
0x404: {  	v26 =	vand.u32 $0x3000, v26;
	v25 =	vor.u32 v3, v25  }
0x405: {  	v26 =	vor.u32 v26, v18;
	v27 =	vor.u32 v24, v17  }
0x406: {  	v26 =	vor.u32 v22, v26  }
0x407: {  	v20 =	vadd.f32 v20, v23;
	_ =	sdelay $0x1  }
0x408: {  	[tilespmem:v25+s28+$0x0] =	vst.idx.msk $0xffff, v20  }
0x409: {  	v20 =	vld.idx.msk [tilespmem:v27+s21+$0x0], $0xffff  }
0x40a: {  	v21 =	vor.u32 $0x20, v21;
	v23 =	vld.idx.msk [tilespmem:v26+s3+$0x0], $0xffff  }
0x40b: {  	v24 =	vshll.u32 v24, $0x7;
	v25 =	vshll.u32 v21, $0x9  }
0x40c: {  	v24 =	vor.u32 v3, v24;
	v25 =	vand.u32 $0x5000, v25  }
0x40d: {  	v26 =	vor.u32 v21, v17;
	v25 =	vor.u32 v25, v18  }
0x40e: {  	v25 =	vor.u32 v22, v25  }
0x40f: {  	v20 =	vadd.f32 v23, v20;
	_ =	sdelay $0x1  }
0x410: {  	[tilespmem:v24+s28+$0x0] =	vst.idx.msk $0xffff, v20  }
0x411: {  	v20 =	vld.idx.msk [tilespmem:v26+s21+$0x0], $0xffff  }
0x412: {  	v19 =	vor.u32 $0x30, v19;
	v23 =	vld.idx.msk [tilespmem:v25+s3+$0x0], $0xffff  }
0x413: {  	v21 =	vshll.u32 v21, $0x7;
	v24 =	vshll.u32 v19, $0x9  }
0x414: {  	v21 =	vor.u32 v3, v21;
	v24 =	vand.u32 $0x7000, v24  }
0x415: {  	v25 =	vor.u32 v19, v17;
	v24 =	vor.u32 v24, v18  }
0x416: {  	v26 =	vor.u32 v22, v24  }
0x417: {  	v20 =	vadd.f32 v23, v20;
	_ =	sdelay $0x1  }
0x418: {  	[tilespmem:v21+s28+$0x0] =	vst.idx.msk $0xffff, v20  }
0x419: {  	s17 =	simm.s32 $0x1;
	v19 =	vshll.u32 v19, $0x7;
	v25 =	vld.idx.msk [tilespmem:v25+s21+$0x0], $0xffff  }
0x41a: {  	v23 =	vor.u32 v3, v19;
	v19 =	vadd.s32 s17, v0;
	v26 =	vld.idx.msk [tilespmem:v26+s3+$0x0], $0xffff  }
0x41b: {  	v24 =	vand.u32 $0xF, v19;
	v28 =	vshll.u32 v19, $0x7;
	v20 =	vshll.u32 v19, $0x9  }
0x41c: {  	v22 =	vshll.u32 v24, $0x7;
	v21 =	vor.u32 $0x10, v19;
	v29 =	vand.u32 $0x1000, v20  }
0x41d: {  	s15 =	simm.s32 $0x2;
	v27 =	vor.u32 v24, v17;
	v20 =	vand.u32 $0x380, v28;
	v28 =	vor.u32 v29, v18  }
.LBB2_21:
0x41e: {  	p1 =	sne.s32 s15, $0xF;
	v28 =	vor.u32 v20, v28;
	v29 =	vshll.u32 v21, $0x9;
	v24 =	vor.u32 $0x20, v24;
	s17 =	smov.u32 s15;
	s15 =	sadd.s32 $0x1, s15  }
0x41f: {  	v25 =	vadd.f32 v26, v25;
	v29 =	vand.u32 $0x3000, v29;
	v30 =	vshll.u32 v24, $0x9  }
0x420: {  	v26 =	vor.u32 v29, v18;
	v29 =	vshll.u32 v21, $0x7;
	v30 =	vand.u32 $0x5000, v30  }
0x421: {  	v31 =	vshll.u32 v24, $0x7;
	v26 =	vor.u32 v20, v26;
	v30 =	vor.u32 v30, v18;
	[tilespmem:v23+s28+$0x0] =	vst.idx.msk $0xffff, v25  }
0x422: {  	v19 =	vor.u32 $0x30, v19;
	v23 =	vld.idx.msk [tilespmem:v27+s21+$0x0], $0xffff;
	v25 =	vor.u32 v20, v30  }
0x423: {  	v30 =	vshll.u32 v19, $0x7;
	v27 =	vld.idx.msk [tilespmem:v28+s3+$0x0], $0xffff;
	v28 =	vshll.u32 v19, $0x9  }
0x424: {  	v28 =	vand.u32 $0x7000, v28  }
0x425: {  	v28 =	vor.u32 v28, v18  }
0x426: {  	v22 =	vor.u32 v3, v22;
	v20 =	vor.u32 v20, v28  }
0x427: {  	v21 =	vor.u32 v21, v17;
	_ =	sdelay $0x1  }
0x428: {  	v23 =	vadd.f32 v27, v23;
	_ =	sdelay $0x1  }
0x429: {  	[tilespmem:v22+s28+$0x0] =	vst.idx.msk $0xffff, v23  }
0x42a: {  	v21 =	vld.idx.msk [tilespmem:v21+s21+$0x0], $0xffff  }
0x42b: {  	v22 =	vld.idx.msk [tilespmem:v26+s3+$0x0], $0xffff;
	_ =	sdelay $0x1  }
0x42c: {  	v23 =	vor.u32 v3, v29;
	_ =	sdelay $0x1  }
0x42d: {  	v24 =	vor.u32 v24, v17;
	_ =	sdelay $0x1  }
0x42e: {  	v21 =	vadd.f32 v22, v21;
	_ =	sdelay $0x1  }
0x42f: {  	[tilespmem:v23+s28+$0x0] =	vst.idx.msk $0xffff, v21  }
0x430: {  	v21 =	vld.idx.msk [tilespmem:v24+s21+$0x0], $0xffff  }
0x431: {  	v22 =	vld.idx.msk [tilespmem:v25+s3+$0x0], $0xffff  }
0x432: {  	v23 =	vor.u32 v3, v31;
	_ =	sdelay $0x2  }
0x433: {  	v19 =	vor.u32 v19, v17;
	_ =	sdelay $0x1  }
0x434: {  	v21 =	vadd.f32 v22, v21;
	_ =	sdelay $0x1  }
0x435: {  	[tilespmem:v23+s28+$0x0] =	vst.idx.msk $0xffff, v21  }
0x436: {  	v25 =	vld.idx.msk [tilespmem:v19+s21+$0x0], $0xffff  }
.Ltmp9:
0x437: {  	v23 =	vor.u32 v3, v30;
	v26 =	vld.idx.msk [tilespmem:v20+s3+$0x0], $0xffff;
	(pc) =	sbr.rel @p1 .LBB2_21-.Ltmp9, $4  }
0x438: {  	v19 =	vadd.s32 s17, v0  }
0x439: {  	v24 =	vand.u32 $0xF, v19;
	v20 =	vshll.u32 v19, $0x9;
	v28 =	vshll.u32 v19, $0x7  }
0x43a: {  	v21 =	vor.u32 $0x10, v19;
	v29 =	vand.u32 $0x1000, v20;
	v22 =	vshll.u32 v24, $0x7  }
0x43b: {  	v27 =	vor.u32 v24, v17;
	v20 =	vand.u32 $0x380, v28;
	v28 =	vor.u32 v29, v18  }
0x43c: {  	_ = 	snop  }
0x43d: {  	v28 =	vor.u32 v20, v28  }
0x43e: {  	v25 =	vadd.f32 v26, v25;
	_ =	sdelay $0x1  }
0x43f: {  	[tilespmem:v23+s28+$0x0] =	vst.idx.msk $0xffff, v25  }
0x440: {  	v23 =	vld.idx.msk [tilespmem:v27+s21+$0x0], $0xffff  }
0x441: {  	v25 =	vld.idx.msk [tilespmem:v28+s3+$0x0], $0xffff  }
0x442: {  	v26 =	vshll.u32 v21, $0x9  }
0x443: {  	v22 =	vor.u32 v3, v22;
	v26 =	vand.u32 $0x3000, v26  }
0x444: {  	v26 =	vor.u32 v26, v18;
	v27 =	vor.u32 v21, v17  }
0x445: {  	v26 =	vor.u32 v20, v26  }
0x446: {  	v23 =	vadd.f32 v25, v23;
	_ =	sdelay $0x1  }
0x447: {  	[tilespmem:v22+s28+$0x0] =	vst.idx.msk $0xffff, v23  }
0x448: {  	v22 =	vld.idx.msk [tilespmem:v27+s21+$0x0], $0xffff  }
0x449: {  	v23 =	vor.u32 $0x20, v24;
	v24 =	vld.idx.msk [tilespmem:v26+s3+$0x0], $0xffff  }
0x44a: {  	v21 =	vshll.u32 v21, $0x7;
	v25 =	vshll.u32 v23, $0x9  }
0x44b: {  	v21 =	vor.u32 v3, v21;
	v25 =	vand.u32 $0x5000, v25  }
0x44c: {  	v26 =	vor.u32 v23, v17;
	v25 =	vor.u32 v25, v18  }
0x44d: {  	v25 =	vor.u32 v20, v25  }
0x44e: {  	v22 =	vadd.f32 v24, v22;
	_ =	sdelay $0x1  }
0x44f: {  	[tilespmem:v21+s28+$0x0] =	vst.idx.msk $0xffff, v22  }
0x450: {  	v21 =	vld.idx.msk [tilespmem:v26+s21+$0x0], $0xffff  }
0x451: {  	v19 =	vor.u32 $0x30, v19;
	v22 =	vld.idx.msk [tilespmem:v25+s3+$0x0], $0xffff  }
0x452: {  	v23 =	vshll.u32 v23, $0x7;
	v24 =	vshll.u32 v19, $0x9  }
0x453: {  	v23 =	vor.u32 v3, v23;
	v24 =	vand.u32 $0x7000, v24  }
0x454: {  	v17 =	vor.u32 v19, v17;
	v18 =	vor.u32 v24, v18  }
0x455: {  	v18 =	vor.u32 v20, v18  }
0x456: {  	v20 =	vadd.f32 v22, v21;
	_ =	sdelay $0x1  }
0x457: {  	[tilespmem:v23+s28+$0x0] =	vst.idx.msk $0xffff, v20  }
0x458: {  	v17 =	vld.idx.msk [tilespmem:v17+s21+$0x0], $0xffff  }
0x459: {  	v18 =	vld.idx.msk [tilespmem:v18+s3+$0x0], $0xffff  }
0x45a: {  	v19 =	vshll.u32 v19, $0x7  }
0x45b: {  	v19 =	vor.u32 v3, v19;
	_ =	sdelay $0x2  }
0x45c: {  	v17 =	vadd.f32 v18, v17;
	_ =	sdelay $0x1  }
0x45d: {  	[tilespmem:v19+s28+$0x0] =	vst.idx.msk $0xffff, v17  }
0x45e: {  	v17 =	vld [tilespmem:$0x80A0];
	_ =	sdelay $0x1  }
0x45f: {  	s7 =	simm.s32 $0x0  }
0x460: {  	v19 =	vadd.s32 s7, v0  }
0x461: {  	v18 =	vor.u32 v5, v16;
	v20 =	vshll.u32 v19, $0x9  }
0x462: {  	v22 =	vshll.u32 v19, $0x7;
	v20 =	vand.u32 $0x1000, v20;
	v17 =	vshll.u32 v17, $0x6  }
0x463: {  	v22 =	vand.u32 $0x380, v22;
	v20 =	vor.u32 v20, v18;
	v17 =	vand.u32 $0x40, v17  }
0x464: {  	v21 =	vand.u32 $0xF, v19;
	v20 =	vor.u32 v22, v20;
	v17 =	vor.u32 v4, v17  }
0x465: {  	v23 =	vor.u32 v21, v17;
	_ =	sdelay $0x3  }
0x466: {  	v20 =	vld.idx.msk [tilespmem:v20+s3+$0x0], $0xffff  }
0x467: {  	v24 =	vor.u32 $0x10, v19;
	v23 =	vld.idx.msk [tilespmem:v23+s21+$0x0], $0xffff  }
0x468: {  	v25 =	vshll.u32 v21, $0x7;
	v26 =	vshll.u32 v24, $0x9  }
0x469: {  	v26 =	vand.u32 $0x3000, v26;
	v25 =	vor.u32 v5, v25  }
0x46a: {  	v26 =	vor.u32 v26, v18;
	v27 =	vor.u32 v24, v17  }
0x46b: {  	v26 =	vor.u32 v22, v26  }
0x46c: {  	v20 =	vadd.f32 v20, v23;
	_ =	sdelay $0x1  }
0x46d: {  	[tilespmem:v25+s28+$0x0] =	vst.idx.msk $0xffff, v20  }
0x46e: {  	v20 =	vld.idx.msk [tilespmem:v27+s21+$0x0], $0xffff  }
0x46f: {  	v21 =	vor.u32 $0x20, v21;
	v23 =	vld.idx.msk [tilespmem:v26+s3+$0x0], $0xffff  }
0x470: {  	v24 =	vshll.u32 v24, $0x7;
	v25 =	vshll.u32 v21, $0x9  }
0x471: {  	v24 =	vor.u32 v5, v24;
	v25 =	vand.u32 $0x5000, v25  }
0x472: {  	v26 =	vor.u32 v21, v17;
	v25 =	vor.u32 v25, v18  }
0x473: {  	v25 =	vor.u32 v22, v25  }
0x474: {  	v20 =	vadd.f32 v23, v20;
	_ =	sdelay $0x1  }
0x475: {  	[tilespmem:v24+s28+$0x0] =	vst.idx.msk $0xffff, v20  }
0x476: {  	v20 =	vld.idx.msk [tilespmem:v26+s21+$0x0], $0xffff  }
0x477: {  	v19 =	vor.u32 $0x30, v19;
	v23 =	vld.idx.msk [tilespmem:v25+s3+$0x0], $0xffff  }
0x478: {  	v21 =	vshll.u32 v21, $0x7;
	v24 =	vshll.u32 v19, $0x9  }
0x479: {  	v21 =	vor.u32 v5, v21;
	v24 =	vand.u32 $0x7000, v24  }
0x47a: {  	v25 =	vor.u32 v19, v17;
	v24 =	vor.u32 v24, v18  }
0x47b: {  	v26 =	vor.u32 v22, v24  }
0x47c: {  	v20 =	vadd.f32 v23, v20;
	_ =	sdelay $0x1  }
0x47d: {  	[tilespmem:v21+s28+$0x0] =	vst.idx.msk $0xffff, v20  }
0x47e: {  	s17 =	simm.s32 $0x1;
	v19 =	vshll.u32 v19, $0x7;
	v25 =	vld.idx.msk [tilespmem:v25+s21+$0x0], $0xffff  }
0x47f: {  	v23 =	vor.u32 v5, v19;
	v19 =	vadd.s32 s17, v0;
	v26 =	vld.idx.msk [tilespmem:v26+s3+$0x0], $0xffff  }
0x480: {  	v24 =	vand.u32 $0xF, v19;
	v28 =	vshll.u32 v19, $0x7;
	v20 =	vshll.u32 v19, $0x9  }
0x481: {  	v22 =	vshll.u32 v24, $0x7;
	v21 =	vor.u32 $0x10, v19;
	v29 =	vand.u32 $0x1000, v20  }
0x482: {  	s15 =	simm.s32 $0x2;
	v27 =	vor.u32 v24, v17;
	v20 =	vand.u32 $0x380, v28;
	v28 =	vor.u32 v29, v18  }
.LBB2_23:
0x483: {  	p1 =	sne.s32 s15, $0xF;
	v28 =	vor.u32 v20, v28;
	v29 =	vshll.u32 v21, $0x9;
	v24 =	vor.u32 $0x20, v24;
	s17 =	smov.u32 s15;
	s15 =	sadd.s32 $0x1, s15  }
0x484: {  	v25 =	vadd.f32 v26, v25;
	v29 =	vand.u32 $0x3000, v29;
	v30 =	vshll.u32 v24, $0x9  }
0x485: {  	v26 =	vor.u32 v29, v18;
	v29 =	vshll.u32 v21, $0x7;
	v30 =	vand.u32 $0x5000, v30  }
0x486: {  	v31 =	vshll.u32 v24, $0x7;
	v26 =	vor.u32 v20, v26;
	v30 =	vor.u32 v30, v18;
	[tilespmem:v23+s28+$0x0] =	vst.idx.msk $0xffff, v25  }
0x487: {  	v19 =	vor.u32 $0x30, v19;
	v23 =	vld.idx.msk [tilespmem:v27+s21+$0x0], $0xffff;
	v25 =	vor.u32 v20, v30  }
0x488: {  	v30 =	vshll.u32 v19, $0x7;
	v27 =	vld.idx.msk [tilespmem:v28+s3+$0x0], $0xffff;
	v28 =	vshll.u32 v19, $0x9  }
0x489: {  	v28 =	vand.u32 $0x7000, v28  }
0x48a: {  	v28 =	vor.u32 v28, v18  }
0x48b: {  	v22 =	vor.u32 v5, v22;
	v20 =	vor.u32 v20, v28  }
0x48c: {  	v21 =	vor.u32 v21, v17;
	_ =	sdelay $0x1  }
0x48d: {  	v23 =	vadd.f32 v27, v23;
	_ =	sdelay $0x1  }
0x48e: {  	[tilespmem:v22+s28+$0x0] =	vst.idx.msk $0xffff, v23  }
0x48f: {  	v21 =	vld.idx.msk [tilespmem:v21+s21+$0x0], $0xffff  }
0x490: {  	v22 =	vld.idx.msk [tilespmem:v26+s3+$0x0], $0xffff;
	_ =	sdelay $0x1  }
0x491: {  	v23 =	vor.u32 v5, v29;
	_ =	sdelay $0x1  }
0x492: {  	v24 =	vor.u32 v24, v17;
	_ =	sdelay $0x1  }
0x493: {  	v21 =	vadd.f32 v22, v21;
	_ =	sdelay $0x1  }
0x494: {  	[tilespmem:v23+s28+$0x0] =	vst.idx.msk $0xffff, v21  }
0x495: {  	v21 =	vld.idx.msk [tilespmem:v24+s21+$0x0], $0xffff  }
0x496: {  	v22 =	vld.idx.msk [tilespmem:v25+s3+$0x0], $0xffff  }
0x497: {  	v23 =	vor.u32 v5, v31;
	_ =	sdelay $0x2  }
0x498: {  	v19 =	vor.u32 v19, v17;
	_ =	sdelay $0x1  }
0x499: {  	v21 =	vadd.f32 v22, v21;
	_ =	sdelay $0x1  }
0x49a: {  	[tilespmem:v23+s28+$0x0] =	vst.idx.msk $0xffff, v21  }
0x49b: {  	v25 =	vld.idx.msk [tilespmem:v19+s21+$0x0], $0xffff  }
.Ltmp10:
0x49c: {  	v23 =	vor.u32 v5, v30;
	v26 =	vld.idx.msk [tilespmem:v20+s3+$0x0], $0xffff;
	(pc) =	sbr.rel @p1 .LBB2_23-.Ltmp10, $4  }
0x49d: {  	v19 =	vadd.s32 s17, v0  }
0x49e: {  	v24 =	vand.u32 $0xF, v19;
	v20 =	vshll.u32 v19, $0x9;
	v28 =	vshll.u32 v19, $0x7  }
0x49f: {  	v21 =	vor.u32 $0x10, v19;
	v29 =	vand.u32 $0x1000, v20;
	v22 =	vshll.u32 v24, $0x7  }
0x4a0: {  	v27 =	vor.u32 v24, v17;
	v20 =	vand.u32 $0x380, v28;
	v28 =	vor.u32 v29, v18  }
0x4a1: {  	_ = 	snop  }
0x4a2: {  	v28 =	vor.u32 v20, v28  }
0x4a3: {  	v25 =	vadd.f32 v26, v25;
	_ =	sdelay $0x1  }
0x4a4: {  	[tilespmem:v23+s28+$0x0] =	vst.idx.msk $0xffff, v25  }
0x4a5: {  	v23 =	vld.idx.msk [tilespmem:v27+s21+$0x0], $0xffff  }
0x4a6: {  	v25 =	vld.idx.msk [tilespmem:v28+s3+$0x0], $0xffff  }
0x4a7: {  	v26 =	vshll.u32 v21, $0x9  }
0x4a8: {  	v22 =	vor.u32 v5, v22;
	v26 =	vand.u32 $0x3000, v26  }
0x4a9: {  	v26 =	vor.u32 v26, v18;
	v27 =	vor.u32 v21, v17  }
0x4aa: {  	v26 =	vor.u32 v20, v26  }
0x4ab: {  	v23 =	vadd.f32 v25, v23;
	_ =	sdelay $0x1  }
0x4ac: {  	[tilespmem:v22+s28+$0x0] =	vst.idx.msk $0xffff, v23  }
0x4ad: {  	v22 =	vld.idx.msk [tilespmem:v27+s21+$0x0], $0xffff  }
0x4ae: {  	v23 =	vor.u32 $0x20, v24;
	v24 =	vld.idx.msk [tilespmem:v26+s3+$0x0], $0xffff  }
0x4af: {  	v21 =	vshll.u32 v21, $0x7;
	v25 =	vshll.u32 v23, $0x9  }
0x4b0: {  	v21 =	vor.u32 v5, v21;
	v25 =	vand.u32 $0x5000, v25  }
0x4b1: {  	v26 =	vor.u32 v23, v17;
	v25 =	vor.u32 v25, v18  }
0x4b2: {  	v25 =	vor.u32 v20, v25  }
0x4b3: {  	v22 =	vadd.f32 v24, v22;
	_ =	sdelay $0x1  }
0x4b4: {  	[tilespmem:v21+s28+$0x0] =	vst.idx.msk $0xffff, v22  }
0x4b5: {  	v21 =	vld.idx.msk [tilespmem:v26+s21+$0x0], $0xffff  }
0x4b6: {  	v19 =	vor.u32 $0x30, v19;
	v22 =	vld.idx.msk [tilespmem:v25+s3+$0x0], $0xffff  }
0x4b7: {  	v23 =	vshll.u32 v23, $0x7;
	v24 =	vshll.u32 v19, $0x9  }
0x4b8: {  	v23 =	vor.u32 v5, v23;
	v24 =	vand.u32 $0x7000, v24  }
0x4b9: {  	v17 =	vor.u32 v19, v17;
	v18 =	vor.u32 v24, v18  }
0x4ba: {  	v18 =	vor.u32 v20, v18  }
0x4bb: {  	v20 =	vadd.f32 v22, v21;
	_ =	sdelay $0x1  }
0x4bc: {  	[tilespmem:v23+s28+$0x0] =	vst.idx.msk $0xffff, v20  }
0x4bd: {  	v17 =	vld.idx.msk [tilespmem:v17+s21+$0x0], $0xffff  }
0x4be: {  	v18 =	vld.idx.msk [tilespmem:v18+s3+$0x0], $0xffff  }
0x4bf: {  	v19 =	vshll.u32 v19, $0x7  }
0x4c0: {  	v19 =	vor.u32 v5, v19;
	_ =	sdelay $0x2  }
0x4c1: {  	v17 =	vadd.f32 v18, v17;
	_ =	sdelay $0x1  }
0x4c2: {  	[tilespmem:v19+s28+$0x0] =	vst.idx.msk $0xffff, v17  }
0x4c3: {  	v17 =	vld [tilespmem:$0x80B0];
	_ =	sdelay $0x1  }
0x4c4: {  	s7 =	simm.s32 $0x0  }
0x4c5: {  	v19 =	vadd.s32 s7, v0  }
0x4c6: {  	v18 =	vor.u32 v7, v16;
	v20 =	vshll.u32 v19, $0x9  }
0x4c7: {  	v22 =	vshll.u32 v19, $0x7;
	v20 =	vand.u32 $0x1000, v20;
	v17 =	vshll.u32 v17, $0x6  }
0x4c8: {  	v22 =	vand.u32 $0x380, v22;
	v20 =	vor.u32 v20, v18;
	v17 =	vand.u32 $0x40, v17  }
0x4c9: {  	v21 =	vand.u32 $0xF, v19;
	v20 =	vor.u32 v22, v20;
	v17 =	vor.u32 v6, v17  }
0x4ca: {  	v23 =	vor.u32 v21, v17;
	_ =	sdelay $0x3  }
0x4cb: {  	v20 =	vld.idx.msk [tilespmem:v20+s3+$0x0], $0xffff  }
0x4cc: {  	v24 =	vor.u32 $0x10, v19;
	v23 =	vld.idx.msk [tilespmem:v23+s21+$0x0], $0xffff  }
0x4cd: {  	v25 =	vshll.u32 v21, $0x7;
	v26 =	vshll.u32 v24, $0x9  }
0x4ce: {  	v26 =	vand.u32 $0x3000, v26;
	v25 =	vor.u32 v7, v25  }
0x4cf: {  	v26 =	vor.u32 v26, v18;
	v27 =	vor.u32 v24, v17  }
0x4d0: {  	v26 =	vor.u32 v22, v26  }
0x4d1: {  	v20 =	vadd.f32 v20, v23;
	_ =	sdelay $0x1  }
0x4d2: {  	[tilespmem:v25+s28+$0x0] =	vst.idx.msk $0xffff, v20  }
0x4d3: {  	v20 =	vld.idx.msk [tilespmem:v27+s21+$0x0], $0xffff  }
0x4d4: {  	v21 =	vor.u32 $0x20, v21;
	v23 =	vld.idx.msk [tilespmem:v26+s3+$0x0], $0xffff  }
0x4d5: {  	v24 =	vshll.u32 v24, $0x7;
	v25 =	vshll.u32 v21, $0x9  }
0x4d6: {  	v24 =	vor.u32 v7, v24;
	v25 =	vand.u32 $0x5000, v25  }
0x4d7: {  	v26 =	vor.u32 v21, v17;
	v25 =	vor.u32 v25, v18  }
0x4d8: {  	v25 =	vor.u32 v22, v25  }
0x4d9: {  	v20 =	vadd.f32 v23, v20;
	_ =	sdelay $0x1  }
0x4da: {  	[tilespmem:v24+s28+$0x0] =	vst.idx.msk $0xffff, v20  }
0x4db: {  	v20 =	vld.idx.msk [tilespmem:v26+s21+$0x0], $0xffff  }
0x4dc: {  	v19 =	vor.u32 $0x30, v19;
	v23 =	vld.idx.msk [tilespmem:v25+s3+$0x0], $0xffff  }
0x4dd: {  	v21 =	vshll.u32 v21, $0x7;
	v24 =	vshll.u32 v19, $0x9  }
0x4de: {  	v21 =	vor.u32 v7, v21;
	v24 =	vand.u32 $0x7000, v24  }
0x4df: {  	v25 =	vor.u32 v19, v17;
	v24 =	vor.u32 v24, v18  }
0x4e0: {  	v26 =	vor.u32 v22, v24  }
0x4e1: {  	v20 =	vadd.f32 v23, v20;
	_ =	sdelay $0x1  }
0x4e2: {  	[tilespmem:v21+s28+$0x0] =	vst.idx.msk $0xffff, v20  }
0x4e3: {  	s17 =	simm.s32 $0x1;
	v19 =	vshll.u32 v19, $0x7;
	v25 =	vld.idx.msk [tilespmem:v25+s21+$0x0], $0xffff  }
0x4e4: {  	v23 =	vor.u32 v7, v19;
	v19 =	vadd.s32 s17, v0;
	v26 =	vld.idx.msk [tilespmem:v26+s3+$0x0], $0xffff  }
0x4e5: {  	v24 =	vand.u32 $0xF, v19;
	v28 =	vshll.u32 v19, $0x7;
	v20 =	vshll.u32 v19, $0x9  }
0x4e6: {  	v22 =	vshll.u32 v24, $0x7;
	v21 =	vor.u32 $0x10, v19;
	v29 =	vand.u32 $0x1000, v20  }
0x4e7: {  	s15 =	simm.s32 $0x2;
	v27 =	vor.u32 v24, v17;
	v20 =	vand.u32 $0x380, v28;
	v28 =	vor.u32 v29, v18  }
.LBB2_25:
0x4e8: {  	p1 =	sne.s32 s15, $0xF;
	v28 =	vor.u32 v20, v28;
	v29 =	vshll.u32 v21, $0x9;
	v24 =	vor.u32 $0x20, v24;
	s17 =	smov.u32 s15;
	s15 =	sadd.s32 $0x1, s15  }
0x4e9: {  	v25 =	vadd.f32 v26, v25;
	v29 =	vand.u32 $0x3000, v29;
	v30 =	vshll.u32 v24, $0x9  }
0x4ea: {  	v26 =	vor.u32 v29, v18;
	v29 =	vshll.u32 v21, $0x7;
	v30 =	vand.u32 $0x5000, v30  }
0x4eb: {  	v31 =	vshll.u32 v24, $0x7;
	v26 =	vor.u32 v20, v26;
	v30 =	vor.u32 v30, v18;
	[tilespmem:v23+s28+$0x0] =	vst.idx.msk $0xffff, v25  }
0x4ec: {  	v19 =	vor.u32 $0x30, v19;
	v23 =	vld.idx.msk [tilespmem:v27+s21+$0x0], $0xffff;
	v25 =	vor.u32 v20, v30  }
0x4ed: {  	v30 =	vshll.u32 v19, $0x7;
	v27 =	vld.idx.msk [tilespmem:v28+s3+$0x0], $0xffff;
	v28 =	vshll.u32 v19, $0x9  }
0x4ee: {  	v28 =	vand.u32 $0x7000, v28  }
0x4ef: {  	v28 =	vor.u32 v28, v18  }
0x4f0: {  	v22 =	vor.u32 v7, v22;
	v20 =	vor.u32 v20, v28  }
0x4f1: {  	v21 =	vor.u32 v21, v17;
	_ =	sdelay $0x1  }
0x4f2: {  	v23 =	vadd.f32 v27, v23;
	_ =	sdelay $0x1  }
0x4f3: {  	[tilespmem:v22+s28+$0x0] =	vst.idx.msk $0xffff, v23  }
0x4f4: {  	v21 =	vld.idx.msk [tilespmem:v21+s21+$0x0], $0xffff  }
0x4f5: {  	v22 =	vld.idx.msk [tilespmem:v26+s3+$0x0], $0xffff;
	_ =	sdelay $0x1  }
0x4f6: {  	v23 =	vor.u32 v7, v29;
	_ =	sdelay $0x1  }
0x4f7: {  	v24 =	vor.u32 v24, v17;
	_ =	sdelay $0x1  }
0x4f8: {  	v21 =	vadd.f32 v22, v21;
	_ =	sdelay $0x1  }
0x4f9: {  	[tilespmem:v23+s28+$0x0] =	vst.idx.msk $0xffff, v21  }
0x4fa: {  	v21 =	vld.idx.msk [tilespmem:v24+s21+$0x0], $0xffff  }
0x4fb: {  	v22 =	vld.idx.msk [tilespmem:v25+s3+$0x0], $0xffff  }
0x4fc: {  	v23 =	vor.u32 v7, v31;
	_ =	sdelay $0x2  }
0x4fd: {  	v19 =	vor.u32 v19, v17;
	_ =	sdelay $0x1  }
0x4fe: {  	v21 =	vadd.f32 v22, v21;
	_ =	sdelay $0x1  }
0x4ff: {  	[tilespmem:v23+s28+$0x0] =	vst.idx.msk $0xffff, v21  }
0x500: {  	v25 =	vld.idx.msk [tilespmem:v19+s21+$0x0], $0xffff  }
.Ltmp11:
0x501: {  	v23 =	vor.u32 v7, v30;
	v26 =	vld.idx.msk [tilespmem:v20+s3+$0x0], $0xffff;
	(pc) =	sbr.rel @p1 .LBB2_25-.Ltmp11, $4  }
0x502: {  	v19 =	vadd.s32 s17, v0  }
0x503: {  	v24 =	vand.u32 $0xF, v19;
	v20 =	vshll.u32 v19, $0x9;
	v28 =	vshll.u32 v19, $0x7  }
0x504: {  	v21 =	vor.u32 $0x10, v19;
	v29 =	vand.u32 $0x1000, v20;
	v22 =	vshll.u32 v24, $0x7  }
0x505: {  	v27 =	vor.u32 v24, v17;
	v20 =	vand.u32 $0x380, v28;
	v28 =	vor.u32 v29, v18  }
0x506: {  	_ = 	snop  }
0x507: {  	v28 =	vor.u32 v20, v28  }
0x508: {  	v25 =	vadd.f32 v26, v25;
	_ =	sdelay $0x1  }
0x509: {  	[tilespmem:v23+s28+$0x0] =	vst.idx.msk $0xffff, v25  }
0x50a: {  	v23 =	vld.idx.msk [tilespmem:v27+s21+$0x0], $0xffff  }
0x50b: {  	v25 =	vld.idx.msk [tilespmem:v28+s3+$0x0], $0xffff  }
0x50c: {  	v26 =	vshll.u32 v21, $0x9  }
0x50d: {  	v22 =	vor.u32 v7, v22;
	v26 =	vand.u32 $0x3000, v26  }
0x50e: {  	v26 =	vor.u32 v26, v18;
	v27 =	vor.u32 v21, v17  }
0x50f: {  	v26 =	vor.u32 v20, v26  }
0x510: {  	v23 =	vadd.f32 v25, v23;
	_ =	sdelay $0x1  }
0x511: {  	[tilespmem:v22+s28+$0x0] =	vst.idx.msk $0xffff, v23  }
0x512: {  	v22 =	vld.idx.msk [tilespmem:v27+s21+$0x0], $0xffff  }
0x513: {  	v23 =	vor.u32 $0x20, v24;
	v24 =	vld.idx.msk [tilespmem:v26+s3+$0x0], $0xffff  }
0x514: {  	v21 =	vshll.u32 v21, $0x7;
	v25 =	vshll.u32 v23, $0x9  }
0x515: {  	v21 =	vor.u32 v7, v21;
	v25 =	vand.u32 $0x5000, v25  }
0x516: {  	v26 =	vor.u32 v23, v17;
	v25 =	vor.u32 v25, v18  }
0x517: {  	v25 =	vor.u32 v20, v25  }
0x518: {  	v22 =	vadd.f32 v24, v22;
	_ =	sdelay $0x1  }
0x519: {  	[tilespmem:v21+s28+$0x0] =	vst.idx.msk $0xffff, v22  }
0x51a: {  	v21 =	vld.idx.msk [tilespmem:v26+s21+$0x0], $0xffff  }
0x51b: {  	v19 =	vor.u32 $0x30, v19;
	v22 =	vld.idx.msk [tilespmem:v25+s3+$0x0], $0xffff  }
0x51c: {  	v23 =	vshll.u32 v23, $0x7;
	v24 =	vshll.u32 v19, $0x9  }
0x51d: {  	v23 =	vor.u32 v7, v23;
	v24 =	vand.u32 $0x7000, v24  }
0x51e: {  	v17 =	vor.u32 v19, v17;
	v18 =	vor.u32 v24, v18  }
0x51f: {  	v18 =	vor.u32 v20, v18  }
0x520: {  	v20 =	vadd.f32 v22, v21;
	_ =	sdelay $0x1  }
0x521: {  	[tilespmem:v23+s28+$0x0] =	vst.idx.msk $0xffff, v20  }
0x522: {  	v17 =	vld.idx.msk [tilespmem:v17+s21+$0x0], $0xffff  }
0x523: {  	v18 =	vld.idx.msk [tilespmem:v18+s3+$0x0], $0xffff  }
0x524: {  	v19 =	vshll.u32 v19, $0x7  }
0x525: {  	v19 =	vor.u32 v7, v19;
	_ =	sdelay $0x2  }
0x526: {  	v17 =	vadd.f32 v18, v17;
	_ =	sdelay $0x1  }
0x527: {  	[tilespmem:v19+s28+$0x0] =	vst.idx.msk $0xffff, v17  }
0x528: {  	v17 =	vld [tilespmem:$0x80C0];
	_ =	sdelay $0x1  }
0x529: {  	s7 =	simm.s32 $0x0  }
0x52a: {  	v19 =	vadd.s32 s7, v0  }
0x52b: {  	v18 =	vor.u32 v9, v16;
	v20 =	vshll.u32 v19, $0x9  }
0x52c: {  	v22 =	vshll.u32 v19, $0x7;
	v20 =	vand.u32 $0x1000, v20;
	v17 =	vshll.u32 v17, $0x6  }
0x52d: {  	v22 =	vand.u32 $0x380, v22;
	v20 =	vor.u32 v20, v18;
	v17 =	vand.u32 $0x40, v17  }
0x52e: {  	v21 =	vand.u32 $0xF, v19;
	v20 =	vor.u32 v22, v20;
	v17 =	vor.u32 v8, v17  }
0x52f: {  	v23 =	vor.u32 v21, v17;
	_ =	sdelay $0x3  }
0x530: {  	v20 =	vld.idx.msk [tilespmem:v20+s3+$0x0], $0xffff  }
0x531: {  	v24 =	vor.u32 $0x10, v19;
	v23 =	vld.idx.msk [tilespmem:v23+s21+$0x0], $0xffff  }
0x532: {  	v25 =	vshll.u32 v21, $0x7;
	v26 =	vshll.u32 v24, $0x9  }
0x533: {  	v26 =	vand.u32 $0x3000, v26;
	v25 =	vor.u32 v9, v25  }
0x534: {  	v26 =	vor.u32 v26, v18;
	v27 =	vor.u32 v24, v17  }
0x535: {  	v26 =	vor.u32 v22, v26  }
0x536: {  	v20 =	vadd.f32 v20, v23;
	_ =	sdelay $0x1  }
0x537: {  	[tilespmem:v25+s28+$0x0] =	vst.idx.msk $0xffff, v20  }
0x538: {  	v20 =	vld.idx.msk [tilespmem:v27+s21+$0x0], $0xffff  }
0x539: {  	v21 =	vor.u32 $0x20, v21;
	v23 =	vld.idx.msk [tilespmem:v26+s3+$0x0], $0xffff  }
0x53a: {  	v24 =	vshll.u32 v24, $0x7;
	v25 =	vshll.u32 v21, $0x9  }
0x53b: {  	v24 =	vor.u32 v9, v24;
	v25 =	vand.u32 $0x5000, v25  }
0x53c: {  	v26 =	vor.u32 v21, v17;
	v25 =	vor.u32 v25, v18  }
0x53d: {  	v25 =	vor.u32 v22, v25  }
0x53e: {  	v20 =	vadd.f32 v23, v20;
	_ =	sdelay $0x1  }
0x53f: {  	[tilespmem:v24+s28+$0x0] =	vst.idx.msk $0xffff, v20  }
0x540: {  	v20 =	vld.idx.msk [tilespmem:v26+s21+$0x0], $0xffff  }
0x541: {  	v19 =	vor.u32 $0x30, v19;
	v23 =	vld.idx.msk [tilespmem:v25+s3+$0x0], $0xffff  }
0x542: {  	v21 =	vshll.u32 v21, $0x7;
	v24 =	vshll.u32 v19, $0x9  }
0x543: {  	v21 =	vor.u32 v9, v21;
	v24 =	vand.u32 $0x7000, v24  }
0x544: {  	v25 =	vor.u32 v19, v17;
	v24 =	vor.u32 v24, v18  }
0x545: {  	v26 =	vor.u32 v22, v24  }
0x546: {  	v20 =	vadd.f32 v23, v20;
	_ =	sdelay $0x1  }
0x547: {  	[tilespmem:v21+s28+$0x0] =	vst.idx.msk $0xffff, v20  }
0x548: {  	s17 =	simm.s32 $0x1;
	v19 =	vshll.u32 v19, $0x7;
	v25 =	vld.idx.msk [tilespmem:v25+s21+$0x0], $0xffff  }
0x549: {  	v23 =	vor.u32 v9, v19;
	v19 =	vadd.s32 s17, v0;
	v26 =	vld.idx.msk [tilespmem:v26+s3+$0x0], $0xffff  }
0x54a: {  	v24 =	vand.u32 $0xF, v19;
	v28 =	vshll.u32 v19, $0x7;
	v20 =	vshll.u32 v19, $0x9  }
0x54b: {  	v22 =	vshll.u32 v24, $0x7;
	v21 =	vor.u32 $0x10, v19;
	v29 =	vand.u32 $0x1000, v20  }
0x54c: {  	s15 =	simm.s32 $0x2;
	v27 =	vor.u32 v24, v17;
	v20 =	vand.u32 $0x380, v28;
	v28 =	vor.u32 v29, v18  }
.LBB2_27:
0x54d: {  	p1 =	sne.s32 s15, $0xF;
	v28 =	vor.u32 v20, v28;
	v29 =	vshll.u32 v21, $0x9;
	v24 =	vor.u32 $0x20, v24;
	s17 =	smov.u32 s15;
	s15 =	sadd.s32 $0x1, s15  }
0x54e: {  	v25 =	vadd.f32 v26, v25;
	v29 =	vand.u32 $0x3000, v29;
	v30 =	vshll.u32 v24, $0x9  }
0x54f: {  	v26 =	vor.u32 v29, v18;
	v29 =	vshll.u32 v21, $0x7;
	v30 =	vand.u32 $0x5000, v30  }
0x550: {  	v31 =	vshll.u32 v24, $0x7;
	v26 =	vor.u32 v20, v26;
	v30 =	vor.u32 v30, v18;
	[tilespmem:v23+s28+$0x0] =	vst.idx.msk $0xffff, v25  }
0x551: {  	v19 =	vor.u32 $0x30, v19;
	v23 =	vld.idx.msk [tilespmem:v27+s21+$0x0], $0xffff;
	v25 =	vor.u32 v20, v30  }
0x552: {  	v30 =	vshll.u32 v19, $0x7;
	v27 =	vld.idx.msk [tilespmem:v28+s3+$0x0], $0xffff;
	v28 =	vshll.u32 v19, $0x9  }
0x553: {  	v28 =	vand.u32 $0x7000, v28  }
0x554: {  	v28 =	vor.u32 v28, v18  }
0x555: {  	v22 =	vor.u32 v9, v22;
	v20 =	vor.u32 v20, v28  }
0x556: {  	v21 =	vor.u32 v21, v17;
	_ =	sdelay $0x1  }
0x557: {  	v23 =	vadd.f32 v27, v23;
	_ =	sdelay $0x1  }
0x558: {  	[tilespmem:v22+s28+$0x0] =	vst.idx.msk $0xffff, v23  }
0x559: {  	v21 =	vld.idx.msk [tilespmem:v21+s21+$0x0], $0xffff  }
0x55a: {  	v22 =	vld.idx.msk [tilespmem:v26+s3+$0x0], $0xffff;
	_ =	sdelay $0x1  }
0x55b: {  	v23 =	vor.u32 v9, v29;
	_ =	sdelay $0x1  }
0x55c: {  	v24 =	vor.u32 v24, v17;
	_ =	sdelay $0x1  }
0x55d: {  	v21 =	vadd.f32 v22, v21;
	_ =	sdelay $0x1  }
0x55e: {  	[tilespmem:v23+s28+$0x0] =	vst.idx.msk $0xffff, v21  }
0x55f: {  	v21 =	vld.idx.msk [tilespmem:v24+s21+$0x0], $0xffff  }
0x560: {  	v22 =	vld.idx.msk [tilespmem:v25+s3+$0x0], $0xffff  }
0x561: {  	v23 =	vor.u32 v9, v31;
	_ =	sdelay $0x2  }
0x562: {  	v19 =	vor.u32 v19, v17;
	_ =	sdelay $0x1  }
0x563: {  	v21 =	vadd.f32 v22, v21;
	_ =	sdelay $0x1  }
0x564: {  	[tilespmem:v23+s28+$0x0] =	vst.idx.msk $0xffff, v21  }
0x565: {  	v25 =	vld.idx.msk [tilespmem:v19+s21+$0x0], $0xffff  }
.Ltmp12:
0x566: {  	v23 =	vor.u32 v9, v30;
	v26 =	vld.idx.msk [tilespmem:v20+s3+$0x0], $0xffff;
	(pc) =	sbr.rel @p1 .LBB2_27-.Ltmp12, $4  }
0x567: {  	v19 =	vadd.s32 s17, v0  }
0x568: {  	v24 =	vand.u32 $0xF, v19;
	v20 =	vshll.u32 v19, $0x9;
	v28 =	vshll.u32 v19, $0x7  }
0x569: {  	v21 =	vor.u32 $0x10, v19;
	v29 =	vand.u32 $0x1000, v20;
	v22 =	vshll.u32 v24, $0x7  }
0x56a: {  	v27 =	vor.u32 v24, v17;
	v20 =	vand.u32 $0x380, v28;
	v28 =	vor.u32 v29, v18  }
0x56b: {  	_ = 	snop  }
0x56c: {  	v28 =	vor.u32 v20, v28  }
0x56d: {  	v25 =	vadd.f32 v26, v25;
	_ =	sdelay $0x1  }
0x56e: {  	[tilespmem:v23+s28+$0x0] =	vst.idx.msk $0xffff, v25  }
0x56f: {  	v23 =	vld.idx.msk [tilespmem:v27+s21+$0x0], $0xffff  }
0x570: {  	v25 =	vld.idx.msk [tilespmem:v28+s3+$0x0], $0xffff  }
0x571: {  	v26 =	vshll.u32 v21, $0x9  }
0x572: {  	v22 =	vor.u32 v9, v22;
	v26 =	vand.u32 $0x3000, v26  }
0x573: {  	v26 =	vor.u32 v26, v18;
	v27 =	vor.u32 v21, v17  }
0x574: {  	v26 =	vor.u32 v20, v26  }
0x575: {  	v23 =	vadd.f32 v25, v23;
	_ =	sdelay $0x1  }
0x576: {  	[tilespmem:v22+s28+$0x0] =	vst.idx.msk $0xffff, v23  }
0x577: {  	v22 =	vld.idx.msk [tilespmem:v27+s21+$0x0], $0xffff  }
0x578: {  	v23 =	vor.u32 $0x20, v24;
	v24 =	vld.idx.msk [tilespmem:v26+s3+$0x0], $0xffff  }
0x579: {  	v21 =	vshll.u32 v21, $0x7;
	v25 =	vshll.u32 v23, $0x9  }
0x57a: {  	v21 =	vor.u32 v9, v21;
	v25 =	vand.u32 $0x5000, v25  }
0x57b: {  	v26 =	vor.u32 v23, v17;
	v25 =	vor.u32 v25, v18  }
0x57c: {  	v25 =	vor.u32 v20, v25  }
0x57d: {  	v22 =	vadd.f32 v24, v22;
	_ =	sdelay $0x1  }
0x57e: {  	[tilespmem:v21+s28+$0x0] =	vst.idx.msk $0xffff, v22  }
0x57f: {  	v21 =	vld.idx.msk [tilespmem:v26+s21+$0x0], $0xffff  }
0x580: {  	v19 =	vor.u32 $0x30, v19;
	v22 =	vld.idx.msk [tilespmem:v25+s3+$0x0], $0xffff  }
0x581: {  	v23 =	vshll.u32 v23, $0x7;
	v24 =	vshll.u32 v19, $0x9  }
0x582: {  	v23 =	vor.u32 v9, v23;
	v24 =	vand.u32 $0x7000, v24  }
0x583: {  	v17 =	vor.u32 v19, v17;
	v18 =	vor.u32 v24, v18  }
0x584: {  	v18 =	vor.u32 v20, v18  }
0x585: {  	v20 =	vadd.f32 v22, v21;
	_ =	sdelay $0x1  }
0x586: {  	[tilespmem:v23+s28+$0x0] =	vst.idx.msk $0xffff, v20  }
0x587: {  	v17 =	vld.idx.msk [tilespmem:v17+s21+$0x0], $0xffff  }
0x588: {  	v18 =	vld.idx.msk [tilespmem:v18+s3+$0x0], $0xffff  }
0x589: {  	v19 =	vshll.u32 v19, $0x7  }
0x58a: {  	v19 =	vor.u32 v9, v19;
	_ =	sdelay $0x2  }
0x58b: {  	v17 =	vadd.f32 v18, v17;
	_ =	sdelay $0x1  }
0x58c: {  	[tilespmem:v19+s28+$0x0] =	vst.idx.msk $0xffff, v17  }
0x58d: {  	v17 =	vld [tilespmem:$0x80D0];
	_ =	sdelay $0x1  }
0x58e: {  	s7 =	simm.s32 $0x0  }
0x58f: {  	v19 =	vadd.s32 s7, v0  }
0x590: {  	v18 =	vor.u32 v11, v16;
	v20 =	vshll.u32 v19, $0x9  }
0x591: {  	v22 =	vshll.u32 v19, $0x7;
	v20 =	vand.u32 $0x1000, v20;
	v17 =	vshll.u32 v17, $0x6  }
0x592: {  	v22 =	vand.u32 $0x380, v22;
	v20 =	vor.u32 v20, v18;
	v17 =	vand.u32 $0x40, v17  }
0x593: {  	v21 =	vand.u32 $0xF, v19;
	v20 =	vor.u32 v22, v20;
	v17 =	vor.u32 v10, v17  }
0x594: {  	v23 =	vor.u32 v21, v17;
	_ =	sdelay $0x3  }
0x595: {  	v20 =	vld.idx.msk [tilespmem:v20+s3+$0x0], $0xffff  }
0x596: {  	v24 =	vor.u32 $0x10, v19;
	v23 =	vld.idx.msk [tilespmem:v23+s21+$0x0], $0xffff  }
0x597: {  	v25 =	vshll.u32 v21, $0x7;
	v26 =	vshll.u32 v24, $0x9  }
0x598: {  	v26 =	vand.u32 $0x3000, v26;
	v25 =	vor.u32 v11, v25  }
0x599: {  	v26 =	vor.u32 v26, v18;
	v27 =	vor.u32 v24, v17  }
0x59a: {  	v26 =	vor.u32 v22, v26  }
0x59b: {  	v20 =	vadd.f32 v20, v23;
	_ =	sdelay $0x1  }
0x59c: {  	[tilespmem:v25+s28+$0x0] =	vst.idx.msk $0xffff, v20  }
0x59d: {  	v20 =	vld.idx.msk [tilespmem:v27+s21+$0x0], $0xffff  }
0x59e: {  	v21 =	vor.u32 $0x20, v21;
	v23 =	vld.idx.msk [tilespmem:v26+s3+$0x0], $0xffff  }
0x59f: {  	v24 =	vshll.u32 v24, $0x7;
	v25 =	vshll.u32 v21, $0x9  }
0x5a0: {  	v24 =	vor.u32 v11, v24;
	v25 =	vand.u32 $0x5000, v25  }
0x5a1: {  	v26 =	vor.u32 v21, v17;
	v25 =	vor.u32 v25, v18  }
0x5a2: {  	v25 =	vor.u32 v22, v25  }
0x5a3: {  	v20 =	vadd.f32 v23, v20;
	_ =	sdelay $0x1  }
0x5a4: {  	[tilespmem:v24+s28+$0x0] =	vst.idx.msk $0xffff, v20  }
0x5a5: {  	v20 =	vld.idx.msk [tilespmem:v26+s21+$0x0], $0xffff  }
0x5a6: {  	v19 =	vor.u32 $0x30, v19;
	v23 =	vld.idx.msk [tilespmem:v25+s3+$0x0], $0xffff  }
0x5a7: {  	v21 =	vshll.u32 v21, $0x7;
	v24 =	vshll.u32 v19, $0x9  }
0x5a8: {  	v21 =	vor.u32 v11, v21;
	v24 =	vand.u32 $0x7000, v24  }
0x5a9: {  	v25 =	vor.u32 v19, v17;
	v24 =	vor.u32 v24, v18  }
0x5aa: {  	v26 =	vor.u32 v22, v24  }
0x5ab: {  	v20 =	vadd.f32 v23, v20;
	_ =	sdelay $0x1  }
0x5ac: {  	[tilespmem:v21+s28+$0x0] =	vst.idx.msk $0xffff, v20  }
0x5ad: {  	s17 =	simm.s32 $0x1;
	v19 =	vshll.u32 v19, $0x7;
	v25 =	vld.idx.msk [tilespmem:v25+s21+$0x0], $0xffff  }
0x5ae: {  	v23 =	vor.u32 v11, v19;
	v19 =	vadd.s32 s17, v0;
	v26 =	vld.idx.msk [tilespmem:v26+s3+$0x0], $0xffff  }
0x5af: {  	v24 =	vand.u32 $0xF, v19;
	v28 =	vshll.u32 v19, $0x7;
	v20 =	vshll.u32 v19, $0x9  }
0x5b0: {  	v22 =	vshll.u32 v24, $0x7;
	v21 =	vor.u32 $0x10, v19;
	v29 =	vand.u32 $0x1000, v20  }
0x5b1: {  	s15 =	simm.s32 $0x2;
	v27 =	vor.u32 v24, v17;
	v20 =	vand.u32 $0x380, v28;
	v28 =	vor.u32 v29, v18  }
.LBB2_29:
0x5b2: {  	p1 =	sne.s32 s15, $0xF;
	v28 =	vor.u32 v20, v28;
	v29 =	vshll.u32 v21, $0x9;
	v24 =	vor.u32 $0x20, v24;
	s17 =	smov.u32 s15;
	s15 =	sadd.s32 $0x1, s15  }
0x5b3: {  	v25 =	vadd.f32 v26, v25;
	v29 =	vand.u32 $0x3000, v29;
	v30 =	vshll.u32 v24, $0x9  }
0x5b4: {  	v26 =	vor.u32 v29, v18;
	v29 =	vshll.u32 v21, $0x7;
	v30 =	vand.u32 $0x5000, v30  }
0x5b5: {  	v31 =	vshll.u32 v24, $0x7;
	v26 =	vor.u32 v20, v26;
	v30 =	vor.u32 v30, v18;
	[tilespmem:v23+s28+$0x0] =	vst.idx.msk $0xffff, v25  }
0x5b6: {  	v19 =	vor.u32 $0x30, v19;
	v23 =	vld.idx.msk [tilespmem:v27+s21+$0x0], $0xffff;
	v25 =	vor.u32 v20, v30  }
0x5b7: {  	v30 =	vshll.u32 v19, $0x7;
	v27 =	vld.idx.msk [tilespmem:v28+s3+$0x0], $0xffff;
	v28 =	vshll.u32 v19, $0x9  }
0x5b8: {  	v28 =	vand.u32 $0x7000, v28  }
0x5b9: {  	v28 =	vor.u32 v28, v18  }
0x5ba: {  	v22 =	vor.u32 v11, v22;
	v20 =	vor.u32 v20, v28  }
0x5bb: {  	v21 =	vor.u32 v21, v17;
	_ =	sdelay $0x1  }
0x5bc: {  	v23 =	vadd.f32 v27, v23;
	_ =	sdelay $0x1  }
0x5bd: {  	[tilespmem:v22+s28+$0x0] =	vst.idx.msk $0xffff, v23  }
0x5be: {  	v21 =	vld.idx.msk [tilespmem:v21+s21+$0x0], $0xffff  }
0x5bf: {  	v22 =	vld.idx.msk [tilespmem:v26+s3+$0x0], $0xffff;
	_ =	sdelay $0x1  }
0x5c0: {  	v23 =	vor.u32 v11, v29;
	_ =	sdelay $0x1  }
0x5c1: {  	v24 =	vor.u32 v24, v17;
	_ =	sdelay $0x1  }
0x5c2: {  	v21 =	vadd.f32 v22, v21;
	_ =	sdelay $0x1  }
0x5c3: {  	[tilespmem:v23+s28+$0x0] =	vst.idx.msk $0xffff, v21  }
0x5c4: {  	v21 =	vld.idx.msk [tilespmem:v24+s21+$0x0], $0xffff  }
0x5c5: {  	v22 =	vld.idx.msk [tilespmem:v25+s3+$0x0], $0xffff  }
0x5c6: {  	v23 =	vor.u32 v11, v31;
	_ =	sdelay $0x2  }
0x5c7: {  	v19 =	vor.u32 v19, v17;
	_ =	sdelay $0x1  }
0x5c8: {  	v21 =	vadd.f32 v22, v21;
	_ =	sdelay $0x1  }
0x5c9: {  	[tilespmem:v23+s28+$0x0] =	vst.idx.msk $0xffff, v21  }
0x5ca: {  	v25 =	vld.idx.msk [tilespmem:v19+s21+$0x0], $0xffff  }
.Ltmp13:
0x5cb: {  	v23 =	vor.u32 v11, v30;
	v26 =	vld.idx.msk [tilespmem:v20+s3+$0x0], $0xffff;
	(pc) =	sbr.rel @p1 .LBB2_29-.Ltmp13, $4  }
0x5cc: {  	v19 =	vadd.s32 s17, v0  }
0x5cd: {  	v24 =	vand.u32 $0xF, v19;
	v20 =	vshll.u32 v19, $0x9;
	v28 =	vshll.u32 v19, $0x7  }
0x5ce: {  	v21 =	vor.u32 $0x10, v19;
	v29 =	vand.u32 $0x1000, v20;
	v22 =	vshll.u32 v24, $0x7  }
0x5cf: {  	v27 =	vor.u32 v24, v17;
	v20 =	vand.u32 $0x380, v28;
	v28 =	vor.u32 v29, v18  }
0x5d0: {  	_ = 	snop  }
0x5d1: {  	v28 =	vor.u32 v20, v28  }
0x5d2: {  	v25 =	vadd.f32 v26, v25;
	_ =	sdelay $0x1  }
0x5d3: {  	[tilespmem:v23+s28+$0x0] =	vst.idx.msk $0xffff, v25  }
0x5d4: {  	v23 =	vld.idx.msk [tilespmem:v27+s21+$0x0], $0xffff  }
0x5d5: {  	v25 =	vld.idx.msk [tilespmem:v28+s3+$0x0], $0xffff  }
0x5d6: {  	v26 =	vshll.u32 v21, $0x9  }
0x5d7: {  	v22 =	vor.u32 v11, v22;
	v26 =	vand.u32 $0x3000, v26  }
0x5d8: {  	v26 =	vor.u32 v26, v18;
	v27 =	vor.u32 v21, v17  }
0x5d9: {  	v26 =	vor.u32 v20, v26  }
0x5da: {  	v23 =	vadd.f32 v25, v23;
	_ =	sdelay $0x1  }
0x5db: {  	[tilespmem:v22+s28+$0x0] =	vst.idx.msk $0xffff, v23  }
0x5dc: {  	v22 =	vld.idx.msk [tilespmem:v27+s21+$0x0], $0xffff  }
0x5dd: {  	v23 =	vor.u32 $0x20, v24;
	v24 =	vld.idx.msk [tilespmem:v26+s3+$0x0], $0xffff  }
0x5de: {  	v21 =	vshll.u32 v21, $0x7;
	v25 =	vshll.u32 v23, $0x9  }
0x5df: {  	v21 =	vor.u32 v11, v21;
	v25 =	vand.u32 $0x5000, v25  }
0x5e0: {  	v26 =	vor.u32 v23, v17;
	v25 =	vor.u32 v25, v18  }
0x5e1: {  	v25 =	vor.u32 v20, v25  }
0x5e2: {  	v22 =	vadd.f32 v24, v22;
	_ =	sdelay $0x1  }
0x5e3: {  	[tilespmem:v21+s28+$0x0] =	vst.idx.msk $0xffff, v22  }
0x5e4: {  	v21 =	vld.idx.msk [tilespmem:v26+s21+$0x0], $0xffff  }
0x5e5: {  	v19 =	vor.u32 $0x30, v19;
	v22 =	vld.idx.msk [tilespmem:v25+s3+$0x0], $0xffff  }
0x5e6: {  	v23 =	vshll.u32 v23, $0x7;
	v24 =	vshll.u32 v19, $0x9  }
0x5e7: {  	v23 =	vor.u32 v11, v23;
	v24 =	vand.u32 $0x7000, v24  }
0x5e8: {  	v17 =	vor.u32 v19, v17;
	v18 =	vor.u32 v24, v18  }
0x5e9: {  	v18 =	vor.u32 v20, v18  }
0x5ea: {  	v20 =	vadd.f32 v22, v21;
	_ =	sdelay $0x1  }
0x5eb: {  	[tilespmem:v23+s28+$0x0] =	vst.idx.msk $0xffff, v20  }
0x5ec: {  	v17 =	vld.idx.msk [tilespmem:v17+s21+$0x0], $0xffff  }
0x5ed: {  	v18 =	vld.idx.msk [tilespmem:v18+s3+$0x0], $0xffff  }
0x5ee: {  	v19 =	vshll.u32 v19, $0x7  }
0x5ef: {  	v19 =	vor.u32 v11, v19;
	_ =	sdelay $0x2  }
0x5f0: {  	v17 =	vadd.f32 v18, v17;
	_ =	sdelay $0x1  }
0x5f1: {  	[tilespmem:v19+s28+$0x0] =	vst.idx.msk $0xffff, v17  }
0x5f2: {  	v17 =	vld [tilespmem:$0x80E0];
	_ =	sdelay $0x1  }
0x5f3: {  	s7 =	simm.s32 $0x0  }
0x5f4: {  	v19 =	vadd.s32 s7, v0  }
0x5f5: {  	v18 =	vor.u32 v13, v16;
	v20 =	vshll.u32 v19, $0x9  }
0x5f6: {  	v22 =	vshll.u32 v19, $0x7;
	v20 =	vand.u32 $0x1000, v20;
	v17 =	vshll.u32 v17, $0x6  }
0x5f7: {  	v22 =	vand.u32 $0x380, v22;
	v20 =	vor.u32 v20, v18;
	v17 =	vand.u32 $0x40, v17  }
0x5f8: {  	v21 =	vand.u32 $0xF, v19;
	v20 =	vor.u32 v22, v20;
	v17 =	vor.u32 v12, v17  }
0x5f9: {  	v23 =	vor.u32 v21, v17;
	_ =	sdelay $0x3  }
0x5fa: {  	v20 =	vld.idx.msk [tilespmem:v20+s3+$0x0], $0xffff  }
0x5fb: {  	v24 =	vor.u32 $0x10, v19;
	v23 =	vld.idx.msk [tilespmem:v23+s21+$0x0], $0xffff  }
0x5fc: {  	v25 =	vshll.u32 v21, $0x7;
	v26 =	vshll.u32 v24, $0x9  }
0x5fd: {  	v26 =	vand.u32 $0x3000, v26;
	v25 =	vor.u32 v13, v25  }
0x5fe: {  	v26 =	vor.u32 v26, v18;
	v27 =	vor.u32 v24, v17  }
0x5ff: {  	v26 =	vor.u32 v22, v26  }
0x600: {  	v20 =	vadd.f32 v20, v23;
	_ =	sdelay $0x1  }
0x601: {  	[tilespmem:v25+s28+$0x0] =	vst.idx.msk $0xffff, v20  }
0x602: {  	v20 =	vld.idx.msk [tilespmem:v27+s21+$0x0], $0xffff  }
0x603: {  	v21 =	vor.u32 $0x20, v21;
	v23 =	vld.idx.msk [tilespmem:v26+s3+$0x0], $0xffff  }
0x604: {  	v24 =	vshll.u32 v24, $0x7;
	v25 =	vshll.u32 v21, $0x9  }
0x605: {  	v24 =	vor.u32 v13, v24;
	v25 =	vand.u32 $0x5000, v25  }
0x606: {  	v26 =	vor.u32 v21, v17;
	v25 =	vor.u32 v25, v18  }
0x607: {  	v25 =	vor.u32 v22, v25  }
0x608: {  	v20 =	vadd.f32 v23, v20;
	_ =	sdelay $0x1  }
0x609: {  	[tilespmem:v24+s28+$0x0] =	vst.idx.msk $0xffff, v20  }
0x60a: {  	v20 =	vld.idx.msk [tilespmem:v26+s21+$0x0], $0xffff  }
0x60b: {  	v19 =	vor.u32 $0x30, v19;
	v23 =	vld.idx.msk [tilespmem:v25+s3+$0x0], $0xffff  }
0x60c: {  	v21 =	vshll.u32 v21, $0x7;
	v24 =	vshll.u32 v19, $0x9  }
0x60d: {  	v21 =	vor.u32 v13, v21;
	v24 =	vand.u32 $0x7000, v24  }
0x60e: {  	v25 =	vor.u32 v19, v17;
	v24 =	vor.u32 v24, v18  }
0x60f: {  	v26 =	vor.u32 v22, v24  }
0x610: {  	v20 =	vadd.f32 v23, v20;
	_ =	sdelay $0x1  }
0x611: {  	[tilespmem:v21+s28+$0x0] =	vst.idx.msk $0xffff, v20  }
0x612: {  	s17 =	simm.s32 $0x1;
	v19 =	vshll.u32 v19, $0x7;
	v25 =	vld.idx.msk [tilespmem:v25+s21+$0x0], $0xffff  }
0x613: {  	v23 =	vor.u32 v13, v19;
	v19 =	vadd.s32 s17, v0;
	v26 =	vld.idx.msk [tilespmem:v26+s3+$0x0], $0xffff  }
0x614: {  	v24 =	vand.u32 $0xF, v19;
	v28 =	vshll.u32 v19, $0x7;
	v20 =	vshll.u32 v19, $0x9  }
0x615: {  	v22 =	vshll.u32 v24, $0x7;
	v21 =	vor.u32 $0x10, v19;
	v29 =	vand.u32 $0x1000, v20  }
0x616: {  	s15 =	simm.s32 $0x2;
	v27 =	vor.u32 v24, v17;
	v20 =	vand.u32 $0x380, v28;
	v28 =	vor.u32 v29, v18  }
.LBB2_31:
0x617: {  	p1 =	sne.s32 s15, $0xF;
	v28 =	vor.u32 v20, v28;
	v29 =	vshll.u32 v21, $0x9;
	v24 =	vor.u32 $0x20, v24;
	s17 =	smov.u32 s15;
	s15 =	sadd.s32 $0x1, s15  }
0x618: {  	v25 =	vadd.f32 v26, v25;
	v29 =	vand.u32 $0x3000, v29;
	v30 =	vshll.u32 v24, $0x9  }
0x619: {  	v26 =	vor.u32 v29, v18;
	v29 =	vshll.u32 v21, $0x7;
	v30 =	vand.u32 $0x5000, v30  }
0x61a: {  	v31 =	vshll.u32 v24, $0x7;
	v26 =	vor.u32 v20, v26;
	v30 =	vor.u32 v30, v18;
	[tilespmem:v23+s28+$0x0] =	vst.idx.msk $0xffff, v25  }
0x61b: {  	v19 =	vor.u32 $0x30, v19;
	v23 =	vld.idx.msk [tilespmem:v27+s21+$0x0], $0xffff;
	v25 =	vor.u32 v20, v30  }
0x61c: {  	v30 =	vshll.u32 v19, $0x7;
	v27 =	vld.idx.msk [tilespmem:v28+s3+$0x0], $0xffff;
	v28 =	vshll.u32 v19, $0x9  }
0x61d: {  	v28 =	vand.u32 $0x7000, v28  }
0x61e: {  	v28 =	vor.u32 v28, v18  }
0x61f: {  	v22 =	vor.u32 v13, v22;
	v20 =	vor.u32 v20, v28  }
0x620: {  	v21 =	vor.u32 v21, v17;
	_ =	sdelay $0x1  }
0x621: {  	v23 =	vadd.f32 v27, v23;
	_ =	sdelay $0x1  }
0x622: {  	[tilespmem:v22+s28+$0x0] =	vst.idx.msk $0xffff, v23  }
0x623: {  	v21 =	vld.idx.msk [tilespmem:v21+s21+$0x0], $0xffff  }
0x624: {  	v22 =	vld.idx.msk [tilespmem:v26+s3+$0x0], $0xffff;
	_ =	sdelay $0x1  }
0x625: {  	v23 =	vor.u32 v13, v29;
	_ =	sdelay $0x1  }
0x626: {  	v24 =	vor.u32 v24, v17;
	_ =	sdelay $0x1  }
0x627: {  	v21 =	vadd.f32 v22, v21;
	_ =	sdelay $0x1  }
0x628: {  	[tilespmem:v23+s28+$0x0] =	vst.idx.msk $0xffff, v21  }
0x629: {  	v21 =	vld.idx.msk [tilespmem:v24+s21+$0x0], $0xffff  }
0x62a: {  	v22 =	vld.idx.msk [tilespmem:v25+s3+$0x0], $0xffff  }
0x62b: {  	v23 =	vor.u32 v13, v31;
	_ =	sdelay $0x2  }
0x62c: {  	v19 =	vor.u32 v19, v17;
	_ =	sdelay $0x1  }
0x62d: {  	v21 =	vadd.f32 v22, v21;
	_ =	sdelay $0x1  }
0x62e: {  	[tilespmem:v23+s28+$0x0] =	vst.idx.msk $0xffff, v21  }
0x62f: {  	v25 =	vld.idx.msk [tilespmem:v19+s21+$0x0], $0xffff  }
.Ltmp14:
0x630: {  	v23 =	vor.u32 v13, v30;
	v26 =	vld.idx.msk [tilespmem:v20+s3+$0x0], $0xffff;
	(pc) =	sbr.rel @p1 .LBB2_31-.Ltmp14, $4  }
0x631: {  	v19 =	vadd.s32 s17, v0  }
0x632: {  	v24 =	vand.u32 $0xF, v19;
	v20 =	vshll.u32 v19, $0x9;
	v28 =	vshll.u32 v19, $0x7  }
0x633: {  	v21 =	vor.u32 $0x10, v19;
	v29 =	vand.u32 $0x1000, v20;
	v22 =	vshll.u32 v24, $0x7  }
0x634: {  	v27 =	vor.u32 v24, v17;
	v20 =	vand.u32 $0x380, v28;
	v28 =	vor.u32 v29, v18  }
0x635: {  	_ = 	snop  }
0x636: {  	v28 =	vor.u32 v20, v28  }
0x637: {  	v25 =	vadd.f32 v26, v25;
	_ =	sdelay $0x1  }
0x638: {  	[tilespmem:v23+s28+$0x0] =	vst.idx.msk $0xffff, v25  }
0x639: {  	v23 =	vld.idx.msk [tilespmem:v27+s21+$0x0], $0xffff  }
0x63a: {  	v25 =	vld.idx.msk [tilespmem:v28+s3+$0x0], $0xffff  }
0x63b: {  	v26 =	vshll.u32 v21, $0x9  }
0x63c: {  	v22 =	vor.u32 v13, v22;
	v26 =	vand.u32 $0x3000, v26  }
0x63d: {  	v26 =	vor.u32 v26, v18;
	v27 =	vor.u32 v21, v17  }
0x63e: {  	v26 =	vor.u32 v20, v26  }
0x63f: {  	v23 =	vadd.f32 v25, v23;
	_ =	sdelay $0x1  }
0x640: {  	[tilespmem:v22+s28+$0x0] =	vst.idx.msk $0xffff, v23  }
0x641: {  	v22 =	vld.idx.msk [tilespmem:v27+s21+$0x0], $0xffff  }
0x642: {  	v23 =	vor.u32 $0x20, v24;
	v24 =	vld.idx.msk [tilespmem:v26+s3+$0x0], $0xffff  }
0x643: {  	v21 =	vshll.u32 v21, $0x7;
	v25 =	vshll.u32 v23, $0x9  }
0x644: {  	v21 =	vor.u32 v13, v21;
	v25 =	vand.u32 $0x5000, v25  }
0x645: {  	v26 =	vor.u32 v23, v17;
	v25 =	vor.u32 v25, v18  }
0x646: {  	v25 =	vor.u32 v20, v25  }
0x647: {  	v22 =	vadd.f32 v24, v22;
	_ =	sdelay $0x1  }
0x648: {  	[tilespmem:v21+s28+$0x0] =	vst.idx.msk $0xffff, v22  }
0x649: {  	v21 =	vld.idx.msk [tilespmem:v26+s21+$0x0], $0xffff  }
0x64a: {  	v19 =	vor.u32 $0x30, v19;
	v22 =	vld.idx.msk [tilespmem:v25+s3+$0x0], $0xffff  }
0x64b: {  	v23 =	vshll.u32 v23, $0x7;
	v24 =	vshll.u32 v19, $0x9  }
0x64c: {  	v23 =	vor.u32 v13, v23;
	v24 =	vand.u32 $0x7000, v24  }
0x64d: {  	v17 =	vor.u32 v19, v17;
	v18 =	vor.u32 v24, v18  }
0x64e: {  	v18 =	vor.u32 v20, v18  }
0x64f: {  	v20 =	vadd.f32 v22, v21;
	_ =	sdelay $0x1  }
0x650: {  	[tilespmem:v23+s28+$0x0] =	vst.idx.msk $0xffff, v20  }
0x651: {  	v17 =	vld.idx.msk [tilespmem:v17+s21+$0x0], $0xffff  }
0x652: {  	v18 =	vld.idx.msk [tilespmem:v18+s3+$0x0], $0xffff  }
0x653: {  	v19 =	vshll.u32 v19, $0x7  }
0x654: {  	v19 =	vor.u32 v13, v19;
	_ =	sdelay $0x2  }
0x655: {  	v17 =	vadd.f32 v18, v17;
	_ =	sdelay $0x1  }
0x656: {  	[tilespmem:v19+s28+$0x0] =	vst.idx.msk $0xffff, v17  }
0x657: {  	v17 =	vld [tilespmem:$0x80F0];
	_ =	sdelay $0x1  }
0x658: {  	s7 =	simm.s32 $0x0  }
0x659: {  	v18 =	vadd.s32 s7, v0  }
0x65a: {  	v16 =	vor.u32 v15, v16;
	v19 =	vshll.u32 v18, $0x9  }
0x65b: {  	v21 =	vshll.u32 v18, $0x7;
	v19 =	vand.u32 $0x1000, v19;
	v17 =	vshll.u32 v17, $0x6  }
0x65c: {  	v21 =	vand.u32 $0x380, v21;
	v19 =	vor.u32 v19, v16;
	v17 =	vand.u32 $0x40, v17  }
0x65d: {  	v20 =	vand.u32 $0xF, v18;
	v19 =	vor.u32 v21, v19;
	v17 =	vor.u32 v14, v17  }
0x65e: {  	v22 =	vor.u32 v20, v17;
	_ =	sdelay $0x3  }
0x65f: {  	v19 =	vld.idx.msk [tilespmem:v19+s3+$0x0], $0xffff  }
0x660: {  	v23 =	vor.u32 $0x10, v18;
	v22 =	vld.idx.msk [tilespmem:v22+s21+$0x0], $0xffff  }
0x661: {  	v24 =	vshll.u32 v20, $0x7;
	v25 =	vshll.u32 v23, $0x9  }
0x662: {  	v25 =	vand.u32 $0x3000, v25;
	v24 =	vor.u32 v15, v24  }
0x663: {  	v25 =	vor.u32 v25, v16;
	v26 =	vor.u32 v23, v17  }
0x664: {  	v25 =	vor.u32 v21, v25  }
0x665: {  	v19 =	vadd.f32 v19, v22;
	_ =	sdelay $0x1  }
0x666: {  	[tilespmem:v24+s28+$0x0] =	vst.idx.msk $0xffff, v19  }
0x667: {  	v19 =	vld.idx.msk [tilespmem:v26+s21+$0x0], $0xffff  }
0x668: {  	v20 =	vor.u32 $0x20, v20;
	v22 =	vld.idx.msk [tilespmem:v25+s3+$0x0], $0xffff  }
0x669: {  	v23 =	vshll.u32 v23, $0x7;
	v24 =	vshll.u32 v20, $0x9  }
0x66a: {  	v23 =	vor.u32 v15, v23;
	v24 =	vand.u32 $0x5000, v24  }
0x66b: {  	v25 =	vor.u32 v20, v17;
	v24 =	vor.u32 v24, v16  }
0x66c: {  	v24 =	vor.u32 v21, v24  }
0x66d: {  	v19 =	vadd.f32 v22, v19;
	_ =	sdelay $0x1  }
0x66e: {  	[tilespmem:v23+s28+$0x0] =	vst.idx.msk $0xffff, v19  }
0x66f: {  	v19 =	vld.idx.msk [tilespmem:v25+s21+$0x0], $0xffff  }
0x670: {  	v18 =	vor.u32 $0x30, v18;
	v22 =	vld.idx.msk [tilespmem:v24+s3+$0x0], $0xffff  }
0x671: {  	v20 =	vshll.u32 v20, $0x7;
	v23 =	vshll.u32 v18, $0x9  }
0x672: {  	v20 =	vor.u32 v15, v20;
	v23 =	vand.u32 $0x7000, v23  }
0x673: {  	v24 =	vor.u32 v18, v17;
	v23 =	vor.u32 v23, v16  }
0x674: {  	v25 =	vor.u32 v21, v23  }
0x675: {  	v19 =	vadd.f32 v22, v19;
	_ =	sdelay $0x1  }
0x676: {  	[tilespmem:v20+s28+$0x0] =	vst.idx.msk $0xffff, v19  }
0x677: {  	s17 =	simm.s32 $0x1;
	v18 =	vshll.u32 v18, $0x7;
	v24 =	vld.idx.msk [tilespmem:v24+s21+$0x0], $0xffff  }
0x678: {  	v22 =	vor.u32 v15, v18;
	v18 =	vadd.s32 s17, v0;
	v25 =	vld.idx.msk [tilespmem:v25+s3+$0x0], $0xffff  }
0x679: {  	v23 =	vand.u32 $0xF, v18;
	v27 =	vshll.u32 v18, $0x7;
	v19 =	vshll.u32 v18, $0x9  }
0x67a: {  	v21 =	vshll.u32 v23, $0x7;
	v20 =	vor.u32 $0x10, v18;
	v28 =	vand.u32 $0x1000, v19  }
0x67b: {  	s15 =	simm.s32 $0x2;
	v26 =	vor.u32 v23, v17;
	v19 =	vand.u32 $0x380, v27;
	v27 =	vor.u32 v28, v16  }
.LBB2_33:
0x67c: {  	p1 =	sne.s32 s15, $0xF;
	v27 =	vor.u32 v19, v27;
	v28 =	vshll.u32 v20, $0x9;
	v23 =	vor.u32 $0x20, v23;
	s17 =	smov.u32 s15;
	s15 =	sadd.s32 $0x1, s15  }
0x67d: {  	v24 =	vadd.f32 v25, v24;
	v28 =	vand.u32 $0x3000, v28;
	v29 =	vshll.u32 v23, $0x9  }
0x67e: {  	v25 =	vor.u32 v28, v16;
	v28 =	vshll.u32 v20, $0x7;
	v29 =	vand.u32 $0x5000, v29  }
0x67f: {  	v30 =	vshll.u32 v23, $0x7;
	v25 =	vor.u32 v19, v25;
	v29 =	vor.u32 v29, v16;
	[tilespmem:v22+s28+$0x0] =	vst.idx.msk $0xffff, v24  }
0x680: {  	v18 =	vor.u32 $0x30, v18;
	v22 =	vld.idx.msk [tilespmem:v26+s21+$0x0], $0xffff;
	v24 =	vor.u32 v19, v29  }
0x681: {  	v29 =	vshll.u32 v18, $0x7;
	v26 =	vld.idx.msk [tilespmem:v27+s3+$0x0], $0xffff;
	v27 =	vshll.u32 v18, $0x9  }
0x682: {  	v27 =	vand.u32 $0x7000, v27  }
0x683: {  	v27 =	vor.u32 v27, v16  }
0x684: {  	v21 =	vor.u32 v15, v21;
	v19 =	vor.u32 v19, v27  }
0x685: {  	v20 =	vor.u32 v20, v17;
	_ =	sdelay $0x1  }
0x686: {  	v22 =	vadd.f32 v26, v22;
	_ =	sdelay $0x1  }
0x687: {  	[tilespmem:v21+s28+$0x0] =	vst.idx.msk $0xffff, v22  }
0x688: {  	v20 =	vld.idx.msk [tilespmem:v20+s21+$0x0], $0xffff  }
0x689: {  	v21 =	vld.idx.msk [tilespmem:v25+s3+$0x0], $0xffff;
	_ =	sdelay $0x1  }
0x68a: {  	v22 =	vor.u32 v15, v28;
	_ =	sdelay $0x1  }
0x68b: {  	v23 =	vor.u32 v23, v17;
	_ =	sdelay $0x1  }
0x68c: {  	v20 =	vadd.f32 v21, v20;
	_ =	sdelay $0x1  }
0x68d: {  	[tilespmem:v22+s28+$0x0] =	vst.idx.msk $0xffff, v20  }
0x68e: {  	v20 =	vld.idx.msk [tilespmem:v23+s21+$0x0], $0xffff  }
0x68f: {  	v21 =	vld.idx.msk [tilespmem:v24+s3+$0x0], $0xffff  }
0x690: {  	v22 =	vor.u32 v15, v30;
	_ =	sdelay $0x2  }
0x691: {  	v18 =	vor.u32 v18, v17;
	_ =	sdelay $0x1  }
0x692: {  	v20 =	vadd.f32 v21, v20;
	_ =	sdelay $0x1  }
0x693: {  	[tilespmem:v22+s28+$0x0] =	vst.idx.msk $0xffff, v20  }
0x694: {  	v24 =	vld.idx.msk [tilespmem:v18+s21+$0x0], $0xffff  }
.Ltmp15:
0x695: {  	v22 =	vor.u32 v15, v29;
	v25 =	vld.idx.msk [tilespmem:v19+s3+$0x0], $0xffff;
	(pc) =	sbr.rel @p1 .LBB2_33-.Ltmp15, $4  }
0x696: {  	v18 =	vadd.s32 s17, v0  }
0x697: {  	v23 =	vand.u32 $0xF, v18;
	v19 =	vshll.u32 v18, $0x9;
	v27 =	vshll.u32 v18, $0x7  }
0x698: {  	v20 =	vor.u32 $0x10, v18;
	v28 =	vand.u32 $0x1000, v19;
	v21 =	vshll.u32 v23, $0x7  }
0x699: {  	v26 =	vor.u32 v23, v17;
	v19 =	vand.u32 $0x380, v27;
	v27 =	vor.u32 v28, v16  }
0x69a: {  	_ = 	snop  }
0x69b: {  	v27 =	vor.u32 v19, v27  }
0x69c: {  	v24 =	vadd.f32 v25, v24;
	_ =	sdelay $0x1  }
0x69d: {  	[tilespmem:v22+s28+$0x0] =	vst.idx.msk $0xffff, v24  }
0x69e: {  	v22 =	vld.idx.msk [tilespmem:v26+s21+$0x0], $0xffff  }
0x69f: {  	v24 =	vld.idx.msk [tilespmem:v27+s3+$0x0], $0xffff  }
0x6a0: {  	v55 =	vshll.u32 v20, $0x9  }
0x6a1: {  	v21 =	vor.u32 v15, v21;
	v25 =	vand.u32 $0x3000, v55  }
0x6a2: {  	v56 =	vor.u32 v20, v17;
	v25 =	vor.u32 v25, v16  }
0x6a3: {  	v25 =	vor.u32 v19, v25  }
0x6a4: {  	v22 =	vadd.f32 v24, v22;
	_ =	sdelay $0x1  }
0x6a5: {  	[tilespmem:v21+s28+$0x0] =	vst.idx.msk $0xffff, v22  }
0x6a6: {  	v21 =	vld.idx.msk [tilespmem:v56+s21+$0x0], $0xffff  }
0x6a7: {  	v57 =	vor.u32 $0x20, v23;
	v58 =	vld.idx.msk [tilespmem:v25+s3+$0x0], $0xffff  }
0x6a8: {  	v60 =	vshll.u32 v20, $0x7;
	v59 =	vshll.u32 v57, $0x9  }
0x6a9: {  	v20 =	vor.u32 v15, v60;
	v24 =	vand.u32 $0x5000, v59  }
0x6aa: {  	v61 =	vor.u32 v57, v17;
	v24 =	vor.u32 v24, v16  }
0x6ab: {  	v24 =	vor.u32 v19, v24  }
0x6ac: {  	v21 =	vadd.f32 v58, v21;
	_ =	sdelay $0x1  }
0x6ad: {  	[tilespmem:v20+s28+$0x0] =	vst.idx.msk $0xffff, v21  }
0x6ae: {  	v20 =	vld.idx.msk [tilespmem:v61+s21+$0x0], $0xffff  }
0x6af: {  	v18 =	vor.u32 $0x30, v18;
	v21 =	vld.idx.msk [tilespmem:v24+s3+$0x0], $0xffff  }
0x6b0: {  	v62 =	vshll.u32 v18, $0x9;
	v22 =	vshll.u32 v57, $0x7  }
0x6b1: {  	v23 =	vand.u32 $0x7000, v62;
	v22 =	vor.u32 v15, v22  }
0x6b2: {  	v17 =	vor.u32 v18, v17;
	v16 =	vor.u32 v23, v16  }
0x6b3: {  	v16 =	vor.u32 v19, v16  }
0x6b4: {  	v63 =	vadd.f32 v21, v20;
	_ =	sdelay $0x1  }
0x6b5: {  	[tilespmem:v22+s28+$0x0] =	vst.idx.msk $0xffff, v63  }
0x6b6: {  	v17 =	vld.idx.msk [tilespmem:v17+s21+$0x0], $0xffff  }
0x6b7: {  	v16 =	vld.idx.msk [tilespmem:v16+s3+$0x0], $0xffff  }
0x6b8: {  	v18 =	vshll.u32 v18, $0x7  }
0x6b9: {  	v18 =	vor.u32 v15, v18  }
0x6ba: {  	s0 =	sadd.s32 @!p0 $0x3, s0  }
0x6bb: {  	s7 =	sadd.s32 @!p0 s5, s0;
	s0 =	sshll.u32 @!p0 s0, $0x4  }
0x6bc: {  	s7 =	sshll.u32 @!p0 s7, $0x4;
	s0 =	sand.u32 @!p0 $0x70, s0;
	v16 =	vadd.f32 v16, v17  }
0x6bd: {  	s15 =	simm.s32 @!p0 $0x8080;
	s7 =	sand.u32 @!p0 $0x1FF80, s7;
	s0 =	sadd.s32 @!p0 s4, s0  }
0x6be: {  	s31 =	sadd.s32 $0x1, s31;
	s0 =	sadd.s32 @!p0 s7, s0;
	s7 =	simm.s32 @!p0 $0x0;
	[tilespmem:v18+s28+$0x0] =	vst.idx.msk $0xffff, v16  }
0x6bf: {  	[tilespmem:s15], [sflag:$0x4] =	stream.linear.gather @!p0 [hbm4b:s0+s7], $0x80, $0x38;
	[tilespmem:$0x14200] =	vst v63  }
0x6c0: {  	p0 =	sne.s32 s31, $0x40  }
.Ltmp16:
0x6c1: {  	s17 =	sshll.u32 s12, $0xA;
	(pc) =	sbr.rel @p0 .LBB2_2-.Ltmp16, $4  }
0x6c2: {  	s0 =	sand.u32 $0x3FF000, s17  }
0x6c3: {  	s0 =	sadd.s32 s1, s0  }
0x6c4: {  	s0 =	sadd.s32 s2, s0  }
0x6c5: {  	[hbm4b:s0+s23] =	stream.strided.scatter [tilespmem:s28], [sflag:$0x6], $0x2000, s24, s23, $0x38;
	[tilespmem:$0x14200] =	vst v63  }
0x6c6: {  	s30 =	sadd.s32 $0x1, s30  }
0x6c7: {  	p0 =	sne.s32 s30, s10  }
.Ltmp17:
0x6c8: {  	_ = 	snop;
	(pc) =	sbr.rel @p0 .LBB2_1-.Ltmp17, $4  }
0x6c9: {  	_ = 	snop  }
0x6ca: {  	_ =	swait.ge [sflag:s29], $0x2000  }
0x6cb: {  	[sflag:s29] =	ssyncset.done $0x0  }
0x6cc: {  	[sflag:s29] =	ssyncadd.s32 $0xFFFFE000  }
0x6cd: {  	_ =	sfence.sel $0x180000  }
0x6ce: {  	[bflag:$0x0] =	sbarrier.arrive $0xFFFF  }
0x6cf: {  	_ =	strace $0x90000047  }
0x6d0: {  	s0 =	stileid.u32;
	[bflag:$0x2] =	sbarrier.arrive $0xFFFF  }
0x6d1: {  	p0 =	sne.s32 s0, $0x0;
	s0 =	rddreg [dreg:$0x2]  }
0x6d2: {  	s0 =	sadd.s32 @!p0 $0x100000, s0  }
0x6d3: {  	[sflag:s0] =	ssyncadd.tile.s32 @!p0 $0x1;
	_ =	shalt  }
.Lfunc_end2:
_tile_overlayer_lowered:
.L_overlay_start_2:
0x6d4: {  	(tag) =	ssettag $0x2  }
0x6d5: {  	s0 =	rddreg [dreg:$0x0];
	s2 =	stileid.u32  }
0x6d6: {  	s1 =	rddreg [dreg:$0x1];
	p0 =	sne.s32 s2, $0x0  }
0x6d7: {  	s3 =	rddreg [dreg:$0x2];
	[bflag:$0x3] =	sbarrier.arrive $0xFFFF;
	s2 =	simm.s32 @!p0 $0x1C07  }
0x6d8: {  	[timem:s3], [sflag:s2] =	dma.local @!p0 [hbm:s0], s1  }
0x6d9: {  	s0 =	simm.s32 @!p0 $0x7  }
0x6da: {  	_ =	swait.ge @!p0 [sflag:s0], s1  }
0x6db: {  	s1 =	ssub.s32 @!p0 $0x0, s1;
	[sflag:s0] =	ssyncset.done @!p0 $0x0  }
0x6dc: {  	[sflag:s0] =	ssyncadd.s32 @!p0 s1  }
0x6dd: {  	[bflag:$0x3] =	sbarrier.arrive $0xFFFF  }
0x6de: {  	_ =	shalt  }

</sc_bundles>
